<compile_context>
chip_gen: v7x
topology: tpu7x:2x2x1
jax: 0.10.2.dev20260603
libtpu: 0.0.44.dev20260713+nightly
codegen_flags: <defaults>
</compile_context>

<pallas_src>
import functools

import jax
import jax.numpy as jnp
from jax import lax
from jax.experimental import pallas as pl
from jax.experimental.pallas import tpu as pltpu
from jax.experimental.pallas import tpu_sc as plsc

N_ENT = 1000000
N_REL = 1000
DIM = 64
LANES = 16

NUM_WORKERS = 32
CHUNK = 128


def _make_sc_kernel(n_total: int):
    per_w = n_total // NUM_WORKERS
    n_chunks = per_w // CHUNK
    assert n_chunks % 2 == 0
    mesh = plsc.VectorSubcoreMesh(core_axis_name="c", subcore_axis_name="s")

    @functools.partial(
        pl.kernel,
        out_type=jax.ShapeDtypeStruct((n_total,), jnp.float32),
        mesh=mesh,
        scratch_types=[
            pltpu.VMEM((N_REL, DIM), jnp.float32),
            pltpu.VMEM((2, 3, CHUNK), jnp.int32),
            pltpu.VMEM((2, CHUNK, DIM), jnp.float32),
            pltpu.VMEM((2, CHUNK, DIM), jnp.float32),
            pltpu.VMEM((2, CHUNK), jnp.float32),
            pltpu.SemaphoreType.DMA,
            pltpu.SemaphoreType.DMA,
        ],
        compiler_params=pltpu.CompilerParams(
            needs_layout_passes=False,
            use_tc_tiling_on_sc=False,
            disable_bounds_checks=True,
        ),
    )
    def sc_kernel(idx_hbm, ent_hbm, rel_hbm, out_hbm,
                  rel_v, idx_v, he_v, te_v, outb_v, gsem0, gsem1):
        wid = lax.axis_index("s") * 2 + lax.axis_index("c")
        pltpu.sync_copy(rel_hbm, rel_v)
        iota = lax.broadcasted_iota(jnp.int32, (LANES,), 0)
        gsems = (gsem0, gsem1)

        def stage(chunk_id, b):
            ib, hb, tb, sem = idx_v.at[b], he_v.at[b], te_v.at[b], gsems[b]
            pltpu.sync_copy(idx_hbm.at[chunk_id], ib)
            pltpu.async_copy(ent_hbm.at[ib.at[0]], hb, sem)
            pltpu.async_copy(ent_hbm.at[ib.at[1]], tb, sem)

        def compute(chunk_id, b):
            ib, hb, tb, sem = idx_v.at[b], he_v.at[b], te_v.at[b], gsems[b]
            ob = outb_v.at[b]
            pltpu.make_async_copy(ent_hbm.at[ib.at[0]], hb, sem).wait()
            pltpu.make_async_copy(ent_hbm.at[ib.at[1]], tb, sem).wait()

            def group_body(g, carry):
                rows = g * LANES + iota
                prow = ib[2, pl.ds(g * LANES, LANES)]
                accs = [jnp.zeros((LANES,), jnp.float32) for _ in range(4)]
                for d in range(DIM):
                    dcol = jnp.bitwise_and(iota + d, DIM - 1)
                    hv = plsc.load_gather(hb, [rows, dcol])
                    tv = plsc.load_gather(tb, [rows, dcol])
                    rv = plsc.load_gather(rel_v, [prow, dcol])
                    accs[d % 4] = accs[d % 4] + hv * tv * rv
                acc = (accs[0] + accs[1]) + (accs[2] + accs[3])
                ob[pl.ds(g * LANES, LANES)] = 1.0 / (1.0 + jnp.exp(-acc))
                return carry

            lax.fori_loop(0, CHUNK // LANES, group_body, 0)
            base = (chunk_id - wid * n_chunks) * CHUNK + wid * per_w
            pltpu.sync_copy(ob, out_hbm.at[pl.ds(base, CHUNK)])

        first = wid * n_chunks
        stage(first, 0)

        def pair_body(i, carry):
            c0 = first + 2 * i
            stage(c0 + 1, 1)
            compute(c0, 0)
            stage(c0 + 2, 0)
            compute(c0 + 1, 1)
            return carry

        lax.fori_loop(0, n_chunks // 2, pair_body, 0)
        pltpu.make_async_copy(ent_hbm.at[idx_v.at[0].at[0]], he_v.at[0],
                              gsem0).wait()
        pltpu.make_async_copy(ent_hbm.at[idx_v.at[0].at[1]], te_v.at[0],
                              gsem0).wait()

    return sc_kernel


def kernel(preds, subjs, objs, entity_emb, rel_emb):
    leading = preds.shape
    n_total = preds.size
    r = preds.reshape(-1).astype(jnp.int32)
    h = subjs.reshape(-1).astype(jnp.int32)
    t = objs.reshape(-1).astype(jnp.int32)
    per_w = n_total // NUM_WORKERS
    n_chunks = per_w // CHUNK
    idx_all = (jnp.stack([h, t, r])
               .reshape(3, NUM_WORKERS * n_chunks, CHUNK)
               .transpose(1, 0, 2))
    idx_all = jnp.concatenate(
        [idx_all, jnp.zeros((1, 3, CHUNK), jnp.int32)], axis=0)
    sc = _make_sc_kernel(n_total)
    out = sc(idx_all, entity_emb, rel_emb)
    return out.reshape(leading)

# --- scband reference (transcript-rebuilt; emitter-appended) ---
"""Pipeline reference for scband-kgescore-atom-89137751261378 (READ-ONLY COPY).

The authoritative reference and input builder live on the scoring server;
editing this copy changes nothing except your own understanding.
"""

import jax, jax.numpy as jnp
import numpy as np

N_ENT = 1000000
N_REL = 1000
DIM = 64
B, L = 16384, 20

def setup_inputs(seed: int = 0) -> dict:
    key = jax.random.key(seed)
    k1, k2, k3, k4, k5 = jax.random.split(key, 5)
    preds = jax.random.randint(k1, (B, L), 0, N_REL, dtype=jnp.int64 if jax.config.jax_enable_x64 else jnp.int32)
    subjs = jax.random.randint(k2, (B, L), 0, N_ENT, dtype=jnp.int64 if jax.config.jax_enable_x64 else jnp.int32)
    objs = jax.random.randint(k3, (B, L), 0, N_ENT, dtype=jnp.int64 if jax.config.jax_enable_x64 else jnp.int32)
    entity_emb = jax.random.normal(k4, (N_ENT, DIM), dtype=jnp.float32)
    rel_emb = jax.random.normal(k5, (N_REL, DIM), dtype=jnp.float32)
    return {"preds": preds, "subjs": subjs, "objs": objs, "entity_emb": entity_emb, "rel_emb": rel_emb}

def reference(preds, subjs, objs, entity_emb, rel_emb):
    # _flatten_for_lookup: shapes must match; flatten to 1D
    leading = preds.shape
    r = preds.reshape(-1)
    h = subjs.reshape(-1)
    t = objs.reshape(-1)
    # DistMult-style score_triples: gather embeddings, trilinear product
    he = jnp.take(entity_emb, h, axis=0)
    re_ = jnp.take(rel_emb, r, axis=0)
    te = jnp.take(entity_emb, t, axis=0)
    raw = jnp.sum(he * re_ * te, axis=-1)
    # normalize=True -> sigmoid
    raw = jax.nn.sigmoid(raw)
    return raw.reshape(leading)

if __name__ == "__main__":
    import jax
    _d = setup_inputs()
    print(jax.jit(kernel)(*tuple(_d.values())))

</pallas_src>

<mosaic_0001>
#map = affine_map<(d0, d1) -> (0, 0, 0)>
#map1 = affine_map<(d0, d1) -> (0, 0)>
#map2 = affine_map<(d0, d1) -> (0)>
module attributes {stable_mosaic.version = 14 : i64} {
  func.func @sc_kernel(%arg0: i32, %arg1: i32, %arg2: memref<2561x3x128xi32, #tpu.memory_space<hbm>>, %arg3: memref<1000000x64xf32, #tpu.memory_space<hbm>>, %arg4: memref<1000x64xf32, #tpu.memory_space<hbm>>, %arg5: memref<327680xf32, #tpu.memory_space<hbm>>, %arg6: memref<1000x64xf32, #tpu.memory_space<vmem>>, %arg7: memref<2x3x128xi32, #tpu.memory_space<vmem>>, %arg8: memref<2x128x64xf32, #tpu.memory_space<vmem>>, %arg9: memref<2x128x64xf32, #tpu.memory_space<vmem>>, %arg10: memref<2x128xf32, #tpu.memory_space<vmem>>, %arg11: memref<!tpu.dma_semaphore, #tpu.memory_space<semaphore_mem>>, %arg12: memref<!tpu.dma_semaphore, #tpu.memory_space<semaphore_mem>>) attributes {dimension_semantics = [#tpu.dimension_semantics<core_parallel>, #tpu.dimension_semantics<subcore_parallel>], iteration_bounds = array<i64: 2, 16>, scalar_prefetch = 0 : i64, scratch_operands = 7 : i64, tpu.core_type = #tpu.core_type<sc_vector_subcore>, window_params = [{transform_indices = #map}, {transform_indices = #map1}, {transform_indices = #map1}, {transform_indices = #map2}]} {
    %mul3A = arith.constant 2 : i32
    %mul3A_0 = arith.muli %arg1, %mul3A : i32
    %add3A = arith.addi %mul3A_0, %arg0 : i32
    "tpu.region"() ({
      %run_scoped3A_74 = tpu.sem_alloc : memref<!tpu.dma_semaphore, #tpu.memory_space<semaphore_mem>>
      tpu.enqueue_dma source(%arg4 : memref<1000x64xf32, #tpu.memory_space<hbm>>) target(%arg6 : memref<1000x64xf32, #tpu.memory_space<vmem>>) target_semaphore(%run_scoped3A_74 : memref<!tpu.dma_semaphore, #tpu.memory_space<semaphore_mem>>)
      tpu.wait_dma2 semaphore(%run_scoped3A_74 : memref<!tpu.dma_semaphore, #tpu.memory_space<semaphore_mem>>) src(%arg4 : memref<1000x64xf32, #tpu.memory_space<hbm>>) dst(%arg6 : memref<1000x64xf32, #tpu.memory_space<vmem>>)
      tpu.yield
    }) : () -> ()
    %iota3A = tpu.iota {dimensions = array<i32: 0>} : vector<16xi32>
    %mul3A_1 = arith.constant 80 : i32
    %mul3A_2 = arith.muli %add3A, %mul3A_1 : i32
    %run_scoped3A = arith.constant 0 : i32
    "tpu.region"() ({
      %run_scoped3A_74 = tpu.sem_alloc : memref<!tpu.dma_semaphore, #tpu.memory_space<semaphore_mem>>
      %dma_start3A_75 = arith.constant 0 : i32
      %dma_start3A_76 = arith.constant 0 : i32
      %dma_start3A_77 = tpu.memref_slice %arg7[%run_scoped3A, %dma_start3A_75, %dma_start3A_76] : memref<2x3x128xi32, #tpu.memory_space<vmem>> -> memref<1x3x128xi32, #tpu.memory_space<vmem>>
      %dma_start3A_78 = tpu.memref_squeeze %dma_start3A_77 : memref<1x3x128xi32, #tpu.memory_space<vmem>> -> memref<3x128xi32, #tpu.memory_space<vmem>>
      %dma_start3A_79 = arith.constant 0 : i32
      %dma_start3A_80 = arith.constant 0 : i32
      %dma_start3A_81 = tpu.memref_slice %arg2[%mul3A_2, %dma_start3A_79, %dma_start3A_80] : memref<2561x3x128xi32, #tpu.memory_space<hbm>> -> memref<1x3x128xi32, #tpu.memory_space<hbm>>
      %dma_start3A_82 = tpu.memref_squeeze %dma_start3A_81 : memref<1x3x128xi32, #tpu.memory_space<hbm>> -> memref<3x128xi32, #tpu.memory_space<hbm>>
      %dma_start3A_83 = arith.constant 0 : i32
      %dma_start3A_84 = arith.constant 0 : i32
      %dma_start3A_85 = tpu.memref_slice %arg7[%run_scoped3A, %dma_start3A_83, %dma_start3A_84] : memref<2x3x128xi32, #tpu.memory_space<vmem>> -> memref<1x3x128xi32, #tpu.memory_space<vmem>>
      %dma_start3A_86 = tpu.memref_squeeze %dma_start3A_85 : memref<1x3x128xi32, #tpu.memory_space<vmem>> -> memref<3x128xi32, #tpu.memory_space<vmem>>
      %dma_start3A_87 = arith.constant 0 : i32
      %dma_start3A_88 = arith.constant 0 : i32
      %dma_start3A_89 = tpu.memref_slice %arg2[%mul3A_2, %dma_start3A_87, %dma_start3A_88] : memref<2561x3x128xi32, #tpu.memory_space<hbm>> -> memref<1x3x128xi32, #tpu.memory_space<hbm>>
      %dma_start3A_90 = tpu.memref_squeeze %dma_start3A_89 : memref<1x3x128xi32, #tpu.memory_space<hbm>> -> memref<3x128xi32, #tpu.memory_space<hbm>>
      tpu.enqueue_dma source(%dma_start3A_90 : memref<3x128xi32, #tpu.memory_space<hbm>>) target(%dma_start3A_86 : memref<3x128xi32, #tpu.memory_space<vmem>>) target_semaphore(%run_scoped3A_74 : memref<!tpu.dma_semaphore, #tpu.memory_space<semaphore_mem>>)
      %dma_wait3A_91 = arith.constant 0 : i32
      %dma_wait3A_92 = arith.constant 0 : i32
      %dma_wait3A_93 = tpu.memref_slice %arg7[%run_scoped3A, %dma_wait3A_91, %dma_wait3A_92] : memref<2x3x128xi32, #tpu.memory_space<vmem>> -> memref<1x3x128xi32, #tpu.memory_space<vmem>>
      %dma_wait3A_94 = tpu.memref_squeeze %dma_wait3A_93 : memref<1x3x128xi32, #tpu.memory_space<vmem>> -> memref<3x128xi32, #tpu.memory_space<vmem>>
      %dma_wait3A_95 = arith.constant 0 : i32
      %dma_wait3A_96 = arith.constant 0 : i32
      %dma_wait3A_97 = tpu.memref_slice %arg2[%mul3A_2, %dma_wait3A_95, %dma_wait3A_96] : memref<2561x3x128xi32, #tpu.memory_space<hbm>> -> memref<1x3x128xi32, #tpu.memory_space<hbm>>
      %dma_wait3A_98 = tpu.memref_squeeze %dma_wait3A_97 : memref<1x3x128xi32, #tpu.memory_space<hbm>> -> memref<3x128xi32, #tpu.memory_space<hbm>>
      %dma_wait3A_99 = arith.constant 0 : i32
      %dma_wait3A_100 = arith.constant 0 : i32
      %dma_wait3A_101 = tpu.memref_slice %arg7[%run_scoped3A, %dma_wait3A_99, %dma_wait3A_100] : memref<2x3x128xi32, #tpu.memory_space<vmem>> -> memref<1x3x128xi32, #tpu.memory_space<vmem>>
      %dma_wait3A_102 = tpu.memref_squeeze %dma_wait3A_101 : memref<1x3x128xi32, #tpu.memory_space<vmem>> -> memref<3x128xi32, #tpu.memory_space<vmem>>
      %dma_wait3A_103 = arith.constant 0 : i32
      %dma_wait3A_104 = arith.constant 0 : i32
      %dma_wait3A_105 = tpu.memref_slice %arg2[%mul3A_2, %dma_wait3A_103, %dma_wait3A_104] : memref<2561x3x128xi32, #tpu.memory_space<hbm>> -> memref<1x3x128xi32, #tpu.memory_space<hbm>>
      %dma_wait3A_106 = tpu.memref_squeeze %dma_wait3A_105 : memref<1x3x128xi32, #tpu.memory_space<hbm>> -> memref<3x128xi32, #tpu.memory_space<hbm>>
      tpu.wait_dma2 semaphore(%run_scoped3A_74 : memref<!tpu.dma_semaphore, #tpu.memory_space<semaphore_mem>>) src(%dma_wait3A_106 : memref<3x128xi32, #tpu.memory_space<hbm>>) dst(%dma_wait3A_102 : memref<3x128xi32, #tpu.memory_space<vmem>>)
      tpu.yield
    }) : () -> ()
    %dma_start3A = arith.constant 0 : i32
    %dma_start3A_3 = arith.constant 0 : i32
    %dma_start3A_4 = arith.constant 0 : i32
    %dma_start3A_5 = arith.constant 0 : i32
    %dma_start3A_6 = arith.constant 0 : i32
    %dma_start3A_7 = tpu.memref_slice %arg8[%dma_start3A_4, %dma_start3A_5, %dma_start3A_6] : memref<2x128x64xf32, #tpu.memory_space<vmem>> -> memref<1x128x64xf32, #tpu.memory_space<vmem>>
    %dma_start3A_8 = tpu.memref_squeeze %dma_start3A_7 : memref<1x128x64xf32, #tpu.memory_space<vmem>> -> memref<128x64xf32, #tpu.memory_space<vmem>>
    %dma_start3A_9 = arith.constant 0 : i32
    %dma_start3A_10 = arith.constant 0 : i32
    %dma_start3A_11 = tpu.memref_slice %arg7[%dma_start3A, %dma_start3A_9, %dma_start3A_10] : memref<2x3x128xi32, #tpu.memory_space<vmem>> -> memref<1x3x128xi32, #tpu.memory_space<vmem>>
    %dma_start3A_12 = tpu.memref_squeeze %dma_start3A_11 : memref<1x3x128xi32, #tpu.memory_space<vmem>> -> memref<3x128xi32, #tpu.memory_space<vmem>>
    %dma_start3A_13 = arith.constant 0 : i32
    %dma_start3A_14 = tpu.memref_slice %dma_start3A_12[%dma_start3A_3, %dma_start3A_13] : memref<3x128xi32, #tpu.memory_space<vmem>> -> memref<1x128xi32, #tpu.memory_space<vmem>>
    %dma_start3A_15 = tpu.memref_squeeze %dma_start3A_14 : memref<1x128xi32, #tpu.memory_space<vmem>> -> memref<128xi32, #tpu.memory_space<vmem>>
    %dma_start3A_16 = arith.constant 0 : i32
    %dma_start3A_17 = arith.constant 0 : i32
    %dma_start3A_18 = tpu.memref_slice %arg3[%dma_start3A_16, %dma_start3A_17] : memref<1000000x64xf32, #tpu.memory_space<hbm>> -> memref<1000000x64xf32, #tpu.memory_space<hbm>>
    tpu.enqueue_indirect_dma source(%dma_start3A_18 : memref<1000000x64xf32, #tpu.memory_space<hbm>>) target(%dma_start3A_8 : memref<128x64xf32, #tpu.memory_space<vmem>>) offsets(%dma_start3A_15 : memref<128xi32, #tpu.memory_space<vmem>>) semaphore(%arg11 : memref<!tpu.dma_semaphore, #tpu.memory_space<semaphore_mem>>)
    %dma_start3A_19 = arith.constant 0 : i32
    %dma_start3A_20 = arith.constant 1 : i32
    %dma_start3A_21 = arith.constant 0 : i32
    %dma_start3A_22 = arith.constant 0 : i32
    %dma_start3A_23 = arith.constant 0 : i32
    %dma_start3A_24 = tpu.memref_slice %arg9[%dma_start3A_21, %dma_start3A_22, %dma_start3A_23] : memref<2x128x64xf32, #tpu.memory_space<vmem>> -> memref<1x128x64xf32, #tpu.memory_space<vmem>>
    %dma_start3A_25 = tpu.memref_squeeze %dma_start3A_24 : memref<1x128x64xf32, #tpu.memory_space<vmem>> -> memref<128x64xf32, #tpu.memory_space<vmem>>
    %dma_start3A_26 = arith.constant 0 : i32
    %dma_start3A_27 = arith.constant 0 : i32
    %dma_start3A_28 = tpu.memref_slice %arg7[%dma_start3A_19, %dma_start3A_26, %dma_start3A_27] : memref<2x3x128xi32, #tpu.memory_space<vmem>> -> memref<1x3x128xi32, #tpu.memory_space<vmem>>
    %dma_start3A_29 = tpu.memref_squeeze %dma_start3A_28 : memref<1x3x128xi32, #tpu.memory_space<vmem>> -> memref<3x128xi32, #tpu.memory_space<vmem>>
    %dma_start3A_30 = arith.constant 0 : i32
    %dma_start3A_31 = tpu.memref_slice %dma_start3A_29[%dma_start3A_20, %dma_start3A_30] : memref<3x128xi32, #tpu.memory_space<vmem>> -> memref<1x128xi32, #tpu.memory_space<vmem>>
    %dma_start3A_32 = tpu.memref_squeeze %dma_start3A_31 : memref<1x128xi32, #tpu.memory_space<vmem>> -> memref<128xi32, #tpu.memory_space<vmem>>
    %dma_start3A_33 = arith.constant 0 : i32
    %dma_start3A_34 = arith.constant 0 : i32
    %dma_start3A_35 = tpu.memref_slice %arg3[%dma_start3A_33, %dma_start3A_34] : memref<1000000x64xf32, #tpu.memory_space<hbm>> -> memref<1000000x64xf32, #tpu.memory_space<hbm>>
    tpu.enqueue_indirect_dma source(%dma_start3A_35 : memref<1000000x64xf32, #tpu.memory_space<hbm>>) target(%dma_start3A_25 : memref<128x64xf32, #tpu.memory_space<vmem>>) offsets(%dma_start3A_32 : memref<128xi32, #tpu.memory_space<vmem>>) semaphore(%arg11 : memref<!tpu.dma_semaphore, #tpu.memory_space<semaphore_mem>>)
    %scan3A = arith.constant 0 : i32
    %scan3A_36 = arith.constant 0 : i32
    %scan3A_37 = arith.constant 40 : i32
    %scan3A_38 = arith.addi %scan3A_36, %scan3A_37 : i32
    %scan3A_39 = arith.constant 1 : i32
    scf.for %scan3A_74 = %scan3A_36 to %scan3A_38 step %scan3A_39  : i32 {
      %mul3A_75 = arith.constant 2 : i32
      %mul3A_76 = arith.muli %mul3A_75, %scan3A_74 : i32
      %add3A_77 = arith.addi %mul3A_2, %mul3A_76 : i32
      %add3A_78 = arith.constant 1 : i32
      %add3A_79 = arith.addi %add3A_77, %add3A_78 : i32
      %run_scoped3A_80 = arith.constant 1 : i32
      "tpu.region"() ({
        %run_scoped3A_259 = tpu.sem_alloc : memref<!tpu.dma_semaphore, #tpu.memory_space<semaphore_mem>>
        %dma_start3A_260 = arith.constant 0 : i32
        %dma_start3A_261 = arith.constant 0 : i32
        %dma_start3A_262 = tpu.memref_slice %arg7[%run_scoped3A_80, %dma_start3A_260, %dma_start3A_261] : memref<2x3x128xi32, #tpu.memory_space<vmem>> -> memref<1x3x128xi32, #tpu.memory_space<vmem>>
        %dma_start3A_263 = tpu.memref_squeeze %dma_start3A_262 : memref<1x3x128xi32, #tpu.memory_space<vmem>> -> memref<3x128xi32, #tpu.memory_space<vmem>>
        %dma_start3A_264 = arith.constant 0 : i32
        %dma_start3A_265 = arith.constant 0 : i32
        %dma_start3A_266 = tpu.memref_slice %arg2[%add3A_79, %dma_start3A_264, %dma_start3A_265] : memref<2561x3x128xi32, #tpu.memory_space<hbm>> -> memref<1x3x128xi32, #tpu.memory_space<hbm>>
        %dma_start3A_267 = tpu.memref_squeeze %dma_start3A_266 : memref<1x3x128xi32, #tpu.memory_space<hbm>> -> memref<3x128xi32, #tpu.memory_space<hbm>>
        %dma_start3A_268 = arith.constant 0 : i32
        %dma_start3A_269 = arith.constant 0 : i32
        %dma_start3A_270 = tpu.memref_slice %arg7[%run_scoped3A_80, %dma_start3A_268, %dma_start3A_269] : memref<2x3x128xi32, #tpu.memory_space<vmem>> -> memref<1x3x128xi32, #tpu.memory_space<vmem>>
        %dma_start3A_271 = tpu.memref_squeeze %dma_start3A_270 : memref<1x3x128xi32, #tpu.memory_space<vmem>> -> memref<3x128xi32, #tpu.memory_space<vmem>>
        %dma_start3A_272 = arith.constant 0 : i32
        %dma_start3A_273 = arith.constant 0 : i32
        %dma_start3A_274 = tpu.memref_slice %arg2[%add3A_79, %dma_start3A_272, %dma_start3A_273] : memref<2561x3x128xi32, #tpu.memory_space<hbm>> -> memref<1x3x128xi32, #tpu.memory_space<hbm>>
        %dma_start3A_275 = tpu.memref_squeeze %dma_start3A_274 : memref<1x3x128xi32, #tpu.memory_space<hbm>> -> memref<3x128xi32, #tpu.memory_space<hbm>>
        tpu.enqueue_dma source(%dma_start3A_275 : memref<3x128xi32, #tpu.memory_space<hbm>>) target(%dma_start3A_271 : memref<3x128xi32, #tpu.memory_space<vmem>>) target_semaphore(%run_scoped3A_259 : memref<!tpu.dma_semaphore, #tpu.memory_space<semaphore_mem>>)
        %dma_wait3A_276 = arith.constant 0 : i32
        %dma_wait3A_277 = arith.constant 0 : i32
        %dma_wait3A_278 = tpu.memref_slice %arg7[%run_scoped3A_80, %dma_wait3A_276, %dma_wait3A_277] : memref<2x3x128xi32, #tpu.memory_space<vmem>> -> memref<1x3x128xi32, #tpu.memory_space<vmem>>
        %dma_wait3A_279 = tpu.memref_squeeze %dma_wait3A_278 : memref<1x3x128xi32, #tpu.memory_space<vmem>> -> memref<3x128xi32, #tpu.memory_space<vmem>>
        %dma_wait3A_280 = arith.constant 0 : i32
        %dma_wait3A_281 = arith.constant 0 : i32
        %dma_wait3A_282 = tpu.memref_slice %arg2[%add3A_79, %dma_wait3A_280, %dma_wait3A_281] : memref<2561x3x128xi32, #tpu.memory_space<hbm>> -> memref<1x3x128xi32, #tpu.memory_space<hbm>>
        %dma_wait3A_283 = tpu.memref_squeeze %dma_wait3A_282 : memref<1x3x128xi32, #tpu.memory_space<hbm>> -> memref<3x128xi32, #tpu.memory_space<hbm>>
        %dma_wait3A_284 = arith.constant 0 : i32
        %dma_wait3A_285 = arith.constant 0 : i32
        %dma_wait3A_286 = tpu.memref_slice %arg7[%run_scoped3A_80, %dma_wait3A_284, %dma_wait3A_285] : memref<2x3x128xi32, #tpu.memory_space<vmem>> -> memref<1x3x128xi32, #tpu.memory_space<vmem>>
        %dma_wait3A_287 = tpu.memref_squeeze %dma_wait3A_286 : memref<1x3x128xi32, #tpu.memory_space<vmem>> -> memref<3x128xi32, #tpu.memory_space<vmem>>
        %dma_wait3A_288 = arith.constant 0 : i32
        %dma_wait3A_289 = arith.constant 0 : i32
        %dma_wait3A_290 = tpu.memref_slice %arg2[%add3A_79, %dma_wait3A_288, %dma_wait3A_289] : memref<2561x3x128xi32, #tpu.memory_space<hbm>> -> memref<1x3x128xi32, #tpu.memory_space<hbm>>
        %dma_wait3A_291 = tpu.memref_squeeze %dma_wait3A_290 : memref<1x3x128xi32, #tpu.memory_space<hbm>> -> memref<3x128xi32, #tpu.memory_space<hbm>>
        tpu.wait_dma2 semaphore(%run_scoped3A_259 : memref<!tpu.dma_semaphore, #tpu.memory_space<semaphore_mem>>) src(%dma_wait3A_291 : memref<3x128xi32, #tpu.memory_space<hbm>>) dst(%dma_wait3A_287 : memref<3x128xi32, #tpu.memory_space<vmem>>)
        tpu.yield
      }) : () -> ()
      %dma_start3A_81 = arith.constant 1 : i32
      %dma_start3A_82 = arith.constant 0 : i32
      %dma_start3A_83 = arith.constant 1 : i32
      %dma_start3A_84 = arith.constant 0 : i32
      %dma_start3A_85 = arith.constant 0 : i32
      %dma_start3A_86 = tpu.memref_slice %arg8[%dma_start3A_83, %dma_start3A_84, %dma_start3A_85] : memref<2x128x64xf32, #tpu.memory_space<vmem>> -> memref<1x128x64xf32, #tpu.memory_space<vmem>>
      %dma_start3A_87 = tpu.memref_squeeze %dma_start3A_86 : memref<1x128x64xf32, #tpu.memory_space<vmem>> -> memref<128x64xf32, #tpu.memory_space<vmem>>
      %dma_start3A_88 = arith.constant 0 : i32
      %dma_start3A_89 = arith.constant 0 : i32
      %dma_start3A_90 = tpu.memref_slice %arg7[%dma_start3A_81, %dma_start3A_88, %dma_start3A_89] : memref<2x3x128xi32, #tpu.memory_space<vmem>> -> memref<1x3x128xi32, #tpu.memory_space<vmem>>
      %dma_start3A_91 = tpu.memref_squeeze %dma_start3A_90 : memref<1x3x128xi32, #tpu.memory_space<vmem>> -> memref<3x128xi32, #tpu.memory_space<vmem>>
      %dma_start3A_92 = arith.constant 0 : i32
      %dma_start3A_93 = tpu.memref_slice %dma_start3A_91[%dma_start3A_82, %dma_start3A_92] : memref<3x128xi32, #tpu.memory_space<vmem>> -> memref<1x128xi32, #tpu.memory_space<vmem>>
      %dma_start3A_94 = tpu.memref_squeeze %dma_start3A_93 : memref<1x128xi32, #tpu.memory_space<vmem>> -> memref<128xi32, #tpu.memory_space<vmem>>
      %dma_start3A_95 = arith.constant 0 : i32
      %dma_start3A_96 = arith.constant 0 : i32
      %dma_start3A_97 = tpu.memref_slice %arg3[%dma_start3A_95, %dma_start3A_96] : memref<1000000x64xf32, #tpu.memory_space<hbm>> -> memref<1000000x64xf32, #tpu.memory_space<hbm>>
      tpu.enqueue_indirect_dma source(%dma_start3A_97 : memref<1000000x64xf32, #tpu.memory_space<hbm>>) target(%dma_start3A_87 : memref<128x64xf32, #tpu.memory_space<vmem>>) offsets(%dma_start3A_94 : memref<128xi32, #tpu.memory_space<vmem>>) semaphore(%arg12 : memref<!tpu.dma_semaphore, #tpu.memory_space<semaphore_mem>>)
      %dma_start3A_98 = arith.constant 1 : i32
      %dma_start3A_99 = arith.constant 1 : i32
      %dma_start3A_100 = arith.constant 1 : i32
      %dma_start3A_101 = arith.constant 0 : i32
      %dma_start3A_102 = arith.constant 0 : i32
      %dma_start3A_103 = tpu.memref_slice %arg9[%dma_start3A_100, %dma_start3A_101, %dma_start3A_102] : memref<2x128x64xf32, #tpu.memory_space<vmem>> -> memref<1x128x64xf32, #tpu.memory_space<vmem>>
      %dma_start3A_104 = tpu.memref_squeeze %dma_start3A_103 : memref<1x128x64xf32, #tpu.memory_space<vmem>> -> memref<128x64xf32, #tpu.memory_space<vmem>>
      %dma_start3A_105 = arith.constant 0 : i32
      %dma_start3A_106 = arith.constant 0 : i32
      %dma_start3A_107 = tpu.memref_slice %arg7[%dma_start3A_98, %dma_start3A_105, %dma_start3A_106] : memref<2x3x128xi32, #tpu.memory_space<vmem>> -> memref<1x3x128xi32, #tpu.memory_space<vmem>>
      %dma_start3A_108 = tpu.memref_squeeze %dma_start3A_107 : memref<1x3x128xi32, #tpu.memory_space<vmem>> -> memref<3x128xi32, #tpu.memory_space<vmem>>
      %dma_start3A_109 = arith.constant 0 : i32
      %dma_start3A_110 = tpu.memref_slice %dma_start3A_108[%dma_start3A_99, %dma_start3A_109] : memref<3x128xi32, #tpu.memory_space<vmem>> -> memref<1x128xi32, #tpu.memory_space<vmem>>
      %dma_start3A_111 = tpu.memref_squeeze %dma_start3A_110 : memref<1x128xi32, #tpu.memory_space<vmem>> -> memref<128xi32, #tpu.memory_space<vmem>>
      %dma_start3A_112 = arith.constant 0 : i32
      %dma_start3A_113 = arith.constant 0 : i32
      %dma_start3A_114 = tpu.memref_slice %arg3[%dma_start3A_112, %dma_start3A_113] : memref<1000000x64xf32, #tpu.memory_space<hbm>> -> memref<1000000x64xf32, #tpu.memory_space<hbm>>
      tpu.enqueue_indirect_dma source(%dma_start3A_114 : memref<1000000x64xf32, #tpu.memory_space<hbm>>) target(%dma_start3A_104 : memref<128x64xf32, #tpu.memory_space<vmem>>) offsets(%dma_start3A_111 : memref<128xi32, #tpu.memory_space<vmem>>) semaphore(%arg12 : memref<!tpu.dma_semaphore, #tpu.memory_space<semaphore_mem>>)
      %dma_wait3A_115 = arith.constant 0 : i32
      %dma_wait3A_116 = arith.constant 0 : i32
      %dma_wait3A_117 = arith.constant 0 : i32
      %dma_wait3A_118 = arith.constant 0 : i32
      %dma_wait3A_119 = arith.constant 0 : i32
      %dma_wait3A_120 = tpu.memref_slice %arg8[%dma_wait3A_117, %dma_wait3A_118, %dma_wait3A_119] : memref<2x128x64xf32, #tpu.memory_space<vmem>> -> memref<1x128x64xf32, #tpu.memory_space<vmem>>
      %dma_wait3A_121 = tpu.memref_squeeze %dma_wait3A_120 : memref<1x128x64xf32, #tpu.memory_space<vmem>> -> memref<128x64xf32, #tpu.memory_space<vmem>>
      %dma_wait3A_122 = arith.constant 0 : i32
      %dma_wait3A_123 = arith.constant 0 : i32
      %dma_wait3A_124 = tpu.memref_slice %arg7[%dma_wait3A_115, %dma_wait3A_122, %dma_wait3A_123] : memref<2x3x128xi32, #tpu.memory_space<vmem>> -> memref<1x3x128xi32, #tpu.memory_space<vmem>>
      %dma_wait3A_125 = tpu.memref_squeeze %dma_wait3A_124 : memref<1x3x128xi32, #tpu.memory_space<vmem>> -> memref<3x128xi32, #tpu.memory_space<vmem>>
      %dma_wait3A_126 = arith.constant 0 : i32
      %dma_wait3A_127 = tpu.memref_slice %dma_wait3A_125[%dma_wait3A_116, %dma_wait3A_126] : memref<3x128xi32, #tpu.memory_space<vmem>> -> memref<1x128xi32, #tpu.memory_space<vmem>>
      %dma_wait3A_128 = tpu.memref_squeeze %dma_wait3A_127 : memref<1x128xi32, #tpu.memory_space<vmem>> -> memref<128xi32, #tpu.memory_space<vmem>>
      %dma_wait3A_129 = arith.constant 0 : i32
      %dma_wait3A_130 = arith.constant 0 : i32
      %dma_wait3A_131 = tpu.memref_slice %arg3[%dma_wait3A_129, %dma_wait3A_130] : memref<1000000x64xf32, #tpu.memory_space<hbm>> -> memref<1000000x64xf32, #tpu.memory_space<hbm>>
      tpu.wait_indirect_dma semaphore(%arg11 : memref<!tpu.dma_semaphore, #tpu.memory_space<semaphore_mem>>) src(%dma_wait3A_131 : memref<1000000x64xf32, #tpu.memory_space<hbm>>) dst(%dma_wait3A_121 : memref<128x64xf32, #tpu.memory_space<vmem>>)
      %dma_wait3A_132 = arith.constant 0 : i32
      %dma_wait3A_133 = arith.constant 1 : i32
      %dma_wait3A_134 = arith.constant 0 : i32
      %dma_wait3A_135 = arith.constant 0 : i32
      %dma_wait3A_136 = arith.constant 0 : i32
      %dma_wait3A_137 = tpu.memref_slice %arg9[%dma_wait3A_134, %dma_wait3A_135, %dma_wait3A_136] : memref<2x128x64xf32, #tpu.memory_space<vmem>> -> memref<1x128x64xf32, #tpu.memory_space<vmem>>
      %dma_wait3A_138 = tpu.memref_squeeze %dma_wait3A_137 : memref<1x128x64xf32, #tpu.memory_space<vmem>> -> memref<128x64xf32, #tpu.memory_space<vmem>>
      %dma_wait3A_139 = arith.constant 0 : i32
      %dma_wait3A_140 = arith.constant 0 : i32
      %dma_wait3A_141 = tpu.memref_slice %arg7[%dma_wait3A_132, %dma_wait3A_139, %dma_wait3A_140] : memref<2x3x128xi32, #tpu.memory_space<vmem>> -> memref<1x3x128xi32, #tpu.memory_space<vmem>>
      %dma_wait3A_142 = tpu.memref_squeeze %dma_wait3A_141 : memref<1x3x128xi32, #tpu.memory_space<vmem>> -> memref<3x128xi32, #tpu.memory_space<vmem>>
      %dma_wait3A_143 = arith.constant 0 : i32
      %dma_wait3A_144 = tpu.memref_slice %dma_wait3A_142[%dma_wait3A_133, %dma_wait3A_143] : memref<3x128xi32, #tpu.memory_space<vmem>> -> memref<1x128xi32, #tpu.memory_space<vmem>>
      %dma_wait3A_145 = tpu.memref_squeeze %dma_wait3A_144 : memref<1x128xi32, #tpu.memory_space<vmem>> -> memref<128xi32, #tpu.memory_space<vmem>>
      %dma_wait3A_146 = arith.constant 0 : i32
      %dma_wait3A_147 = arith.constant 0 : i32
      %dma_wait3A_148 = tpu.memref_slice %arg3[%dma_wait3A_146, %dma_wait3A_147] : memref<1000000x64xf32, #tpu.memory_space<hbm>> -> memref<1000000x64xf32, #tpu.memory_space<hbm>>
      tpu.wait_indirect_dma semaphore(%arg11 : memref<!tpu.dma_semaphore, #tpu.memory_space<semaphore_mem>>) src(%dma_wait3A_148 : memref<1000000x64xf32, #tpu.memory_space<hbm>>) dst(%dma_wait3A_138 : memref<128x64xf32, #tpu.memory_space<vmem>>)
      %scan3A_149 = arith.constant 0 : i32
      %scan3A_150 = arith.constant 0 : i32
      %scan3A_151 = arith.constant 0 : i32
      %scan3A_152 = arith.constant 0 : i32
      %scan3A_153 = arith.constant 0 : i32
      %scan3A_154 = arith.constant 0 : i32
      %scan3A_155 = arith.constant 8 : i32
      %scan3A_156 = arith.addi %scan3A_154, %scan3A_155 : i32
      %scan3A_157 = arith.constant 1 : i32
      scf.for %scan3A_259 = %scan3A_154 to %scan3A_156 step %scan3A_157  : i32 {
        %mul3A_260 = arith.constant 16 : i32
        %mul3A_261 = arith.muli %scan3A_259, %mul3A_260 : i32
        %add3A_262 = vector.broadcast %mul3A_261 : i32 to vector<16xi32>
        %add3A_263 = arith.addi %add3A_262, %iota3A : vector<16xi32>
        %mul3A_264 = arith.constant 16 : i32
        %mul3A_265 = arith.muli %scan3A_259, %mul3A_264 : i32
        %get3A = arith.constant 2 : i32
        %get3A_266 = arith.constant 0 : i32
        %get3A_267 = arith.constant 0 : i32
        %get3A_268 = tpu.memref_slice %arg7[%scan3A_150, %get3A_266, %get3A_267] : memref<2x3x128xi32, #tpu.memory_space<vmem>> -> memref<1x3x128xi32, #tpu.memory_space<vmem>>
        %get3A_269 = tpu.memref_squeeze %get3A_268 : memref<1x3x128xi32, #tpu.memory_space<vmem>> -> memref<3x128xi32, #tpu.memory_space<vmem>>
        %get3A_270 = arith.index_cast %get3A : i32 to index
        %get3A_271 = arith.index_cast %mul3A_265 : i32 to index
        %get3A_272 = tpu.vector_load %get3A_269[%get3A_270, %get3A_271] {strides = array<i32>} : memref<3x128xi32, #tpu.memory_space<vmem>>, vector<16xi32>,
        %broadcast_in_dim3A = arith.constant 0.000000e+00 : f32
        %broadcast_in_dim3A_273 = vector.broadcast %broadcast_in_dim3A : f32 to vector<16xf32>
        %broadcast_in_dim3A_274 = arith.constant 0.000000e+00 : f32
        %broadcast_in_dim3A_275 = vector.broadcast %broadcast_in_dim3A_274 : f32 to vector<16xf32>
        %broadcast_in_dim3A_276 = arith.constant 0.000000e+00 : f32
        %broadcast_in_dim3A_277 = vector.broadcast %broadcast_in_dim3A_276 : f32 to vector<16xf32>
        %broadcast_in_dim3A_278 = arith.constant 0.000000e+00 : f32
        %broadcast_in_dim3A_279 = vector.broadcast %broadcast_in_dim3A_278 : f32 to vector<16xf32>
        %add3A_280 = arith.constant 0 : i32
        %add3A_281 = vector.broadcast %add3A_280 : i32 to vector<16xi32>
        %add3A_282 = arith.addi %iota3A, %add3A_281 : vector<16xi32>
        %and3A = arith.constant 63 : i32
        %and3A_283 = vector.broadcast %and3A : i32 to vector<16xi32>
        %and3A_284 = arith.andi %add3A_282, %and3A_283 : vector<16xi32>
        %gather3A = arith.constant 0 : i32
        %gather3A_285 = arith.constant 0 : i32
        %gather3A_286 = tpu.memref_slice %arg8[%scan3A_151, %gather3A, %gather3A_285] : memref<2x128x64xf32, #tpu.memory_space<vmem>> -> memref<1x128x64xf32, #tpu.memory_space<vmem>>
        %gather3A_287 = tpu.memref_squeeze %gather3A_286 : memref<1x128x64xf32, #tpu.memory_space<vmem>> -> memref<128x64xf32, #tpu.memory_space<vmem>>
        %gather3A_288 = tpu.vector_load_idx %gather3A_287[%add3A_263, %and3A_284] : memref<128x64xf32, #tpu.memory_space<vmem>>[vector<16xi32>, vector<16xi32>], vector<16xf32>,
        %gather3A_289 = arith.constant 0 : i32
        %gather3A_290 = arith.constant 0 : i32
        %gather3A_291 = tpu.memref_slice %arg9[%scan3A_152, %gather3A_289, %gather3A_290] : memref<2x128x64xf32, #tpu.memory_space<vmem>> -> memref<1x128x64xf32, #tpu.memory_space<vmem>>
        %gather3A_292 = tpu.memref_squeeze %gather3A_291 : memref<1x128x64xf32, #tpu.memory_space<vmem>> -> memref<128x64xf32, #tpu.memory_space<vmem>>
        %gather3A_293 = tpu.vector_load_idx %gather3A_292[%add3A_263, %and3A_284] : memref<128x64xf32, #tpu.memory_space<vmem>>[vector<16xi32>, vector<16xi32>], vector<16xf32>,
        %gather3A_294 = tpu.vector_load_idx %arg6[%get3A_272, %and3A_284] : memref<1000x64xf32, #tpu.memory_space<vmem>>[vector<16xi32>, vector<16xi32>], vector<16xf32>,
        %mul3A_295 = arith.mulf %gather3A_288, %gather3A_293 : vector<16xf32>
        %mul3A_296 = arith.mulf %mul3A_295, %gather3A_294 : vector<16xf32>
        %add3A_297 = arith.addf %broadcast_in_dim3A_273, %mul3A_296 : vector<16xf32>
        %add3A_298 = arith.constant 1 : i32
        %add3A_299 = vector.broadcast %add3A_298 : i32 to vector<16xi32>
        %add3A_300 = arith.addi %iota3A, %add3A_299 : vector<16xi32>
        %and3A_301 = arith.constant 63 : i32
        %and3A_302 = vector.broadcast %and3A_301 : i32 to vector<16xi32>
        %and3A_303 = arith.andi %add3A_300, %and3A_302 : vector<16xi32>
        %gather3A_304 = arith.constant 0 : i32
        %gather3A_305 = arith.constant 0 : i32
        %gather3A_306 = tpu.memref_slice %arg8[%scan3A_151, %gather3A_304, %gather3A_305] : memref<2x128x64xf32, #tpu.memory_space<vmem>> -> memref<1x128x64xf32, #tpu.memory_space<vmem>>
        %gather3A_307 = tpu.memref_squeeze %gather3A_306 : memref<1x128x64xf32, #tpu.memory_space<vmem>> -> memref<128x64xf32, #tpu.memory_space<vmem>>
        %gather3A_308 = tpu.vector_load_idx %gather3A_307[%add3A_263, %and3A_303] : memref<128x64xf32, #tpu.memory_space<vmem>>[vector<16xi32>, vector<16xi32>], vector<16xf32>,
        %gather3A_309 = arith.constant 0 : i32
        %gather3A_310 = arith.constant 0 : i32
        %gather3A_311 = tpu.memref_slice %arg9[%scan3A_152, %gather3A_309, %gather3A_310] : memref<2x128x64xf32, #tpu.memory_space<vmem>> -> memref<1x128x64xf32, #tpu.memory_space<vmem>>
        %gather3A_312 = tpu.memref_squeeze %gather3A_311 : memref<1x128x64xf32, #tpu.memory_space<vmem>> -> memref<128x64xf32, #tpu.memory_space<vmem>>
        %gather3A_313 = tpu.vector_load_idx %gather3A_312[%add3A_263, %and3A_303] : memref<128x64xf32, #tpu.memory_space<vmem>>[vector<16xi32>, vector<16xi32>], vector<16xf32>,
        %gather3A_314 = tpu.vector_load_idx %arg6[%get3A_272, %and3A_303] : memref<1000x64xf32, #tpu.memory_space<vmem>>[vector<16xi32>, vector<16xi32>], vector<16xf32>,
        %mul3A_315 = arith.mulf %gather3A_308, %gather3A_313 : vector<16xf32>
        %mul3A_316 = arith.mulf %mul3A_315, %gather3A_314 : vector<16xf32>
        %add3A_317 = arith.addf %broadcast_in_dim3A_275, %mul3A_316 : vector<16xf32>
        %add3A_318 = arith.constant 2 : i32
        %add3A_319 = vector.broadcast %add3A_318 : i32 to vector<16xi32>
        %add3A_320 = arith.addi %iota3A, %add3A_319 : vector<16xi32>
        %and3A_321 = arith.constant 63 : i32
        %and3A_322 = vector.broadcast %and3A_321 : i32 to vector<16xi32>
        %and3A_323 = arith.andi %add3A_320, %and3A_322 : vector<16xi32>
        %gather3A_324 = arith.constant 0 : i32
        %gather3A_325 = arith.constant 0 : i32
        %gather3A_326 = tpu.memref_slice %arg8[%scan3A_151, %gather3A_324, %gather3A_325] : memref<2x128x64xf32, #tpu.memory_space<vmem>> -> memref<1x128x64xf32, #tpu.memory_space<vmem>>
        %gather3A_327 = tpu.memref_squeeze %gather3A_326 : memref<1x128x64xf32, #tpu.memory_space<vmem>> -> memref<128x64xf32, #tpu.memory_space<vmem>>
        %gather3A_328 = tpu.vector_load_idx %gather3A_327[%add3A_263, %and3A_323] : memref<128x64xf32, #tpu.memory_space<vmem>>[vector<16xi32>, vector<16xi32>], vector<16xf32>,
        %gather3A_329 = arith.constant 0 : i32
        %gather3A_330 = arith.constant 0 : i32
        %gather3A_331 = tpu.memref_slice %arg9[%scan3A_152, %gather3A_329, %gather3A_330] : memref<2x128x64xf32, #tpu.memory_space<vmem>> -> memref<1x128x64xf32, #tpu.memory_space<vmem>>
        %gather3A_332 = tpu.memref_squeeze %gather3A_331 : memref<1x128x64xf32, #tpu.memory_space<vmem>> -> memref<128x64xf32, #tpu.memory_space<vmem>>
        %gather3A_333 = tpu.vector_load_idx %gather3A_332[%add3A_263, %and3A_323] : memref<128x64xf32, #tpu.memory_space<vmem>>[vector<16xi32>, vector<16xi32>], vector<16xf32>,
        %gather3A_334 = tpu.vector_load_idx %arg6[%get3A_272, %and3A_323] : memref<1000x64xf32, #tpu.memory_space<vmem>>[vector<16xi32>, vector<16xi32>], vector<16xf32>,
        %mul3A_335 = arith.mulf %gather3A_328, %gather3A_333 : vector<16xf32>
        %mul3A_336 = arith.mulf %mul3A_335, %gather3A_334 : vector<16xf32>
        %add3A_337 = arith.addf %broadcast_in_dim3A_277, %mul3A_336 : vector<16xf32>
        %add3A_338 = arith.constant 3 : i32
        %add3A_339 = vector.broadcast %add3A_338 : i32 to vector<16xi32>
        %add3A_340 = arith.addi %iota3A, %add3A_339 : vector<16xi32>
        %and3A_341 = arith.constant 63 : i32
        %and3A_342 = vector.broadcast %and3A_341 : i32 to vector<16xi32>
        %and3A_343 = arith.andi %add3A_340, %and3A_342 : vector<16xi32>
        %gather3A_344 = arith.constant 0 : i32
        %gather3A_345 = arith.constant 0 : i32
        %gather3A_346 = tpu.memref_slice %arg8[%scan3A_151, %gather3A_344, %gather3A_345] : memref<2x128x64xf32, #tpu.memory_space<vmem>> -> memref<1x128x64xf32, #tpu.memory_space<vmem>>
        %gather3A_347 = tpu.memref_squeeze %gather3A_346 : memref<1x128x64xf32, #tpu.memory_space<vmem>> -> memref<128x64xf32, #tpu.memory_space<vmem>>
        %gather3A_348 = tpu.vector_load_idx %gather3A_347[%add3A_263, %and3A_343] : memref<128x64xf32, #tpu.memory_space<vmem>>[vector<16xi32>, vector<16xi32>], vector<16xf32>,
        %gather3A_349 = arith.constant 0 : i32
        %gather3A_350 = arith.constant 0 : i32
        %gather3A_351 = tpu.memref_slice %arg9[%scan3A_152, %gather3A_349, %gather3A_350] : memref<2x128x64xf32, #tpu.memory_space<vmem>> -> memref<1x128x64xf32, #tpu.memory_space<vmem>>
        %gather3A_352 = tpu.memref_squeeze %gather3A_351 : memref<1x128x64xf32, #tpu.memory_space<vmem>> -> memref<128x64xf32, #tpu.memory_space<vmem>>
        %gather3A_353 = tpu.vector_load_idx %gather3A_352[%add3A_263, %and3A_343] : memref<128x64xf32, #tpu.memory_space<vmem>>[vector<16xi32>, vector<16xi32>], vector<16xf32>,
        %gather3A_354 = tpu.vector_load_idx %arg6[%get3A_272, %and3A_343] : memref<1000x64xf32, #tpu.memory_space<vmem>>[vector<16xi32>, vector<16xi32>], vector<16xf32>,
        %mul3A_355 = arith.mulf %gather3A_348, %gather3A_353 : vector<16xf32>
        %mul3A_356 = arith.mulf %mul3A_355, %gather3A_354 : vector<16xf32>
        %add3A_357 = arith.addf %broadcast_in_dim3A_279, %mul3A_356 : vector<16xf32>
        %add3A_358 = arith.constant 4 : i32
        %add3A_359 = vector.broadcast %add3A_358 : i32 to vector<16xi32>
        %add3A_360 = arith.addi %iota3A, %add3A_359 : vector<16xi32>
        %and3A_361 = arith.constant 63 : i32
        %and3A_362 = vector.broadcast %and3A_361 : i32 to vector<16xi32>
        %and3A_363 = arith.andi %add3A_360, %and3A_362 : vector<16xi32>
        %gather3A_364 = arith.constant 0 : i32
        %gather3A_365 = arith.constant 0 : i32
        %gather3A_366 = tpu.memref_slice %arg8[%scan3A_151, %gather3A_364, %gather3A_365] : memref<2x128x64xf32, #tpu.memory_space<vmem>> -> memref<1x128x64xf32, #tpu.memory_space<vmem>>
        %gather3A_367 = tpu.memref_squeeze %gather3A_366 : memref<1x128x64xf32, #tpu.memory_space<vmem>> -> memref<128x64xf32, #tpu.memory_space<vmem>>
        %gather3A_368 = tpu.vector_load_idx %gather3A_367[%add3A_263, %and3A_363] : memref<128x64xf32, #tpu.memory_space<vmem>>[vector<16xi32>, vector<16xi32>], vector<16xf32>,
        %gather3A_369 = arith.constant 0 : i32
        %gather3A_370 = arith.constant 0 : i32
        %gather3A_371 = tpu.memref_slice %arg9[%scan3A_152, %gather3A_369, %gather3A_370] : memref<2x128x64xf32, #tpu.memory_space<vmem>> -> memref<1x128x64xf32, #tpu.memory_space<vmem>>
        %gather3A_372 = tpu.memref_squeeze %gather3A_371 : memref<1x128x64xf32, #tpu.memory_space<vmem>> -> memref<128x64xf32, #tpu.memory_space<vmem>>
        %gather3A_373 = tpu.vector_load_idx %gather3A_372[%add3A_263, %and3A_363] : memref<128x64xf32, #tpu.memory_space<vmem>>[vector<16xi32>, vector<16xi32>], vector<16xf32>,
        %gather3A_374 = tpu.vector_load_idx %arg6[%get3A_272, %and3A_363] : memref<1000x64xf32, #tpu.memory_space<vmem>>[vector<16xi32>, vector<16xi32>], vector<16xf32>,
        %mul3A_375 = arith.mulf %gather3A_368, %gather3A_373 : vector<16xf32>
        %mul3A_376 = arith.mulf %mul3A_375, %gather3A_374 : vector<16xf32>
        %add3A_377 = arith.addf %add3A_297, %mul3A_376 : vector<16xf32>
        %add3A_378 = arith.constant 5 : i32
        %add3A_379 = vector.broadcast %add3A_378 : i32 to vector<16xi32>
        %add3A_380 = arith.addi %iota3A, %add3A_379 : vector<16xi32>
        %and3A_381 = arith.constant 63 : i32
        %and3A_382 = vector.broadcast %and3A_381 : i32 to vector<16xi32>
        %and3A_383 = arith.andi %add3A_380, %and3A_382 : vector<16xi32>
        %gather3A_384 = arith.constant 0 : i32
        %gather3A_385 = arith.constant 0 : i32
        %gather3A_386 = tpu.memref_slice %arg8[%scan3A_151, %gather3A_384, %gather3A_385] : memref<2x128x64xf32, #tpu.memory_space<vmem>> -> memref<1x128x64xf32, #tpu.memory_space<vmem>>
        %gather3A_387 = tpu.memref_squeeze %gather3A_386 : memref<1x128x64xf32, #tpu.memory_space<vmem>> -> memref<128x64xf32, #tpu.memory_space<vmem>>
        %gather3A_388 = tpu.vector_load_idx %gather3A_387[%add3A_263, %and3A_383] : memref<128x64xf32, #tpu.memory_space<vmem>>[vector<16xi32>, vector<16xi32>], vector<16xf32>,
        %gather3A_389 = arith.constant 0 : i32
        %gather3A_390 = arith.constant 0 : i32
        %gather3A_391 = tpu.memref_slice %arg9[%scan3A_152, %gather3A_389, %gather3A_390] : memref<2x128x64xf32, #tpu.memory_space<vmem>> -> memref<1x128x64xf32, #tpu.memory_space<vmem>>
        %gather3A_392 = tpu.memref_squeeze %gather3A_391 : memref<1x128x64xf32, #tpu.memory_space<vmem>> -> memref<128x64xf32, #tpu.memory_space<vmem>>
        %gather3A_393 = tpu.vector_load_idx %gather3A_392[%add3A_263, %and3A_383] : memref<128x64xf32, #tpu.memory_space<vmem>>[vector<16xi32>, vector<16xi32>], vector<16xf32>,
        %gather3A_394 = tpu.vector_load_idx %arg6[%get3A_272, %and3A_383] : memref<1000x64xf32, #tpu.memory_space<vmem>>[vector<16xi32>, vector<16xi32>], vector<16xf32>,
        %mul3A_395 = arith.mulf %gather3A_388, %gather3A_393 : vector<16xf32>
        %mul3A_396 = arith.mulf %mul3A_395, %gather3A_394 : vector<16xf32>
        %add3A_397 = arith.addf %add3A_317, %mul3A_396 : vector<16xf32>
        %add3A_398 = arith.constant 6 : i32
        %add3A_399 = vector.broadcast %add3A_398 : i32 to vector<16xi32>
        %add3A_400 = arith.addi %iota3A, %add3A_399 : vector<16xi32>
        %and3A_401 = arith.constant 63 : i32
        %and3A_402 = vector.broadcast %and3A_401 : i32 to vector<16xi32>
        %and3A_403 = arith.andi %add3A_400, %and3A_402 : vector<16xi32>
        %gather3A_404 = arith.constant 0 : i32
        %gather3A_405 = arith.constant 0 : i32
        %gather3A_406 = tpu.memref_slice %arg8[%scan3A_151, %gather3A_404, %gather3A_405] : memref<2x128x64xf32, #tpu.memory_space<vmem>> -> memref<1x128x64xf32, #tpu.memory_space<vmem>>
        %gather3A_407 = tpu.memref_squeeze %gather3A_406 : memref<1x128x64xf32, #tpu.memory_space<vmem>> -> memref<128x64xf32, #tpu.memory_space<vmem>>
        %gather3A_408 = tpu.vector_load_idx %gather3A_407[%add3A_263, %and3A_403] : memref<128x64xf32, #tpu.memory_space<vmem>>[vector<16xi32>, vector<16xi32>], vector<16xf32>,
        %gather3A_409 = arith.constant 0 : i32
        %gather3A_410 = arith.constant 0 : i32
        %gather3A_411 = tpu.memref_slice %arg9[%scan3A_152, %gather3A_409, %gather3A_410] : memref<2x128x64xf32, #tpu.memory_space<vmem>> -> memref<1x128x64xf32, #tpu.memory_space<vmem>>
        %gather3A_412 = tpu.memref_squeeze %gather3A_411 : memref<1x128x64xf32, #tpu.memory_space<vmem>> -> memref<128x64xf32, #tpu.memory_space<vmem>>
        %gather3A_413 = tpu.vector_load_idx %gather3A_412[%add3A_263, %and3A_403] : memref<128x64xf32, #tpu.memory_space<vmem>>[vector<16xi32>, vector<16xi32>], vector<16xf32>,
        %gather3A_414 = tpu.vector_load_idx %arg6[%get3A_272, %and3A_403] : memref<1000x64xf32, #tpu.memory_space<vmem>>[vector<16xi32>, vector<16xi32>], vector<16xf32>,
        %mul3A_415 = arith.mulf %gather3A_408, %gather3A_413 : vector<16xf32>
        %mul3A_416 = arith.mulf %mul3A_415, %gather3A_414 : vector<16xf32>
        %add3A_417 = arith.addf %add3A_337, %mul3A_416 : vector<16xf32>
        %add3A_418 = arith.constant 7 : i32
        %add3A_419 = vector.broadcast %add3A_418 : i32 to vector<16xi32>
        %add3A_420 = arith.addi %iota3A, %add3A_419 : vector<16xi32>
        %and3A_421 = arith.constant 63 : i32
        %and3A_422 = vector.broadcast %and3A_421 : i32 to vector<16xi32>
        %and3A_423 = arith.andi %add3A_420, %and3A_422 : vector<16xi32>
        %gather3A_424 = arith.constant 0 : i32
        %gather3A_425 = arith.constant 0 : i32
        %gather3A_426 = tpu.memref_slice %arg8[%scan3A_151, %gather3A_424, %gather3A_425] : memref<2x128x64xf32, #tpu.memory_space<vmem>> -> memref<1x128x64xf32, #tpu.memory_space<vmem>>
        %gather3A_427 = tpu.memref_squeeze %gather3A_426 : memref<1x128x64xf32, #tpu.memory_space<vmem>> -> memref<128x64xf32, #tpu.memory_space<vmem>>
        %gather3A_428 = tpu.vector_load_idx %gather3A_427[%add3A_263, %and3A_423] : memref<128x64xf32, #tpu.memory_space<vmem>>[vector<16xi32>, vector<16xi32>], vector<16xf32>,
        %gather3A_429 = arith.constant 0 : i32
        %gather3A_430 = arith.constant 0 : i32
        %gather3A_431 = tpu.memref_slice %arg9[%scan3A_152, %gather3A_429, %gather3A_430] : memref<2x128x64xf32, #tpu.memory_space<vmem>> -> memref<1x128x64xf32, #tpu.memory_space<vmem>>
        %gather3A_432 = tpu.memref_squeeze %gather3A_431 : memref<1x128x64xf32, #tpu.memory_space<vmem>> -> memref<128x64xf32, #tpu.memory_space<vmem>>
        %gather3A_433 = tpu.vector_load_idx %gather3A_432[%add3A_263, %and3A_423] : memref<128x64xf32, #tpu.memory_space<vmem>>[vector<16xi32>, vector<16xi32>], vector<16xf32>,
        %gather3A_434 = tpu.vector_load_idx %arg6[%get3A_272, %and3A_423] : memref<1000x64xf32, #tpu.memory_space<vmem>>[vector<16xi32>, vector<16xi32>], vector<16xf32>,
        %mul3A_435 = arith.mulf %gather3A_428, %gather3A_433 : vector<16xf32>
        %mul3A_436 = arith.mulf %mul3A_435, %gather3A_434 : vector<16xf32>
        %add3A_437 = arith.addf %add3A_357, %mul3A_436 : vector<16xf32>
        %add3A_438 = arith.constant 8 : i32
        %add3A_439 = vector.broadcast %add3A_438 : i32 to vector<16xi32>
        %add3A_440 = arith.addi %iota3A, %add3A_439 : vector<16xi32>
        %and3A_441 = arith.constant 63 : i32
        %and3A_442 = vector.broadcast %and3A_441 : i32 to vector<16xi32>
        %and3A_443 = arith.andi %add3A_440, %and3A_442 : vector<16xi32>
        %gather3A_444 = arith.constant 0 : i32
        %gather3A_445 = arith.constant 0 : i32
        %gather3A_446 = tpu.memref_slice %arg8[%scan3A_151, %gather3A_444, %gather3A_445] : memref<2x128x64xf32, #tpu.memory_space<vmem>> -> memref<1x128x64xf32, #tpu.memory_space<vmem>>
        %gather3A_447 = tpu.memref_squeeze %gather3A_446 : memref<1x128x64xf32, #tpu.memory_space<vmem>> -> memref<128x64xf32, #tpu.memory_space<vmem>>
        %gather3A_448 = tpu.vector_load_idx %gather3A_447[%add3A_263, %and3A_443] : memref<128x64xf32, #tpu.memory_space<vmem>>[vector<16xi32>, vector<16xi32>], vector<16xf32>,
        %gather3A_449 = arith.constant 0 : i32
        %gather3A_450 = arith.constant 0 : i32
        %gather3A_451 = tpu.memref_slice %arg9[%scan3A_152, %gather3A_449, %gather3A_450] : memref<2x128x64xf32, #tpu.memory_space<vmem>> -> memref<1x128x64xf32, #tpu.memory_space<vmem>>
        %gather3A_452 = tpu.memref_squeeze %gather3A_451 : memref<1x128x64xf32, #tpu.memory_space<vmem>> -> memref<128x64xf32, #tpu.memory_space<vmem>>
        %gather3A_453 = tpu.vector_load_idx %gather3A_452[%add3A_263, %and3A_443] : memref<128x64xf32, #tpu.memory_space<vmem>>[vector<16xi32>, vector<16xi32>], vector<16xf32>,
        %gather3A_454 = tpu.vector_load_idx %arg6[%get3A_272, %and3A_443] : memref<1000x64xf32, #tpu.memory_space<vmem>>[vector<16xi32>, vector<16xi32>], vector<16xf32>,
        %mul3A_455 = arith.mulf %gather3A_448, %gather3A_453 : vector<16xf32>
        %mul3A_456 = arith.mulf %mul3A_455, %gather3A_454 : vector<16xf32>
        %add3A_457 = arith.addf %add3A_377, %mul3A_456 : vector<16xf32>
        %add3A_458 = arith.constant 9 : i32
        %add3A_459 = vector.broadcast %add3A_458 : i32 to vector<16xi32>
        %add3A_460 = arith.addi %iota3A, %add3A_459 : vector<16xi32>
        %and3A_461 = arith.constant 63 : i32
        %and3A_462 = vector.broadcast %and3A_461 : i32 to vector<16xi32>
        %and3A_463 = arith.andi %add3A_460, %and3A_462 : vector<16xi32>
        %gather3A_464 = arith.constant 0 : i32
        %gather3A_465 = arith.constant 0 : i32
        %gather3A_466 = tpu.memref_slice %arg8[%scan3A_151, %gather3A_464, %gather3A_465] : memref<2x128x64xf32, #tpu.memory_space<vmem>> -> memref<1x128x64xf32, #tpu.memory_space<vmem>>
        %gather3A_467 = tpu.memref_squeeze %gather3A_466 : memref<1x128x64xf32, #tpu.memory_space<vmem>> -> memref<128x64xf32, #tpu.memory_space<vmem>>
        %gather3A_468 = tpu.vector_load_idx %gather3A_467[%add3A_263, %and3A_463] : memref<128x64xf32, #tpu.memory_space<vmem>>[vector<16xi32>, vector<16xi32>], vector<16xf32>,
        %gather3A_469 = arith.constant 0 : i32
        %gather3A_470 = arith.constant 0 : i32
        %gather3A_471 = tpu.memref_slice %arg9[%scan3A_152, %gather3A_469, %gather3A_470] : memref<2x128x64xf32, #tpu.memory_space<vmem>> -> memref<1x128x64xf32, #tpu.memory_space<vmem>>
        %gather3A_472 = tpu.memref_squeeze %gather3A_471 : memref<1x128x64xf32, #tpu.memory_space<vmem>> -> memref<128x64xf32, #tpu.memory_space<vmem>>
        %gather3A_473 = tpu.vector_load_idx %gather3A_472[%add3A_263, %and3A_463] : memref<128x64xf32, #tpu.memory_space<vmem>>[vector<16xi32>, vector<16xi32>], vector<16xf32>,
        %gather3A_474 = tpu.vector_load_idx %arg6[%get3A_272, %and3A_463] : memref<1000x64xf32, #tpu.memory_space<vmem>>[vector<16xi32>, vector<16xi32>], vector<16xf32>,
        %mul3A_475 = arith.mulf %gather3A_468, %gather3A_473 : vector<16xf32>
        %mul3A_476 = arith.mulf %mul3A_475, %gather3A_474 : vector<16xf32>
        %add3A_477 = arith.addf %add3A_397, %mul3A_476 : vector<16xf32>
        %add3A_478 = arith.constant 10 : i32
        %add3A_479 = vector.broadcast %add3A_478 : i32 to vector<16xi32>
        %add3A_480 = arith.addi %iota3A, %add3A_479 : vector<16xi32>
        %and3A_481 = arith.constant 63 : i32
        %and3A_482 = vector.broadcast %and3A_481 : i32 to vector<16xi32>
        %and3A_483 = arith.andi %add3A_480, %and3A_482 : vector<16xi32>
        %gather3A_484 = arith.constant 0 : i32
        %gather3A_485 = arith.constant 0 : i32
        %gather3A_486 = tpu.memref_slice %arg8[%scan3A_151, %gather3A_484, %gather3A_485] : memref<2x128x64xf32, #tpu.memory_space<vmem>> -> memref<1x128x64xf32, #tpu.memory_space<vmem>>
        %gather3A_487 = tpu.memref_squeeze %gather3A_486 : memref<1x128x64xf32, #tpu.memory_space<vmem>> -> memref<128x64xf32, #tpu.memory_space<vmem>>
        %gather3A_488 = tpu.vector_load_idx %gather3A_487[%add3A_263, %and3A_483] : memref<128x64xf32, #tpu.memory_space<vmem>>[vector<16xi32>, vector<16xi32>], vector<16xf32>,
        %gather3A_489 = arith.constant 0 : i32
        %gather3A_490 = arith.constant 0 : i32
        %gather3A_491 = tpu.memref_slice %arg9[%scan3A_152, %gather3A_489, %gather3A_490] : memref<2x128x64xf32, #tpu.memory_space<vmem>> -> memref<1x128x64xf32, #tpu.memory_space<vmem>>
        %gather3A_492 = tpu.memref_squeeze %gather3A_491 : memref<1x128x64xf32, #tpu.memory_space<vmem>> -> memref<128x64xf32, #tpu.memory_space<vmem>>
        %gather3A_493 = tpu.vector_load_idx %gather3A_492[%add3A_263, %and3A_483] : memref<128x64xf32, #tpu.memory_space<vmem>>[vector<16xi32>, vector<16xi32>], vector<16xf32>,
        %gather3A_494 = tpu.vector_load_idx %arg6[%get3A_272, %and3A_483] : memref<1000x64xf32, #tpu.memory_space<vmem>>[vector<16xi32>, vector<16xi32>], vector<16xf32>,
        %mul3A_495 = arith.mulf %gather3A_488, %gather3A_493 : vector<16xf32>
        %mul3A_496 = arith.mulf %mul3A_495, %gather3A_494 : vector<16xf32>
        %add3A_497 = arith.addf %add3A_417, %mul3A_496 : vector<16xf32>
        %add3A_498 = arith.constant 11 : i32
        %add3A_499 = vector.broadcast %add3A_498 : i32 to vector<16xi32>
        %add3A_500 = arith.addi %iota3A, %add3A_499 : vector<16xi32>
        %and3A_501 = arith.constant 63 : i32
        %and3A_502 = vector.broadcast %and3A_501 : i32 to vector<16xi32>
        %and3A_503 = arith.andi %add3A_500, %and3A_502 : vector<16xi32>
        %gather3A_504 = arith.constant 0 : i32
        %gather3A_505 = arith.constant 0 : i32
        %gather3A_506 = tpu.memref_slice %arg8[%scan3A_151, %gather3A_504, %gather3A_505] : memref<2x128x64xf32, #tpu.memory_space<vmem>> -> memref<1x128x64xf32, #tpu.memory_space<vmem>>
        %gather3A_507 = tpu.memref_squeeze %gather3A_506 : memref<1x128x64xf32, #tpu.memory_space<vmem>> -> memref<128x64xf32, #tpu.memory_space<vmem>>
        %gather3A_508 = tpu.vector_load_idx %gather3A_507[%add3A_263, %and3A_503] : memref<128x64xf32, #tpu.memory_space<vmem>>[vector<16xi32>, vector<16xi32>], vector<16xf32>,
        %gather3A_509 = arith.constant 0 : i32
        %gather3A_510 = arith.constant 0 : i32
        %gather3A_511 = tpu.memref_slice %arg9[%scan3A_152, %gather3A_509, %gather3A_510] : memref<2x128x64xf32, #tpu.memory_space<vmem>> -> memref<1x128x64xf32, #tpu.memory_space<vmem>>
        %gather3A_512 = tpu.memref_squeeze %gather3A_511 : memref<1x128x64xf32, #tpu.memory_space<vmem>> -> memref<128x64xf32, #tpu.memory_space<vmem>>
        %gather3A_513 = tpu.vector_load_idx %gather3A_512[%add3A_263, %and3A_503] : memref<128x64xf32, #tpu.memory_space<vmem>>[vector<16xi32>, vector<16xi32>], vector<16xf32>,
        %gather3A_514 = tpu.vector_load_idx %arg6[%get3A_272, %and3A_503] : memref<1000x64xf32, #tpu.memory_space<vmem>>[vector<16xi32>, vector<16xi32>], vector<16xf32>,
        %mul3A_515 = arith.mulf %gather3A_508, %gather3A_513 : vector<16xf32>
        %mul3A_516 = arith.mulf %mul3A_515, %gather3A_514 : vector<16xf32>
        %add3A_517 = arith.addf %add3A_437, %mul3A_516 : vector<16xf32>
        %add3A_518 = arith.constant 12 : i32
        %add3A_519 = vector.broadcast %add3A_518 : i32 to vector<16xi32>
        %add3A_520 = arith.addi %iota3A, %add3A_519 : vector<16xi32>
        %and3A_521 = arith.constant 63 : i32
        %and3A_522 = vector.broadcast %and3A_521 : i32 to vector<16xi32>
        %and3A_523 = arith.andi %add3A_520, %and3A_522 : vector<16xi32>
        %gather3A_524 = arith.constant 0 : i32
        %gather3A_525 = arith.constant 0 : i32
        %gather3A_526 = tpu.memref_slice %arg8[%scan3A_151, %gather3A_524, %gather3A_525] : memref<2x128x64xf32, #tpu.memory_space<vmem>> -> memref<1x128x64xf32, #tpu.memory_space<vmem>>
        %gather3A_527 = tpu.memref_squeeze %gather3A_526 : memref<1x128x64xf32, #tpu.memory_space<vmem>> -> memref<128x64xf32, #tpu.memory_space<vmem>>
        %gather3A_528 = tpu.vector_load_idx %gather3A_527[%add3A_263, %and3A_523] : memref<128x64xf32, #tpu.memory_space<vmem>>[vector<16xi32>, vector<16xi32>], vector<16xf32>,
        %gather3A_529 = arith.constant 0 : i32
        %gather3A_530 = arith.constant 0 : i32
        %gather3A_531 = tpu.memref_slice %arg9[%scan3A_152, %gather3A_529, %gather3A_530] : memref<2x128x64xf32, #tpu.memory_space<vmem>> -> memref<1x128x64xf32, #tpu.memory_space<vmem>>
        %gather3A_532 = tpu.memref_squeeze %gather3A_531 : memref<1x128x64xf32, #tpu.memory_space<vmem>> -> memref<128x64xf32, #tpu.memory_space<vmem>>
        %gather3A_533 = tpu.vector_load_idx %gather3A_532[%add3A_263, %and3A_523] : memref<128x64xf32, #tpu.memory_space<vmem>>[vector<16xi32>, vector<16xi32>], vector<16xf32>,
        %gather3A_534 = tpu.vector_load_idx %arg6[%get3A_272, %and3A_523] : memref<1000x64xf32, #tpu.memory_space<vmem>>[vector<16xi32>, vector<16xi32>], vector<16xf32>,
        %mul3A_535 = arith.mulf %gather3A_528, %gather3A_533 : vector<16xf32>
        %mul3A_536 = arith.mulf %mul3A_535, %gather3A_534 : vector<16xf32>
        %add3A_537 = arith.addf %add3A_457, %mul3A_536 : vector<16xf32>
        %add3A_538 = arith.constant 13 : i32
        %add3A_539 = vector.broadcast %add3A_538 : i32 to vector<16xi32>
        %add3A_540 = arith.addi %iota3A, %add3A_539 : vector<16xi32>
        %and3A_541 = arith.constant 63 : i32
        %and3A_542 = vector.broadcast %and3A_541 : i32 to vector<16xi32>
        %and3A_543 = arith.andi %add3A_540, %and3A_542 : vector<16xi32>
        %gather3A_544 = arith.constant 0 : i32
        %gather3A_545 = arith.constant 0 : i32
        %gather3A_546 = tpu.memref_slice %arg8[%scan3A_151, %gather3A_544, %gather3A_545] : memref<2x128x64xf32, #tpu.memory_space<vmem>> -> memref<1x128x64xf32, #tpu.memory_space<vmem>>
        %gather3A_547 = tpu.memref_squeeze %gather3A_546 : memref<1x128x64xf32, #tpu.memory_space<vmem>> -> memref<128x64xf32, #tpu.memory_space<vmem>>
        %gather3A_548 = tpu.vector_load_idx %gather3A_547[%add3A_263, %and3A_543] : memref<128x64xf32, #tpu.memory_space<vmem>>[vector<16xi32>, vector<16xi32>], vector<16xf32>,
        %gather3A_549 = arith.constant 0 : i32
        %gather3A_550 = arith.constant 0 : i32
        %gather3A_551 = tpu.memref_slice %arg9[%scan3A_152, %gather3A_549, %gather3A_550] : memref<2x128x64xf32, #tpu.memory_space<vmem>> -> memref<1x128x64xf32, #tpu.memory_space<vmem>>
        %gather3A_552 = tpu.memref_squeeze %gather3A_551 : memref<1x128x64xf32, #tpu.memory_space<vmem>> -> memref<128x64xf32, #tpu.memory_space<vmem>>
        %gather3A_553 = tpu.vector_load_idx %gather3A_552[%add3A_263, %and3A_543] : memref<128x64xf32, #tpu.memory_space<vmem>>[vector<16xi32>, vector<16xi32>], vector<16xf32>,
        %gather3A_554 = tpu.vector_load_idx %arg6[%get3A_272, %and3A_543] : memref<1000x64xf32, #tpu.memory_space<vmem>>[vector<16xi32>, vector<16xi32>], vector<16xf32>,
        %mul3A_555 = arith.mulf %gather3A_548, %gather3A_553 : vector<16xf32>
        %mul3A_556 = arith.mulf %mul3A_555, %gather3A_554 : vector<16xf32>
        %add3A_557 = arith.addf %add3A_477, %mul3A_556 : vector<16xf32>
        %add3A_558 = arith.constant 14 : i32
        %add3A_559 = vector.broadcast %add3A_558 : i32 to vector<16xi32>
        %add3A_560 = arith.addi %iota3A, %add3A_559 : vector<16xi32>
        %and3A_561 = arith.constant 63 : i32
        %and3A_562 = vector.broadcast %and3A_561 : i32 to vector<16xi32>
        %and3A_563 = arith.andi %add3A_560, %and3A_562 : vector<16xi32>
        %gather3A_564 = arith.constant 0 : i32
        %gather3A_565 = arith.constant 0 : i32
        %gather3A_566 = tpu.memref_slice %arg8[%scan3A_151, %gather3A_564, %gather3A_565] : memref<2x128x64xf32, #tpu.memory_space<vmem>> -> memref<1x128x64xf32, #tpu.memory_space<vmem>>
        %gather3A_567 = tpu.memref_squeeze %gather3A_566 : memref<1x128x64xf32, #tpu.memory_space<vmem>> -> memref<128x64xf32, #tpu.memory_space<vmem>>
        %gather3A_568 = tpu.vector_load_idx %gather3A_567[%add3A_263, %and3A_563] : memref<128x64xf32, #tpu.memory_space<vmem>>[vector<16xi32>, vector<16xi32>], vector<16xf32>,
        %gather3A_569 = arith.constant 0 : i32
        %gather3A_570 = arith.constant 0 : i32
        %gather3A_571 = tpu.memref_slice %arg9[%scan3A_152, %gather3A_569, %gather3A_570] : memref<2x128x64xf32, #tpu.memory_space<vmem>> -> memref<1x128x64xf32, #tpu.memory_space<vmem>>
        %gather3A_572 = tpu.memref_squeeze %gather3A_571 : memref<1x128x64xf32, #tpu.memory_space<vmem>> -> memref<128x64xf32, #tpu.memory_space<vmem>>
        %gather3A_573 = tpu.vector_load_idx %gather3A_572[%add3A_263, %and3A_563] : memref<128x64xf32, #tpu.memory_space<vmem>>[vector<16xi32>, vector<16xi32>], vector<16xf32>,
        %gather3A_574 = tpu.vector_load_idx %arg6[%get3A_272, %and3A_563] : memref<1000x64xf32, #tpu.memory_space<vmem>>[vector<16xi32>, vector<16xi32>], vector<16xf32>,
        %mul3A_575 = arith.mulf %gather3A_568, %gather3A_573 : vector<16xf32>
        %mul3A_576 = arith.mulf %mul3A_575, %gather3A_574 : vector<16xf32>
        %add3A_577 = arith.addf %add3A_497, %mul3A_576 : vector<16xf32>
        %add3A_578 = arith.constant 15 : i32
        %add3A_579 = vector.broadcast %add3A_578 : i32 to vector<16xi32>
        %add3A_580 = arith.addi %iota3A, %add3A_579 : vector<16xi32>
        %and3A_581 = arith.constant 63 : i32
        %and3A_582 = vector.broadcast %and3A_581 : i32 to vector<16xi32>
        %and3A_583 = arith.andi %add3A_580, %and3A_582 : vector<16xi32>
        %gather3A_584 = arith.constant 0 : i32
        %gather3A_585 = arith.constant 0 : i32
        %gather3A_586 = tpu.memref_slice %arg8[%scan3A_151, %gather3A_584, %gather3A_585] : memref<2x128x64xf32, #tpu.memory_space<vmem>> -> memref<1x128x64xf32, #tpu.memory_space<vmem>>
        %gather3A_587 = tpu.memref_squeeze %gather3A_586 : memref<1x128x64xf32, #tpu.memory_space<vmem>> -> memref<128x64xf32, #tpu.memory_space<vmem>>
        %gather3A_588 = tpu.vector_load_idx %gather3A_587[%add3A_263, %and3A_583] : memref<128x64xf32, #tpu.memory_space<vmem>>[vector<16xi32>, vector<16xi32>], vector<16xf32>,
        %gather3A_589 = arith.constant 0 : i32
        %gather3A_590 = arith.constant 0 : i32
        %gather3A_591 = tpu.memref_slice %arg9[%scan3A_152, %gather3A_589, %gather3A_590] : memref<2x128x64xf32, #tpu.memory_space<vmem>> -> memref<1x128x64xf32, #tpu.memory_space<vmem>>
        %gather3A_592 = tpu.memref_squeeze %gather3A_591 : memref<1x128x64xf32, #tpu.memory_space<vmem>> -> memref<128x64xf32, #tpu.memory_space<vmem>>
        %gather3A_593 = tpu.vector_load_idx %gather3A_592[%add3A_263, %and3A_583] : memref<128x64xf32, #tpu.memory_space<vmem>>[vector<16xi32>, vector<16xi32>], vector<16xf32>,
        %gather3A_594 = tpu.vector_load_idx %arg6[%get3A_272, %and3A_583] : memref<1000x64xf32, #tpu.memory_space<vmem>>[vector<16xi32>, vector<16xi32>], vector<16xf32>,
        %mul3A_595 = arith.mulf %gather3A_588, %gather3A_593 : vector<16xf32>
        %mul3A_596 = arith.mulf %mul3A_595, %gather3A_594 : vector<16xf32>
        %add3A_597 = arith.addf %add3A_517, %mul3A_596 : vector<16xf32>
        %add3A_598 = arith.constant 16 : i32
        %add3A_599 = vector.broadcast %add3A_598 : i32 to vector<16xi32>
        %add3A_600 = arith.addi %iota3A, %add3A_599 : vector<16xi32>
        %and3A_601 = arith.constant 63 : i32
        %and3A_602 = vector.broadcast %and3A_601 : i32 to vector<16xi32>
        %and3A_603 = arith.andi %add3A_600, %and3A_602 : vector<16xi32>
        %gather3A_604 = arith.constant 0 : i32
        %gather3A_605 = arith.constant 0 : i32
        %gather3A_606 = tpu.memref_slice %arg8[%scan3A_151, %gather3A_604, %gather3A_605] : memref<2x128x64xf32, #tpu.memory_space<vmem>> -> memref<1x128x64xf32, #tpu.memory_space<vmem>>
        %gather3A_607 = tpu.memref_squeeze %gather3A_606 : memref<1x128x64xf32, #tpu.memory_space<vmem>> -> memref<128x64xf32, #tpu.memory_space<vmem>>
        %gather3A_608 = tpu.vector_load_idx %gather3A_607[%add3A_263, %and3A_603] : memref<128x64xf32, #tpu.memory_space<vmem>>[vector<16xi32>, vector<16xi32>], vector<16xf32>,
        %gather3A_609 = arith.constant 0 : i32
        %gather3A_610 = arith.constant 0 : i32
        %gather3A_611 = tpu.memref_slice %arg9[%scan3A_152, %gather3A_609, %gather3A_610] : memref<2x128x64xf32, #tpu.memory_space<vmem>> -> memref<1x128x64xf32, #tpu.memory_space<vmem>>
        %gather3A_612 = tpu.memref_squeeze %gather3A_611 : memref<1x128x64xf32, #tpu.memory_space<vmem>> -> memref<128x64xf32, #tpu.memory_space<vmem>>
        %gather3A_613 = tpu.vector_load_idx %gather3A_612[%add3A_263, %and3A_603] : memref<128x64xf32, #tpu.memory_space<vmem>>[vector<16xi32>, vector<16xi32>], vector<16xf32>,
        %gather3A_614 = tpu.vector_load_idx %arg6[%get3A_272, %and3A_603] : memref<1000x64xf32, #tpu.memory_space<vmem>>[vector<16xi32>, vector<16xi32>], vector<16xf32>,
        %mul3A_615 = arith.mulf %gather3A_608, %gather3A_613 : vector<16xf32>
        %mul3A_616 = arith.mulf %mul3A_615, %gather3A_614 : vector<16xf32>
        %add3A_617 = arith.addf %add3A_537, %mul3A_616 : vector<16xf32>
        %add3A_618 = arith.constant 17 : i32
        %add3A_619 = vector.broadcast %add3A_618 : i32 to vector<16xi32>
        %add3A_620 = arith.addi %iota3A, %add3A_619 : vector<16xi32>
        %and3A_621 = arith.constant 63 : i32
        %and3A_622 = vector.broadcast %and3A_621 : i32 to vector<16xi32>
        %and3A_623 = arith.andi %add3A_620, %and3A_622 : vector<16xi32>
        %gather3A_624 = arith.constant 0 : i32
        %gather3A_625 = arith.constant 0 : i32
        %gather3A_626 = tpu.memref_slice %arg8[%scan3A_151, %gather3A_624, %gather3A_625] : memref<2x128x64xf32, #tpu.memory_space<vmem>> -> memref<1x128x64xf32, #tpu.memory_space<vmem>>
        %gather3A_627 = tpu.memref_squeeze %gather3A_626 : memref<1x128x64xf32, #tpu.memory_space<vmem>> -> memref<128x64xf32, #tpu.memory_space<vmem>>
        %gather3A_628 = tpu.vector_load_idx %gather3A_627[%add3A_263, %and3A_623] : memref<128x64xf32, #tpu.memory_space<vmem>>[vector<16xi32>, vector<16xi32>], vector<16xf32>,
        %gather3A_629 = arith.constant 0 : i32
        %gather3A_630 = arith.constant 0 : i32
        %gather3A_631 = tpu.memref_slice %arg9[%scan3A_152, %gather3A_629, %gather3A_630] : memref<2x128x64xf32, #tpu.memory_space<vmem>> -> memref<1x128x64xf32, #tpu.memory_space<vmem>>
        %gather3A_632 = tpu.memref_squeeze %gather3A_631 : memref<1x128x64xf32, #tpu.memory_space<vmem>> -> memref<128x64xf32, #tpu.memory_space<vmem>>
        %gather3A_633 = tpu.vector_load_idx %gather3A_632[%add3A_263, %and3A_623] : memref<128x64xf32, #tpu.memory_space<vmem>>[vector<16xi32>, vector<16xi32>], vector<16xf32>,
        %gather3A_634 = tpu.vector_load_idx %arg6[%get3A_272, %and3A_623] : memref<1000x64xf32, #tpu.memory_space<vmem>>[vector<16xi32>, vector<16xi32>], vector<16xf32>,
        %mul3A_635 = arith.mulf %gather3A_628, %gather3A_633 : vector<16xf32>
        %mul3A_636 = arith.mulf %mul3A_635, %gather3A_634 : vector<16xf32>
        %add3A_637 = arith.addf %add3A_557, %mul3A_636 : vector<16xf32>
        %add3A_638 = arith.constant 18 : i32
        %add3A_639 = vector.broadcast %add3A_638 : i32 to vector<16xi32>
        %add3A_640 = arith.addi %iota3A, %add3A_639 : vector<16xi32>
        %and3A_641 = arith.constant 63 : i32
        %and3A_642 = vector.broadcast %and3A_641 : i32 to vector<16xi32>
        %and3A_643 = arith.andi %add3A_640, %and3A_642 : vector<16xi32>
        %gather3A_644 = arith.constant 0 : i32
        %gather3A_645 = arith.constant 0 : i32
        %gather3A_646 = tpu.memref_slice %arg8[%scan3A_151, %gather3A_644, %gather3A_645] : memref<2x128x64xf32, #tpu.memory_space<vmem>> -> memref<1x128x64xf32, #tpu.memory_space<vmem>>
        %gather3A_647 = tpu.memref_squeeze %gather3A_646 : memref<1x128x64xf32, #tpu.memory_space<vmem>> -> memref<128x64xf32, #tpu.memory_space<vmem>>
        %gather3A_648 = tpu.vector_load_idx %gather3A_647[%add3A_263, %and3A_643] : memref<128x64xf32, #tpu.memory_space<vmem>>[vector<16xi32>, vector<16xi32>], vector<16xf32>,
        %gather3A_649 = arith.constant 0 : i32
        %gather3A_650 = arith.constant 0 : i32
        %gather3A_651 = tpu.memref_slice %arg9[%scan3A_152, %gather3A_649, %gather3A_650] : memref<2x128x64xf32, #tpu.memory_space<vmem>> -> memref<1x128x64xf32, #tpu.memory_space<vmem>>
        %gather3A_652 = tpu.memref_squeeze %gather3A_651 : memref<1x128x64xf32, #tpu.memory_space<vmem>> -> memref<128x64xf32, #tpu.memory_space<vmem>>
        %gather3A_653 = tpu.vector_load_idx %gather3A_652[%add3A_263, %and3A_643] : memref<128x64xf32, #tpu.memory_space<vmem>>[vector<16xi32>, vector<16xi32>], vector<16xf32>,
        %gather3A_654 = tpu.vector_load_idx %arg6[%get3A_272, %and3A_643] : memref<1000x64xf32, #tpu.memory_space<vmem>>[vector<16xi32>, vector<16xi32>], vector<16xf32>,
        %mul3A_655 = arith.mulf %gather3A_648, %gather3A_653 : vector<16xf32>
        %mul3A_656 = arith.mulf %mul3A_655, %gather3A_654 : vector<16xf32>
        %add3A_657 = arith.addf %add3A_577, %mul3A_656 : vector<16xf32>
        %add3A_658 = arith.constant 19 : i32
        %add3A_659 = vector.broadcast %add3A_658 : i32 to vector<16xi32>
        %add3A_660 = arith.addi %iota3A, %add3A_659 : vector<16xi32>
        %and3A_661 = arith.constant 63 : i32
        %and3A_662 = vector.broadcast %and3A_661 : i32 to vector<16xi32>
        %and3A_663 = arith.andi %add3A_660, %and3A_662 : vector<16xi32>
        %gather3A_664 = arith.constant 0 : i32
        %gather3A_665 = arith.constant 0 : i32
        %gather3A_666 = tpu.memref_slice %arg8[%scan3A_151, %gather3A_664, %gather3A_665] : memref<2x128x64xf32, #tpu.memory_space<vmem>> -> memref<1x128x64xf32, #tpu.memory_space<vmem>>
        %gather3A_667 = tpu.memref_squeeze %gather3A_666 : memref<1x128x64xf32, #tpu.memory_space<vmem>> -> memref<128x64xf32, #tpu.memory_space<vmem>>
        %gather3A_668 = tpu.vector_load_idx %gather3A_667[%add3A_263, %and3A_663] : memref<128x64xf32, #tpu.memory_space<vmem>>[vector<16xi32>, vector<16xi32>], vector<16xf32>,
        %gather3A_669 = arith.constant 0 : i32
        %gather3A_670 = arith.constant 0 : i32
        %gather3A_671 = tpu.memref_slice %arg9[%scan3A_152, %gather3A_669, %gather3A_670] : memref<2x128x64xf32, #tpu.memory_space<vmem>> -> memref<1x128x64xf32, #tpu.memory_space<vmem>>
        %gather3A_672 = tpu.memref_squeeze %gather3A_671 : memref<1x128x64xf32, #tpu.memory_space<vmem>> -> memref<128x64xf32, #tpu.memory_space<vmem>>
        %gather3A_673 = tpu.vector_load_idx %gather3A_672[%add3A_263, %and3A_663] : memref<128x64xf32, #tpu.memory_space<vmem>>[vector<16xi32>, vector<16xi32>], vector<16xf32>,
        %gather3A_674 = tpu.vector_load_idx %arg6[%get3A_272, %and3A_663] : memref<1000x64xf32, #tpu.memory_space<vmem>>[vector<16xi32>, vector<16xi32>], vector<16xf32>,
        %mul3A_675 = arith.mulf %gather3A_668, %gather3A_673 : vector<16xf32>
        %mul3A_676 = arith.mulf %mul3A_675, %gather3A_674 : vector<16xf32>
        %add3A_677 = arith.addf %add3A_597, %mul3A_676 : vector<16xf32>
        %add3A_678 = arith.constant 20 : i32
        %add3A_679 = vector.broadcast %add3A_678 : i32 to vector<16xi32>
        %add3A_680 = arith.addi %iota3A, %add3A_679 : vector<16xi32>
        %and3A_681 = arith.constant 63 : i32
        %and3A_682 = vector.broadcast %and3A_681 : i32 to vector<16xi32>
        %and3A_683 = arith.andi %add3A_680, %and3A_682 : vector<16xi32>
        %gather3A_684 = arith.constant 0 : i32
        %gather3A_685 = arith.constant 0 : i32
        %gather3A_686 = tpu.memref_slice %arg8[%scan3A_151, %gather3A_684, %gather3A_685] : memref<2x128x64xf32, #tpu.memory_space<vmem>> -> memref<1x128x64xf32, #tpu.memory_space<vmem>>
        %gather3A_687 = tpu.memref_squeeze %gather3A_686 : memref<1x128x64xf32, #tpu.memory_space<vmem>> -> memref<128x64xf32, #tpu.memory_space<vmem>>
        %gather3A_688 = tpu.vector_load_idx %gather3A_687[%add3A_263, %and3A_683] : memref<128x64xf32, #tpu.memory_space<vmem>>[vector<16xi32>, vector<16xi32>], vector<16xf32>,
        %gather3A_689 = arith.constant 0 : i32
        %gather3A_690 = arith.constant 0 : i32
        %gather3A_691 = tpu.memref_slice %arg9[%scan3A_152, %gather3A_689, %gather3A_690] : memref<2x128x64xf32, #tpu.memory_space<vmem>> -> memref<1x128x64xf32, #tpu.memory_space<vmem>>
        %gather3A_692 = tpu.memref_squeeze %gather3A_691 : memref<1x128x64xf32, #tpu.memory_space<vmem>> -> memref<128x64xf32, #tpu.memory_space<vmem>>
        %gather3A_693 = tpu.vector_load_idx %gather3A_692[%add3A_263, %and3A_683] : memref<128x64xf32, #tpu.memory_space<vmem>>[vector<16xi32>, vector<16xi32>], vector<16xf32>,
        %gather3A_694 = tpu.vector_load_idx %arg6[%get3A_272, %and3A_683] : memref<1000x64xf32, #tpu.memory_space<vmem>>[vector<16xi32>, vector<16xi32>], vector<16xf32>,
        %mul3A_695 = arith.mulf %gather3A_688, %gather3A_693 : vector<16xf32>
        %mul3A_696 = arith.mulf %mul3A_695, %gather3A_694 : vector<16xf32>
        %add3A_697 = arith.addf %add3A_617, %mul3A_696 : vector<16xf32>
        %add3A_698 = arith.constant 21 : i32
        %add3A_699 = vector.broadcast %add3A_698 : i32 to vector<16xi32>
        %add3A_700 = arith.addi %iota3A, %add3A_699 : vector<16xi32>
        %and3A_701 = arith.constant 63 : i32
        %and3A_702 = vector.broadcast %and3A_701 : i32 to vector<16xi32>
        %and3A_703 = arith.andi %add3A_700, %and3A_702 : vector<16xi32>
        %gather3A_704 = arith.constant 0 : i32
        %gather3A_705 = arith.constant 0 : i32
        %gather3A_706 = tpu.memref_slice %arg8[%scan3A_151, %gather3A_704, %gather3A_705] : memref<2x128x64xf32, #tpu.memory_space<vmem>> -> memref<1x128x64xf32, #tpu.memory_space<vmem>>
        %gather3A_707 = tpu.memref_squeeze %gather3A_706 : memref<1x128x64xf32, #tpu.memory_space<vmem>> -> memref<128x64xf32, #tpu.memory_space<vmem>>
        %gather3A_708 = tpu.vector_load_idx %gather3A_707[%add3A_263, %and3A_703] : memref<128x64xf32, #tpu.memory_space<vmem>>[vector<16xi32>, vector<16xi32>], vector<16xf32>,
        %gather3A_709 = arith.constant 0 : i32
        %gather3A_710 = arith.constant 0 : i32
        %gather3A_711 = tpu.memref_slice %arg9[%scan3A_152, %gather3A_709, %gather3A_710] : memref<2x128x64xf32, #tpu.memory_space<vmem>> -> memref<1x128x64xf32, #tpu.memory_space<vmem>>
        %gather3A_712 = tpu.memref_squeeze %gather3A_711 : memref<1x128x64xf32, #tpu.memory_space<vmem>> -> memref<128x64xf32, #tpu.memory_space<vmem>>
        %gather3A_713 = tpu.vector_load_idx %gather3A_712[%add3A_263, %and3A_703] : memref<128x64xf32, #tpu.memory_space<vmem>>[vector<16xi32>, vector<16xi32>], vector<16xf32>,
        %gather3A_714 = tpu.vector_load_idx %arg6[%get3A_272, %and3A_703] : memref<1000x64xf32, #tpu.memory_space<vmem>>[vector<16xi32>, vector<16xi32>], vector<16xf32>,
        %mul3A_715 = arith.mulf %gather3A_708, %gather3A_713 : vector<16xf32>
        %mul3A_716 = arith.mulf %mul3A_715, %gather3A_714 : vector<16xf32>
        %add3A_717 = arith.addf %add3A_637, %mul3A_716 : vector<16xf32>
        %add3A_718 = arith.constant 22 : i32
        %add3A_719 = vector.broadcast %add3A_718 : i32 to vector<16xi32>
        %add3A_720 = arith.addi %iota3A, %add3A_719 : vector<16xi32>
        %and3A_721 = arith.constant 63 : i32
        %and3A_722 = vector.broadcast %and3A_721 : i32 to vector<16xi32>
        %and3A_723 = arith.andi %add3A_720, %and3A_722 : vector<16xi32>
        %gather3A_724 = arith.constant 0 : i32
        %gather3A_725 = arith.constant 0 : i32
        %gather3A_726 = tpu.memref_slice %arg8[%scan3A_151, %gather3A_724, %gather3A_725] : memref<2x128x64xf32, #tpu.memory_space<vmem>> -> memref<1x128x64xf32, #tpu.memory_space<vmem>>
        %gather3A_727 = tpu.memref_squeeze %gather3A_726 : memref<1x128x64xf32, #tpu.memory_space<vmem>> -> memref<128x64xf32, #tpu.memory_space<vmem>>
        %gather3A_728 = tpu.vector_load_idx %gather3A_727[%add3A_263, %and3A_723] : memref<128x64xf32, #tpu.memory_space<vmem>>[vector<16xi32>, vector<16xi32>], vector<16xf32>,
        %gather3A_729 = arith.constant 0 : i32
        %gather3A_730 = arith.constant 0 : i32
        %gather3A_731 = tpu.memref_slice %arg9[%scan3A_152, %gather3A_729, %gather3A_730] : memref<2x128x64xf32, #tpu.memory_space<vmem>> -> memref<1x128x64xf32, #tpu.memory_space<vmem>>
        %gather3A_732 = tpu.memref_squeeze %gather3A_731 : memref<1x128x64xf32, #tpu.memory_space<vmem>> -> memref<128x64xf32, #tpu.memory_space<vmem>>
        %gather3A_733 = tpu.vector_load_idx %gather3A_732[%add3A_263, %and3A_723] : memref<128x64xf32, #tpu.memory_space<vmem>>[vector<16xi32>, vector<16xi32>], vector<16xf32>,
        %gather3A_734 = tpu.vector_load_idx %arg6[%get3A_272, %and3A_723] : memref<1000x64xf32, #tpu.memory_space<vmem>>[vector<16xi32>, vector<16xi32>], vector<16xf32>,
        %mul3A_735 = arith.mulf %gather3A_728, %gather3A_733 : vector<16xf32>
        %mul3A_736 = arith.mulf %mul3A_735, %gather3A_734 : vector<16xf32>
        %add3A_737 = arith.addf %add3A_657, %mul3A_736 : vector<16xf32>
        %add3A_738 = arith.constant 23 : i32
        %add3A_739 = vector.broadcast %add3A_738 : i32 to vector<16xi32>
        %add3A_740 = arith.addi %iota3A, %add3A_739 : vector<16xi32>
        %and3A_741 = arith.constant 63 : i32
        %and3A_742 = vector.broadcast %and3A_741 : i32 to vector<16xi32>
        %and3A_743 = arith.andi %add3A_740, %and3A_742 : vector<16xi32>
        %gather3A_744 = arith.constant 0 : i32
        %gather3A_745 = arith.constant 0 : i32
        %gather3A_746 = tpu.memref_slice %arg8[%scan3A_151, %gather3A_744, %gather3A_745] : memref<2x128x64xf32, #tpu.memory_space<vmem>> -> memref<1x128x64xf32, #tpu.memory_space<vmem>>
        %gather3A_747 = tpu.memref_squeeze %gather3A_746 : memref<1x128x64xf32, #tpu.memory_space<vmem>> -> memref<128x64xf32, #tpu.memory_space<vmem>>
        %gather3A_748 = tpu.vector_load_idx %gather3A_747[%add3A_263, %and3A_743] : memref<128x64xf32, #tpu.memory_space<vmem>>[vector<16xi32>, vector<16xi32>], vector<16xf32>,
        %gather3A_749 = arith.constant 0 : i32
        %gather3A_750 = arith.constant 0 : i32
        %gather3A_751 = tpu.memref_slice %arg9[%scan3A_152, %gather3A_749, %gather3A_750] : memref<2x128x64xf32, #tpu.memory_space<vmem>> -> memref<1x128x64xf32, #tpu.memory_space<vmem>>
        %gather3A_752 = tpu.memref_squeeze %gather3A_751 : memref<1x128x64xf32, #tpu.memory_space<vmem>> -> memref<128x64xf32, #tpu.memory_space<vmem>>
        %gather3A_753 = tpu.vector_load_idx %gather3A_752[%add3A_263, %and3A_743] : memref<128x64xf32, #tpu.memory_space<vmem>>[vector<16xi32>, vector<16xi32>], vector<16xf32>,
        %gather3A_754 = tpu.vector_load_idx %arg6[%get3A_272, %and3A_743] : memref<1000x64xf32, #tpu.memory_space<vmem>>[vector<16xi32>, vector<16xi32>], vector<16xf32>,
        %mul3A_755 = arith.mulf %gather3A_748, %gather3A_753 : vector<16xf32>
        %mul3A_756 = arith.mulf %mul3A_755, %gather3A_754 : vector<16xf32>
        %add3A_757 = arith.addf %add3A_677, %mul3A_756 : vector<16xf32>
        %add3A_758 = arith.constant 24 : i32
        %add3A_759 = vector.broadcast %add3A_758 : i32 to vector<16xi32>
        %add3A_760 = arith.addi %iota3A, %add3A_759 : vector<16xi32>
        %and3A_761 = arith.constant 63 : i32
        %and3A_762 = vector.broadcast %and3A_761 : i32 to vector<16xi32>
        %and3A_763 = arith.andi %add3A_760, %and3A_762 : vector<16xi32>
        %gather3A_764 = arith.constant 0 : i32
        %gather3A_765 = arith.constant 0 : i32
        %gather3A_766 = tpu.memref_slice %arg8[%scan3A_151, %gather3A_764, %gather3A_765] : memref<2x128x64xf32, #tpu.memory_space<vmem>> -> memref<1x128x64xf32, #tpu.memory_space<vmem>>
        %gather3A_767 = tpu.memref_squeeze %gather3A_766 : memref<1x128x64xf32, #tpu.memory_space<vmem>> -> memref<128x64xf32, #tpu.memory_space<vmem>>
        %gather3A_768 = tpu.vector_load_idx %gather3A_767[%add3A_263, %and3A_763] : memref<128x64xf32, #tpu.memory_space<vmem>>[vector<16xi32>, vector<16xi32>], vector<16xf32>,
        %gather3A_769 = arith.constant 0 : i32
        %gather3A_770 = arith.constant 0 : i32
        %gather3A_771 = tpu.memref_slice %arg9[%scan3A_152, %gather3A_769, %gather3A_770] : memref<2x128x64xf32, #tpu.memory_space<vmem>> -> memref<1x128x64xf32, #tpu.memory_space<vmem>>
        %gather3A_772 = tpu.memref_squeeze %gather3A_771 : memref<1x128x64xf32, #tpu.memory_space<vmem>> -> memref<128x64xf32, #tpu.memory_space<vmem>>
        %gather3A_773 = tpu.vector_load_idx %gather3A_772[%add3A_263, %and3A_763] : memref<128x64xf32, #tpu.memory_space<vmem>>[vector<16xi32>, vector<16xi32>], vector<16xf32>,
        %gather3A_774 = tpu.vector_load_idx %arg6[%get3A_272, %and3A_763] : memref<1000x64xf32, #tpu.memory_space<vmem>>[vector<16xi32>, vector<16xi32>], vector<16xf32>,
        %mul3A_775 = arith.mulf %gather3A_768, %gather3A_773 : vector<16xf32>
        %mul3A_776 = arith.mulf %mul3A_775, %gather3A_774 : vector<16xf32>
        %add3A_777 = arith.addf %add3A_697, %mul3A_776 : vector<16xf32>
        %add3A_778 = arith.constant 25 : i32
        %add3A_779 = vector.broadcast %add3A_778 : i32 to vector<16xi32>
        %add3A_780 = arith.addi %iota3A, %add3A_779 : vector<16xi32>
        %and3A_781 = arith.constant 63 : i32
        %and3A_782 = vector.broadcast %and3A_781 : i32 to vector<16xi32>
        %and3A_783 = arith.andi %add3A_780, %and3A_782 : vector<16xi32>
        %gather3A_784 = arith.constant 0 : i32
        %gather3A_785 = arith.constant 0 : i32
        %gather3A_786 = tpu.memref_slice %arg8[%scan3A_151, %gather3A_784, %gather3A_785] : memref<2x128x64xf32, #tpu.memory_space<vmem>> -> memref<1x128x64xf32, #tpu.memory_space<vmem>>
        %gather3A_787 = tpu.memref_squeeze %gather3A_786 : memref<1x128x64xf32, #tpu.memory_space<vmem>> -> memref<128x64xf32, #tpu.memory_space<vmem>>
        %gather3A_788 = tpu.vector_load_idx %gather3A_787[%add3A_263, %and3A_783] : memref<128x64xf32, #tpu.memory_space<vmem>>[vector<16xi32>, vector<16xi32>], vector<16xf32>,
        %gather3A_789 = arith.constant 0 : i32
        %gather3A_790 = arith.constant 0 : i32
        %gather3A_791 = tpu.memref_slice %arg9[%scan3A_152, %gather3A_789, %gather3A_790] : memref<2x128x64xf32, #tpu.memory_space<vmem>> -> memref<1x128x64xf32, #tpu.memory_space<vmem>>
        %gather3A_792 = tpu.memref_squeeze %gather3A_791 : memref<1x128x64xf32, #tpu.memory_space<vmem>> -> memref<128x64xf32, #tpu.memory_space<vmem>>
        %gather3A_793 = tpu.vector_load_idx %gather3A_792[%add3A_263, %and3A_783] : memref<128x64xf32, #tpu.memory_space<vmem>>[vector<16xi32>, vector<16xi32>], vector<16xf32>,
        %gather3A_794 = tpu.vector_load_idx %arg6[%get3A_272, %and3A_783] : memref<1000x64xf32, #tpu.memory_space<vmem>>[vector<16xi32>, vector<16xi32>], vector<16xf32>,
        %mul3A_795 = arith.mulf %gather3A_788, %gather3A_793 : vector<16xf32>
        %mul3A_796 = arith.mulf %mul3A_795, %gather3A_794 : vector<16xf32>
        %add3A_797 = arith.addf %add3A_717, %mul3A_796 : vector<16xf32>
        %add3A_798 = arith.constant 26 : i32
        %add3A_799 = vector.broadcast %add3A_798 : i32 to vector<16xi32>
        %add3A_800 = arith.addi %iota3A, %add3A_799 : vector<16xi32>
        %and3A_801 = arith.constant 63 : i32
        %and3A_802 = vector.broadcast %and3A_801 : i32 to vector<16xi32>
        %and3A_803 = arith.andi %add3A_800, %and3A_802 : vector<16xi32>
        %gather3A_804 = arith.constant 0 : i32
        %gather3A_805 = arith.constant 0 : i32
        %gather3A_806 = tpu.memref_slice %arg8[%scan3A_151, %gather3A_804, %gather3A_805] : memref<2x128x64xf32, #tpu.memory_space<vmem>> -> memref<1x128x64xf32, #tpu.memory_space<vmem>>
        %gather3A_807 = tpu.memref_squeeze %gather3A_806 : memref<1x128x64xf32, #tpu.memory_space<vmem>> -> memref<128x64xf32, #tpu.memory_space<vmem>>
        %gather3A_808 = tpu.vector_load_idx %gather3A_807[%add3A_263, %and3A_803] : memref<128x64xf32, #tpu.memory_space<vmem>>[vector<16xi32>, vector<16xi32>], vector<16xf32>,
        %gather3A_809 = arith.constant 0 : i32
        %gather3A_810 = arith.constant 0 : i32
        %gather3A_811 = tpu.memref_slice %arg9[%scan3A_152, %gather3A_809, %gather3A_810] : memref<2x128x64xf32, #tpu.memory_space<vmem>> -> memref<1x128x64xf32, #tpu.memory_space<vmem>>
        %gather3A_812 = tpu.memref_squeeze %gather3A_811 : memref<1x128x64xf32, #tpu.memory_space<vmem>> -> memref<128x64xf32, #tpu.memory_space<vmem>>
        %gather3A_813 = tpu.vector_load_idx %gather3A_812[%add3A_263, %and3A_803] : memref<128x64xf32, #tpu.memory_space<vmem>>[vector<16xi32>, vector<16xi32>], vector<16xf32>,
        %gather3A_814 = tpu.vector_load_idx %arg6[%get3A_272, %and3A_803] : memref<1000x64xf32, #tpu.memory_space<vmem>>[vector<16xi32>, vector<16xi32>], vector<16xf32>,
        %mul3A_815 = arith.mulf %gather3A_808, %gather3A_813 : vector<16xf32>
        %mul3A_816 = arith.mulf %mul3A_815, %gather3A_814 : vector<16xf32>
        %add3A_817 = arith.addf %add3A_737, %mul3A_816 : vector<16xf32>
        %add3A_818 = arith.constant 27 : i32
        %add3A_819 = vector.broadcast %add3A_818 : i32 to vector<16xi32>
        %add3A_820 = arith.addi %iota3A, %add3A_819 : vector<16xi32>
        %and3A_821 = arith.constant 63 : i32
        %and3A_822 = vector.broadcast %and3A_821 : i32 to vector<16xi32>
        %and3A_823 = arith.andi %add3A_820, %and3A_822 : vector<16xi32>
        %gather3A_824 = arith.constant 0 : i32
        %gather3A_825 = arith.constant 0 : i32
        %gather3A_826 = tpu.memref_slice %arg8[%scan3A_151, %gather3A_824, %gather3A_825] : memref<2x128x64xf32, #tpu.memory_space<vmem>> -> memref<1x128x64xf32, #tpu.memory_space<vmem>>
        %gather3A_827 = tpu.memref_squeeze %gather3A_826 : memref<1x128x64xf32, #tpu.memory_space<vmem>> -> memref<128x64xf32, #tpu.memory_space<vmem>>
        %gather3A_828 = tpu.vector_load_idx %gather3A_827[%add3A_263, %and3A_823] : memref<128x64xf32, #tpu.memory_space<vmem>>[vector<16xi32>, vector<16xi32>], vector<16xf32>,
        %gather3A_829 = arith.constant 0 : i32
        %gather3A_830 = arith.constant 0 : i32
        %gather3A_831 = tpu.memref_slice %arg9[%scan3A_152, %gather3A_829, %gather3A_830] : memref<2x128x64xf32, #tpu.memory_space<vmem>> -> memref<1x128x64xf32, #tpu.memory_space<vmem>>
        %gather3A_832 = tpu.memref_squeeze %gather3A_831 : memref<1x128x64xf32, #tpu.memory_space<vmem>> -> memref<128x64xf32, #tpu.memory_space<vmem>>
        %gather3A_833 = tpu.vector_load_idx %gather3A_832[%add3A_263, %and3A_823] : memref<128x64xf32, #tpu.memory_space<vmem>>[vector<16xi32>, vector<16xi32>], vector<16xf32>,
        %gather3A_834 = tpu.vector_load_idx %arg6[%get3A_272, %and3A_823] : memref<1000x64xf32, #tpu.memory_space<vmem>>[vector<16xi32>, vector<16xi32>], vector<16xf32>,
        %mul3A_835 = arith.mulf %gather3A_828, %gather3A_833 : vector<16xf32>
        %mul3A_836 = arith.mulf %mul3A_835, %gather3A_834 : vector<16xf32>
        %add3A_837 = arith.addf %add3A_757, %mul3A_836 : vector<16xf32>
        %add3A_838 = arith.constant 28 : i32
        %add3A_839 = vector.broadcast %add3A_838 : i32 to vector<16xi32>
        %add3A_840 = arith.addi %iota3A, %add3A_839 : vector<16xi32>
        %and3A_841 = arith.constant 63 : i32
        %and3A_842 = vector.broadcast %and3A_841 : i32 to vector<16xi32>
        %and3A_843 = arith.andi %add3A_840, %and3A_842 : vector<16xi32>
        %gather3A_844 = arith.constant 0 : i32
        %gather3A_845 = arith.constant 0 : i32
        %gather3A_846 = tpu.memref_slice %arg8[%scan3A_151, %gather3A_844, %gather3A_845] : memref<2x128x64xf32, #tpu.memory_space<vmem>> -> memref<1x128x64xf32, #tpu.memory_space<vmem>>
        %gather3A_847 = tpu.memref_squeeze %gather3A_846 : memref<1x128x64xf32, #tpu.memory_space<vmem>> -> memref<128x64xf32, #tpu.memory_space<vmem>>
        %gather3A_848 = tpu.vector_load_idx %gather3A_847[%add3A_263, %and3A_843] : memref<128x64xf32, #tpu.memory_space<vmem>>[vector<16xi32>, vector<16xi32>], vector<16xf32>,
        %gather3A_849 = arith.constant 0 : i32
        %gather3A_850 = arith.constant 0 : i32
        %gather3A_851 = tpu.memref_slice %arg9[%scan3A_152, %gather3A_849, %gather3A_850] : memref<2x128x64xf32, #tpu.memory_space<vmem>> -> memref<1x128x64xf32, #tpu.memory_space<vmem>>
        %gather3A_852 = tpu.memref_squeeze %gather3A_851 : memref<1x128x64xf32, #tpu.memory_space<vmem>> -> memref<128x64xf32, #tpu.memory_space<vmem>>
        %gather3A_853 = tpu.vector_load_idx %gather3A_852[%add3A_263, %and3A_843] : memref<128x64xf32, #tpu.memory_space<vmem>>[vector<16xi32>, vector<16xi32>], vector<16xf32>,
        %gather3A_854 = tpu.vector_load_idx %arg6[%get3A_272, %and3A_843] : memref<1000x64xf32, #tpu.memory_space<vmem>>[vector<16xi32>, vector<16xi32>], vector<16xf32>,
        %mul3A_855 = arith.mulf %gather3A_848, %gather3A_853 : vector<16xf32>
        %mul3A_856 = arith.mulf %mul3A_855, %gather3A_854 : vector<16xf32>
        %add3A_857 = arith.addf %add3A_777, %mul3A_856 : vector<16xf32>
        %add3A_858 = arith.constant 29 : i32
        %add3A_859 = vector.broadcast %add3A_858 : i32 to vector<16xi32>
        %add3A_860 = arith.addi %iota3A, %add3A_859 : vector<16xi32>
        %and3A_861 = arith.constant 63 : i32
        %and3A_862 = vector.broadcast %and3A_861 : i32 to vector<16xi32>
        %and3A_863 = arith.andi %add3A_860, %and3A_862 : vector<16xi32>
        %gather3A_864 = arith.constant 0 : i32
        %gather3A_865 = arith.constant 0 : i32
        %gather3A_866 = tpu.memref_slice %arg8[%scan3A_151, %gather3A_864, %gather3A_865] : memref<2x128x64xf32, #tpu.memory_space<vmem>> -> memref<1x128x64xf32, #tpu.memory_space<vmem>>
        %gather3A_867 = tpu.memref_squeeze %gather3A_866 : memref<1x128x64xf32, #tpu.memory_space<vmem>> -> memref<128x64xf32, #tpu.memory_space<vmem>>
        %gather3A_868 = tpu.vector_load_idx %gather3A_867[%add3A_263, %and3A_863] : memref<128x64xf32, #tpu.memory_space<vmem>>[vector<16xi32>, vector<16xi32>], vector<16xf32>,
        %gather3A_869 = arith.constant 0 : i32
        %gather3A_870 = arith.constant 0 : i32
        %gather3A_871 = tpu.memref_slice %arg9[%scan3A_152, %gather3A_869, %gather3A_870] : memref<2x128x64xf32, #tpu.memory_space<vmem>> -> memref<1x128x64xf32, #tpu.memory_space<vmem>>
        %gather3A_872 = tpu.memref_squeeze %gather3A_871 : memref<1x128x64xf32, #tpu.memory_space<vmem>> -> memref<128x64xf32, #tpu.memory_space<vmem>>
        %gather3A_873 = tpu.vector_load_idx %gather3A_872[%add3A_263, %and3A_863] : memref<128x64xf32, #tpu.memory_space<vmem>>[vector<16xi32>, vector<16xi32>], vector<16xf32>,
        %gather3A_874 = tpu.vector_load_idx %arg6[%get3A_272, %and3A_863] : memref<1000x64xf32, #tpu.memory_space<vmem>>[vector<16xi32>, vector<16xi32>], vector<16xf32>,
        %mul3A_875 = arith.mulf %gather3A_868, %gather3A_873 : vector<16xf32>
        %mul3A_876 = arith.mulf %mul3A_875, %gather3A_874 : vector<16xf32>
        %add3A_877 = arith.addf %add3A_797, %mul3A_876 : vector<16xf32>
        %add3A_878 = arith.constant 30 : i32
        %add3A_879 = vector.broadcast %add3A_878 : i32 to vector<16xi32>
        %add3A_880 = arith.addi %iota3A, %add3A_879 : vector<16xi32>
        %and3A_881 = arith.constant 63 : i32
        %and3A_882 = vector.broadcast %and3A_881 : i32 to vector<16xi32>
        %and3A_883 = arith.andi %add3A_880, %and3A_882 : vector<16xi32>
        %gather3A_884 = arith.constant 0 : i32
        %gather3A_885 = arith.constant 0 : i32
        %gather3A_886 = tpu.memref_slice %arg8[%scan3A_151, %gather3A_884, %gather3A_885] : memref<2x128x64xf32, #tpu.memory_space<vmem>> -> memref<1x128x64xf32, #tpu.memory_space<vmem>>
        %gather3A_887 = tpu.memref_squeeze %gather3A_886 : memref<1x128x64xf32, #tpu.memory_space<vmem>> -> memref<128x64xf32, #tpu.memory_space<vmem>>
        %gather3A_888 = tpu.vector_load_idx %gather3A_887[%add3A_263, %and3A_883] : memref<128x64xf32, #tpu.memory_space<vmem>>[vector<16xi32>, vector<16xi32>], vector<16xf32>,
        %gather3A_889 = arith.constant 0 : i32
        %gather3A_890 = arith.constant 0 : i32
        %gather3A_891 = tpu.memref_slice %arg9[%scan3A_152, %gather3A_889, %gather3A_890] : memref<2x128x64xf32, #tpu.memory_space<vmem>> -> memref<1x128x64xf32, #tpu.memory_space<vmem>>
        %gather3A_892 = tpu.memref_squeeze %gather3A_891 : memref<1x128x64xf32, #tpu.memory_space<vmem>> -> memref<128x64xf32, #tpu.memory_space<vmem>>
        %gather3A_893 = tpu.vector_load_idx %gather3A_892[%add3A_263, %and3A_883] : memref<128x64xf32, #tpu.memory_space<vmem>>[vector<16xi32>, vector<16xi32>], vector<16xf32>,
        %gather3A_894 = tpu.vector_load_idx %arg6[%get3A_272, %and3A_883] : memref<1000x64xf32, #tpu.memory_space<vmem>>[vector<16xi32>, vector<16xi32>], vector<16xf32>,
        %mul3A_895 = arith.mulf %gather3A_888, %gather3A_893 : vector<16xf32>
        %mul3A_896 = arith.mulf %mul3A_895, %gather3A_894 : vector<16xf32>
        %add3A_897 = arith.addf %add3A_817, %mul3A_896 : vector<16xf32>
        %add3A_898 = arith.constant 31 : i32
        %add3A_899 = vector.broadcast %add3A_898 : i32 to vector<16xi32>
        %add3A_900 = arith.addi %iota3A, %add3A_899 : vector<16xi32>
        %and3A_901 = arith.constant 63 : i32
        %and3A_902 = vector.broadcast %and3A_901 : i32 to vector<16xi32>
        %and3A_903 = arith.andi %add3A_900, %and3A_902 : vector<16xi32>
        %gather3A_904 = arith.constant 0 : i32
        %gather3A_905 = arith.constant 0 : i32
        %gather3A_906 = tpu.memref_slice %arg8[%scan3A_151, %gather3A_904, %gather3A_905] : memref<2x128x64xf32, #tpu.memory_space<vmem>> -> memref<1x128x64xf32, #tpu.memory_space<vmem>>
        %gather3A_907 = tpu.memref_squeeze %gather3A_906 : memref<1x128x64xf32, #tpu.memory_space<vmem>> -> memref<128x64xf32, #tpu.memory_space<vmem>>
        %gather3A_908 = tpu.vector_load_idx %gather3A_907[%add3A_263, %and3A_903] : memref<128x64xf32, #tpu.memory_space<vmem>>[vector<16xi32>, vector<16xi32>], vector<16xf32>,
        %gather3A_909 = arith.constant 0 : i32
        %gather3A_910 = arith.constant 0 : i32
        %gather3A_911 = tpu.memref_slice %arg9[%scan3A_152, %gather3A_909, %gather3A_910] : memref<2x128x64xf32, #tpu.memory_space<vmem>> -> memref<1x128x64xf32, #tpu.memory_space<vmem>>
        %gather3A_912 = tpu.memref_squeeze %gather3A_911 : memref<1x128x64xf32, #tpu.memory_space<vmem>> -> memref<128x64xf32, #tpu.memory_space<vmem>>
        %gather3A_913 = tpu.vector_load_idx %gather3A_912[%add3A_263, %and3A_903] : memref<128x64xf32, #tpu.memory_space<vmem>>[vector<16xi32>, vector<16xi32>], vector<16xf32>,
        %gather3A_914 = tpu.vector_load_idx %arg6[%get3A_272, %and3A_903] : memref<1000x64xf32, #tpu.memory_space<vmem>>[vector<16xi32>, vector<16xi32>], vector<16xf32>,
        %mul3A_915 = arith.mulf %gather3A_908, %gather3A_913 : vector<16xf32>
        %mul3A_916 = arith.mulf %mul3A_915, %gather3A_914 : vector<16xf32>
        %add3A_917 = arith.addf %add3A_837, %mul3A_916 : vector<16xf32>
        %add3A_918 = arith.constant 32 : i32
        %add3A_919 = vector.broadcast %add3A_918 : i32 to vector<16xi32>
        %add3A_920 = arith.addi %iota3A, %add3A_919 : vector<16xi32>
        %and3A_921 = arith.constant 63 : i32
        %and3A_922 = vector.broadcast %and3A_921 : i32 to vector<16xi32>
        %and3A_923 = arith.andi %add3A_920, %and3A_922 : vector<16xi32>
        %gather3A_924 = arith.constant 0 : i32
        %gather3A_925 = arith.constant 0 : i32
        %gather3A_926 = tpu.memref_slice %arg8[%scan3A_151, %gather3A_924, %gather3A_925] : memref<2x128x64xf32, #tpu.memory_space<vmem>> -> memref<1x128x64xf32, #tpu.memory_space<vmem>>
        %gather3A_927 = tpu.memref_squeeze %gather3A_926 : memref<1x128x64xf32, #tpu.memory_space<vmem>> -> memref<128x64xf32, #tpu.memory_space<vmem>>
        %gather3A_928 = tpu.vector_load_idx %gather3A_927[%add3A_263, %and3A_923] : memref<128x64xf32, #tpu.memory_space<vmem>>[vector<16xi32>, vector<16xi32>], vector<16xf32>,
        %gather3A_929 = arith.constant 0 : i32
        %gather3A_930 = arith.constant 0 : i32
        %gather3A_931 = tpu.memref_slice %arg9[%scan3A_152, %gather3A_929, %gather3A_930] : memref<2x128x64xf32, #tpu.memory_space<vmem>> -> memref<1x128x64xf32, #tpu.memory_space<vmem>>
        %gather3A_932 = tpu.memref_squeeze %gather3A_931 : memref<1x128x64xf32, #tpu.memory_space<vmem>> -> memref<128x64xf32, #tpu.memory_space<vmem>>
        %gather3A_933 = tpu.vector_load_idx %gather3A_932[%add3A_263, %and3A_923] : memref<128x64xf32, #tpu.memory_space<vmem>>[vector<16xi32>, vector<16xi32>], vector<16xf32>,
        %gather3A_934 = tpu.vector_load_idx %arg6[%get3A_272, %and3A_923] : memref<1000x64xf32, #tpu.memory_space<vmem>>[vector<16xi32>, vector<16xi32>], vector<16xf32>,
        %mul3A_935 = arith.mulf %gather3A_928, %gather3A_933 : vector<16xf32>
        %mul3A_936 = arith.mulf %mul3A_935, %gather3A_934 : vector<16xf32>
        %add3A_937 = arith.addf %add3A_857, %mul3A_936 : vector<16xf32>
        %add3A_938 = arith.constant 33 : i32
        %add3A_939 = vector.broadcast %add3A_938 : i32 to vector<16xi32>
        %add3A_940 = arith.addi %iota3A, %add3A_939 : vector<16xi32>
        %and3A_941 = arith.constant 63 : i32
        %and3A_942 = vector.broadcast %and3A_941 : i32 to vector<16xi32>
        %and3A_943 = arith.andi %add3A_940, %and3A_942 : vector<16xi32>
        %gather3A_944 = arith.constant 0 : i32
        %gather3A_945 = arith.constant 0 : i32
        %gather3A_946 = tpu.memref_slice %arg8[%scan3A_151, %gather3A_944, %gather3A_945] : memref<2x128x64xf32, #tpu.memory_space<vmem>> -> memref<1x128x64xf32, #tpu.memory_space<vmem>>
        %gather3A_947 = tpu.memref_squeeze %gather3A_946 : memref<1x128x64xf32, #tpu.memory_space<vmem>> -> memref<128x64xf32, #tpu.memory_space<vmem>>
        %gather3A_948 = tpu.vector_load_idx %gather3A_947[%add3A_263, %and3A_943] : memref<128x64xf32, #tpu.memory_space<vmem>>[vector<16xi32>, vector<16xi32>], vector<16xf32>,
        %gather3A_949 = arith.constant 0 : i32
        %gather3A_950 = arith.constant 0 : i32
        %gather3A_951 = tpu.memref_slice %arg9[%scan3A_152, %gather3A_949, %gather3A_950] : memref<2x128x64xf32, #tpu.memory_space<vmem>> -> memref<1x128x64xf32, #tpu.memory_space<vmem>>
        %gather3A_952 = tpu.memref_squeeze %gather3A_951 : memref<1x128x64xf32, #tpu.memory_space<vmem>> -> memref<128x64xf32, #tpu.memory_space<vmem>>
        %gather3A_953 = tpu.vector_load_idx %gather3A_952[%add3A_263, %and3A_943] : memref<128x64xf32, #tpu.memory_space<vmem>>[vector<16xi32>, vector<16xi32>], vector<16xf32>,
        %gather3A_954 = tpu.vector_load_idx %arg6[%get3A_272, %and3A_943] : memref<1000x64xf32, #tpu.memory_space<vmem>>[vector<16xi32>, vector<16xi32>], vector<16xf32>,
        %mul3A_955 = arith.mulf %gather3A_948, %gather3A_953 : vector<16xf32>
        %mul3A_956 = arith.mulf %mul3A_955, %gather3A_954 : vector<16xf32>
        %add3A_957 = arith.addf %add3A_877, %mul3A_956 : vector<16xf32>
        %add3A_958 = arith.constant 34 : i32
        %add3A_959 = vector.broadcast %add3A_958 : i32 to vector<16xi32>
        %add3A_960 = arith.addi %iota3A, %add3A_959 : vector<16xi32>
        %and3A_961 = arith.constant 63 : i32
        %and3A_962 = vector.broadcast %and3A_961 : i32 to vector<16xi32>
        %and3A_963 = arith.andi %add3A_960, %and3A_962 : vector<16xi32>
        %gather3A_964 = arith.constant 0 : i32
        %gather3A_965 = arith.constant 0 : i32
        %gather3A_966 = tpu.memref_slice %arg8[%scan3A_151, %gather3A_964, %gather3A_965] : memref<2x128x64xf32, #tpu.memory_space<vmem>> -> memref<1x128x64xf32, #tpu.memory_space<vmem>>
        %gather3A_967 = tpu.memref_squeeze %gather3A_966 : memref<1x128x64xf32, #tpu.memory_space<vmem>> -> memref<128x64xf32, #tpu.memory_space<vmem>>
        %gather3A_968 = tpu.vector_load_idx %gather3A_967[%add3A_263, %and3A_963] : memref<128x64xf32, #tpu.memory_space<vmem>>[vector<16xi32>, vector<16xi32>], vector<16xf32>,
        %gather3A_969 = arith.constant 0 : i32
        %gather3A_970 = arith.constant 0 : i32
        %gather3A_971 = tpu.memref_slice %arg9[%scan3A_152, %gather3A_969, %gather3A_970] : memref<2x128x64xf32, #tpu.memory_space<vmem>> -> memref<1x128x64xf32, #tpu.memory_space<vmem>>
        %gather3A_972 = tpu.memref_squeeze %gather3A_971 : memref<1x128x64xf32, #tpu.memory_space<vmem>> -> memref<128x64xf32, #tpu.memory_space<vmem>>
        %gather3A_973 = tpu.vector_load_idx %gather3A_972[%add3A_263, %and3A_963] : memref<128x64xf32, #tpu.memory_space<vmem>>[vector<16xi32>, vector<16xi32>], vector<16xf32>,
        %gather3A_974 = tpu.vector_load_idx %arg6[%get3A_272, %and3A_963] : memref<1000x64xf32, #tpu.memory_space<vmem>>[vector<16xi32>, vector<16xi32>], vector<16xf32>,
        %mul3A_975 = arith.mulf %gather3A_968, %gather3A_973 : vector<16xf32>
        %mul3A_976 = arith.mulf %mul3A_975, %gather3A_974 : vector<16xf32>
        %add3A_977 = arith.addf %add3A_897, %mul3A_976 : vector<16xf32>
        %add3A_978 = arith.constant 35 : i32
        %add3A_979 = vector.broadcast %add3A_978 : i32 to vector<16xi32>
        %add3A_980 = arith.addi %iota3A, %add3A_979 : vector<16xi32>
        %and3A_981 = arith.constant 63 : i32
        %and3A_982 = vector.broadcast %and3A_981 : i32 to vector<16xi32>
        %and3A_983 = arith.andi %add3A_980, %and3A_982 : vector<16xi32>
        %gather3A_984 = arith.constant 0 : i32
        %gather3A_985 = arith.constant 0 : i32
        %gather3A_986 = tpu.memref_slice %arg8[%scan3A_151, %gather3A_984, %gather3A_985] : memref<2x128x64xf32, #tpu.memory_space<vmem>> -> memref<1x128x64xf32, #tpu.memory_space<vmem>>
        %gather3A_987 = tpu.memref_squeeze %gather3A_986 : memref<1x128x64xf32, #tpu.memory_space<vmem>> -> memref<128x64xf32, #tpu.memory_space<vmem>>
        %gather3A_988 = tpu.vector_load_idx %gather3A_987[%add3A_263, %and3A_983] : memref<128x64xf32, #tpu.memory_space<vmem>>[vector<16xi32>, vector<16xi32>], vector<16xf32>,
        %gather3A_989 = arith.constant 0 : i32
        %gather3A_990 = arith.constant 0 : i32
        %gather3A_991 = tpu.memref_slice %arg9[%scan3A_152, %gather3A_989, %gather3A_990] : memref<2x128x64xf32, #tpu.memory_space<vmem>> -> memref<1x128x64xf32, #tpu.memory_space<vmem>>
        %gather3A_992 = tpu.memref_squeeze %gather3A_991 : memref<1x128x64xf32, #tpu.memory_space<vmem>> -> memref<128x64xf32, #tpu.memory_space<vmem>>
        %gather3A_993 = tpu.vector_load_idx %gather3A_992[%add3A_263, %and3A_983] : memref<128x64xf32, #tpu.memory_space<vmem>>[vector<16xi32>, vector<16xi32>], vector<16xf32>,
        %gather3A_994 = tpu.vector_load_idx %arg6[%get3A_272, %and3A_983] : memref<1000x64xf32, #tpu.memory_space<vmem>>[vector<16xi32>, vector<16xi32>], vector<16xf32>,
        %mul3A_995 = arith.mulf %gather3A_988, %gather3A_993 : vector<16xf32>
        %mul3A_996 = arith.mulf %mul3A_995, %gather3A_994 : vector<16xf32>
        %add3A_997 = arith.addf %add3A_917, %mul3A_996 : vector<16xf32>
        %add3A_998 = arith.constant 36 : i32
        %add3A_999 = vector.broadcast %add3A_998 : i32 to vector<16xi32>
        %add3A_1000 = arith.addi %iota3A, %add3A_999 : vector<16xi32>
        %and3A_1001 = arith.constant 63 : i32
        %and3A_1002 = vector.broadcast %and3A_1001 : i32 to vector<16xi32>
        %and3A_1003 = arith.andi %add3A_1000, %and3A_1002 : vector<16xi32>
        %gather3A_1004 = arith.constant 0 : i32
        %gather3A_1005 = arith.constant 0 : i32
        %gather3A_1006 = tpu.memref_slice %arg8[%scan3A_151, %gather3A_1004, %gather3A_1005] : memref<2x128x64xf32, #tpu.memory_space<vmem>> -> memref<1x128x64xf32, #tpu.memory_space<vmem>>
        %gather3A_1007 = tpu.memref_squeeze %gather3A_1006 : memref<1x128x64xf32, #tpu.memory_space<vmem>> -> memref<128x64xf32, #tpu.memory_space<vmem>>
        %gather3A_1008 = tpu.vector_load_idx %gather3A_1007[%add3A_263, %and3A_1003] : memref<128x64xf32, #tpu.memory_space<vmem>>[vector<16xi32>, vector<16xi32>], vector<16xf32>,
        %gather3A_1009 = arith.constant 0 : i32
        %gather3A_1010 = arith.constant 0 : i32
        %gather3A_1011 = tpu.memref_slice %arg9[%scan3A_152, %gather3A_1009, %gather3A_1010] : memref<2x128x64xf32, #tpu.memory_space<vmem>> -> memref<1x128x64xf32, #tpu.memory_space<vmem>>
        %gather3A_1012 = tpu.memref_squeeze %gather3A_1011 : memref<1x128x64xf32, #tpu.memory_space<vmem>> -> memref<128x64xf32, #tpu.memory_space<vmem>>
        %gather3A_1013 = tpu.vector_load_idx %gather3A_1012[%add3A_263, %and3A_1003] : memref<128x64xf32, #tpu.memory_space<vmem>>[vector<16xi32>, vector<16xi32>], vector<16xf32>,
        %gather3A_1014 = tpu.vector_load_idx %arg6[%get3A_272, %and3A_1003] : memref<1000x64xf32, #tpu.memory_space<vmem>>[vector<16xi32>, vector<16xi32>], vector<16xf32>,
        %mul3A_1015 = arith.mulf %gather3A_1008, %gather3A_1013 : vector<16xf32>
        %mul3A_1016 = arith.mulf %mul3A_1015, %gather3A_1014 : vector<16xf32>
        %add3A_1017 = arith.addf %add3A_937, %mul3A_1016 : vector<16xf32>
        %add3A_1018 = arith.constant 37 : i32
        %add3A_1019 = vector.broadcast %add3A_1018 : i32 to vector<16xi32>
        %add3A_1020 = arith.addi %iota3A, %add3A_1019 : vector<16xi32>
        %and3A_1021 = arith.constant 63 : i32
        %and3A_1022 = vector.broadcast %and3A_1021 : i32 to vector<16xi32>
        %and3A_1023 = arith.andi %add3A_1020, %and3A_1022 : vector<16xi32>
        %gather3A_1024 = arith.constant 0 : i32
        %gather3A_1025 = arith.constant 0 : i32
        %gather3A_1026 = tpu.memref_slice %arg8[%scan3A_151, %gather3A_1024, %gather3A_1025] : memref<2x128x64xf32, #tpu.memory_space<vmem>> -> memref<1x128x64xf32, #tpu.memory_space<vmem>>
        %gather3A_1027 = tpu.memref_squeeze %gather3A_1026 : memref<1x128x64xf32, #tpu.memory_space<vmem>> -> memref<128x64xf32, #tpu.memory_space<vmem>>
        %gather3A_1028 = tpu.vector_load_idx %gather3A_1027[%add3A_263, %and3A_1023] : memref<128x64xf32, #tpu.memory_space<vmem>>[vector<16xi32>, vector<16xi32>], vector<16xf32>,
        %gather3A_1029 = arith.constant 0 : i32
        %gather3A_1030 = arith.constant 0 : i32
        %gather3A_1031 = tpu.memref_slice %arg9[%scan3A_152, %gather3A_1029, %gather3A_1030] : memref<2x128x64xf32, #tpu.memory_space<vmem>> -> memref<1x128x64xf32, #tpu.memory_space<vmem>>
        %gather3A_1032 = tpu.memref_squeeze %gather3A_1031 : memref<1x128x64xf32, #tpu.memory_space<vmem>> -> memref<128x64xf32, #tpu.memory_space<vmem>>
        %gather3A_1033 = tpu.vector_load_idx %gather3A_1032[%add3A_263, %and3A_1023] : memref<128x64xf32, #tpu.memory_space<vmem>>[vector<16xi32>, vector<16xi32>], vector<16xf32>,
        %gather3A_1034 = tpu.vector_load_idx %arg6[%get3A_272, %and3A_1023] : memref<1000x64xf32, #tpu.memory_space<vmem>>[vector<16xi32>, vector<16xi32>], vector<16xf32>,
        %mul3A_1035 = arith.mulf %gather3A_1028, %gather3A_1033 : vector<16xf32>
        %mul3A_1036 = arith.mulf %mul3A_1035, %gather3A_1034 : vector<16xf32>
        %add3A_1037 = arith.addf %add3A_957, %mul3A_1036 : vector<16xf32>
        %add3A_1038 = arith.constant 38 : i32
        %add3A_1039 = vector.broadcast %add3A_1038 : i32 to vector<16xi32>
        %add3A_1040 = arith.addi %iota3A, %add3A_1039 : vector<16xi32>
        %and3A_1041 = arith.constant 63 : i32
        %and3A_1042 = vector.broadcast %and3A_1041 : i32 to vector<16xi32>
        %and3A_1043 = arith.andi %add3A_1040, %and3A_1042 : vector<16xi32>
        %gather3A_1044 = arith.constant 0 : i32
        %gather3A_1045 = arith.constant 0 : i32
        %gather3A_1046 = tpu.memref_slice %arg8[%scan3A_151, %gather3A_1044, %gather3A_1045] : memref<2x128x64xf32, #tpu.memory_space<vmem>> -> memref<1x128x64xf32, #tpu.memory_space<vmem>>
        %gather3A_1047 = tpu.memref_squeeze %gather3A_1046 : memref<1x128x64xf32, #tpu.memory_space<vmem>> -> memref<128x64xf32, #tpu.memory_space<vmem>>
        %gather3A_1048 = tpu.vector_load_idx %gather3A_1047[%add3A_263, %and3A_1043] : memref<128x64xf32, #tpu.memory_space<vmem>>[vector<16xi32>, vector<16xi32>], vector<16xf32>,
        %gather3A_1049 = arith.constant 0 : i32
        %gather3A_1050 = arith.constant 0 : i32
        %gather3A_1051 = tpu.memref_slice %arg9[%scan3A_152, %gather3A_1049, %gather3A_1050] : memref<2x128x64xf32, #tpu.memory_space<vmem>> -> memref<1x128x64xf32, #tpu.memory_space<vmem>>
        %gather3A_1052 = tpu.memref_squeeze %gather3A_1051 : memref<1x128x64xf32, #tpu.memory_space<vmem>> -> memref<128x64xf32, #tpu.memory_space<vmem>>
        %gather3A_1053 = tpu.vector_load_idx %gather3A_1052[%add3A_263, %and3A_1043] : memref<128x64xf32, #tpu.memory_space<vmem>>[vector<16xi32>, vector<16xi32>], vector<16xf32>,
        %gather3A_1054 = tpu.vector_load_idx %arg6[%get3A_272, %and3A_1043] : memref<1000x64xf32, #tpu.memory_space<vmem>>[vector<16xi32>, vector<16xi32>], vector<16xf32>,
        %mul3A_1055 = arith.mulf %gather3A_1048, %gather3A_1053 : vector<16xf32>
        %mul3A_1056 = arith.mulf %mul3A_1055, %gather3A_1054 : vector<16xf32>
        %add3A_1057 = arith.addf %add3A_977, %mul3A_1056 : vector<16xf32>
        %add3A_1058 = arith.constant 39 : i32
        %add3A_1059 = vector.broadcast %add3A_1058 : i32 to vector<16xi32>
        %add3A_1060 = arith.addi %iota3A, %add3A_1059 : vector<16xi32>
        %and3A_1061 = arith.constant 63 : i32
        %and3A_1062 = vector.broadcast %and3A_1061 : i32 to vector<16xi32>
        %and3A_1063 = arith.andi %add3A_1060, %and3A_1062 : vector<16xi32>
        %gather3A_1064 = arith.constant 0 : i32
        %gather3A_1065 = arith.constant 0 : i32
        %gather3A_1066 = tpu.memref_slice %arg8[%scan3A_151, %gather3A_1064, %gather3A_1065] : memref<2x128x64xf32, #tpu.memory_space<vmem>> -> memref<1x128x64xf32, #tpu.memory_space<vmem>>
        %gather3A_1067 = tpu.memref_squeeze %gather3A_1066 : memref<1x128x64xf32, #tpu.memory_space<vmem>> -> memref<128x64xf32, #tpu.memory_space<vmem>>
        %gather3A_1068 = tpu.vector_load_idx %gather3A_1067[%add3A_263, %and3A_1063] : memref<128x64xf32, #tpu.memory_space<vmem>>[vector<16xi32>, vector<16xi32>], vector<16xf32>,
        %gather3A_1069 = arith.constant 0 : i32
        %gather3A_1070 = arith.constant 0 : i32
        %gather3A_1071 = tpu.memref_slice %arg9[%scan3A_152, %gather3A_1069, %gather3A_1070] : memref<2x128x64xf32, #tpu.memory_space<vmem>> -> memref<1x128x64xf32, #tpu.memory_space<vmem>>
        %gather3A_1072 = tpu.memref_squeeze %gather3A_1071 : memref<1x128x64xf32, #tpu.memory_space<vmem>> -> memref<128x64xf32, #tpu.memory_space<vmem>>
        %gather3A_1073 = tpu.vector_load_idx %gather3A_1072[%add3A_263, %and3A_1063] : memref<128x64xf32, #tpu.memory_space<vmem>>[vector<16xi32>, vector<16xi32>], vector<16xf32>,
        %gather3A_1074 = tpu.vector_load_idx %arg6[%get3A_272, %and3A_1063] : memref<1000x64xf32, #tpu.memory_space<vmem>>[vector<16xi32>, vector<16xi32>], vector<16xf32>,
        %mul3A_1075 = arith.mulf %gather3A_1068, %gather3A_1073 : vector<16xf32>
        %mul3A_1076 = arith.mulf %mul3A_1075, %gather3A_1074 : vector<16xf32>
        %add3A_1077 = arith.addf %add3A_997, %mul3A_1076 : vector<16xf32>
        %add3A_1078 = arith.constant 40 : i32
        %add3A_1079 = vector.broadcast %add3A_1078 : i32 to vector<16xi32>
        %add3A_1080 = arith.addi %iota3A, %add3A_1079 : vector<16xi32>
        %and3A_1081 = arith.constant 63 : i32
        %and3A_1082 = vector.broadcast %and3A_1081 : i32 to vector<16xi32>
        %and3A_1083 = arith.andi %add3A_1080, %and3A_1082 : vector<16xi32>
        %gather3A_1084 = arith.constant 0 : i32
        %gather3A_1085 = arith.constant 0 : i32
        %gather3A_1086 = tpu.memref_slice %arg8[%scan3A_151, %gather3A_1084, %gather3A_1085] : memref<2x128x64xf32, #tpu.memory_space<vmem>> -> memref<1x128x64xf32, #tpu.memory_space<vmem>>
        %gather3A_1087 = tpu.memref_squeeze %gather3A_1086 : memref<1x128x64xf32, #tpu.memory_space<vmem>> -> memref<128x64xf32, #tpu.memory_space<vmem>>
        %gather3A_1088 = tpu.vector_load_idx %gather3A_1087[%add3A_263, %and3A_1083] : memref<128x64xf32, #tpu.memory_space<vmem>>[vector<16xi32>, vector<16xi32>], vector<16xf32>,
        %gather3A_1089 = arith.constant 0 : i32
        %gather3A_1090 = arith.constant 0 : i32
        %gather3A_1091 = tpu.memref_slice %arg9[%scan3A_152, %gather3A_1089, %gather3A_1090] : memref<2x128x64xf32, #tpu.memory_space<vmem>> -> memref<1x128x64xf32, #tpu.memory_space<vmem>>
        %gather3A_1092 = tpu.memref_squeeze %gather3A_1091 : memref<1x128x64xf32, #tpu.memory_space<vmem>> -> memref<128x64xf32, #tpu.memory_space<vmem>>
        %gather3A_1093 = tpu.vector_load_idx %gather3A_1092[%add3A_263, %and3A_1083] : memref<128x64xf32, #tpu.memory_space<vmem>>[vector<16xi32>, vector<16xi32>], vector<16xf32>,
        %gather3A_1094 = tpu.vector_load_idx %arg6[%get3A_272, %and3A_1083] : memref<1000x64xf32, #tpu.memory_space<vmem>>[vector<16xi32>, vector<16xi32>], vector<16xf32>,
        %mul3A_1095 = arith.mulf %gather3A_1088, %gather3A_1093 : vector<16xf32>
        %mul3A_1096 = arith.mulf %mul3A_1095, %gather3A_1094 : vector<16xf32>
        %add3A_1097 = arith.addf %add3A_1017, %mul3A_1096 : vector<16xf32>
        %add3A_1098 = arith.constant 41 : i32
        %add3A_1099 = vector.broadcast %add3A_1098 : i32 to vector<16xi32>
        %add3A_1100 = arith.addi %iota3A, %add3A_1099 : vector<16xi32>
        %and3A_1101 = arith.constant 63 : i32
        %and3A_1102 = vector.broadcast %and3A_1101 : i32 to vector<16xi32>
        %and3A_1103 = arith.andi %add3A_1100, %and3A_1102 : vector<16xi32>
        %gather3A_1104 = arith.constant 0 : i32
        %gather3A_1105 = arith.constant 0 : i32
        %gather3A_1106 = tpu.memref_slice %arg8[%scan3A_151, %gather3A_1104, %gather3A_1105] : memref<2x128x64xf32, #tpu.memory_space<vmem>> -> memref<1x128x64xf32, #tpu.memory_space<vmem>>
        %gather3A_1107 = tpu.memref_squeeze %gather3A_1106 : memref<1x128x64xf32, #tpu.memory_space<vmem>> -> memref<128x64xf32, #tpu.memory_space<vmem>>
        %gather3A_1108 = tpu.vector_load_idx %gather3A_1107[%add3A_263, %and3A_1103] : memref<128x64xf32, #tpu.memory_space<vmem>>[vector<16xi32>, vector<16xi32>], vector<16xf32>,
        %gather3A_1109 = arith.constant 0 : i32
        %gather3A_1110 = arith.constant 0 : i32
        %gather3A_1111 = tpu.memref_slice %arg9[%scan3A_152, %gather3A_1109, %gather3A_1110] : memref<2x128x64xf32, #tpu.memory_space<vmem>> -> memref<1x128x64xf32, #tpu.memory_space<vmem>>
        %gather3A_1112 = tpu.memref_squeeze %gather3A_1111 : memref<1x128x64xf32, #tpu.memory_space<vmem>> -> memref<128x64xf32, #tpu.memory_space<vmem>>
        %gather3A_1113 = tpu.vector_load_idx %gather3A_1112[%add3A_263, %and3A_1103] : memref<128x64xf32, #tpu.memory_space<vmem>>[vector<16xi32>, vector<16xi32>], vector<16xf32>,
        %gather3A_1114 = tpu.vector_load_idx %arg6[%get3A_272, %and3A_1103] : memref<1000x64xf32, #tpu.memory_space<vmem>>[vector<16xi32>, vector<16xi32>], vector<16xf32>,
        %mul3A_1115 = arith.mulf %gather3A_1108, %gather3A_1113 : vector<16xf32>
        %mul3A_1116 = arith.mulf %mul3A_1115, %gather3A_1114 : vector<16xf32>
        %add3A_1117 = arith.addf %add3A_1037, %mul3A_1116 : vector<16xf32>
        %add3A_1118 = arith.constant 42 : i32
        %add3A_1119 = vector.broadcast %add3A_1118 : i32 to vector<16xi32>
        %add3A_1120 = arith.addi %iota3A, %add3A_1119 : vector<16xi32>
        %and3A_1121 = arith.constant 63 : i32
        %and3A_1122 = vector.broadcast %and3A_1121 : i32 to vector<16xi32>
        %and3A_1123 = arith.andi %add3A_1120, %and3A_1122 : vector<16xi32>
        %gather3A_1124 = arith.constant 0 : i32
        %gather3A_1125 = arith.constant 0 : i32
        %gather3A_1126 = tpu.memref_slice %arg8[%scan3A_151, %gather3A_1124, %gather3A_1125] : memref<2x128x64xf32, #tpu.memory_space<vmem>> -> memref<1x128x64xf32, #tpu.memory_space<vmem>>
        %gather3A_1127 = tpu.memref_squeeze %gather3A_1126 : memref<1x128x64xf32, #tpu.memory_space<vmem>> -> memref<128x64xf32, #tpu.memory_space<vmem>>
        %gather3A_1128 = tpu.vector_load_idx %gather3A_1127[%add3A_263, %and3A_1123] : memref<128x64xf32, #tpu.memory_space<vmem>>[vector<16xi32>, vector<16xi32>], vector<16xf32>,
        %gather3A_1129 = arith.constant 0 : i32
        %gather3A_1130 = arith.constant 0 : i32
        %gather3A_1131 = tpu.memref_slice %arg9[%scan3A_152, %gather3A_1129, %gather3A_1130] : memref<2x128x64xf32, #tpu.memory_space<vmem>> -> memref<1x128x64xf32, #tpu.memory_space<vmem>>
        %gather3A_1132 = tpu.memref_squeeze %gather3A_1131 : memref<1x128x64xf32, #tpu.memory_space<vmem>> -> memref<128x64xf32, #tpu.memory_space<vmem>>
        %gather3A_1133 = tpu.vector_load_idx %gather3A_1132[%add3A_263, %and3A_1123] : memref<128x64xf32, #tpu.memory_space<vmem>>[vector<16xi32>, vector<16xi32>], vector<16xf32>,
        %gather3A_1134 = tpu.vector_load_idx %arg6[%get3A_272, %and3A_1123] : memref<1000x64xf32, #tpu.memory_space<vmem>>[vector<16xi32>, vector<16xi32>], vector<16xf32>,
        %mul3A_1135 = arith.mulf %gather3A_1128, %gather3A_1133 : vector<16xf32>
        %mul3A_1136 = arith.mulf %mul3A_1135, %gather3A_1134 : vector<16xf32>
        %add3A_1137 = arith.addf %add3A_1057, %mul3A_1136 : vector<16xf32>
        %add3A_1138 = arith.constant 43 : i32
        %add3A_1139 = vector.broadcast %add3A_1138 : i32 to vector<16xi32>
        %add3A_1140 = arith.addi %iota3A, %add3A_1139 : vector<16xi32>
        %and3A_1141 = arith.constant 63 : i32
        %and3A_1142 = vector.broadcast %and3A_1141 : i32 to vector<16xi32>
        %and3A_1143 = arith.andi %add3A_1140, %and3A_1142 : vector<16xi32>
        %gather3A_1144 = arith.constant 0 : i32
        %gather3A_1145 = arith.constant 0 : i32
        %gather3A_1146 = tpu.memref_slice %arg8[%scan3A_151, %gather3A_1144, %gather3A_1145] : memref<2x128x64xf32, #tpu.memory_space<vmem>> -> memref<1x128x64xf32, #tpu.memory_space<vmem>>
        %gather3A_1147 = tpu.memref_squeeze %gather3A_1146 : memref<1x128x64xf32, #tpu.memory_space<vmem>> -> memref<128x64xf32, #tpu.memory_space<vmem>>
        %gather3A_1148 = tpu.vector_load_idx %gather3A_1147[%add3A_263, %and3A_1143] : memref<128x64xf32, #tpu.memory_space<vmem>>[vector<16xi32>, vector<16xi32>], vector<16xf32>,
        %gather3A_1149 = arith.constant 0 : i32
        %gather3A_1150 = arith.constant 0 : i32
        %gather3A_1151 = tpu.memref_slice %arg9[%scan3A_152, %gather3A_1149, %gather3A_1150] : memref<2x128x64xf32, #tpu.memory_space<vmem>> -> memref<1x128x64xf32, #tpu.memory_space<vmem>>
        %gather3A_1152 = tpu.memref_squeeze %gather3A_1151 : memref<1x128x64xf32, #tpu.memory_space<vmem>> -> memref<128x64xf32, #tpu.memory_space<vmem>>
        %gather3A_1153 = tpu.vector_load_idx %gather3A_1152[%add3A_263, %and3A_1143] : memref<128x64xf32, #tpu.memory_space<vmem>>[vector<16xi32>, vector<16xi32>], vector<16xf32>,
        %gather3A_1154 = tpu.vector_load_idx %arg6[%get3A_272, %and3A_1143] : memref<1000x64xf32, #tpu.memory_space<vmem>>[vector<16xi32>, vector<16xi32>], vector<16xf32>,
        %mul3A_1155 = arith.mulf %gather3A_1148, %gather3A_1153 : vector<16xf32>
        %mul3A_1156 = arith.mulf %mul3A_1155, %gather3A_1154 : vector<16xf32>
        %add3A_1157 = arith.addf %add3A_1077, %mul3A_1156 : vector<16xf32>
        %add3A_1158 = arith.constant 44 : i32
        %add3A_1159 = vector.broadcast %add3A_1158 : i32 to vector<16xi32>
        %add3A_1160 = arith.addi %iota3A, %add3A_1159 : vector<16xi32>
        %and3A_1161 = arith.constant 63 : i32
        %and3A_1162 = vector.broadcast %and3A_1161 : i32 to vector<16xi32>
        %and3A_1163 = arith.andi %add3A_1160, %and3A_1162 : vector<16xi32>
        %gather3A_1164 = arith.constant 0 : i32
        %gather3A_1165 = arith.constant 0 : i32
        %gather3A_1166 = tpu.memref_slice %arg8[%scan3A_151, %gather3A_1164, %gather3A_1165] : memref<2x128x64xf32, #tpu.memory_space<vmem>> -> memref<1x128x64xf32, #tpu.memory_space<vmem>>
        %gather3A_1167 = tpu.memref_squeeze %gather3A_1166 : memref<1x128x64xf32, #tpu.memory_space<vmem>> -> memref<128x64xf32, #tpu.memory_space<vmem>>
        %gather3A_1168 = tpu.vector_load_idx %gather3A_1167[%add3A_263, %and3A_1163] : memref<128x64xf32, #tpu.memory_space<vmem>>[vector<16xi32>, vector<16xi32>], vector<16xf32>,
        %gather3A_1169 = arith.constant 0 : i32
        %gather3A_1170 = arith.constant 0 : i32
        %gather3A_1171 = tpu.memref_slice %arg9[%scan3A_152, %gather3A_1169, %gather3A_1170] : memref<2x128x64xf32, #tpu.memory_space<vmem>> -> memref<1x128x64xf32, #tpu.memory_space<vmem>>
        %gather3A_1172 = tpu.memref_squeeze %gather3A_1171 : memref<1x128x64xf32, #tpu.memory_space<vmem>> -> memref<128x64xf32, #tpu.memory_space<vmem>>
        %gather3A_1173 = tpu.vector_load_idx %gather3A_1172[%add3A_263, %and3A_1163] : memref<128x64xf32, #tpu.memory_space<vmem>>[vector<16xi32>, vector<16xi32>], vector<16xf32>,
        %gather3A_1174 = tpu.vector_load_idx %arg6[%get3A_272, %and3A_1163] : memref<1000x64xf32, #tpu.memory_space<vmem>>[vector<16xi32>, vector<16xi32>], vector<16xf32>,
        %mul3A_1175 = arith.mulf %gather3A_1168, %gather3A_1173 : vector<16xf32>
        %mul3A_1176 = arith.mulf %mul3A_1175, %gather3A_1174 : vector<16xf32>
        %add3A_1177 = arith.addf %add3A_1097, %mul3A_1176 : vector<16xf32>
        %add3A_1178 = arith.constant 45 : i32
        %add3A_1179 = vector.broadcast %add3A_1178 : i32 to vector<16xi32>
        %add3A_1180 = arith.addi %iota3A, %add3A_1179 : vector<16xi32>
        %and3A_1181 = arith.constant 63 : i32
        %and3A_1182 = vector.broadcast %and3A_1181 : i32 to vector<16xi32>
        %and3A_1183 = arith.andi %add3A_1180, %and3A_1182 : vector<16xi32>
        %gather3A_1184 = arith.constant 0 : i32
        %gather3A_1185 = arith.constant 0 : i32
        %gather3A_1186 = tpu.memref_slice %arg8[%scan3A_151, %gather3A_1184, %gather3A_1185] : memref<2x128x64xf32, #tpu.memory_space<vmem>> -> memref<1x128x64xf32, #tpu.memory_space<vmem>>
        %gather3A_1187 = tpu.memref_squeeze %gather3A_1186 : memref<1x128x64xf32, #tpu.memory_space<vmem>> -> memref<128x64xf32, #tpu.memory_space<vmem>>
        %gather3A_1188 = tpu.vector_load_idx %gather3A_1187[%add3A_263, %and3A_1183] : memref<128x64xf32, #tpu.memory_space<vmem>>[vector<16xi32>, vector<16xi32>], vector<16xf32>,
        %gather3A_1189 = arith.constant 0 : i32
        %gather3A_1190 = arith.constant 0 : i32
        %gather3A_1191 = tpu.memref_slice %arg9[%scan3A_152, %gather3A_1189, %gather3A_1190] : memref<2x128x64xf32, #tpu.memory_space<vmem>> -> memref<1x128x64xf32, #tpu.memory_space<vmem>>
        %gather3A_1192 = tpu.memref_squeeze %gather3A_1191 : memref<1x128x64xf32, #tpu.memory_space<vmem>> -> memref<128x64xf32, #tpu.memory_space<vmem>>
        %gather3A_1193 = tpu.vector_load_idx %gather3A_1192[%add3A_263, %and3A_1183] : memref<128x64xf32, #tpu.memory_space<vmem>>[vector<16xi32>, vector<16xi32>], vector<16xf32>,
        %gather3A_1194 = tpu.vector_load_idx %arg6[%get3A_272, %and3A_1183] : memref<1000x64xf32, #tpu.memory_space<vmem>>[vector<16xi32>, vector<16xi32>], vector<16xf32>,
        %mul3A_1195 = arith.mulf %gather3A_1188, %gather3A_1193 : vector<16xf32>
        %mul3A_1196 = arith.mulf %mul3A_1195, %gather3A_1194 : vector<16xf32>
        %add3A_1197 = arith.addf %add3A_1117, %mul3A_1196 : vector<16xf32>
        %add3A_1198 = arith.constant 46 : i32
        %add3A_1199 = vector.broadcast %add3A_1198 : i32 to vector<16xi32>
        %add3A_1200 = arith.addi %iota3A, %add3A_1199 : vector<16xi32>
        %and3A_1201 = arith.constant 63 : i32
        %and3A_1202 = vector.broadcast %and3A_1201 : i32 to vector<16xi32>
        %and3A_1203 = arith.andi %add3A_1200, %and3A_1202 : vector<16xi32>
        %gather3A_1204 = arith.constant 0 : i32
        %gather3A_1205 = arith.constant 0 : i32
        %gather3A_1206 = tpu.memref_slice %arg8[%scan3A_151, %gather3A_1204, %gather3A_1205] : memref<2x128x64xf32, #tpu.memory_space<vmem>> -> memref<1x128x64xf32, #tpu.memory_space<vmem>>
        %gather3A_1207 = tpu.memref_squeeze %gather3A_1206 : memref<1x128x64xf32, #tpu.memory_space<vmem>> -> memref<128x64xf32, #tpu.memory_space<vmem>>
        %gather3A_1208 = tpu.vector_load_idx %gather3A_1207[%add3A_263, %and3A_1203] : memref<128x64xf32, #tpu.memory_space<vmem>>[vector<16xi32>, vector<16xi32>], vector<16xf32>,
        %gather3A_1209 = arith.constant 0 : i32
        %gather3A_1210 = arith.constant 0 : i32
        %gather3A_1211 = tpu.memref_slice %arg9[%scan3A_152, %gather3A_1209, %gather3A_1210] : memref<2x128x64xf32, #tpu.memory_space<vmem>> -> memref<1x128x64xf32, #tpu.memory_space<vmem>>
        %gather3A_1212 = tpu.memref_squeeze %gather3A_1211 : memref<1x128x64xf32, #tpu.memory_space<vmem>> -> memref<128x64xf32, #tpu.memory_space<vmem>>
        %gather3A_1213 = tpu.vector_load_idx %gather3A_1212[%add3A_263, %and3A_1203] : memref<128x64xf32, #tpu.memory_space<vmem>>[vector<16xi32>, vector<16xi32>], vector<16xf32>,
        %gather3A_1214 = tpu.vector_load_idx %arg6[%get3A_272, %and3A_1203] : memref<1000x64xf32, #tpu.memory_space<vmem>>[vector<16xi32>, vector<16xi32>], vector<16xf32>,
        %mul3A_1215 = arith.mulf %gather3A_1208, %gather3A_1213 : vector<16xf32>
        %mul3A_1216 = arith.mulf %mul3A_1215, %gather3A_1214 : vector<16xf32>
        %add3A_1217 = arith.addf %add3A_1137, %mul3A_1216 : vector<16xf32>
        %add3A_1218 = arith.constant 47 : i32
        %add3A_1219 = vector.broadcast %add3A_1218 : i32 to vector<16xi32>
        %add3A_1220 = arith.addi %iota3A, %add3A_1219 : vector<16xi32>
        %and3A_1221 = arith.constant 63 : i32
        %and3A_1222 = vector.broadcast %and3A_1221 : i32 to vector<16xi32>
        %and3A_1223 = arith.andi %add3A_1220, %and3A_1222 : vector<16xi32>
        %gather3A_1224 = arith.constant 0 : i32
        %gather3A_1225 = arith.constant 0 : i32
        %gather3A_1226 = tpu.memref_slice %arg8[%scan3A_151, %gather3A_1224, %gather3A_1225] : memref<2x128x64xf32, #tpu.memory_space<vmem>> -> memref<1x128x64xf32, #tpu.memory_space<vmem>>
        %gather3A_1227 = tpu.memref_squeeze %gather3A_1226 : memref<1x128x64xf32, #tpu.memory_space<vmem>> -> memref<128x64xf32, #tpu.memory_space<vmem>>
        %gather3A_1228 = tpu.vector_load_idx %gather3A_1227[%add3A_263, %and3A_1223] : memref<128x64xf32, #tpu.memory_space<vmem>>[vector<16xi32>, vector<16xi32>], vector<16xf32>,
        %gather3A_1229 = arith.constant 0 : i32
        %gather3A_1230 = arith.constant 0 : i32
        %gather3A_1231 = tpu.memref_slice %arg9[%scan3A_152, %gather3A_1229, %gather3A_1230] : memref<2x128x64xf32, #tpu.memory_space<vmem>> -> memref<1x128x64xf32, #tpu.memory_space<vmem>>
        %gather3A_1232 = tpu.memref_squeeze %gather3A_1231 : memref<1x128x64xf32, #tpu.memory_space<vmem>> -> memref<128x64xf32, #tpu.memory_space<vmem>>
        %gather3A_1233 = tpu.vector_load_idx %gather3A_1232[%add3A_263, %and3A_1223] : memref<128x64xf32, #tpu.memory_space<vmem>>[vector<16xi32>, vector<16xi32>], vector<16xf32>,
        %gather3A_1234 = tpu.vector_load_idx %arg6[%get3A_272, %and3A_1223] : memref<1000x64xf32, #tpu.memory_space<vmem>>[vector<16xi32>, vector<16xi32>], vector<16xf32>,
        %mul3A_1235 = arith.mulf %gather3A_1228, %gather3A_1233 : vector<16xf32>
        %mul3A_1236 = arith.mulf %mul3A_1235, %gather3A_1234 : vector<16xf32>
        %add3A_1237 = arith.addf %add3A_1157, %mul3A_1236 : vector<16xf32>
        %add3A_1238 = arith.constant 48 : i32
        %add3A_1239 = vector.broadcast %add3A_1238 : i32 to vector<16xi32>
        %add3A_1240 = arith.addi %iota3A, %add3A_1239 : vector<16xi32>
        %and3A_1241 = arith.constant 63 : i32
        %and3A_1242 = vector.broadcast %and3A_1241 : i32 to vector<16xi32>
        %and3A_1243 = arith.andi %add3A_1240, %and3A_1242 : vector<16xi32>
        %gather3A_1244 = arith.constant 0 : i32
        %gather3A_1245 = arith.constant 0 : i32
        %gather3A_1246 = tpu.memref_slice %arg8[%scan3A_151, %gather3A_1244, %gather3A_1245] : memref<2x128x64xf32, #tpu.memory_space<vmem>> -> memref<1x128x64xf32, #tpu.memory_space<vmem>>
        %gather3A_1247 = tpu.memref_squeeze %gather3A_1246 : memref<1x128x64xf32, #tpu.memory_space<vmem>> -> memref<128x64xf32, #tpu.memory_space<vmem>>
        %gather3A_1248 = tpu.vector_load_idx %gather3A_1247[%add3A_263, %and3A_1243] : memref<128x64xf32, #tpu.memory_space<vmem>>[vector<16xi32>, vector<16xi32>], vector<16xf32>,
        %gather3A_1249 = arith.constant 0 : i32
        %gather3A_1250 = arith.constant 0 : i32
        %gather3A_1251 = tpu.memref_slice %arg9[%scan3A_152, %gather3A_1249, %gather3A_1250] : memref<2x128x64xf32, #tpu.memory_space<vmem>> -> memref<1x128x64xf32, #tpu.memory_space<vmem>>
        %gather3A_1252 = tpu.memref_squeeze %gather3A_1251 : memref<1x128x64xf32, #tpu.memory_space<vmem>> -> memref<128x64xf32, #tpu.memory_space<vmem>>
        %gather3A_1253 = tpu.vector_load_idx %gather3A_1252[%add3A_263, %and3A_1243] : memref<128x64xf32, #tpu.memory_space<vmem>>[vector<16xi32>, vector<16xi32>], vector<16xf32>,
        %gather3A_1254 = tpu.vector_load_idx %arg6[%get3A_272, %and3A_1243] : memref<1000x64xf32, #tpu.memory_space<vmem>>[vector<16xi32>, vector<16xi32>], vector<16xf32>,
        %mul3A_1255 = arith.mulf %gather3A_1248, %gather3A_1253 : vector<16xf32>
        %mul3A_1256 = arith.mulf %mul3A_1255, %gather3A_1254 : vector<16xf32>
        %add3A_1257 = arith.addf %add3A_1177, %mul3A_1256 : vector<16xf32>
        %add3A_1258 = arith.constant 49 : i32
        %add3A_1259 = vector.broadcast %add3A_1258 : i32 to vector<16xi32>
        %add3A_1260 = arith.addi %iota3A, %add3A_1259 : vector<16xi32>
        %and3A_1261 = arith.constant 63 : i32
        %and3A_1262 = vector.broadcast %and3A_1261 : i32 to vector<16xi32>
        %and3A_1263 = arith.andi %add3A_1260, %and3A_1262 : vector<16xi32>
        %gather3A_1264 = arith.constant 0 : i32
        %gather3A_1265 = arith.constant 0 : i32
        %gather3A_1266 = tpu.memref_slice %arg8[%scan3A_151, %gather3A_1264, %gather3A_1265] : memref<2x128x64xf32, #tpu.memory_space<vmem>> -> memref<1x128x64xf32, #tpu.memory_space<vmem>>
        %gather3A_1267 = tpu.memref_squeeze %gather3A_1266 : memref<1x128x64xf32, #tpu.memory_space<vmem>> -> memref<128x64xf32, #tpu.memory_space<vmem>>
        %gather3A_1268 = tpu.vector_load_idx %gather3A_1267[%add3A_263, %and3A_1263] : memref<128x64xf32, #tpu.memory_space<vmem>>[vector<16xi32>, vector<16xi32>], vector<16xf32>,
        %gather3A_1269 = arith.constant 0 : i32
        %gather3A_1270 = arith.constant 0 : i32
        %gather3A_1271 = tpu.memref_slice %arg9[%scan3A_152, %gather3A_1269, %gather3A_1270] : memref<2x128x64xf32, #tpu.memory_space<vmem>> -> memref<1x128x64xf32, #tpu.memory_space<vmem>>
        %gather3A_1272 = tpu.memref_squeeze %gather3A_1271 : memref<1x128x64xf32, #tpu.memory_space<vmem>> -> memref<128x64xf32, #tpu.memory_space<vmem>>
        %gather3A_1273 = tpu.vector_load_idx %gather3A_1272[%add3A_263, %and3A_1263] : memref<128x64xf32, #tpu.memory_space<vmem>>[vector<16xi32>, vector<16xi32>], vector<16xf32>,
        %gather3A_1274 = tpu.vector_load_idx %arg6[%get3A_272, %and3A_1263] : memref<1000x64xf32, #tpu.memory_space<vmem>>[vector<16xi32>, vector<16xi32>], vector<16xf32>,
        %mul3A_1275 = arith.mulf %gather3A_1268, %gather3A_1273 : vector<16xf32>
        %mul3A_1276 = arith.mulf %mul3A_1275, %gather3A_1274 : vector<16xf32>
        %add3A_1277 = arith.addf %add3A_1197, %mul3A_1276 : vector<16xf32>
        %add3A_1278 = arith.constant 50 : i32
        %add3A_1279 = vector.broadcast %add3A_1278 : i32 to vector<16xi32>
        %add3A_1280 = arith.addi %iota3A, %add3A_1279 : vector<16xi32>
        %and3A_1281 = arith.constant 63 : i32
        %and3A_1282 = vector.broadcast %and3A_1281 : i32 to vector<16xi32>
        %and3A_1283 = arith.andi %add3A_1280, %and3A_1282 : vector<16xi32>
        %gather3A_1284 = arith.constant 0 : i32
        %gather3A_1285 = arith.constant 0 : i32
        %gather3A_1286 = tpu.memref_slice %arg8[%scan3A_151, %gather3A_1284, %gather3A_1285] : memref<2x128x64xf32, #tpu.memory_space<vmem>> -> memref<1x128x64xf32, #tpu.memory_space<vmem>>
        %gather3A_1287 = tpu.memref_squeeze %gather3A_1286 : memref<1x128x64xf32, #tpu.memory_space<vmem>> -> memref<128x64xf32, #tpu.memory_space<vmem>>
        %gather3A_1288 = tpu.vector_load_idx %gather3A_1287[%add3A_263, %and3A_1283] : memref<128x64xf32, #tpu.memory_space<vmem>>[vector<16xi32>, vector<16xi32>], vector<16xf32>,
        %gather3A_1289 = arith.constant 0 : i32
        %gather3A_1290 = arith.constant 0 : i32
        %gather3A_1291 = tpu.memref_slice %arg9[%scan3A_152, %gather3A_1289, %gather3A_1290] : memref<2x128x64xf32, #tpu.memory_space<vmem>> -> memref<1x128x64xf32, #tpu.memory_space<vmem>>
        %gather3A_1292 = tpu.memref_squeeze %gather3A_1291 : memref<1x128x64xf32, #tpu.memory_space<vmem>> -> memref<128x64xf32, #tpu.memory_space<vmem>>
        %gather3A_1293 = tpu.vector_load_idx %gather3A_1292[%add3A_263, %and3A_1283] : memref<128x64xf32, #tpu.memory_space<vmem>>[vector<16xi32>, vector<16xi32>], vector<16xf32>,
        %gather3A_1294 = tpu.vector_load_idx %arg6[%get3A_272, %and3A_1283] : memref<1000x64xf32, #tpu.memory_space<vmem>>[vector<16xi32>, vector<16xi32>], vector<16xf32>,
        %mul3A_1295 = arith.mulf %gather3A_1288, %gather3A_1293 : vector<16xf32>
        %mul3A_1296 = arith.mulf %mul3A_1295, %gather3A_1294 : vector<16xf32>
        %add3A_1297 = arith.addf %add3A_1217, %mul3A_1296 : vector<16xf32>
        %add3A_1298 = arith.constant 51 : i32
        %add3A_1299 = vector.broadcast %add3A_1298 : i32 to vector<16xi32>
        %add3A_1300 = arith.addi %iota3A, %add3A_1299 : vector<16xi32>
        %and3A_1301 = arith.constant 63 : i32
        %and3A_1302 = vector.broadcast %and3A_1301 : i32 to vector<16xi32>
        %and3A_1303 = arith.andi %add3A_1300, %and3A_1302 : vector<16xi32>
        %gather3A_1304 = arith.constant 0 : i32
        %gather3A_1305 = arith.constant 0 : i32
        %gather3A_1306 = tpu.memref_slice %arg8[%scan3A_151, %gather3A_1304, %gather3A_1305] : memref<2x128x64xf32, #tpu.memory_space<vmem>> -> memref<1x128x64xf32, #tpu.memory_space<vmem>>
        %gather3A_1307 = tpu.memref_squeeze %gather3A_1306 : memref<1x128x64xf32, #tpu.memory_space<vmem>> -> memref<128x64xf32, #tpu.memory_space<vmem>>
        %gather3A_1308 = tpu.vector_load_idx %gather3A_1307[%add3A_263, %and3A_1303] : memref<128x64xf32, #tpu.memory_space<vmem>>[vector<16xi32>, vector<16xi32>], vector<16xf32>,
        %gather3A_1309 = arith.constant 0 : i32
        %gather3A_1310 = arith.constant 0 : i32
        %gather3A_1311 = tpu.memref_slice %arg9[%scan3A_152, %gather3A_1309, %gather3A_1310] : memref<2x128x64xf32, #tpu.memory_space<vmem>> -> memref<1x128x64xf32, #tpu.memory_space<vmem>>
        %gather3A_1312 = tpu.memref_squeeze %gather3A_1311 : memref<1x128x64xf32, #tpu.memory_space<vmem>> -> memref<128x64xf32, #tpu.memory_space<vmem>>
        %gather3A_1313 = tpu.vector_load_idx %gather3A_1312[%add3A_263, %and3A_1303] : memref<128x64xf32, #tpu.memory_space<vmem>>[vector<16xi32>, vector<16xi32>], vector<16xf32>,
        %gather3A_1314 = tpu.vector_load_idx %arg6[%get3A_272, %and3A_1303] : memref<1000x64xf32, #tpu.memory_space<vmem>>[vector<16xi32>, vector<16xi32>], vector<16xf32>,
        %mul3A_1315 = arith.mulf %gather3A_1308, %gather3A_1313 : vector<16xf32>
        %mul3A_1316 = arith.mulf %mul3A_1315, %gather3A_1314 : vector<16xf32>
        %add3A_1317 = arith.addf %add3A_1237, %mul3A_1316 : vector<16xf32>
        %add3A_1318 = arith.constant 52 : i32
        %add3A_1319 = vector.broadcast %add3A_1318 : i32 to vector<16xi32>
        %add3A_1320 = arith.addi %iota3A, %add3A_1319 : vector<16xi32>
        %and3A_1321 = arith.constant 63 : i32
        %and3A_1322 = vector.broadcast %and3A_1321 : i32 to vector<16xi32>
        %and3A_1323 = arith.andi %add3A_1320, %and3A_1322 : vector<16xi32>
        %gather3A_1324 = arith.constant 0 : i32
        %gather3A_1325 = arith.constant 0 : i32
        %gather3A_1326 = tpu.memref_slice %arg8[%scan3A_151, %gather3A_1324, %gather3A_1325] : memref<2x128x64xf32, #tpu.memory_space<vmem>> -> memref<1x128x64xf32, #tpu.memory_space<vmem>>
        %gather3A_1327 = tpu.memref_squeeze %gather3A_1326 : memref<1x128x64xf32, #tpu.memory_space<vmem>> -> memref<128x64xf32, #tpu.memory_space<vmem>>
        %gather3A_1328 = tpu.vector_load_idx %gather3A_1327[%add3A_263, %and3A_1323] : memref<128x64xf32, #tpu.memory_space<vmem>>[vector<16xi32>, vector<16xi32>], vector<16xf32>,
        %gather3A_1329 = arith.constant 0 : i32
        %gather3A_1330 = arith.constant 0 : i32
        %gather3A_1331 = tpu.memref_slice %arg9[%scan3A_152, %gather3A_1329, %gather3A_1330] : memref<2x128x64xf32, #tpu.memory_space<vmem>> -> memref<1x128x64xf32, #tpu.memory_space<vmem>>
        %gather3A_1332 = tpu.memref_squeeze %gather3A_1331 : memref<1x128x64xf32, #tpu.memory_space<vmem>> -> memref<128x64xf32, #tpu.memory_space<vmem>>
        %gather3A_1333 = tpu.vector_load_idx %gather3A_1332[%add3A_263, %and3A_1323] : memref<128x64xf32, #tpu.memory_space<vmem>>[vector<16xi32>, vector<16xi32>], vector<16xf32>,
        %gather3A_1334 = tpu.vector_load_idx %arg6[%get3A_272, %and3A_1323] : memref<1000x64xf32, #tpu.memory_space<vmem>>[vector<16xi32>, vector<16xi32>], vector<16xf32>,
        %mul3A_1335 = arith.mulf %gather3A_1328, %gather3A_1333 : vector<16xf32>
        %mul3A_1336 = arith.mulf %mul3A_1335, %gather3A_1334 : vector<16xf32>
        %add3A_1337 = arith.addf %add3A_1257, %mul3A_1336 : vector<16xf32>
        %add3A_1338 = arith.constant 53 : i32
        %add3A_1339 = vector.broadcast %add3A_1338 : i32 to vector<16xi32>
        %add3A_1340 = arith.addi %iota3A, %add3A_1339 : vector<16xi32>
        %and3A_1341 = arith.constant 63 : i32
        %and3A_1342 = vector.broadcast %and3A_1341 : i32 to vector<16xi32>
        %and3A_1343 = arith.andi %add3A_1340, %and3A_1342 : vector<16xi32>
        %gather3A_1344 = arith.constant 0 : i32
        %gather3A_1345 = arith.constant 0 : i32
        %gather3A_1346 = tpu.memref_slice %arg8[%scan3A_151, %gather3A_1344, %gather3A_1345] : memref<2x128x64xf32, #tpu.memory_space<vmem>> -> memref<1x128x64xf32, #tpu.memory_space<vmem>>
        %gather3A_1347 = tpu.memref_squeeze %gather3A_1346 : memref<1x128x64xf32, #tpu.memory_space<vmem>> -> memref<128x64xf32, #tpu.memory_space<vmem>>
        %gather3A_1348 = tpu.vector_load_idx %gather3A_1347[%add3A_263, %and3A_1343] : memref<128x64xf32, #tpu.memory_space<vmem>>[vector<16xi32>, vector<16xi32>], vector<16xf32>,
        %gather3A_1349 = arith.constant 0 : i32
        %gather3A_1350 = arith.constant 0 : i32
        %gather3A_1351 = tpu.memref_slice %arg9[%scan3A_152, %gather3A_1349, %gather3A_1350] : memref<2x128x64xf32, #tpu.memory_space<vmem>> -> memref<1x128x64xf32, #tpu.memory_space<vmem>>
        %gather3A_1352 = tpu.memref_squeeze %gather3A_1351 : memref<1x128x64xf32, #tpu.memory_space<vmem>> -> memref<128x64xf32, #tpu.memory_space<vmem>>
        %gather3A_1353 = tpu.vector_load_idx %gather3A_1352[%add3A_263, %and3A_1343] : memref<128x64xf32, #tpu.memory_space<vmem>>[vector<16xi32>, vector<16xi32>], vector<16xf32>,
        %gather3A_1354 = tpu.vector_load_idx %arg6[%get3A_272, %and3A_1343] : memref<1000x64xf32, #tpu.memory_space<vmem>>[vector<16xi32>, vector<16xi32>], vector<16xf32>,
        %mul3A_1355 = arith.mulf %gather3A_1348, %gather3A_1353 : vector<16xf32>
        %mul3A_1356 = arith.mulf %mul3A_1355, %gather3A_1354 : vector<16xf32>
        %add3A_1357 = arith.addf %add3A_1277, %mul3A_1356 : vector<16xf32>
        %add3A_1358 = arith.constant 54 : i32
        %add3A_1359 = vector.broadcast %add3A_1358 : i32 to vector<16xi32>
        %add3A_1360 = arith.addi %iota3A, %add3A_1359 : vector<16xi32>
        %and3A_1361 = arith.constant 63 : i32
        %and3A_1362 = vector.broadcast %and3A_1361 : i32 to vector<16xi32>
        %and3A_1363 = arith.andi %add3A_1360, %and3A_1362 : vector<16xi32>
        %gather3A_1364 = arith.constant 0 : i32
        %gather3A_1365 = arith.constant 0 : i32
        %gather3A_1366 = tpu.memref_slice %arg8[%scan3A_151, %gather3A_1364, %gather3A_1365] : memref<2x128x64xf32, #tpu.memory_space<vmem>> -> memref<1x128x64xf32, #tpu.memory_space<vmem>>
        %gather3A_1367 = tpu.memref_squeeze %gather3A_1366 : memref<1x128x64xf32, #tpu.memory_space<vmem>> -> memref<128x64xf32, #tpu.memory_space<vmem>>
        %gather3A_1368 = tpu.vector_load_idx %gather3A_1367[%add3A_263, %and3A_1363] : memref<128x64xf32, #tpu.memory_space<vmem>>[vector<16xi32>, vector<16xi32>], vector<16xf32>,
        %gather3A_1369 = arith.constant 0 : i32
        %gather3A_1370 = arith.constant 0 : i32
        %gather3A_1371 = tpu.memref_slice %arg9[%scan3A_152, %gather3A_1369, %gather3A_1370] : memref<2x128x64xf32, #tpu.memory_space<vmem>> -> memref<1x128x64xf32, #tpu.memory_space<vmem>>
        %gather3A_1372 = tpu.memref_squeeze %gather3A_1371 : memref<1x128x64xf32, #tpu.memory_space<vmem>> -> memref<128x64xf32, #tpu.memory_space<vmem>>
        %gather3A_1373 = tpu.vector_load_idx %gather3A_1372[%add3A_263, %and3A_1363] : memref<128x64xf32, #tpu.memory_space<vmem>>[vector<16xi32>, vector<16xi32>], vector<16xf32>,
        %gather3A_1374 = tpu.vector_load_idx %arg6[%get3A_272, %and3A_1363] : memref<1000x64xf32, #tpu.memory_space<vmem>>[vector<16xi32>, vector<16xi32>], vector<16xf32>,
        %mul3A_1375 = arith.mulf %gather3A_1368, %gather3A_1373 : vector<16xf32>
        %mul3A_1376 = arith.mulf %mul3A_1375, %gather3A_1374 : vector<16xf32>
        %add3A_1377 = arith.addf %add3A_1297, %mul3A_1376 : vector<16xf32>
        %add3A_1378 = arith.constant 55 : i32
        %add3A_1379 = vector.broadcast %add3A_1378 : i32 to vector<16xi32>
        %add3A_1380 = arith.addi %iota3A, %add3A_1379 : vector<16xi32>
        %and3A_1381 = arith.constant 63 : i32
        %and3A_1382 = vector.broadcast %and3A_1381 : i32 to vector<16xi32>
        %and3A_1383 = arith.andi %add3A_1380, %and3A_1382 : vector<16xi32>
        %gather3A_1384 = arith.constant 0 : i32
        %gather3A_1385 = arith.constant 0 : i32
        %gather3A_1386 = tpu.memref_slice %arg8[%scan3A_151, %gather3A_1384, %gather3A_1385] : memref<2x128x64xf32, #tpu.memory_space<vmem>> -> memref<1x128x64xf32, #tpu.memory_space<vmem>>
        %gather3A_1387 = tpu.memref_squeeze %gather3A_1386 : memref<1x128x64xf32, #tpu.memory_space<vmem>> -> memref<128x64xf32, #tpu.memory_space<vmem>>
        %gather3A_1388 = tpu.vector_load_idx %gather3A_1387[%add3A_263, %and3A_1383] : memref<128x64xf32, #tpu.memory_space<vmem>>[vector<16xi32>, vector<16xi32>], vector<16xf32>,
        %gather3A_1389 = arith.constant 0 : i32
        %gather3A_1390 = arith.constant 0 : i32
        %gather3A_1391 = tpu.memref_slice %arg9[%scan3A_152, %gather3A_1389, %gather3A_1390] : memref<2x128x64xf32, #tpu.memory_space<vmem>> -> memref<1x128x64xf32, #tpu.memory_space<vmem>>
        %gather3A_1392 = tpu.memref_squeeze %gather3A_1391 : memref<1x128x64xf32, #tpu.memory_space<vmem>> -> memref<128x64xf32, #tpu.memory_space<vmem>>
        %gather3A_1393 = tpu.vector_load_idx %gather3A_1392[%add3A_263, %and3A_1383] : memref<128x64xf32, #tpu.memory_space<vmem>>[vector<16xi32>, vector<16xi32>], vector<16xf32>,
        %gather3A_1394 = tpu.vector_load_idx %arg6[%get3A_272, %and3A_1383] : memref<1000x64xf32, #tpu.memory_space<vmem>>[vector<16xi32>, vector<16xi32>], vector<16xf32>,
        %mul3A_1395 = arith.mulf %gather3A_1388, %gather3A_1393 : vector<16xf32>
        %mul3A_1396 = arith.mulf %mul3A_1395, %gather3A_1394 : vector<16xf32>
        %add3A_1397 = arith.addf %add3A_1317, %mul3A_1396 : vector<16xf32>
        %add3A_1398 = arith.constant 56 : i32
        %add3A_1399 = vector.broadcast %add3A_1398 : i32 to vector<16xi32>
        %add3A_1400 = arith.addi %iota3A, %add3A_1399 : vector<16xi32>
        %and3A_1401 = arith.constant 63 : i32
        %and3A_1402 = vector.broadcast %and3A_1401 : i32 to vector<16xi32>
        %and3A_1403 = arith.andi %add3A_1400, %and3A_1402 : vector<16xi32>
        %gather3A_1404 = arith.constant 0 : i32
        %gather3A_1405 = arith.constant 0 : i32
        %gather3A_1406 = tpu.memref_slice %arg8[%scan3A_151, %gather3A_1404, %gather3A_1405] : memref<2x128x64xf32, #tpu.memory_space<vmem>> -> memref<1x128x64xf32, #tpu.memory_space<vmem>>
        %gather3A_1407 = tpu.memref_squeeze %gather3A_1406 : memref<1x128x64xf32, #tpu.memory_space<vmem>> -> memref<128x64xf32, #tpu.memory_space<vmem>>
        %gather3A_1408 = tpu.vector_load_idx %gather3A_1407[%add3A_263, %and3A_1403] : memref<128x64xf32, #tpu.memory_space<vmem>>[vector<16xi32>, vector<16xi32>], vector<16xf32>,
        %gather3A_1409 = arith.constant 0 : i32
        %gather3A_1410 = arith.constant 0 : i32
        %gather3A_1411 = tpu.memref_slice %arg9[%scan3A_152, %gather3A_1409, %gather3A_1410] : memref<2x128x64xf32, #tpu.memory_space<vmem>> -> memref<1x128x64xf32, #tpu.memory_space<vmem>>
        %gather3A_1412 = tpu.memref_squeeze %gather3A_1411 : memref<1x128x64xf32, #tpu.memory_space<vmem>> -> memref<128x64xf32, #tpu.memory_space<vmem>>
        %gather3A_1413 = tpu.vector_load_idx %gather3A_1412[%add3A_263, %and3A_1403] : memref<128x64xf32, #tpu.memory_space<vmem>>[vector<16xi32>, vector<16xi32>], vector<16xf32>,
        %gather3A_1414 = tpu.vector_load_idx %arg6[%get3A_272, %and3A_1403] : memref<1000x64xf32, #tpu.memory_space<vmem>>[vector<16xi32>, vector<16xi32>], vector<16xf32>,
        %mul3A_1415 = arith.mulf %gather3A_1408, %gather3A_1413 : vector<16xf32>
        %mul3A_1416 = arith.mulf %mul3A_1415, %gather3A_1414 : vector<16xf32>
        %add3A_1417 = arith.addf %add3A_1337, %mul3A_1416 : vector<16xf32>
        %add3A_1418 = arith.constant 57 : i32
        %add3A_1419 = vector.broadcast %add3A_1418 : i32 to vector<16xi32>
        %add3A_1420 = arith.addi %iota3A, %add3A_1419 : vector<16xi32>
        %and3A_1421 = arith.constant 63 : i32
        %and3A_1422 = vector.broadcast %and3A_1421 : i32 to vector<16xi32>
        %and3A_1423 = arith.andi %add3A_1420, %and3A_1422 : vector<16xi32>
        %gather3A_1424 = arith.constant 0 : i32
        %gather3A_1425 = arith.constant 0 : i32
        %gather3A_1426 = tpu.memref_slice %arg8[%scan3A_151, %gather3A_1424, %gather3A_1425] : memref<2x128x64xf32, #tpu.memory_space<vmem>> -> memref<1x128x64xf32, #tpu.memory_space<vmem>>
        %gather3A_1427 = tpu.memref_squeeze %gather3A_1426 : memref<1x128x64xf32, #tpu.memory_space<vmem>> -> memref<128x64xf32, #tpu.memory_space<vmem>>
        %gather3A_1428 = tpu.vector_load_idx %gather3A_1427[%add3A_263, %and3A_1423] : memref<128x64xf32, #tpu.memory_space<vmem>>[vector<16xi32>, vector<16xi32>], vector<16xf32>,
        %gather3A_1429 = arith.constant 0 : i32
        %gather3A_1430 = arith.constant 0 : i32
        %gather3A_1431 = tpu.memref_slice %arg9[%scan3A_152, %gather3A_1429, %gather3A_1430] : memref<2x128x64xf32, #tpu.memory_space<vmem>> -> memref<1x128x64xf32, #tpu.memory_space<vmem>>
        %gather3A_1432 = tpu.memref_squeeze %gather3A_1431 : memref<1x128x64xf32, #tpu.memory_space<vmem>> -> memref<128x64xf32, #tpu.memory_space<vmem>>
        %gather3A_1433 = tpu.vector_load_idx %gather3A_1432[%add3A_263, %and3A_1423] : memref<128x64xf32, #tpu.memory_space<vmem>>[vector<16xi32>, vector<16xi32>], vector<16xf32>,
        %gather3A_1434 = tpu.vector_load_idx %arg6[%get3A_272, %and3A_1423] : memref<1000x64xf32, #tpu.memory_space<vmem>>[vector<16xi32>, vector<16xi32>], vector<16xf32>,
        %mul3A_1435 = arith.mulf %gather3A_1428, %gather3A_1433 : vector<16xf32>
        %mul3A_1436 = arith.mulf %mul3A_1435, %gather3A_1434 : vector<16xf32>
        %add3A_1437 = arith.addf %add3A_1357, %mul3A_1436 : vector<16xf32>
        %add3A_1438 = arith.constant 58 : i32
        %add3A_1439 = vector.broadcast %add3A_1438 : i32 to vector<16xi32>
        %add3A_1440 = arith.addi %iota3A, %add3A_1439 : vector<16xi32>
        %and3A_1441 = arith.constant 63 : i32
        %and3A_1442 = vector.broadcast %and3A_1441 : i32 to vector<16xi32>
        %and3A_1443 = arith.andi %add3A_1440, %and3A_1442 : vector<16xi32>
        %gather3A_1444 = arith.constant 0 : i32
        %gather3A_1445 = arith.constant 0 : i32
        %gather3A_1446 = tpu.memref_slice %arg8[%scan3A_151, %gather3A_1444, %gather3A_1445] : memref<2x128x64xf32, #tpu.memory_space<vmem>> -> memref<1x128x64xf32, #tpu.memory_space<vmem>>
        %gather3A_1447 = tpu.memref_squeeze %gather3A_1446 : memref<1x128x64xf32, #tpu.memory_space<vmem>> -> memref<128x64xf32, #tpu.memory_space<vmem>>
        %gather3A_1448 = tpu.vector_load_idx %gather3A_1447[%add3A_263, %and3A_1443] : memref<128x64xf32, #tpu.memory_space<vmem>>[vector<16xi32>, vector<16xi32>], vector<16xf32>,
        %gather3A_1449 = arith.constant 0 : i32
        %gather3A_1450 = arith.constant 0 : i32
        %gather3A_1451 = tpu.memref_slice %arg9[%scan3A_152, %gather3A_1449, %gather3A_1450] : memref<2x128x64xf32, #tpu.memory_space<vmem>> -> memref<1x128x64xf32, #tpu.memory_space<vmem>>
        %gather3A_1452 = tpu.memref_squeeze %gather3A_1451 : memref<1x128x64xf32, #tpu.memory_space<vmem>> -> memref<128x64xf32, #tpu.memory_space<vmem>>
        %gather3A_1453 = tpu.vector_load_idx %gather3A_1452[%add3A_263, %and3A_1443] : memref<128x64xf32, #tpu.memory_space<vmem>>[vector<16xi32>, vector<16xi32>], vector<16xf32>,
        %gather3A_1454 = tpu.vector_load_idx %arg6[%get3A_272, %and3A_1443] : memref<1000x64xf32, #tpu.memory_space<vmem>>[vector<16xi32>, vector<16xi32>], vector<16xf32>,
        %mul3A_1455 = arith.mulf %gather3A_1448, %gather3A_1453 : vector<16xf32>
        %mul3A_1456 = arith.mulf %mul3A_1455, %gather3A_1454 : vector<16xf32>
        %add3A_1457 = arith.addf %add3A_1377, %mul3A_1456 : vector<16xf32>
        %add3A_1458 = arith.constant 59 : i32
        %add3A_1459 = vector.broadcast %add3A_1458 : i32 to vector<16xi32>
        %add3A_1460 = arith.addi %iota3A, %add3A_1459 : vector<16xi32>
        %and3A_1461 = arith.constant 63 : i32
        %and3A_1462 = vector.broadcast %and3A_1461 : i32 to vector<16xi32>
        %and3A_1463 = arith.andi %add3A_1460, %and3A_1462 : vector<16xi32>
        %gather3A_1464 = arith.constant 0 : i32
        %gather3A_1465 = arith.constant 0 : i32
        %gather3A_1466 = tpu.memref_slice %arg8[%scan3A_151, %gather3A_1464, %gather3A_1465] : memref<2x128x64xf32, #tpu.memory_space<vmem>> -> memref<1x128x64xf32, #tpu.memory_space<vmem>>
        %gather3A_1467 = tpu.memref_squeeze %gather3A_1466 : memref<1x128x64xf32, #tpu.memory_space<vmem>> -> memref<128x64xf32, #tpu.memory_space<vmem>>
        %gather3A_1468 = tpu.vector_load_idx %gather3A_1467[%add3A_263, %and3A_1463] : memref<128x64xf32, #tpu.memory_space<vmem>>[vector<16xi32>, vector<16xi32>], vector<16xf32>,
        %gather3A_1469 = arith.constant 0 : i32
        %gather3A_1470 = arith.constant 0 : i32
        %gather3A_1471 = tpu.memref_slice %arg9[%scan3A_152, %gather3A_1469, %gather3A_1470] : memref<2x128x64xf32, #tpu.memory_space<vmem>> -> memref<1x128x64xf32, #tpu.memory_space<vmem>>
        %gather3A_1472 = tpu.memref_squeeze %gather3A_1471 : memref<1x128x64xf32, #tpu.memory_space<vmem>> -> memref<128x64xf32, #tpu.memory_space<vmem>>
        %gather3A_1473 = tpu.vector_load_idx %gather3A_1472[%add3A_263, %and3A_1463] : memref<128x64xf32, #tpu.memory_space<vmem>>[vector<16xi32>, vector<16xi32>], vector<16xf32>,
        %gather3A_1474 = tpu.vector_load_idx %arg6[%get3A_272, %and3A_1463] : memref<1000x64xf32, #tpu.memory_space<vmem>>[vector<16xi32>, vector<16xi32>], vector<16xf32>,
        %mul3A_1475 = arith.mulf %gather3A_1468, %gather3A_1473 : vector<16xf32>
        %mul3A_1476 = arith.mulf %mul3A_1475, %gather3A_1474 : vector<16xf32>
        %add3A_1477 = arith.addf %add3A_1397, %mul3A_1476 : vector<16xf32>
        %add3A_1478 = arith.constant 60 : i32
        %add3A_1479 = vector.broadcast %add3A_1478 : i32 to vector<16xi32>
        %add3A_1480 = arith.addi %iota3A, %add3A_1479 : vector<16xi32>
        %and3A_1481 = arith.constant 63 : i32
        %and3A_1482 = vector.broadcast %and3A_1481 : i32 to vector<16xi32>
        %and3A_1483 = arith.andi %add3A_1480, %and3A_1482 : vector<16xi32>
        %gather3A_1484 = arith.constant 0 : i32
        %gather3A_1485 = arith.constant 0 : i32
        %gather3A_1486 = tpu.memref_slice %arg8[%scan3A_151, %gather3A_1484, %gather3A_1485] : memref<2x128x64xf32, #tpu.memory_space<vmem>> -> memref<1x128x64xf32, #tpu.memory_space<vmem>>
        %gather3A_1487 = tpu.memref_squeeze %gather3A_1486 : memref<1x128x64xf32, #tpu.memory_space<vmem>> -> memref<128x64xf32, #tpu.memory_space<vmem>>
        %gather3A_1488 = tpu.vector_load_idx %gather3A_1487[%add3A_263, %and3A_1483] : memref<128x64xf32, #tpu.memory_space<vmem>>[vector<16xi32>, vector<16xi32>], vector<16xf32>,
        %gather3A_1489 = arith.constant 0 : i32
        %gather3A_1490 = arith.constant 0 : i32
        %gather3A_1491 = tpu.memref_slice %arg9[%scan3A_152, %gather3A_1489, %gather3A_1490] : memref<2x128x64xf32, #tpu.memory_space<vmem>> -> memref<1x128x64xf32, #tpu.memory_space<vmem>>
        %gather3A_1492 = tpu.memref_squeeze %gather3A_1491 : memref<1x128x64xf32, #tpu.memory_space<vmem>> -> memref<128x64xf32, #tpu.memory_space<vmem>>
        %gather3A_1493 = tpu.vector_load_idx %gather3A_1492[%add3A_263, %and3A_1483] : memref<128x64xf32, #tpu.memory_space<vmem>>[vector<16xi32>, vector<16xi32>], vector<16xf32>,
        %gather3A_1494 = tpu.vector_load_idx %arg6[%get3A_272, %and3A_1483] : memref<1000x64xf32, #tpu.memory_space<vmem>>[vector<16xi32>, vector<16xi32>], vector<16xf32>,
        %mul3A_1495 = arith.mulf %gather3A_1488, %gather3A_1493 : vector<16xf32>
        %mul3A_1496 = arith.mulf %mul3A_1495, %gather3A_1494 : vector<16xf32>
        %add3A_1497 = arith.addf %add3A_1417, %mul3A_1496 : vector<16xf32>
        %add3A_1498 = arith.constant 61 : i32
        %add3A_1499 = vector.broadcast %add3A_1498 : i32 to vector<16xi32>
        %add3A_1500 = arith.addi %iota3A, %add3A_1499 : vector<16xi32>
        %and3A_1501 = arith.constant 63 : i32
        %and3A_1502 = vector.broadcast %and3A_1501 : i32 to vector<16xi32>
        %and3A_1503 = arith.andi %add3A_1500, %and3A_1502 : vector<16xi32>
        %gather3A_1504 = arith.constant 0 : i32
        %gather3A_1505 = arith.constant 0 : i32
        %gather3A_1506 = tpu.memref_slice %arg8[%scan3A_151, %gather3A_1504, %gather3A_1505] : memref<2x128x64xf32, #tpu.memory_space<vmem>> -> memref<1x128x64xf32, #tpu.memory_space<vmem>>
        %gather3A_1507 = tpu.memref_squeeze %gather3A_1506 : memref<1x128x64xf32, #tpu.memory_space<vmem>> -> memref<128x64xf32, #tpu.memory_space<vmem>>
        %gather3A_1508 = tpu.vector_load_idx %gather3A_1507[%add3A_263, %and3A_1503] : memref<128x64xf32, #tpu.memory_space<vmem>>[vector<16xi32>, vector<16xi32>], vector<16xf32>,
        %gather3A_1509 = arith.constant 0 : i32
        %gather3A_1510 = arith.constant 0 : i32
        %gather3A_1511 = tpu.memref_slice %arg9[%scan3A_152, %gather3A_1509, %gather3A_1510] : memref<2x128x64xf32, #tpu.memory_space<vmem>> -> memref<1x128x64xf32, #tpu.memory_space<vmem>>
        %gather3A_1512 = tpu.memref_squeeze %gather3A_1511 : memref<1x128x64xf32, #tpu.memory_space<vmem>> -> memref<128x64xf32, #tpu.memory_space<vmem>>
        %gather3A_1513 = tpu.vector_load_idx %gather3A_1512[%add3A_263, %and3A_1503] : memref<128x64xf32, #tpu.memory_space<vmem>>[vector<16xi32>, vector<16xi32>], vector<16xf32>,
        %gather3A_1514 = tpu.vector_load_idx %arg6[%get3A_272, %and3A_1503] : memref<1000x64xf32, #tpu.memory_space<vmem>>[vector<16xi32>, vector<16xi32>], vector<16xf32>,
        %mul3A_1515 = arith.mulf %gather3A_1508, %gather3A_1513 : vector<16xf32>
        %mul3A_1516 = arith.mulf %mul3A_1515, %gather3A_1514 : vector<16xf32>
        %add3A_1517 = arith.addf %add3A_1437, %mul3A_1516 : vector<16xf32>
        %add3A_1518 = arith.constant 62 : i32
        %add3A_1519 = vector.broadcast %add3A_1518 : i32 to vector<16xi32>
        %add3A_1520 = arith.addi %iota3A, %add3A_1519 : vector<16xi32>
        %and3A_1521 = arith.constant 63 : i32
        %and3A_1522 = vector.broadcast %and3A_1521 : i32 to vector<16xi32>
        %and3A_1523 = arith.andi %add3A_1520, %and3A_1522 : vector<16xi32>
        %gather3A_1524 = arith.constant 0 : i32
        %gather3A_1525 = arith.constant 0 : i32
        %gather3A_1526 = tpu.memref_slice %arg8[%scan3A_151, %gather3A_1524, %gather3A_1525] : memref<2x128x64xf32, #tpu.memory_space<vmem>> -> memref<1x128x64xf32, #tpu.memory_space<vmem>>
        %gather3A_1527 = tpu.memref_squeeze %gather3A_1526 : memref<1x128x64xf32, #tpu.memory_space<vmem>> -> memref<128x64xf32, #tpu.memory_space<vmem>>
        %gather3A_1528 = tpu.vector_load_idx %gather3A_1527[%add3A_263, %and3A_1523] : memref<128x64xf32, #tpu.memory_space<vmem>>[vector<16xi32>, vector<16xi32>], vector<16xf32>,
        %gather3A_1529 = arith.constant 0 : i32
        %gather3A_1530 = arith.constant 0 : i32
        %gather3A_1531 = tpu.memref_slice %arg9[%scan3A_152, %gather3A_1529, %gather3A_1530] : memref<2x128x64xf32, #tpu.memory_space<vmem>> -> memref<1x128x64xf32, #tpu.memory_space<vmem>>
        %gather3A_1532 = tpu.memref_squeeze %gather3A_1531 : memref<1x128x64xf32, #tpu.memory_space<vmem>> -> memref<128x64xf32, #tpu.memory_space<vmem>>
        %gather3A_1533 = tpu.vector_load_idx %gather3A_1532[%add3A_263, %and3A_1523] : memref<128x64xf32, #tpu.memory_space<vmem>>[vector<16xi32>, vector<16xi32>], vector<16xf32>,
        %gather3A_1534 = tpu.vector_load_idx %arg6[%get3A_272, %and3A_1523] : memref<1000x64xf32, #tpu.memory_space<vmem>>[vector<16xi32>, vector<16xi32>], vector<16xf32>,
        %mul3A_1535 = arith.mulf %gather3A_1528, %gather3A_1533 : vector<16xf32>
        %mul3A_1536 = arith.mulf %mul3A_1535, %gather3A_1534 : vector<16xf32>
        %add3A_1537 = arith.addf %add3A_1457, %mul3A_1536 : vector<16xf32>
        %add3A_1538 = arith.constant 63 : i32
        %add3A_1539 = vector.broadcast %add3A_1538 : i32 to vector<16xi32>
        %add3A_1540 = arith.addi %iota3A, %add3A_1539 : vector<16xi32>
        %and3A_1541 = arith.constant 63 : i32
        %and3A_1542 = vector.broadcast %and3A_1541 : i32 to vector<16xi32>
        %and3A_1543 = arith.andi %add3A_1540, %and3A_1542 : vector<16xi32>
        %gather3A_1544 = arith.constant 0 : i32
        %gather3A_1545 = arith.constant 0 : i32
        %gather3A_1546 = tpu.memref_slice %arg8[%scan3A_151, %gather3A_1544, %gather3A_1545] : memref<2x128x64xf32, #tpu.memory_space<vmem>> -> memref<1x128x64xf32, #tpu.memory_space<vmem>>
        %gather3A_1547 = tpu.memref_squeeze %gather3A_1546 : memref<1x128x64xf32, #tpu.memory_space<vmem>> -> memref<128x64xf32, #tpu.memory_space<vmem>>
        %gather3A_1548 = tpu.vector_load_idx %gather3A_1547[%add3A_263, %and3A_1543] : memref<128x64xf32, #tpu.memory_space<vmem>>[vector<16xi32>, vector<16xi32>], vector<16xf32>,
        %gather3A_1549 = arith.constant 0 : i32
        %gather3A_1550 = arith.constant 0 : i32
        %gather3A_1551 = tpu.memref_slice %arg9[%scan3A_152, %gather3A_1549, %gather3A_1550] : memref<2x128x64xf32, #tpu.memory_space<vmem>> -> memref<1x128x64xf32, #tpu.memory_space<vmem>>
        %gather3A_1552 = tpu.memref_squeeze %gather3A_1551 : memref<1x128x64xf32, #tpu.memory_space<vmem>> -> memref<128x64xf32, #tpu.memory_space<vmem>>
        %gather3A_1553 = tpu.vector_load_idx %gather3A_1552[%add3A_263, %and3A_1543] : memref<128x64xf32, #tpu.memory_space<vmem>>[vector<16xi32>, vector<16xi32>], vector<16xf32>,
        %gather3A_1554 = tpu.vector_load_idx %arg6[%get3A_272, %and3A_1543] : memref<1000x64xf32, #tpu.memory_space<vmem>>[vector<16xi32>, vector<16xi32>], vector<16xf32>,
        %mul3A_1555 = arith.mulf %gather3A_1548, %gather3A_1553 : vector<16xf32>
        %mul3A_1556 = arith.mulf %mul3A_1555, %gather3A_1554 : vector<16xf32>
        %add3A_1557 = arith.addf %add3A_1477, %mul3A_1556 : vector<16xf32>
        %add3A_1558 = arith.addf %add3A_1497, %add3A_1517 : vector<16xf32>
        %add3A_1559 = arith.addf %add3A_1537, %add3A_1557 : vector<16xf32>
        %add3A_1560 = arith.addf %add3A_1558, %add3A_1559 : vector<16xf32>
        %neg3A = arith.constant 0.000000e+00 : f32
        %neg3A_1561 = vector.broadcast %neg3A : f32 to vector<16xf32>
        %neg3A_1562 = arith.subf %neg3A_1561, %add3A_1560 : vector<16xf32>
        %exp3A = math.exp %neg3A_1562 : vector<16xf32>
        %add3A_1563 = arith.constant 1.000000e+00 : f32
        %add3A_1564 = vector.broadcast %add3A_1563 : f32 to vector<16xf32>
        %add3A_1565 = arith.addf %add3A_1564, %exp3A : vector<16xf32>
        %div3A = arith.constant 1.000000e+00 : f32
        %div3A_1566 = vector.broadcast %div3A : f32 to vector<16xf32>
        %div3A_1567 = arith.divf %div3A_1566, %add3A_1565 : vector<16xf32>
        %mul3A_1568 = arith.constant 16 : i32
        %mul3A_1569 = arith.muli %scan3A_259, %mul3A_1568 : i32
        %swap3A = arith.constant 0 : i32
        %swap3A_1570 = tpu.memref_slice %arg10[%scan3A_153, %swap3A] : memref<2x128xf32, #tpu.memory_space<vmem>> -> memref<1x128xf32, #tpu.memory_space<vmem>>
        %swap3A_1571 = tpu.memref_squeeze %swap3A_1570 : memref<1x128xf32, #tpu.memory_space<vmem>> -> memref<128xf32, #tpu.memory_space<vmem>>
        %swap3A_1572 = arith.index_cast %mul3A_1569 : i32 to index
        %swap3A_1573 = tpu.vector_load %swap3A_1571[%swap3A_1572] {strides = array<i32>} : memref<128xf32, #tpu.memory_space<vmem>>, vector<16xf32>,
        tpu.vector_store %swap3A_1571[%swap3A_1572], %div3A_1567 {strides = array<i32>} : memref<128xf32, #tpu.memory_space<vmem>>, vector<16xf32>,
      }
      %scan3A_158 = arith.constant 8 : i32
      %mul3A_159 = arith.constant 80 : i32
      %mul3A_160 = arith.muli %add3A, %mul3A_159 : i32
      %sub3A = arith.subi %add3A_77, %mul3A_160 : i32
      %mul3A_161 = arith.constant 128 : i32
      %mul3A_162 = arith.muli %sub3A, %mul3A_161 : i32
      %mul3A_163 = arith.constant 10240 : i32
      %mul3A_164 = arith.muli %add3A, %mul3A_163 : i32
      %add3A_165 = arith.addi %mul3A_162, %mul3A_164 : i32
      %run_scoped3A_166 = arith.constant 0 : i32
      "tpu.region"() ({
        %run_scoped3A_259 = tpu.sem_alloc : memref<!tpu.dma_semaphore, #tpu.memory_space<semaphore_mem>>
        %dma_start3A_260 = arith.constant 0 : i32
        %dma_start3A_261 = tpu.memref_slice %arg10[%run_scoped3A_166, %dma_start3A_260] : memref<2x128xf32, #tpu.memory_space<vmem>> -> memref<1x128xf32, #tpu.memory_space<vmem>>
        %dma_start3A_262 = tpu.memref_squeeze %dma_start3A_261 : memref<1x128xf32, #tpu.memory_space<vmem>> -> memref<128xf32, #tpu.memory_space<vmem>>
        %dma_start3A_263 = tpu.memref_slice %arg5[%add3A_165] : memref<327680xf32, #tpu.memory_space<hbm>> -> memref<128xf32, #tpu.memory_space<hbm>>
        %dma_start3A_264 = tpu.memref_slice %arg5[%add3A_165] : memref<327680xf32, #tpu.memory_space<hbm>> -> memref<128xf32, #tpu.memory_space<hbm>>
        %dma_start3A_265 = arith.constant 0 : i32
        %dma_start3A_266 = tpu.memref_slice %arg10[%run_scoped3A_166, %dma_start3A_265] : memref<2x128xf32, #tpu.memory_space<vmem>> -> memref<1x128xf32, #tpu.memory_space<vmem>>
        %dma_start3A_267 = tpu.memref_squeeze %dma_start3A_266 : memref<1x128xf32, #tpu.memory_space<vmem>> -> memref<128xf32, #tpu.memory_space<vmem>>
        tpu.enqueue_dma source(%dma_start3A_267 : memref<128xf32, #tpu.memory_space<vmem>>) target(%dma_start3A_264 : memref<128xf32, #tpu.memory_space<hbm>>) target_semaphore(%run_scoped3A_259 : memref<!tpu.dma_semaphore, #tpu.memory_space<semaphore_mem>>)
        %dma_wait3A_268 = arith.constant 0 : i32
        %dma_wait3A_269 = tpu.memref_slice %arg10[%run_scoped3A_166, %dma_wait3A_268] : memref<2x128xf32, #tpu.memory_space<vmem>> -> memref<1x128xf32, #tpu.memory_space<vmem>>
        %dma_wait3A_270 = tpu.memref_squeeze %dma_wait3A_269 : memref<1x128xf32, #tpu.memory_space<vmem>> -> memref<128xf32, #tpu.memory_space<vmem>>
        %dma_wait3A_271 = tpu.memref_slice %arg5[%add3A_165] : memref<327680xf32, #tpu.memory_space<hbm>> -> memref<128xf32, #tpu.memory_space<hbm>>
        %dma_wait3A_272 = tpu.memref_slice %arg5[%add3A_165] : memref<327680xf32, #tpu.memory_space<hbm>> -> memref<128xf32, #tpu.memory_space<hbm>>
        %dma_wait3A_273 = arith.constant 0 : i32
        %dma_wait3A_274 = tpu.memref_slice %arg10[%run_scoped3A_166, %dma_wait3A_273] : memref<2x128xf32, #tpu.memory_space<vmem>> -> memref<1x128xf32, #tpu.memory_space<vmem>>
        %dma_wait3A_275 = tpu.memref_squeeze %dma_wait3A_274 : memref<1x128xf32, #tpu.memory_space<vmem>> -> memref<128xf32, #tpu.memory_space<vmem>>
        tpu.wait_dma2 semaphore(%run_scoped3A_259 : memref<!tpu.dma_semaphore, #tpu.memory_space<semaphore_mem>>) src(%dma_wait3A_275 : memref<128xf32, #tpu.memory_space<vmem>>) dst(%dma_wait3A_272 : memref<128xf32, #tpu.memory_space<hbm>>)
        tpu.yield
      }) : () -> ()
      %add3A_167 = arith.constant 2 : i32
      %add3A_168 = arith.addi %add3A_77, %add3A_167 : i32
      %run_scoped3A_169 = arith.constant 0 : i32
      "tpu.region"() ({
        %run_scoped3A_259 = tpu.sem_alloc : memref<!tpu.dma_semaphore, #tpu.memory_space<semaphore_mem>>
        %dma_start3A_260 = arith.constant 0 : i32
        %dma_start3A_261 = arith.constant 0 : i32
        %dma_start3A_262 = tpu.memref_slice %arg7[%run_scoped3A_169, %dma_start3A_260, %dma_start3A_261] : memref<2x3x128xi32, #tpu.memory_space<vmem>> -> memref<1x3x128xi32, #tpu.memory_space<vmem>>
        %dma_start3A_263 = tpu.memref_squeeze %dma_start3A_262 : memref<1x3x128xi32, #tpu.memory_space<vmem>> -> memref<3x128xi32, #tpu.memory_space<vmem>>
        %dma_start3A_264 = arith.constant 0 : i32
        %dma_start3A_265 = arith.constant 0 : i32
        %dma_start3A_266 = tpu.memref_slice %arg2[%add3A_168, %dma_start3A_264, %dma_start3A_265] : memref<2561x3x128xi32, #tpu.memory_space<hbm>> -> memref<1x3x128xi32, #tpu.memory_space<hbm>>
        %dma_start3A_267 = tpu.memref_squeeze %dma_start3A_266 : memref<1x3x128xi32, #tpu.memory_space<hbm>> -> memref<3x128xi32, #tpu.memory_space<hbm>>
        %dma_start3A_268 = arith.constant 0 : i32
        %dma_start3A_269 = arith.constant 0 : i32
        %dma_start3A_270 = tpu.memref_slice %arg7[%run_scoped3A_169, %dma_start3A_268, %dma_start3A_269] : memref<2x3x128xi32, #tpu.memory_space<vmem>> -> memref<1x3x128xi32, #tpu.memory_space<vmem>>
        %dma_start3A_271 = tpu.memref_squeeze %dma_start3A_270 : memref<1x3x128xi32, #tpu.memory_space<vmem>> -> memref<3x128xi32, #tpu.memory_space<vmem>>
        %dma_start3A_272 = arith.constant 0 : i32
        %dma_start3A_273 = arith.constant 0 : i32
        %dma_start3A_274 = tpu.memref_slice %arg2[%add3A_168, %dma_start3A_272, %dma_start3A_273] : memref<2561x3x128xi32, #tpu.memory_space<hbm>> -> memref<1x3x128xi32, #tpu.memory_space<hbm>>
        %dma_start3A_275 = tpu.memref_squeeze %dma_start3A_274 : memref<1x3x128xi32, #tpu.memory_space<hbm>> -> memref<3x128xi32, #tpu.memory_space<hbm>>
        tpu.enqueue_dma source(%dma_start3A_275 : memref<3x128xi32, #tpu.memory_space<hbm>>) target(%dma_start3A_271 : memref<3x128xi32, #tpu.memory_space<vmem>>) target_semaphore(%run_scoped3A_259 : memref<!tpu.dma_semaphore, #tpu.memory_space<semaphore_mem>>)
        %dma_wait3A_276 = arith.constant 0 : i32
        %dma_wait3A_277 = arith.constant 0 : i32
        %dma_wait3A_278 = tpu.memref_slice %arg7[%run_scoped3A_169, %dma_wait3A_276, %dma_wait3A_277] : memref<2x3x128xi32, #tpu.memory_space<vmem>> -> memref<1x3x128xi32, #tpu.memory_space<vmem>>
        %dma_wait3A_279 = tpu.memref_squeeze %dma_wait3A_278 : memref<1x3x128xi32, #tpu.memory_space<vmem>> -> memref<3x128xi32, #tpu.memory_space<vmem>>
        %dma_wait3A_280 = arith.constant 0 : i32
        %dma_wait3A_281 = arith.constant 0 : i32
        %dma_wait3A_282 = tpu.memref_slice %arg2[%add3A_168, %dma_wait3A_280, %dma_wait3A_281] : memref<2561x3x128xi32, #tpu.memory_space<hbm>> -> memref<1x3x128xi32, #tpu.memory_space<hbm>>
        %dma_wait3A_283 = tpu.memref_squeeze %dma_wait3A_282 : memref<1x3x128xi32, #tpu.memory_space<hbm>> -> memref<3x128xi32, #tpu.memory_space<hbm>>
        %dma_wait3A_284 = arith.constant 0 : i32
        %dma_wait3A_285 = arith.constant 0 : i32
        %dma_wait3A_286 = tpu.memref_slice %arg7[%run_scoped3A_169, %dma_wait3A_284, %dma_wait3A_285] : memref<2x3x128xi32, #tpu.memory_space<vmem>> -> memref<1x3x128xi32, #tpu.memory_space<vmem>>
        %dma_wait3A_287 = tpu.memref_squeeze %dma_wait3A_286 : memref<1x3x128xi32, #tpu.memory_space<vmem>> -> memref<3x128xi32, #tpu.memory_space<vmem>>
        %dma_wait3A_288 = arith.constant 0 : i32
        %dma_wait3A_289 = arith.constant 0 : i32
        %dma_wait3A_290 = tpu.memref_slice %arg2[%add3A_168, %dma_wait3A_288, %dma_wait3A_289] : memref<2561x3x128xi32, #tpu.memory_space<hbm>> -> memref<1x3x128xi32, #tpu.memory_space<hbm>>
        %dma_wait3A_291 = tpu.memref_squeeze %dma_wait3A_290 : memref<1x3x128xi32, #tpu.memory_space<hbm>> -> memref<3x128xi32, #tpu.memory_space<hbm>>
        tpu.wait_dma2 semaphore(%run_scoped3A_259 : memref<!tpu.dma_semaphore, #tpu.memory_space<semaphore_mem>>) src(%dma_wait3A_291 : memref<3x128xi32, #tpu.memory_space<hbm>>) dst(%dma_wait3A_287 : memref<3x128xi32, #tpu.memory_space<vmem>>)
        tpu.yield
      }) : () -> ()
      %dma_start3A_170 = arith.constant 0 : i32
      %dma_start3A_171 = arith.constant 0 : i32
      %dma_start3A_172 = arith.constant 0 : i32
      %dma_start3A_173 = arith.constant 0 : i32
      %dma_start3A_174 = arith.constant 0 : i32
      %dma_start3A_175 = tpu.memref_slice %arg8[%dma_start3A_172, %dma_start3A_173, %dma_start3A_174] : memref<2x128x64xf32, #tpu.memory_space<vmem>> -> memref<1x128x64xf32, #tpu.memory_space<vmem>>
      %dma_start3A_176 = tpu.memref_squeeze %dma_start3A_175 : memref<1x128x64xf32, #tpu.memory_space<vmem>> -> memref<128x64xf32, #tpu.memory_space<vmem>>
      %dma_start3A_177 = arith.constant 0 : i32
      %dma_start3A_178 = arith.constant 0 : i32
      %dma_start3A_179 = tpu.memref_slice %arg7[%dma_start3A_170, %dma_start3A_177, %dma_start3A_178] : memref<2x3x128xi32, #tpu.memory_space<vmem>> -> memref<1x3x128xi32, #tpu.memory_space<vmem>>
      %dma_start3A_180 = tpu.memref_squeeze %dma_start3A_179 : memref<1x3x128xi32, #tpu.memory_space<vmem>> -> memref<3x128xi32, #tpu.memory_space<vmem>>
      %dma_start3A_181 = arith.constant 0 : i32
      %dma_start3A_182 = tpu.memref_slice %dma_start3A_180[%dma_start3A_171, %dma_start3A_181] : memref<3x128xi32, #tpu.memory_space<vmem>> -> memref<1x128xi32, #tpu.memory_space<vmem>>
      %dma_start3A_183 = tpu.memref_squeeze %dma_start3A_182 : memref<1x128xi32, #tpu.memory_space<vmem>> -> memref<128xi32, #tpu.memory_space<vmem>>
      %dma_start3A_184 = arith.constant 0 : i32
      %dma_start3A_185 = arith.constant 0 : i32
      %dma_start3A_186 = tpu.memref_slice %arg3[%dma_start3A_184, %dma_start3A_185] : memref<1000000x64xf32, #tpu.memory_space<hbm>> -> memref<1000000x64xf32, #tpu.memory_space<hbm>>
      tpu.enqueue_indirect_dma source(%dma_start3A_186 : memref<1000000x64xf32, #tpu.memory_space<hbm>>) target(%dma_start3A_176 : memref<128x64xf32, #tpu.memory_space<vmem>>) offsets(%dma_start3A_183 : memref<128xi32, #tpu.memory_space<vmem>>) semaphore(%arg11 : memref<!tpu.dma_semaphore, #tpu.memory_space<semaphore_mem>>)
      %dma_start3A_187 = arith.constant 0 : i32
      %dma_start3A_188 = arith.constant 1 : i32
      %dma_start3A_189 = arith.constant 0 : i32
      %dma_start3A_190 = arith.constant 0 : i32
      %dma_start3A_191 = arith.constant 0 : i32
      %dma_start3A_192 = tpu.memref_slice %arg9[%dma_start3A_189, %dma_start3A_190, %dma_start3A_191] : memref<2x128x64xf32, #tpu.memory_space<vmem>> -> memref<1x128x64xf32, #tpu.memory_space<vmem>>
      %dma_start3A_193 = tpu.memref_squeeze %dma_start3A_192 : memref<1x128x64xf32, #tpu.memory_space<vmem>> -> memref<128x64xf32, #tpu.memory_space<vmem>>
      %dma_start3A_194 = arith.constant 0 : i32
      %dma_start3A_195 = arith.constant 0 : i32
      %dma_start3A_196 = tpu.memref_slice %arg7[%dma_start3A_187, %dma_start3A_194, %dma_start3A_195] : memref<2x3x128xi32, #tpu.memory_space<vmem>> -> memref<1x3x128xi32, #tpu.memory_space<vmem>>
      %dma_start3A_197 = tpu.memref_squeeze %dma_start3A_196 : memref<1x3x128xi32, #tpu.memory_space<vmem>> -> memref<3x128xi32, #tpu.memory_space<vmem>>
      %dma_start3A_198 = arith.constant 0 : i32
      %dma_start3A_199 = tpu.memref_slice %dma_start3A_197[%dma_start3A_188, %dma_start3A_198] : memref<3x128xi32, #tpu.memory_space<vmem>> -> memref<1x128xi32, #tpu.memory_space<vmem>>
      %dma_start3A_200 = tpu.memref_squeeze %dma_start3A_199 : memref<1x128xi32, #tpu.memory_space<vmem>> -> memref<128xi32, #tpu.memory_space<vmem>>
      %dma_start3A_201 = arith.constant 0 : i32
      %dma_start3A_202 = arith.constant 0 : i32
      %dma_start3A_203 = tpu.memref_slice %arg3[%dma_start3A_201, %dma_start3A_202] : memref<1000000x64xf32, #tpu.memory_space<hbm>> -> memref<1000000x64xf32, #tpu.memory_space<hbm>>
      tpu.enqueue_indirect_dma source(%dma_start3A_203 : memref<1000000x64xf32, #tpu.memory_space<hbm>>) target(%dma_start3A_193 : memref<128x64xf32, #tpu.memory_space<vmem>>) offsets(%dma_start3A_200 : memref<128xi32, #tpu.memory_space<vmem>>) semaphore(%arg11 : memref<!tpu.dma_semaphore, #tpu.memory_space<semaphore_mem>>)
      %add3A_204 = arith.constant 1 : i32
      %add3A_205 = arith.addi %add3A_77, %add3A_204 : i32
      %dma_wait3A_206 = arith.constant 1 : i32
      %dma_wait3A_207 = arith.constant 0 : i32
      %dma_wait3A_208 = arith.constant 1 : i32
      %dma_wait3A_209 = arith.constant 0 : i32
      %dma_wait3A_210 = arith.constant 0 : i32
      %dma_wait3A_211 = tpu.memref_slice %arg8[%dma_wait3A_208, %dma_wait3A_209, %dma_wait3A_210] : memref<2x128x64xf32, #tpu.memory_space<vmem>> -> memref<1x128x64xf32, #tpu.memory_space<vmem>>
      %dma_wait3A_212 = tpu.memref_squeeze %dma_wait3A_211 : memref<1x128x64xf32, #tpu.memory_space<vmem>> -> memref<128x64xf32, #tpu.memory_space<vmem>>
      %dma_wait3A_213 = arith.constant 0 : i32
      %dma_wait3A_214 = arith.constant 0 : i32
      %dma_wait3A_215 = tpu.memref_slice %arg7[%dma_wait3A_206, %dma_wait3A_213, %dma_wait3A_214] : memref<2x3x128xi32, #tpu.memory_space<vmem>> -> memref<1x3x128xi32, #tpu.memory_space<vmem>>
      %dma_wait3A_216 = tpu.memref_squeeze %dma_wait3A_215 : memref<1x3x128xi32, #tpu.memory_space<vmem>> -> memref<3x128xi32, #tpu.memory_space<vmem>>
      %dma_wait3A_217 = arith.constant 0 : i32
      %dma_wait3A_218 = tpu.memref_slice %dma_wait3A_216[%dma_wait3A_207, %dma_wait3A_217] : memref<3x128xi32, #tpu.memory_space<vmem>> -> memref<1x128xi32, #tpu.memory_space<vmem>>
      %dma_wait3A_219 = tpu.memref_squeeze %dma_wait3A_218 : memref<1x128xi32, #tpu.memory_space<vmem>> -> memref<128xi32, #tpu.memory_space<vmem>>
      %dma_wait3A_220 = arith.constant 0 : i32
      %dma_wait3A_221 = arith.constant 0 : i32
      %dma_wait3A_222 = tpu.memref_slice %arg3[%dma_wait3A_220, %dma_wait3A_221] : memref<1000000x64xf32, #tpu.memory_space<hbm>> -> memref<1000000x64xf32, #tpu.memory_space<hbm>>
      tpu.wait_indirect_dma semaphore(%arg12 : memref<!tpu.dma_semaphore, #tpu.memory_space<semaphore_mem>>) src(%dma_wait3A_222 : memref<1000000x64xf32, #tpu.memory_space<hbm>>) dst(%dma_wait3A_212 : memref<128x64xf32, #tpu.memory_space<vmem>>)
      %dma_wait3A_223 = arith.constant 1 : i32
      %dma_wait3A_224 = arith.constant 1 : i32
      %dma_wait3A_225 = arith.constant 1 : i32
      %dma_wait3A_226 = arith.constant 0 : i32
      %dma_wait3A_227 = arith.constant 0 : i32
      %dma_wait3A_228 = tpu.memref_slice %arg9[%dma_wait3A_225, %dma_wait3A_226, %dma_wait3A_227] : memref<2x128x64xf32, #tpu.memory_space<vmem>> -> memref<1x128x64xf32, #tpu.memory_space<vmem>>
      %dma_wait3A_229 = tpu.memref_squeeze %dma_wait3A_228 : memref<1x128x64xf32, #tpu.memory_space<vmem>> -> memref<128x64xf32, #tpu.memory_space<vmem>>
      %dma_wait3A_230 = arith.constant 0 : i32
      %dma_wait3A_231 = arith.constant 0 : i32
      %dma_wait3A_232 = tpu.memref_slice %arg7[%dma_wait3A_223, %dma_wait3A_230, %dma_wait3A_231] : memref<2x3x128xi32, #tpu.memory_space<vmem>> -> memref<1x3x128xi32, #tpu.memory_space<vmem>>
      %dma_wait3A_233 = tpu.memref_squeeze %dma_wait3A_232 : memref<1x3x128xi32, #tpu.memory_space<vmem>> -> memref<3x128xi32, #tpu.memory_space<vmem>>
      %dma_wait3A_234 = arith.constant 0 : i32
      %dma_wait3A_235 = tpu.memref_slice %dma_wait3A_233[%dma_wait3A_224, %dma_wait3A_234] : memref<3x128xi32, #tpu.memory_space<vmem>> -> memref<1x128xi32, #tpu.memory_space<vmem>>
      %dma_wait3A_236 = tpu.memref_squeeze %dma_wait3A_235 : memref<1x128xi32, #tpu.memory_space<vmem>> -> memref<128xi32, #tpu.memory_space<vmem>>
      %dma_wait3A_237 = arith.constant 0 : i32
      %dma_wait3A_238 = arith.constant 0 : i32
      %dma_wait3A_239 = tpu.memref_slice %arg3[%dma_wait3A_237, %dma_wait3A_238] : memref<1000000x64xf32, #tpu.memory_space<hbm>> -> memref<1000000x64xf32, #tpu.memory_space<hbm>>
      tpu.wait_indirect_dma semaphore(%arg12 : memref<!tpu.dma_semaphore, #tpu.memory_space<semaphore_mem>>) src(%dma_wait3A_239 : memref<1000000x64xf32, #tpu.memory_space<hbm>>) dst(%dma_wait3A_229 : memref<128x64xf32, #tpu.memory_space<vmem>>)
      %scan3A_240 = arith.constant 0 : i32
      %scan3A_241 = arith.constant 1 : i32
      %scan3A_242 = arith.constant 1 : i32
      %scan3A_243 = arith.constant 1 : i32
      %scan3A_244 = arith.constant 1 : i32
      %scan3A_245 = arith.constant 0 : i32
      %scan3A_246 = arith.constant 8 : i32
      %scan3A_247 = arith.addi %scan3A_245, %scan3A_246 : i32
      %scan3A_248 = arith.constant 1 : i32
      scf.for %scan3A_259 = %scan3A_245 to %scan3A_247 step %scan3A_248  : i32 {
        %mul3A_260 = arith.constant 16 : i32
        %mul3A_261 = arith.muli %scan3A_259, %mul3A_260 : i32
        %add3A_262 = vector.broadcast %mul3A_261 : i32 to vector<16xi32>
        %add3A_263 = arith.addi %add3A_262, %iota3A : vector<16xi32>
        %mul3A_264 = arith.constant 16 : i32
        %mul3A_265 = arith.muli %scan3A_259, %mul3A_264 : i32
        %get3A = arith.constant 2 : i32
        %get3A_266 = arith.constant 0 : i32
        %get3A_267 = arith.constant 0 : i32
        %get3A_268 = tpu.memref_slice %arg7[%scan3A_241, %get3A_266, %get3A_267] : memref<2x3x128xi32, #tpu.memory_space<vmem>> -> memref<1x3x128xi32, #tpu.memory_space<vmem>>
        %get3A_269 = tpu.memref_squeeze %get3A_268 : memref<1x3x128xi32, #tpu.memory_space<vmem>> -> memref<3x128xi32, #tpu.memory_space<vmem>>
        %get3A_270 = arith.index_cast %get3A : i32 to index
        %get3A_271 = arith.index_cast %mul3A_265 : i32 to index
        %get3A_272 = tpu.vector_load %get3A_269[%get3A_270, %get3A_271] {strides = array<i32>} : memref<3x128xi32, #tpu.memory_space<vmem>>, vector<16xi32>,
        %broadcast_in_dim3A = arith.constant 0.000000e+00 : f32
        %broadcast_in_dim3A_273 = vector.broadcast %broadcast_in_dim3A : f32 to vector<16xf32>
        %broadcast_in_dim3A_274 = arith.constant 0.000000e+00 : f32
        %broadcast_in_dim3A_275 = vector.broadcast %broadcast_in_dim3A_274 : f32 to vector<16xf32>
        %broadcast_in_dim3A_276 = arith.constant 0.000000e+00 : f32
        %broadcast_in_dim3A_277 = vector.broadcast %broadcast_in_dim3A_276 : f32 to vector<16xf32>
        %broadcast_in_dim3A_278 = arith.constant 0.000000e+00 : f32
        %broadcast_in_dim3A_279 = vector.broadcast %broadcast_in_dim3A_278 : f32 to vector<16xf32>
        %add3A_280 = arith.constant 0 : i32
        %add3A_281 = vector.broadcast %add3A_280 : i32 to vector<16xi32>
        %add3A_282 = arith.addi %iota3A, %add3A_281 : vector<16xi32>
        %and3A = arith.constant 63 : i32
        %and3A_283 = vector.broadcast %and3A : i32 to vector<16xi32>
        %and3A_284 = arith.andi %add3A_282, %and3A_283 : vector<16xi32>
        %gather3A = arith.constant 0 : i32
        %gather3A_285 = arith.constant 0 : i32
        %gather3A_286 = tpu.memref_slice %arg8[%scan3A_242, %gather3A, %gather3A_285] : memref<2x128x64xf32, #tpu.memory_space<vmem>> -> memref<1x128x64xf32, #tpu.memory_space<vmem>>
        %gather3A_287 = tpu.memref_squeeze %gather3A_286 : memref<1x128x64xf32, #tpu.memory_space<vmem>> -> memref<128x64xf32, #tpu.memory_space<vmem>>
        %gather3A_288 = tpu.vector_load_idx %gather3A_287[%add3A_263, %and3A_284] : memref<128x64xf32, #tpu.memory_space<vmem>>[vector<16xi32>, vector<16xi32>], vector<16xf32>,
        %gather3A_289 = arith.constant 0 : i32
        %gather3A_290 = arith.constant 0 : i32
        %gather3A_291 = tpu.memref_slice %arg9[%scan3A_243, %gather3A_289, %gather3A_290] : memref<2x128x64xf32, #tpu.memory_space<vmem>> -> memref<1x128x64xf32, #tpu.memory_space<vmem>>
        %gather3A_292 = tpu.memref_squeeze %gather3A_291 : memref<1x128x64xf32, #tpu.memory_space<vmem>> -> memref<128x64xf32, #tpu.memory_space<vmem>>
        %gather3A_293 = tpu.vector_load_idx %gather3A_292[%add3A_263, %and3A_284] : memref<128x64xf32, #tpu.memory_space<vmem>>[vector<16xi32>, vector<16xi32>], vector<16xf32>,
        %gather3A_294 = tpu.vector_load_idx %arg6[%get3A_272, %and3A_284] : memref<1000x64xf32, #tpu.memory_space<vmem>>[vector<16xi32>, vector<16xi32>], vector<16xf32>,
        %mul3A_295 = arith.mulf %gather3A_288, %gather3A_293 : vector<16xf32>
        %mul3A_296 = arith.mulf %mul3A_295, %gather3A_294 : vector<16xf32>
        %add3A_297 = arith.addf %broadcast_in_dim3A_273, %mul3A_296 : vector<16xf32>
        %add3A_298 = arith.constant 1 : i32
        %add3A_299 = vector.broadcast %add3A_298 : i32 to vector<16xi32>
        %add3A_300 = arith.addi %iota3A, %add3A_299 : vector<16xi32>
        %and3A_301 = arith.constant 63 : i32
        %and3A_302 = vector.broadcast %and3A_301 : i32 to vector<16xi32>
        %and3A_303 = arith.andi %add3A_300, %and3A_302 : vector<16xi32>
        %gather3A_304 = arith.constant 0 : i32
        %gather3A_305 = arith.constant 0 : i32
        %gather3A_306 = tpu.memref_slice %arg8[%scan3A_242, %gather3A_304, %gather3A_305] : memref<2x128x64xf32, #tpu.memory_space<vmem>> -> memref<1x128x64xf32, #tpu.memory_space<vmem>>
        %gather3A_307 = tpu.memref_squeeze %gather3A_306 : memref<1x128x64xf32, #tpu.memory_space<vmem>> -> memref<128x64xf32, #tpu.memory_space<vmem>>
        %gather3A_308 = tpu.vector_load_idx %gather3A_307[%add3A_263, %and3A_303] : memref<128x64xf32, #tpu.memory_space<vmem>>[vector<16xi32>, vector<16xi32>], vector<16xf32>,
        %gather3A_309 = arith.constant 0 : i32
        %gather3A_310 = arith.constant 0 : i32
        %gather3A_311 = tpu.memref_slice %arg9[%scan3A_243, %gather3A_309, %gather3A_310] : memref<2x128x64xf32, #tpu.memory_space<vmem>> -> memref<1x128x64xf32, #tpu.memory_space<vmem>>
        %gather3A_312 = tpu.memref_squeeze %gather3A_311 : memref<1x128x64xf32, #tpu.memory_space<vmem>> -> memref<128x64xf32, #tpu.memory_space<vmem>>
        %gather3A_313 = tpu.vector_load_idx %gather3A_312[%add3A_263, %and3A_303] : memref<128x64xf32, #tpu.memory_space<vmem>>[vector<16xi32>, vector<16xi32>], vector<16xf32>,
        %gather3A_314 = tpu.vector_load_idx %arg6[%get3A_272, %and3A_303] : memref<1000x64xf32, #tpu.memory_space<vmem>>[vector<16xi32>, vector<16xi32>], vector<16xf32>,
        %mul3A_315 = arith.mulf %gather3A_308, %gather3A_313 : vector<16xf32>
        %mul3A_316 = arith.mulf %mul3A_315, %gather3A_314 : vector<16xf32>
        %add3A_317 = arith.addf %broadcast_in_dim3A_275, %mul3A_316 : vector<16xf32>
        %add3A_318 = arith.constant 2 : i32
        %add3A_319 = vector.broadcast %add3A_318 : i32 to vector<16xi32>
        %add3A_320 = arith.addi %iota3A, %add3A_319 : vector<16xi32>
        %and3A_321 = arith.constant 63 : i32
        %and3A_322 = vector.broadcast %and3A_321 : i32 to vector<16xi32>
        %and3A_323 = arith.andi %add3A_320, %and3A_322 : vector<16xi32>
        %gather3A_324 = arith.constant 0 : i32
        %gather3A_325 = arith.constant 0 : i32
        %gather3A_326 = tpu.memref_slice %arg8[%scan3A_242, %gather3A_324, %gather3A_325] : memref<2x128x64xf32, #tpu.memory_space<vmem>> -> memref<1x128x64xf32, #tpu.memory_space<vmem>>
        %gather3A_327 = tpu.memref_squeeze %gather3A_326 : memref<1x128x64xf32, #tpu.memory_space<vmem>> -> memref<128x64xf32, #tpu.memory_space<vmem>>
        %gather3A_328 = tpu.vector_load_idx %gather3A_327[%add3A_263, %and3A_323] : memref<128x64xf32, #tpu.memory_space<vmem>>[vector<16xi32>, vector<16xi32>], vector<16xf32>,
        %gather3A_329 = arith.constant 0 : i32
        %gather3A_330 = arith.constant 0 : i32
        %gather3A_331 = tpu.memref_slice %arg9[%scan3A_243, %gather3A_329, %gather3A_330] : memref<2x128x64xf32, #tpu.memory_space<vmem>> -> memref<1x128x64xf32, #tpu.memory_space<vmem>>
        %gather3A_332 = tpu.memref_squeeze %gather3A_331 : memref<1x128x64xf32, #tpu.memory_space<vmem>> -> memref<128x64xf32, #tpu.memory_space<vmem>>
        %gather3A_333 = tpu.vector_load_idx %gather3A_332[%add3A_263, %and3A_323] : memref<128x64xf32, #tpu.memory_space<vmem>>[vector<16xi32>, vector<16xi32>], vector<16xf32>,
        %gather3A_334 = tpu.vector_load_idx %arg6[%get3A_272, %and3A_323] : memref<1000x64xf32, #tpu.memory_space<vmem>>[vector<16xi32>, vector<16xi32>], vector<16xf32>,
        %mul3A_335 = arith.mulf %gather3A_328, %gather3A_333 : vector<16xf32>
        %mul3A_336 = arith.mulf %mul3A_335, %gather3A_334 : vector<16xf32>
        %add3A_337 = arith.addf %broadcast_in_dim3A_277, %mul3A_336 : vector<16xf32>
        %add3A_338 = arith.constant 3 : i32
        %add3A_339 = vector.broadcast %add3A_338 : i32 to vector<16xi32>
        %add3A_340 = arith.addi %iota3A, %add3A_339 : vector<16xi32>
        %and3A_341 = arith.constant 63 : i32
        %and3A_342 = vector.broadcast %and3A_341 : i32 to vector<16xi32>
        %and3A_343 = arith.andi %add3A_340, %and3A_342 : vector<16xi32>
        %gather3A_344 = arith.constant 0 : i32
        %gather3A_345 = arith.constant 0 : i32
        %gather3A_346 = tpu.memref_slice %arg8[%scan3A_242, %gather3A_344, %gather3A_345] : memref<2x128x64xf32, #tpu.memory_space<vmem>> -> memref<1x128x64xf32, #tpu.memory_space<vmem>>
        %gather3A_347 = tpu.memref_squeeze %gather3A_346 : memref<1x128x64xf32, #tpu.memory_space<vmem>> -> memref<128x64xf32, #tpu.memory_space<vmem>>
        %gather3A_348 = tpu.vector_load_idx %gather3A_347[%add3A_263, %and3A_343] : memref<128x64xf32, #tpu.memory_space<vmem>>[vector<16xi32>, vector<16xi32>], vector<16xf32>,
        %gather3A_349 = arith.constant 0 : i32
        %gather3A_350 = arith.constant 0 : i32
        %gather3A_351 = tpu.memref_slice %arg9[%scan3A_243, %gather3A_349, %gather3A_350] : memref<2x128x64xf32, #tpu.memory_space<vmem>> -> memref<1x128x64xf32, #tpu.memory_space<vmem>>
        %gather3A_352 = tpu.memref_squeeze %gather3A_351 : memref<1x128x64xf32, #tpu.memory_space<vmem>> -> memref<128x64xf32, #tpu.memory_space<vmem>>
        %gather3A_353 = tpu.vector_load_idx %gather3A_352[%add3A_263, %and3A_343] : memref<128x64xf32, #tpu.memory_space<vmem>>[vector<16xi32>, vector<16xi32>], vector<16xf32>,
        %gather3A_354 = tpu.vector_load_idx %arg6[%get3A_272, %and3A_343] : memref<1000x64xf32, #tpu.memory_space<vmem>>[vector<16xi32>, vector<16xi32>], vector<16xf32>,
        %mul3A_355 = arith.mulf %gather3A_348, %gather3A_353 : vector<16xf32>
        %mul3A_356 = arith.mulf %mul3A_355, %gather3A_354 : vector<16xf32>
        %add3A_357 = arith.addf %broadcast_in_dim3A_279, %mul3A_356 : vector<16xf32>
        %add3A_358 = arith.constant 4 : i32
        %add3A_359 = vector.broadcast %add3A_358 : i32 to vector<16xi32>
        %add3A_360 = arith.addi %iota3A, %add3A_359 : vector<16xi32>
        %and3A_361 = arith.constant 63 : i32
        %and3A_362 = vector.broadcast %and3A_361 : i32 to vector<16xi32>
        %and3A_363 = arith.andi %add3A_360, %and3A_362 : vector<16xi32>
        %gather3A_364 = arith.constant 0 : i32
        %gather3A_365 = arith.constant 0 : i32
        %gather3A_366 = tpu.memref_slice %arg8[%scan3A_242, %gather3A_364, %gather3A_365] : memref<2x128x64xf32, #tpu.memory_space<vmem>> -> memref<1x128x64xf32, #tpu.memory_space<vmem>>
        %gather3A_367 = tpu.memref_squeeze %gather3A_366 : memref<1x128x64xf32, #tpu.memory_space<vmem>> -> memref<128x64xf32, #tpu.memory_space<vmem>>
        %gather3A_368 = tpu.vector_load_idx %gather3A_367[%add3A_263, %and3A_363] : memref<128x64xf32, #tpu.memory_space<vmem>>[vector<16xi32>, vector<16xi32>], vector<16xf32>,
        %gather3A_369 = arith.constant 0 : i32
        %gather3A_370 = arith.constant 0 : i32
        %gather3A_371 = tpu.memref_slice %arg9[%scan3A_243, %gather3A_369, %gather3A_370] : memref<2x128x64xf32, #tpu.memory_space<vmem>> -> memref<1x128x64xf32, #tpu.memory_space<vmem>>
        %gather3A_372 = tpu.memref_squeeze %gather3A_371 : memref<1x128x64xf32, #tpu.memory_space<vmem>> -> memref<128x64xf32, #tpu.memory_space<vmem>>
        %gather3A_373 = tpu.vector_load_idx %gather3A_372[%add3A_263, %and3A_363] : memref<128x64xf32, #tpu.memory_space<vmem>>[vector<16xi32>, vector<16xi32>], vector<16xf32>,
        %gather3A_374 = tpu.vector_load_idx %arg6[%get3A_272, %and3A_363] : memref<1000x64xf32, #tpu.memory_space<vmem>>[vector<16xi32>, vector<16xi32>], vector<16xf32>,
        %mul3A_375 = arith.mulf %gather3A_368, %gather3A_373 : vector<16xf32>
        %mul3A_376 = arith.mulf %mul3A_375, %gather3A_374 : vector<16xf32>
        %add3A_377 = arith.addf %add3A_297, %mul3A_376 : vector<16xf32>
        %add3A_378 = arith.constant 5 : i32
        %add3A_379 = vector.broadcast %add3A_378 : i32 to vector<16xi32>
        %add3A_380 = arith.addi %iota3A, %add3A_379 : vector<16xi32>
        %and3A_381 = arith.constant 63 : i32
        %and3A_382 = vector.broadcast %and3A_381 : i32 to vector<16xi32>
        %and3A_383 = arith.andi %add3A_380, %and3A_382 : vector<16xi32>
        %gather3A_384 = arith.constant 0 : i32
        %gather3A_385 = arith.constant 0 : i32
        %gather3A_386 = tpu.memref_slice %arg8[%scan3A_242, %gather3A_384, %gather3A_385] : memref<2x128x64xf32, #tpu.memory_space<vmem>> -> memref<1x128x64xf32, #tpu.memory_space<vmem>>
        %gather3A_387 = tpu.memref_squeeze %gather3A_386 : memref<1x128x64xf32, #tpu.memory_space<vmem>> -> memref<128x64xf32, #tpu.memory_space<vmem>>
        %gather3A_388 = tpu.vector_load_idx %gather3A_387[%add3A_263, %and3A_383] : memref<128x64xf32, #tpu.memory_space<vmem>>[vector<16xi32>, vector<16xi32>], vector<16xf32>,
        %gather3A_389 = arith.constant 0 : i32
        %gather3A_390 = arith.constant 0 : i32
        %gather3A_391 = tpu.memref_slice %arg9[%scan3A_243, %gather3A_389, %gather3A_390] : memref<2x128x64xf32, #tpu.memory_space<vmem>> -> memref<1x128x64xf32, #tpu.memory_space<vmem>>
        %gather3A_392 = tpu.memref_squeeze %gather3A_391 : memref<1x128x64xf32, #tpu.memory_space<vmem>> -> memref<128x64xf32, #tpu.memory_space<vmem>>
        %gather3A_393 = tpu.vector_load_idx %gather3A_392[%add3A_263, %and3A_383] : memref<128x64xf32, #tpu.memory_space<vmem>>[vector<16xi32>, vector<16xi32>], vector<16xf32>,
        %gather3A_394 = tpu.vector_load_idx %arg6[%get3A_272, %and3A_383] : memref<1000x64xf32, #tpu.memory_space<vmem>>[vector<16xi32>, vector<16xi32>], vector<16xf32>,
        %mul3A_395 = arith.mulf %gather3A_388, %gather3A_393 : vector<16xf32>
        %mul3A_396 = arith.mulf %mul3A_395, %gather3A_394 : vector<16xf32>
        %add3A_397 = arith.addf %add3A_317, %mul3A_396 : vector<16xf32>
        %add3A_398 = arith.constant 6 : i32
        %add3A_399 = vector.broadcast %add3A_398 : i32 to vector<16xi32>
        %add3A_400 = arith.addi %iota3A, %add3A_399 : vector<16xi32>
        %and3A_401 = arith.constant 63 : i32
        %and3A_402 = vector.broadcast %and3A_401 : i32 to vector<16xi32>
        %and3A_403 = arith.andi %add3A_400, %and3A_402 : vector<16xi32>
        %gather3A_404 = arith.constant 0 : i32
        %gather3A_405 = arith.constant 0 : i32
        %gather3A_406 = tpu.memref_slice %arg8[%scan3A_242, %gather3A_404, %gather3A_405] : memref<2x128x64xf32, #tpu.memory_space<vmem>> -> memref<1x128x64xf32, #tpu.memory_space<vmem>>
        %gather3A_407 = tpu.memref_squeeze %gather3A_406 : memref<1x128x64xf32, #tpu.memory_space<vmem>> -> memref<128x64xf32, #tpu.memory_space<vmem>>
        %gather3A_408 = tpu.vector_load_idx %gather3A_407[%add3A_263, %and3A_403] : memref<128x64xf32, #tpu.memory_space<vmem>>[vector<16xi32>, vector<16xi32>], vector<16xf32>,
        %gather3A_409 = arith.constant 0 : i32
        %gather3A_410 = arith.constant 0 : i32
        %gather3A_411 = tpu.memref_slice %arg9[%scan3A_243, %gather3A_409, %gather3A_410] : memref<2x128x64xf32, #tpu.memory_space<vmem>> -> memref<1x128x64xf32, #tpu.memory_space<vmem>>
        %gather3A_412 = tpu.memref_squeeze %gather3A_411 : memref<1x128x64xf32, #tpu.memory_space<vmem>> -> memref<128x64xf32, #tpu.memory_space<vmem>>
        %gather3A_413 = tpu.vector_load_idx %gather3A_412[%add3A_263, %and3A_403] : memref<128x64xf32, #tpu.memory_space<vmem>>[vector<16xi32>, vector<16xi32>], vector<16xf32>,
        %gather3A_414 = tpu.vector_load_idx %arg6[%get3A_272, %and3A_403] : memref<1000x64xf32, #tpu.memory_space<vmem>>[vector<16xi32>, vector<16xi32>], vector<16xf32>,
        %mul3A_415 = arith.mulf %gather3A_408, %gather3A_413 : vector<16xf32>
        %mul3A_416 = arith.mulf %mul3A_415, %gather3A_414 : vector<16xf32>
        %add3A_417 = arith.addf %add3A_337, %mul3A_416 : vector<16xf32>
        %add3A_418 = arith.constant 7 : i32
        %add3A_419 = vector.broadcast %add3A_418 : i32 to vector<16xi32>
        %add3A_420 = arith.addi %iota3A, %add3A_419 : vector<16xi32>
        %and3A_421 = arith.constant 63 : i32
        %and3A_422 = vector.broadcast %and3A_421 : i32 to vector<16xi32>
        %and3A_423 = arith.andi %add3A_420, %and3A_422 : vector<16xi32>
        %gather3A_424 = arith.constant 0 : i32
        %gather3A_425 = arith.constant 0 : i32
        %gather3A_426 = tpu.memref_slice %arg8[%scan3A_242, %gather3A_424, %gather3A_425] : memref<2x128x64xf32, #tpu.memory_space<vmem>> -> memref<1x128x64xf32, #tpu.memory_space<vmem>>
        %gather3A_427 = tpu.memref_squeeze %gather3A_426 : memref<1x128x64xf32, #tpu.memory_space<vmem>> -> memref<128x64xf32, #tpu.memory_space<vmem>>
        %gather3A_428 = tpu.vector_load_idx %gather3A_427[%add3A_263, %and3A_423] : memref<128x64xf32, #tpu.memory_space<vmem>>[vector<16xi32>, vector<16xi32>], vector<16xf32>,
        %gather3A_429 = arith.constant 0 : i32
        %gather3A_430 = arith.constant 0 : i32
        %gather3A_431 = tpu.memref_slice %arg9[%scan3A_243, %gather3A_429, %gather3A_430] : memref<2x128x64xf32, #tpu.memory_space<vmem>> -> memref<1x128x64xf32, #tpu.memory_space<vmem>>
        %gather3A_432 = tpu.memref_squeeze %gather3A_431 : memref<1x128x64xf32, #tpu.memory_space<vmem>> -> memref<128x64xf32, #tpu.memory_space<vmem>>
        %gather3A_433 = tpu.vector_load_idx %gather3A_432[%add3A_263, %and3A_423] : memref<128x64xf32, #tpu.memory_space<vmem>>[vector<16xi32>, vector<16xi32>], vector<16xf32>,
        %gather3A_434 = tpu.vector_load_idx %arg6[%get3A_272, %and3A_423] : memref<1000x64xf32, #tpu.memory_space<vmem>>[vector<16xi32>, vector<16xi32>], vector<16xf32>,
        %mul3A_435 = arith.mulf %gather3A_428, %gather3A_433 : vector<16xf32>
        %mul3A_436 = arith.mulf %mul3A_435, %gather3A_434 : vector<16xf32>
        %add3A_437 = arith.addf %add3A_357, %mul3A_436 : vector<16xf32>
        %add3A_438 = arith.constant 8 : i32
        %add3A_439 = vector.broadcast %add3A_438 : i32 to vector<16xi32>
        %add3A_440 = arith.addi %iota3A, %add3A_439 : vector<16xi32>
        %and3A_441 = arith.constant 63 : i32
        %and3A_442 = vector.broadcast %and3A_441 : i32 to vector<16xi32>
        %and3A_443 = arith.andi %add3A_440, %and3A_442 : vector<16xi32>
        %gather3A_444 = arith.constant 0 : i32
        %gather3A_445 = arith.constant 0 : i32
        %gather3A_446 = tpu.memref_slice %arg8[%scan3A_242, %gather3A_444, %gather3A_445] : memref<2x128x64xf32, #tpu.memory_space<vmem>> -> memref<1x128x64xf32, #tpu.memory_space<vmem>>
        %gather3A_447 = tpu.memref_squeeze %gather3A_446 : memref<1x128x64xf32, #tpu.memory_space<vmem>> -> memref<128x64xf32, #tpu.memory_space<vmem>>
        %gather3A_448 = tpu.vector_load_idx %gather3A_447[%add3A_263, %and3A_443] : memref<128x64xf32, #tpu.memory_space<vmem>>[vector<16xi32>, vector<16xi32>], vector<16xf32>,
        %gather3A_449 = arith.constant 0 : i32
        %gather3A_450 = arith.constant 0 : i32
        %gather3A_451 = tpu.memref_slice %arg9[%scan3A_243, %gather3A_449, %gather3A_450] : memref<2x128x64xf32, #tpu.memory_space<vmem>> -> memref<1x128x64xf32, #tpu.memory_space<vmem>>
        %gather3A_452 = tpu.memref_squeeze %gather3A_451 : memref<1x128x64xf32, #tpu.memory_space<vmem>> -> memref<128x64xf32, #tpu.memory_space<vmem>>
        %gather3A_453 = tpu.vector_load_idx %gather3A_452[%add3A_263, %and3A_443] : memref<128x64xf32, #tpu.memory_space<vmem>>[vector<16xi32>, vector<16xi32>], vector<16xf32>,
        %gather3A_454 = tpu.vector_load_idx %arg6[%get3A_272, %and3A_443] : memref<1000x64xf32, #tpu.memory_space<vmem>>[vector<16xi32>, vector<16xi32>], vector<16xf32>,
        %mul3A_455 = arith.mulf %gather3A_448, %gather3A_453 : vector<16xf32>
        %mul3A_456 = arith.mulf %mul3A_455, %gather3A_454 : vector<16xf32>
        %add3A_457 = arith.addf %add3A_377, %mul3A_456 : vector<16xf32>
        %add3A_458 = arith.constant 9 : i32
        %add3A_459 = vector.broadcast %add3A_458 : i32 to vector<16xi32>
        %add3A_460 = arith.addi %iota3A, %add3A_459 : vector<16xi32>
        %and3A_461 = arith.constant 63 : i32
        %and3A_462 = vector.broadcast %and3A_461 : i32 to vector<16xi32>
        %and3A_463 = arith.andi %add3A_460, %and3A_462 : vector<16xi32>
        %gather3A_464 = arith.constant 0 : i32
        %gather3A_465 = arith.constant 0 : i32
        %gather3A_466 = tpu.memref_slice %arg8[%scan3A_242, %gather3A_464, %gather3A_465] : memref<2x128x64xf32, #tpu.memory_space<vmem>> -> memref<1x128x64xf32, #tpu.memory_space<vmem>>
        %gather3A_467 = tpu.memref_squeeze %gather3A_466 : memref<1x128x64xf32, #tpu.memory_space<vmem>> -> memref<128x64xf32, #tpu.memory_space<vmem>>
        %gather3A_468 = tpu.vector_load_idx %gather3A_467[%add3A_263, %and3A_463] : memref<128x64xf32, #tpu.memory_space<vmem>>[vector<16xi32>, vector<16xi32>], vector<16xf32>,
        %gather3A_469 = arith.constant 0 : i32
        %gather3A_470 = arith.constant 0 : i32
        %gather3A_471 = tpu.memref_slice %arg9[%scan3A_243, %gather3A_469, %gather3A_470] : memref<2x128x64xf32, #tpu.memory_space<vmem>> -> memref<1x128x64xf32, #tpu.memory_space<vmem>>
        %gather3A_472 = tpu.memref_squeeze %gather3A_471 : memref<1x128x64xf32, #tpu.memory_space<vmem>> -> memref<128x64xf32, #tpu.memory_space<vmem>>
        %gather3A_473 = tpu.vector_load_idx %gather3A_472[%add3A_263, %and3A_463] : memref<128x64xf32, #tpu.memory_space<vmem>>[vector<16xi32>, vector<16xi32>], vector<16xf32>,
        %gather3A_474 = tpu.vector_load_idx %arg6[%get3A_272, %and3A_463] : memref<1000x64xf32, #tpu.memory_space<vmem>>[vector<16xi32>, vector<16xi32>], vector<16xf32>,
        %mul3A_475 = arith.mulf %gather3A_468, %gather3A_473 : vector<16xf32>
        %mul3A_476 = arith.mulf %mul3A_475, %gather3A_474 : vector<16xf32>
        %add3A_477 = arith.addf %add3A_397, %mul3A_476 : vector<16xf32>
        %add3A_478 = arith.constant 10 : i32
        %add3A_479 = vector.broadcast %add3A_478 : i32 to vector<16xi32>
        %add3A_480 = arith.addi %iota3A, %add3A_479 : vector<16xi32>
        %and3A_481 = arith.constant 63 : i32
        %and3A_482 = vector.broadcast %and3A_481 : i32 to vector<16xi32>
        %and3A_483 = arith.andi %add3A_480, %and3A_482 : vector<16xi32>
        %gather3A_484 = arith.constant 0 : i32
        %gather3A_485 = arith.constant 0 : i32
        %gather3A_486 = tpu.memref_slice %arg8[%scan3A_242, %gather3A_484, %gather3A_485] : memref<2x128x64xf32, #tpu.memory_space<vmem>> -> memref<1x128x64xf32, #tpu.memory_space<vmem>>
        %gather3A_487 = tpu.memref_squeeze %gather3A_486 : memref<1x128x64xf32, #tpu.memory_space<vmem>> -> memref<128x64xf32, #tpu.memory_space<vmem>>
        %gather3A_488 = tpu.vector_load_idx %gather3A_487[%add3A_263, %and3A_483] : memref<128x64xf32, #tpu.memory_space<vmem>>[vector<16xi32>, vector<16xi32>], vector<16xf32>,
        %gather3A_489 = arith.constant 0 : i32
        %gather3A_490 = arith.constant 0 : i32
        %gather3A_491 = tpu.memref_slice %arg9[%scan3A_243, %gather3A_489, %gather3A_490] : memref<2x128x64xf32, #tpu.memory_space<vmem>> -> memref<1x128x64xf32, #tpu.memory_space<vmem>>
        %gather3A_492 = tpu.memref_squeeze %gather3A_491 : memref<1x128x64xf32, #tpu.memory_space<vmem>> -> memref<128x64xf32, #tpu.memory_space<vmem>>
        %gather3A_493 = tpu.vector_load_idx %gather3A_492[%add3A_263, %and3A_483] : memref<128x64xf32, #tpu.memory_space<vmem>>[vector<16xi32>, vector<16xi32>], vector<16xf32>,
        %gather3A_494 = tpu.vector_load_idx %arg6[%get3A_272, %and3A_483] : memref<1000x64xf32, #tpu.memory_space<vmem>>[vector<16xi32>, vector<16xi32>], vector<16xf32>,
        %mul3A_495 = arith.mulf %gather3A_488, %gather3A_493 : vector<16xf32>
        %mul3A_496 = arith.mulf %mul3A_495, %gather3A_494 : vector<16xf32>
        %add3A_497 = arith.addf %add3A_417, %mul3A_496 : vector<16xf32>
        %add3A_498 = arith.constant 11 : i32
        %add3A_499 = vector.broadcast %add3A_498 : i32 to vector<16xi32>
        %add3A_500 = arith.addi %iota3A, %add3A_499 : vector<16xi32>
        %and3A_501 = arith.constant 63 : i32
        %and3A_502 = vector.broadcast %and3A_501 : i32 to vector<16xi32>
        %and3A_503 = arith.andi %add3A_500, %and3A_502 : vector<16xi32>
        %gather3A_504 = arith.constant 0 : i32
        %gather3A_505 = arith.constant 0 : i32
        %gather3A_506 = tpu.memref_slice %arg8[%scan3A_242, %gather3A_504, %gather3A_505] : memref<2x128x64xf32, #tpu.memory_space<vmem>> -> memref<1x128x64xf32, #tpu.memory_space<vmem>>
        %gather3A_507 = tpu.memref_squeeze %gather3A_506 : memref<1x128x64xf32, #tpu.memory_space<vmem>> -> memref<128x64xf32, #tpu.memory_space<vmem>>
        %gather3A_508 = tpu.vector_load_idx %gather3A_507[%add3A_263, %and3A_503] : memref<128x64xf32, #tpu.memory_space<vmem>>[vector<16xi32>, vector<16xi32>], vector<16xf32>,
        %gather3A_509 = arith.constant 0 : i32
        %gather3A_510 = arith.constant 0 : i32
        %gather3A_511 = tpu.memref_slice %arg9[%scan3A_243, %gather3A_509, %gather3A_510] : memref<2x128x64xf32, #tpu.memory_space<vmem>> -> memref<1x128x64xf32, #tpu.memory_space<vmem>>
        %gather3A_512 = tpu.memref_squeeze %gather3A_511 : memref<1x128x64xf32, #tpu.memory_space<vmem>> -> memref<128x64xf32, #tpu.memory_space<vmem>>
        %gather3A_513 = tpu.vector_load_idx %gather3A_512[%add3A_263, %and3A_503] : memref<128x64xf32, #tpu.memory_space<vmem>>[vector<16xi32>, vector<16xi32>], vector<16xf32>,
        %gather3A_514 = tpu.vector_load_idx %arg6[%get3A_272, %and3A_503] : memref<1000x64xf32, #tpu.memory_space<vmem>>[vector<16xi32>, vector<16xi32>], vector<16xf32>,
        %mul3A_515 = arith.mulf %gather3A_508, %gather3A_513 : vector<16xf32>
        %mul3A_516 = arith.mulf %mul3A_515, %gather3A_514 : vector<16xf32>
        %add3A_517 = arith.addf %add3A_437, %mul3A_516 : vector<16xf32>
        %add3A_518 = arith.constant 12 : i32
        %add3A_519 = vector.broadcast %add3A_518 : i32 to vector<16xi32>
        %add3A_520 = arith.addi %iota3A, %add3A_519 : vector<16xi32>
        %and3A_521 = arith.constant 63 : i32
        %and3A_522 = vector.broadcast %and3A_521 : i32 to vector<16xi32>
        %and3A_523 = arith.andi %add3A_520, %and3A_522 : vector<16xi32>
        %gather3A_524 = arith.constant 0 : i32
        %gather3A_525 = arith.constant 0 : i32
        %gather3A_526 = tpu.memref_slice %arg8[%scan3A_242, %gather3A_524, %gather3A_525] : memref<2x128x64xf32, #tpu.memory_space<vmem>> -> memref<1x128x64xf32, #tpu.memory_space<vmem>>
        %gather3A_527 = tpu.memref_squeeze %gather3A_526 : memref<1x128x64xf32, #tpu.memory_space<vmem>> -> memref<128x64xf32, #tpu.memory_space<vmem>>
        %gather3A_528 = tpu.vector_load_idx %gather3A_527[%add3A_263, %and3A_523] : memref<128x64xf32, #tpu.memory_space<vmem>>[vector<16xi32>, vector<16xi32>], vector<16xf32>,
        %gather3A_529 = arith.constant 0 : i32
        %gather3A_530 = arith.constant 0 : i32
        %gather3A_531 = tpu.memref_slice %arg9[%scan3A_243, %gather3A_529, %gather3A_530] : memref<2x128x64xf32, #tpu.memory_space<vmem>> -> memref<1x128x64xf32, #tpu.memory_space<vmem>>
        %gather3A_532 = tpu.memref_squeeze %gather3A_531 : memref<1x128x64xf32, #tpu.memory_space<vmem>> -> memref<128x64xf32, #tpu.memory_space<vmem>>
        %gather3A_533 = tpu.vector_load_idx %gather3A_532[%add3A_263, %and3A_523] : memref<128x64xf32, #tpu.memory_space<vmem>>[vector<16xi32>, vector<16xi32>], vector<16xf32>,
        %gather3A_534 = tpu.vector_load_idx %arg6[%get3A_272, %and3A_523] : memref<1000x64xf32, #tpu.memory_space<vmem>>[vector<16xi32>, vector<16xi32>], vector<16xf32>,
        %mul3A_535 = arith.mulf %gather3A_528, %gather3A_533 : vector<16xf32>
        %mul3A_536 = arith.mulf %mul3A_535, %gather3A_534 : vector<16xf32>
        %add3A_537 = arith.addf %add3A_457, %mul3A_536 : vector<16xf32>
        %add3A_538 = arith.constant 13 : i32
        %add3A_539 = vector.broadcast %add3A_538 : i32 to vector<16xi32>
        %add3A_540 = arith.addi %iota3A, %add3A_539 : vector<16xi32>
        %and3A_541 = arith.constant 63 : i32
        %and3A_542 = vector.broadcast %and3A_541 : i32 to vector<16xi32>
        %and3A_543 = arith.andi %add3A_540, %and3A_542 : vector<16xi32>
        %gather3A_544 = arith.constant 0 : i32
        %gather3A_545 = arith.constant 0 : i32
        %gather3A_546 = tpu.memref_slice %arg8[%scan3A_242, %gather3A_544, %gather3A_545] : memref<2x128x64xf32, #tpu.memory_space<vmem>> -> memref<1x128x64xf32, #tpu.memory_space<vmem>>
        %gather3A_547 = tpu.memref_squeeze %gather3A_546 : memref<1x128x64xf32, #tpu.memory_space<vmem>> -> memref<128x64xf32, #tpu.memory_space<vmem>>
        %gather3A_548 = tpu.vector_load_idx %gather3A_547[%add3A_263, %and3A_543] : memref<128x64xf32, #tpu.memory_space<vmem>>[vector<16xi32>, vector<16xi32>], vector<16xf32>,
        %gather3A_549 = arith.constant 0 : i32
        %gather3A_550 = arith.constant 0 : i32
        %gather3A_551 = tpu.memref_slice %arg9[%scan3A_243, %gather3A_549, %gather3A_550] : memref<2x128x64xf32, #tpu.memory_space<vmem>> -> memref<1x128x64xf32, #tpu.memory_space<vmem>>
        %gather3A_552 = tpu.memref_squeeze %gather3A_551 : memref<1x128x64xf32, #tpu.memory_space<vmem>> -> memref<128x64xf32, #tpu.memory_space<vmem>>
        %gather3A_553 = tpu.vector_load_idx %gather3A_552[%add3A_263, %and3A_543] : memref<128x64xf32, #tpu.memory_space<vmem>>[vector<16xi32>, vector<16xi32>], vector<16xf32>,
        %gather3A_554 = tpu.vector_load_idx %arg6[%get3A_272, %and3A_543] : memref<1000x64xf32, #tpu.memory_space<vmem>>[vector<16xi32>, vector<16xi32>], vector<16xf32>,
        %mul3A_555 = arith.mulf %gather3A_548, %gather3A_553 : vector<16xf32>
        %mul3A_556 = arith.mulf %mul3A_555, %gather3A_554 : vector<16xf32>
        %add3A_557 = arith.addf %add3A_477, %mul3A_556 : vector<16xf32>
        %add3A_558 = arith.constant 14 : i32
        %add3A_559 = vector.broadcast %add3A_558 : i32 to vector<16xi32>
        %add3A_560 = arith.addi %iota3A, %add3A_559 : vector<16xi32>
        %and3A_561 = arith.constant 63 : i32
        %and3A_562 = vector.broadcast %and3A_561 : i32 to vector<16xi32>
        %and3A_563 = arith.andi %add3A_560, %and3A_562 : vector<16xi32>
        %gather3A_564 = arith.constant 0 : i32
        %gather3A_565 = arith.constant 0 : i32
        %gather3A_566 = tpu.memref_slice %arg8[%scan3A_242, %gather3A_564, %gather3A_565] : memref<2x128x64xf32, #tpu.memory_space<vmem>> -> memref<1x128x64xf32, #tpu.memory_space<vmem>>
        %gather3A_567 = tpu.memref_squeeze %gather3A_566 : memref<1x128x64xf32, #tpu.memory_space<vmem>> -> memref<128x64xf32, #tpu.memory_space<vmem>>
        %gather3A_568 = tpu.vector_load_idx %gather3A_567[%add3A_263, %and3A_563] : memref<128x64xf32, #tpu.memory_space<vmem>>[vector<16xi32>, vector<16xi32>], vector<16xf32>,
        %gather3A_569 = arith.constant 0 : i32
        %gather3A_570 = arith.constant 0 : i32
        %gather3A_571 = tpu.memref_slice %arg9[%scan3A_243, %gather3A_569, %gather3A_570] : memref<2x128x64xf32, #tpu.memory_space<vmem>> -> memref<1x128x64xf32, #tpu.memory_space<vmem>>
        %gather3A_572 = tpu.memref_squeeze %gather3A_571 : memref<1x128x64xf32, #tpu.memory_space<vmem>> -> memref<128x64xf32, #tpu.memory_space<vmem>>
        %gather3A_573 = tpu.vector_load_idx %gather3A_572[%add3A_263, %and3A_563] : memref<128x64xf32, #tpu.memory_space<vmem>>[vector<16xi32>, vector<16xi32>], vector<16xf32>,
        %gather3A_574 = tpu.vector_load_idx %arg6[%get3A_272, %and3A_563] : memref<1000x64xf32, #tpu.memory_space<vmem>>[vector<16xi32>, vector<16xi32>], vector<16xf32>,
        %mul3A_575 = arith.mulf %gather3A_568, %gather3A_573 : vector<16xf32>
        %mul3A_576 = arith.mulf %mul3A_575, %gather3A_574 : vector<16xf32>
        %add3A_577 = arith.addf %add3A_497, %mul3A_576 : vector<16xf32>
        %add3A_578 = arith.constant 15 : i32
        %add3A_579 = vector.broadcast %add3A_578 : i32 to vector<16xi32>
        %add3A_580 = arith.addi %iota3A, %add3A_579 : vector<16xi32>
        %and3A_581 = arith.constant 63 : i32
        %and3A_582 = vector.broadcast %and3A_581 : i32 to vector<16xi32>
        %and3A_583 = arith.andi %add3A_580, %and3A_582 : vector<16xi32>
        %gather3A_584 = arith.constant 0 : i32
        %gather3A_585 = arith.constant 0 : i32
        %gather3A_586 = tpu.memref_slice %arg8[%scan3A_242, %gather3A_584, %gather3A_585] : memref<2x128x64xf32, #tpu.memory_space<vmem>> -> memref<1x128x64xf32, #tpu.memory_space<vmem>>
        %gather3A_587 = tpu.memref_squeeze %gather3A_586 : memref<1x128x64xf32, #tpu.memory_space<vmem>> -> memref<128x64xf32, #tpu.memory_space<vmem>>
        %gather3A_588 = tpu.vector_load_idx %gather3A_587[%add3A_263, %and3A_583] : memref<128x64xf32, #tpu.memory_space<vmem>>[vector<16xi32>, vector<16xi32>], vector<16xf32>,
        %gather3A_589 = arith.constant 0 : i32
        %gather3A_590 = arith.constant 0 : i32
        %gather3A_591 = tpu.memref_slice %arg9[%scan3A_243, %gather3A_589, %gather3A_590] : memref<2x128x64xf32, #tpu.memory_space<vmem>> -> memref<1x128x64xf32, #tpu.memory_space<vmem>>
        %gather3A_592 = tpu.memref_squeeze %gather3A_591 : memref<1x128x64xf32, #tpu.memory_space<vmem>> -> memref<128x64xf32, #tpu.memory_space<vmem>>
        %gather3A_593 = tpu.vector_load_idx %gather3A_592[%add3A_263, %and3A_583] : memref<128x64xf32, #tpu.memory_space<vmem>>[vector<16xi32>, vector<16xi32>], vector<16xf32>,
        %gather3A_594 = tpu.vector_load_idx %arg6[%get3A_272, %and3A_583] : memref<1000x64xf32, #tpu.memory_space<vmem>>[vector<16xi32>, vector<16xi32>], vector<16xf32>,
        %mul3A_595 = arith.mulf %gather3A_588, %gather3A_593 : vector<16xf32>
        %mul3A_596 = arith.mulf %mul3A_595, %gather3A_594 : vector<16xf32>
        %add3A_597 = arith.addf %add3A_517, %mul3A_596 : vector<16xf32>
        %add3A_598 = arith.constant 16 : i32
        %add3A_599 = vector.broadcast %add3A_598 : i32 to vector<16xi32>
        %add3A_600 = arith.addi %iota3A, %add3A_599 : vector<16xi32>
        %and3A_601 = arith.constant 63 : i32
        %and3A_602 = vector.broadcast %and3A_601 : i32 to vector<16xi32>
        %and3A_603 = arith.andi %add3A_600, %and3A_602 : vector<16xi32>
        %gather3A_604 = arith.constant 0 : i32
        %gather3A_605 = arith.constant 0 : i32
        %gather3A_606 = tpu.memref_slice %arg8[%scan3A_242, %gather3A_604, %gather3A_605] : memref<2x128x64xf32, #tpu.memory_space<vmem>> -> memref<1x128x64xf32, #tpu.memory_space<vmem>>
        %gather3A_607 = tpu.memref_squeeze %gather3A_606 : memref<1x128x64xf32, #tpu.memory_space<vmem>> -> memref<128x64xf32, #tpu.memory_space<vmem>>
        %gather3A_608 = tpu.vector_load_idx %gather3A_607[%add3A_263, %and3A_603] : memref<128x64xf32, #tpu.memory_space<vmem>>[vector<16xi32>, vector<16xi32>], vector<16xf32>,
        %gather3A_609 = arith.constant 0 : i32
        %gather3A_610 = arith.constant 0 : i32
        %gather3A_611 = tpu.memref_slice %arg9[%scan3A_243, %gather3A_609, %gather3A_610] : memref<2x128x64xf32, #tpu.memory_space<vmem>> -> memref<1x128x64xf32, #tpu.memory_space<vmem>>
        %gather3A_612 = tpu.memref_squeeze %gather3A_611 : memref<1x128x64xf32, #tpu.memory_space<vmem>> -> memref<128x64xf32, #tpu.memory_space<vmem>>
        %gather3A_613 = tpu.vector_load_idx %gather3A_612[%add3A_263, %and3A_603] : memref<128x64xf32, #tpu.memory_space<vmem>>[vector<16xi32>, vector<16xi32>], vector<16xf32>,
        %gather3A_614 = tpu.vector_load_idx %arg6[%get3A_272, %and3A_603] : memref<1000x64xf32, #tpu.memory_space<vmem>>[vector<16xi32>, vector<16xi32>], vector<16xf32>,
        %mul3A_615 = arith.mulf %gather3A_608, %gather3A_613 : vector<16xf32>
        %mul3A_616 = arith.mulf %mul3A_615, %gather3A_614 : vector<16xf32>
        %add3A_617 = arith.addf %add3A_537, %mul3A_616 : vector<16xf32>
        %add3A_618 = arith.constant 17 : i32
        %add3A_619 = vector.broadcast %add3A_618 : i32 to vector<16xi32>
        %add3A_620 = arith.addi %iota3A, %add3A_619 : vector<16xi32>
        %and3A_621 = arith.constant 63 : i32
        %and3A_622 = vector.broadcast %and3A_621 : i32 to vector<16xi32>
        %and3A_623 = arith.andi %add3A_620, %and3A_622 : vector<16xi32>
        %gather3A_624 = arith.constant 0 : i32
        %gather3A_625 = arith.constant 0 : i32
        %gather3A_626 = tpu.memref_slice %arg8[%scan3A_242, %gather3A_624, %gather3A_625] : memref<2x128x64xf32, #tpu.memory_space<vmem>> -> memref<1x128x64xf32, #tpu.memory_space<vmem>>
        %gather3A_627 = tpu.memref_squeeze %gather3A_626 : memref<1x128x64xf32, #tpu.memory_space<vmem>> -> memref<128x64xf32, #tpu.memory_space<vmem>>
        %gather3A_628 = tpu.vector_load_idx %gather3A_627[%add3A_263, %and3A_623] : memref<128x64xf32, #tpu.memory_space<vmem>>[vector<16xi32>, vector<16xi32>], vector<16xf32>,
        %gather3A_629 = arith.constant 0 : i32
        %gather3A_630 = arith.constant 0 : i32
        %gather3A_631 = tpu.memref_slice %arg9[%scan3A_243, %gather3A_629, %gather3A_630] : memref<2x128x64xf32, #tpu.memory_space<vmem>> -> memref<1x128x64xf32, #tpu.memory_space<vmem>>
        %gather3A_632 = tpu.memref_squeeze %gather3A_631 : memref<1x128x64xf32, #tpu.memory_space<vmem>> -> memref<128x64xf32, #tpu.memory_space<vmem>>
        %gather3A_633 = tpu.vector_load_idx %gather3A_632[%add3A_263, %and3A_623] : memref<128x64xf32, #tpu.memory_space<vmem>>[vector<16xi32>, vector<16xi32>], vector<16xf32>,
        %gather3A_634 = tpu.vector_load_idx %arg6[%get3A_272, %and3A_623] : memref<1000x64xf32, #tpu.memory_space<vmem>>[vector<16xi32>, vector<16xi32>], vector<16xf32>,
        %mul3A_635 = arith.mulf %gather3A_628, %gather3A_633 : vector<16xf32>
        %mul3A_636 = arith.mulf %mul3A_635, %gather3A_634 : vector<16xf32>
        %add3A_637 = arith.addf %add3A_557, %mul3A_636 : vector<16xf32>
        %add3A_638 = arith.constant 18 : i32
        %add3A_639 = vector.broadcast %add3A_638 : i32 to vector<16xi32>
        %add3A_640 = arith.addi %iota3A, %add3A_639 : vector<16xi32>
        %and3A_641 = arith.constant 63 : i32
        %and3A_642 = vector.broadcast %and3A_641 : i32 to vector<16xi32>
        %and3A_643 = arith.andi %add3A_640, %and3A_642 : vector<16xi32>
        %gather3A_644 = arith.constant 0 : i32
        %gather3A_645 = arith.constant 0 : i32
        %gather3A_646 = tpu.memref_slice %arg8[%scan3A_242, %gather3A_644, %gather3A_645] : memref<2x128x64xf32, #tpu.memory_space<vmem>> -> memref<1x128x64xf32, #tpu.memory_space<vmem>>
        %gather3A_647 = tpu.memref_squeeze %gather3A_646 : memref<1x128x64xf32, #tpu.memory_space<vmem>> -> memref<128x64xf32, #tpu.memory_space<vmem>>
        %gather3A_648 = tpu.vector_load_idx %gather3A_647[%add3A_263, %and3A_643] : memref<128x64xf32, #tpu.memory_space<vmem>>[vector<16xi32>, vector<16xi32>], vector<16xf32>,
        %gather3A_649 = arith.constant 0 : i32
        %gather3A_650 = arith.constant 0 : i32
        %gather3A_651 = tpu.memref_slice %arg9[%scan3A_243, %gather3A_649, %gather3A_650] : memref<2x128x64xf32, #tpu.memory_space<vmem>> -> memref<1x128x64xf32, #tpu.memory_space<vmem>>
        %gather3A_652 = tpu.memref_squeeze %gather3A_651 : memref<1x128x64xf32, #tpu.memory_space<vmem>> -> memref<128x64xf32, #tpu.memory_space<vmem>>
        %gather3A_653 = tpu.vector_load_idx %gather3A_652[%add3A_263, %and3A_643] : memref<128x64xf32, #tpu.memory_space<vmem>>[vector<16xi32>, vector<16xi32>], vector<16xf32>,
        %gather3A_654 = tpu.vector_load_idx %arg6[%get3A_272, %and3A_643] : memref<1000x64xf32, #tpu.memory_space<vmem>>[vector<16xi32>, vector<16xi32>], vector<16xf32>,
        %mul3A_655 = arith.mulf %gather3A_648, %gather3A_653 : vector<16xf32>
        %mul3A_656 = arith.mulf %mul3A_655, %gather3A_654 : vector<16xf32>
        %add3A_657 = arith.addf %add3A_577, %mul3A_656 : vector<16xf32>
        %add3A_658 = arith.constant 19 : i32
        %add3A_659 = vector.broadcast %add3A_658 : i32 to vector<16xi32>
        %add3A_660 = arith.addi %iota3A, %add3A_659 : vector<16xi32>
        %and3A_661 = arith.constant 63 : i32
        %and3A_662 = vector.broadcast %and3A_661 : i32 to vector<16xi32>
        %and3A_663 = arith.andi %add3A_660, %and3A_662 : vector<16xi32>
        %gather3A_664 = arith.constant 0 : i32
        %gather3A_665 = arith.constant 0 : i32
        %gather3A_666 = tpu.memref_slice %arg8[%scan3A_242, %gather3A_664, %gather3A_665] : memref<2x128x64xf32, #tpu.memory_space<vmem>> -> memref<1x128x64xf32, #tpu.memory_space<vmem>>
        %gather3A_667 = tpu.memref_squeeze %gather3A_666 : memref<1x128x64xf32, #tpu.memory_space<vmem>> -> memref<128x64xf32, #tpu.memory_space<vmem>>
        %gather3A_668 = tpu.vector_load_idx %gather3A_667[%add3A_263, %and3A_663] : memref<128x64xf32, #tpu.memory_space<vmem>>[vector<16xi32>, vector<16xi32>], vector<16xf32>,
        %gather3A_669 = arith.constant 0 : i32
        %gather3A_670 = arith.constant 0 : i32
        %gather3A_671 = tpu.memref_slice %arg9[%scan3A_243, %gather3A_669, %gather3A_670] : memref<2x128x64xf32, #tpu.memory_space<vmem>> -> memref<1x128x64xf32, #tpu.memory_space<vmem>>
        %gather3A_672 = tpu.memref_squeeze %gather3A_671 : memref<1x128x64xf32, #tpu.memory_space<vmem>> -> memref<128x64xf32, #tpu.memory_space<vmem>>
        %gather3A_673 = tpu.vector_load_idx %gather3A_672[%add3A_263, %and3A_663] : memref<128x64xf32, #tpu.memory_space<vmem>>[vector<16xi32>, vector<16xi32>], vector<16xf32>,
        %gather3A_674 = tpu.vector_load_idx %arg6[%get3A_272, %and3A_663] : memref<1000x64xf32, #tpu.memory_space<vmem>>[vector<16xi32>, vector<16xi32>], vector<16xf32>,
        %mul3A_675 = arith.mulf %gather3A_668, %gather3A_673 : vector<16xf32>
        %mul3A_676 = arith.mulf %mul3A_675, %gather3A_674 : vector<16xf32>
        %add3A_677 = arith.addf %add3A_597, %mul3A_676 : vector<16xf32>
        %add3A_678 = arith.constant 20 : i32
        %add3A_679 = vector.broadcast %add3A_678 : i32 to vector<16xi32>
        %add3A_680 = arith.addi %iota3A, %add3A_679 : vector<16xi32>
        %and3A_681 = arith.constant 63 : i32
        %and3A_682 = vector.broadcast %and3A_681 : i32 to vector<16xi32>
        %and3A_683 = arith.andi %add3A_680, %and3A_682 : vector<16xi32>
        %gather3A_684 = arith.constant 0 : i32
        %gather3A_685 = arith.constant 0 : i32
        %gather3A_686 = tpu.memref_slice %arg8[%scan3A_242, %gather3A_684, %gather3A_685] : memref<2x128x64xf32, #tpu.memory_space<vmem>> -> memref<1x128x64xf32, #tpu.memory_space<vmem>>
        %gather3A_687 = tpu.memref_squeeze %gather3A_686 : memref<1x128x64xf32, #tpu.memory_space<vmem>> -> memref<128x64xf32, #tpu.memory_space<vmem>>
        %gather3A_688 = tpu.vector_load_idx %gather3A_687[%add3A_263, %and3A_683] : memref<128x64xf32, #tpu.memory_space<vmem>>[vector<16xi32>, vector<16xi32>], vector<16xf32>,
        %gather3A_689 = arith.constant 0 : i32
        %gather3A_690 = arith.constant 0 : i32
        %gather3A_691 = tpu.memref_slice %arg9[%scan3A_243, %gather3A_689, %gather3A_690] : memref<2x128x64xf32, #tpu.memory_space<vmem>> -> memref<1x128x64xf32, #tpu.memory_space<vmem>>
        %gather3A_692 = tpu.memref_squeeze %gather3A_691 : memref<1x128x64xf32, #tpu.memory_space<vmem>> -> memref<128x64xf32, #tpu.memory_space<vmem>>
        %gather3A_693 = tpu.vector_load_idx %gather3A_692[%add3A_263, %and3A_683] : memref<128x64xf32, #tpu.memory_space<vmem>>[vector<16xi32>, vector<16xi32>], vector<16xf32>,
        %gather3A_694 = tpu.vector_load_idx %arg6[%get3A_272, %and3A_683] : memref<1000x64xf32, #tpu.memory_space<vmem>>[vector<16xi32>, vector<16xi32>], vector<16xf32>,
        %mul3A_695 = arith.mulf %gather3A_688, %gather3A_693 : vector<16xf32>
        %mul3A_696 = arith.mulf %mul3A_695, %gather3A_694 : vector<16xf32>
        %add3A_697 = arith.addf %add3A_617, %mul3A_696 : vector<16xf32>
        %add3A_698 = arith.constant 21 : i32
        %add3A_699 = vector.broadcast %add3A_698 : i32 to vector<16xi32>
        %add3A_700 = arith.addi %iota3A, %add3A_699 : vector<16xi32>
        %and3A_701 = arith.constant 63 : i32
        %and3A_702 = vector.broadcast %and3A_701 : i32 to vector<16xi32>
        %and3A_703 = arith.andi %add3A_700, %and3A_702 : vector<16xi32>
        %gather3A_704 = arith.constant 0 : i32
        %gather3A_705 = arith.constant 0 : i32
        %gather3A_706 = tpu.memref_slice %arg8[%scan3A_242, %gather3A_704, %gather3A_705] : memref<2x128x64xf32, #tpu.memory_space<vmem>> -> memref<1x128x64xf32, #tpu.memory_space<vmem>>
        %gather3A_707 = tpu.memref_squeeze %gather3A_706 : memref<1x128x64xf32, #tpu.memory_space<vmem>> -> memref<128x64xf32, #tpu.memory_space<vmem>>
        %gather3A_708 = tpu.vector_load_idx %gather3A_707[%add3A_263, %and3A_703] : memref<128x64xf32, #tpu.memory_space<vmem>>[vector<16xi32>, vector<16xi32>], vector<16xf32>,
        %gather3A_709 = arith.constant 0 : i32
        %gather3A_710 = arith.constant 0 : i32
        %gather3A_711 = tpu.memref_slice %arg9[%scan3A_243, %gather3A_709, %gather3A_710] : memref<2x128x64xf32, #tpu.memory_space<vmem>> -> memref<1x128x64xf32, #tpu.memory_space<vmem>>
        %gather3A_712 = tpu.memref_squeeze %gather3A_711 : memref<1x128x64xf32, #tpu.memory_space<vmem>> -> memref<128x64xf32, #tpu.memory_space<vmem>>
        %gather3A_713 = tpu.vector_load_idx %gather3A_712[%add3A_263, %and3A_703] : memref<128x64xf32, #tpu.memory_space<vmem>>[vector<16xi32>, vector<16xi32>], vector<16xf32>,
        %gather3A_714 = tpu.vector_load_idx %arg6[%get3A_272, %and3A_703] : memref<1000x64xf32, #tpu.memory_space<vmem>>[vector<16xi32>, vector<16xi32>], vector<16xf32>,
        %mul3A_715 = arith.mulf %gather3A_708, %gather3A_713 : vector<16xf32>
        %mul3A_716 = arith.mulf %mul3A_715, %gather3A_714 : vector<16xf32>
        %add3A_717 = arith.addf %add3A_637, %mul3A_716 : vector<16xf32>
        %add3A_718 = arith.constant 22 : i32
        %add3A_719 = vector.broadcast %add3A_718 : i32 to vector<16xi32>
        %add3A_720 = arith.addi %iota3A, %add3A_719 : vector<16xi32>
        %and3A_721 = arith.constant 63 : i32
        %and3A_722 = vector.broadcast %and3A_721 : i32 to vector<16xi32>
        %and3A_723 = arith.andi %add3A_720, %and3A_722 : vector<16xi32>
        %gather3A_724 = arith.constant 0 : i32
        %gather3A_725 = arith.constant 0 : i32
        %gather3A_726 = tpu.memref_slice %arg8[%scan3A_242, %gather3A_724, %gather3A_725] : memref<2x128x64xf32, #tpu.memory_space<vmem>> -> memref<1x128x64xf32, #tpu.memory_space<vmem>>
        %gather3A_727 = tpu.memref_squeeze %gather3A_726 : memref<1x128x64xf32, #tpu.memory_space<vmem>> -> memref<128x64xf32, #tpu.memory_space<vmem>>
        %gather3A_728 = tpu.vector_load_idx %gather3A_727[%add3A_263, %and3A_723] : memref<128x64xf32, #tpu.memory_space<vmem>>[vector<16xi32>, vector<16xi32>], vector<16xf32>,
        %gather3A_729 = arith.constant 0 : i32
        %gather3A_730 = arith.constant 0 : i32
        %gather3A_731 = tpu.memref_slice %arg9[%scan3A_243, %gather3A_729, %gather3A_730] : memref<2x128x64xf32, #tpu.memory_space<vmem>> -> memref<1x128x64xf32, #tpu.memory_space<vmem>>
        %gather3A_732 = tpu.memref_squeeze %gather3A_731 : memref<1x128x64xf32, #tpu.memory_space<vmem>> -> memref<128x64xf32, #tpu.memory_space<vmem>>
        %gather3A_733 = tpu.vector_load_idx %gather3A_732[%add3A_263, %and3A_723] : memref<128x64xf32, #tpu.memory_space<vmem>>[vector<16xi32>, vector<16xi32>], vector<16xf32>,
        %gather3A_734 = tpu.vector_load_idx %arg6[%get3A_272, %and3A_723] : memref<1000x64xf32, #tpu.memory_space<vmem>>[vector<16xi32>, vector<16xi32>], vector<16xf32>,
        %mul3A_735 = arith.mulf %gather3A_728, %gather3A_733 : vector<16xf32>
        %mul3A_736 = arith.mulf %mul3A_735, %gather3A_734 : vector<16xf32>
        %add3A_737 = arith.addf %add3A_657, %mul3A_736 : vector<16xf32>
        %add3A_738 = arith.constant 23 : i32
        %add3A_739 = vector.broadcast %add3A_738 : i32 to vector<16xi32>
        %add3A_740 = arith.addi %iota3A, %add3A_739 : vector<16xi32>
        %and3A_741 = arith.constant 63 : i32
        %and3A_742 = vector.broadcast %and3A_741 : i32 to vector<16xi32>
        %and3A_743 = arith.andi %add3A_740, %and3A_742 : vector<16xi32>
        %gather3A_744 = arith.constant 0 : i32
        %gather3A_745 = arith.constant 0 : i32
        %gather3A_746 = tpu.memref_slice %arg8[%scan3A_242, %gather3A_744, %gather3A_745] : memref<2x128x64xf32, #tpu.memory_space<vmem>> -> memref<1x128x64xf32, #tpu.memory_space<vmem>>
        %gather3A_747 = tpu.memref_squeeze %gather3A_746 : memref<1x128x64xf32, #tpu.memory_space<vmem>> -> memref<128x64xf32, #tpu.memory_space<vmem>>
        %gather3A_748 = tpu.vector_load_idx %gather3A_747[%add3A_263, %and3A_743] : memref<128x64xf32, #tpu.memory_space<vmem>>[vector<16xi32>, vector<16xi32>], vector<16xf32>,
        %gather3A_749 = arith.constant 0 : i32
        %gather3A_750 = arith.constant 0 : i32
        %gather3A_751 = tpu.memref_slice %arg9[%scan3A_243, %gather3A_749, %gather3A_750] : memref<2x128x64xf32, #tpu.memory_space<vmem>> -> memref<1x128x64xf32, #tpu.memory_space<vmem>>
        %gather3A_752 = tpu.memref_squeeze %gather3A_751 : memref<1x128x64xf32, #tpu.memory_space<vmem>> -> memref<128x64xf32, #tpu.memory_space<vmem>>
        %gather3A_753 = tpu.vector_load_idx %gather3A_752[%add3A_263, %and3A_743] : memref<128x64xf32, #tpu.memory_space<vmem>>[vector<16xi32>, vector<16xi32>], vector<16xf32>,
        %gather3A_754 = tpu.vector_load_idx %arg6[%get3A_272, %and3A_743] : memref<1000x64xf32, #tpu.memory_space<vmem>>[vector<16xi32>, vector<16xi32>], vector<16xf32>,
        %mul3A_755 = arith.mulf %gather3A_748, %gather3A_753 : vector<16xf32>
        %mul3A_756 = arith.mulf %mul3A_755, %gather3A_754 : vector<16xf32>
        %add3A_757 = arith.addf %add3A_677, %mul3A_756 : vector<16xf32>
        %add3A_758 = arith.constant 24 : i32
        %add3A_759 = vector.broadcast %add3A_758 : i32 to vector<16xi32>
        %add3A_760 = arith.addi %iota3A, %add3A_759 : vector<16xi32>
        %and3A_761 = arith.constant 63 : i32
        %and3A_762 = vector.broadcast %and3A_761 : i32 to vector<16xi32>
        %and3A_763 = arith.andi %add3A_760, %and3A_762 : vector<16xi32>
        %gather3A_764 = arith.constant 0 : i32
        %gather3A_765 = arith.constant 0 : i32
        %gather3A_766 = tpu.memref_slice %arg8[%scan3A_242, %gather3A_764, %gather3A_765] : memref<2x128x64xf32, #tpu.memory_space<vmem>> -> memref<1x128x64xf32, #tpu.memory_space<vmem>>
        %gather3A_767 = tpu.memref_squeeze %gather3A_766 : memref<1x128x64xf32, #tpu.memory_space<vmem>> -> memref<128x64xf32, #tpu.memory_space<vmem>>
        %gather3A_768 = tpu.vector_load_idx %gather3A_767[%add3A_263, %and3A_763] : memref<128x64xf32, #tpu.memory_space<vmem>>[vector<16xi32>, vector<16xi32>], vector<16xf32>,
        %gather3A_769 = arith.constant 0 : i32
        %gather3A_770 = arith.constant 0 : i32
        %gather3A_771 = tpu.memref_slice %arg9[%scan3A_243, %gather3A_769, %gather3A_770] : memref<2x128x64xf32, #tpu.memory_space<vmem>> -> memref<1x128x64xf32, #tpu.memory_space<vmem>>
        %gather3A_772 = tpu.memref_squeeze %gather3A_771 : memref<1x128x64xf32, #tpu.memory_space<vmem>> -> memref<128x64xf32, #tpu.memory_space<vmem>>
        %gather3A_773 = tpu.vector_load_idx %gather3A_772[%add3A_263, %and3A_763] : memref<128x64xf32, #tpu.memory_space<vmem>>[vector<16xi32>, vector<16xi32>], vector<16xf32>,
        %gather3A_774 = tpu.vector_load_idx %arg6[%get3A_272, %and3A_763] : memref<1000x64xf32, #tpu.memory_space<vmem>>[vector<16xi32>, vector<16xi32>], vector<16xf32>,
        %mul3A_775 = arith.mulf %gather3A_768, %gather3A_773 : vector<16xf32>
        %mul3A_776 = arith.mulf %mul3A_775, %gather3A_774 : vector<16xf32>
        %add3A_777 = arith.addf %add3A_697, %mul3A_776 : vector<16xf32>
        %add3A_778 = arith.constant 25 : i32
        %add3A_779 = vector.broadcast %add3A_778 : i32 to vector<16xi32>
        %add3A_780 = arith.addi %iota3A, %add3A_779 : vector<16xi32>
        %and3A_781 = arith.constant 63 : i32
        %and3A_782 = vector.broadcast %and3A_781 : i32 to vector<16xi32>
        %and3A_783 = arith.andi %add3A_780, %and3A_782 : vector<16xi32>
        %gather3A_784 = arith.constant 0 : i32
        %gather3A_785 = arith.constant 0 : i32
        %gather3A_786 = tpu.memref_slice %arg8[%scan3A_242, %gather3A_784, %gather3A_785] : memref<2x128x64xf32, #tpu.memory_space<vmem>> -> memref<1x128x64xf32, #tpu.memory_space<vmem>>
        %gather3A_787 = tpu.memref_squeeze %gather3A_786 : memref<1x128x64xf32, #tpu.memory_space<vmem>> -> memref<128x64xf32, #tpu.memory_space<vmem>>
        %gather3A_788 = tpu.vector_load_idx %gather3A_787[%add3A_263, %and3A_783] : memref<128x64xf32, #tpu.memory_space<vmem>>[vector<16xi32>, vector<16xi32>], vector<16xf32>,
        %gather3A_789 = arith.constant 0 : i32
        %gather3A_790 = arith.constant 0 : i32
        %gather3A_791 = tpu.memref_slice %arg9[%scan3A_243, %gather3A_789, %gather3A_790] : memref<2x128x64xf32, #tpu.memory_space<vmem>> -> memref<1x128x64xf32, #tpu.memory_space<vmem>>
        %gather3A_792 = tpu.memref_squeeze %gather3A_791 : memref<1x128x64xf32, #tpu.memory_space<vmem>> -> memref<128x64xf32, #tpu.memory_space<vmem>>
        %gather3A_793 = tpu.vector_load_idx %gather3A_792[%add3A_263, %and3A_783] : memref<128x64xf32, #tpu.memory_space<vmem>>[vector<16xi32>, vector<16xi32>], vector<16xf32>,
        %gather3A_794 = tpu.vector_load_idx %arg6[%get3A_272, %and3A_783] : memref<1000x64xf32, #tpu.memory_space<vmem>>[vector<16xi32>, vector<16xi32>], vector<16xf32>,
        %mul3A_795 = arith.mulf %gather3A_788, %gather3A_793 : vector<16xf32>
        %mul3A_796 = arith.mulf %mul3A_795, %gather3A_794 : vector<16xf32>
        %add3A_797 = arith.addf %add3A_717, %mul3A_796 : vector<16xf32>
        %add3A_798 = arith.constant 26 : i32
        %add3A_799 = vector.broadcast %add3A_798 : i32 to vector<16xi32>
        %add3A_800 = arith.addi %iota3A, %add3A_799 : vector<16xi32>
        %and3A_801 = arith.constant 63 : i32
        %and3A_802 = vector.broadcast %and3A_801 : i32 to vector<16xi32>
        %and3A_803 = arith.andi %add3A_800, %and3A_802 : vector<16xi32>
        %gather3A_804 = arith.constant 0 : i32
        %gather3A_805 = arith.constant 0 : i32
        %gather3A_806 = tpu.memref_slice %arg8[%scan3A_242, %gather3A_804, %gather3A_805] : memref<2x128x64xf32, #tpu.memory_space<vmem>> -> memref<1x128x64xf32, #tpu.memory_space<vmem>>
        %gather3A_807 = tpu.memref_squeeze %gather3A_806 : memref<1x128x64xf32, #tpu.memory_space<vmem>> -> memref<128x64xf32, #tpu.memory_space<vmem>>
        %gather3A_808 = tpu.vector_load_idx %gather3A_807[%add3A_263, %and3A_803] : memref<128x64xf32, #tpu.memory_space<vmem>>[vector<16xi32>, vector<16xi32>], vector<16xf32>,
        %gather3A_809 = arith.constant 0 : i32
        %gather3A_810 = arith.constant 0 : i32
        %gather3A_811 = tpu.memref_slice %arg9[%scan3A_243, %gather3A_809, %gather3A_810] : memref<2x128x64xf32, #tpu.memory_space<vmem>> -> memref<1x128x64xf32, #tpu.memory_space<vmem>>
        %gather3A_812 = tpu.memref_squeeze %gather3A_811 : memref<1x128x64xf32, #tpu.memory_space<vmem>> -> memref<128x64xf32, #tpu.memory_space<vmem>>
        %gather3A_813 = tpu.vector_load_idx %gather3A_812[%add3A_263, %and3A_803] : memref<128x64xf32, #tpu.memory_space<vmem>>[vector<16xi32>, vector<16xi32>], vector<16xf32>,
        %gather3A_814 = tpu.vector_load_idx %arg6[%get3A_272, %and3A_803] : memref<1000x64xf32, #tpu.memory_space<vmem>>[vector<16xi32>, vector<16xi32>], vector<16xf32>,
        %mul3A_815 = arith.mulf %gather3A_808, %gather3A_813 : vector<16xf32>
        %mul3A_816 = arith.mulf %mul3A_815, %gather3A_814 : vector<16xf32>
        %add3A_817 = arith.addf %add3A_737, %mul3A_816 : vector<16xf32>
        %add3A_818 = arith.constant 27 : i32
        %add3A_819 = vector.broadcast %add3A_818 : i32 to vector<16xi32>
        %add3A_820 = arith.addi %iota3A, %add3A_819 : vector<16xi32>
        %and3A_821 = arith.constant 63 : i32
        %and3A_822 = vector.broadcast %and3A_821 : i32 to vector<16xi32>
        %and3A_823 = arith.andi %add3A_820, %and3A_822 : vector<16xi32>
        %gather3A_824 = arith.constant 0 : i32
        %gather3A_825 = arith.constant 0 : i32
        %gather3A_826 = tpu.memref_slice %arg8[%scan3A_242, %gather3A_824, %gather3A_825] : memref<2x128x64xf32, #tpu.memory_space<vmem>> -> memref<1x128x64xf32, #tpu.memory_space<vmem>>
        %gather3A_827 = tpu.memref_squeeze %gather3A_826 : memref<1x128x64xf32, #tpu.memory_space<vmem>> -> memref<128x64xf32, #tpu.memory_space<vmem>>
        %gather3A_828 = tpu.vector_load_idx %gather3A_827[%add3A_263, %and3A_823] : memref<128x64xf32, #tpu.memory_space<vmem>>[vector<16xi32>, vector<16xi32>], vector<16xf32>,
        %gather3A_829 = arith.constant 0 : i32
        %gather3A_830 = arith.constant 0 : i32
        %gather3A_831 = tpu.memref_slice %arg9[%scan3A_243, %gather3A_829, %gather3A_830] : memref<2x128x64xf32, #tpu.memory_space<vmem>> -> memref<1x128x64xf32, #tpu.memory_space<vmem>>
        %gather3A_832 = tpu.memref_squeeze %gather3A_831 : memref<1x128x64xf32, #tpu.memory_space<vmem>> -> memref<128x64xf32, #tpu.memory_space<vmem>>
        %gather3A_833 = tpu.vector_load_idx %gather3A_832[%add3A_263, %and3A_823] : memref<128x64xf32, #tpu.memory_space<vmem>>[vector<16xi32>, vector<16xi32>], vector<16xf32>,
        %gather3A_834 = tpu.vector_load_idx %arg6[%get3A_272, %and3A_823] : memref<1000x64xf32, #tpu.memory_space<vmem>>[vector<16xi32>, vector<16xi32>], vector<16xf32>,
        %mul3A_835 = arith.mulf %gather3A_828, %gather3A_833 : vector<16xf32>
        %mul3A_836 = arith.mulf %mul3A_835, %gather3A_834 : vector<16xf32>
        %add3A_837 = arith.addf %add3A_757, %mul3A_836 : vector<16xf32>
        %add3A_838 = arith.constant 28 : i32
        %add3A_839 = vector.broadcast %add3A_838 : i32 to vector<16xi32>
        %add3A_840 = arith.addi %iota3A, %add3A_839 : vector<16xi32>
        %and3A_841 = arith.constant 63 : i32
        %and3A_842 = vector.broadcast %and3A_841 : i32 to vector<16xi32>
        %and3A_843 = arith.andi %add3A_840, %and3A_842 : vector<16xi32>
        %gather3A_844 = arith.constant 0 : i32
        %gather3A_845 = arith.constant 0 : i32
        %gather3A_846 = tpu.memref_slice %arg8[%scan3A_242, %gather3A_844, %gather3A_845] : memref<2x128x64xf32, #tpu.memory_space<vmem>> -> memref<1x128x64xf32, #tpu.memory_space<vmem>>
        %gather3A_847 = tpu.memref_squeeze %gather3A_846 : memref<1x128x64xf32, #tpu.memory_space<vmem>> -> memref<128x64xf32, #tpu.memory_space<vmem>>
        %gather3A_848 = tpu.vector_load_idx %gather3A_847[%add3A_263, %and3A_843] : memref<128x64xf32, #tpu.memory_space<vmem>>[vector<16xi32>, vector<16xi32>], vector<16xf32>,
        %gather3A_849 = arith.constant 0 : i32
        %gather3A_850 = arith.constant 0 : i32
        %gather3A_851 = tpu.memref_slice %arg9[%scan3A_243, %gather3A_849, %gather3A_850] : memref<2x128x64xf32, #tpu.memory_space<vmem>> -> memref<1x128x64xf32, #tpu.memory_space<vmem>>
        %gather3A_852 = tpu.memref_squeeze %gather3A_851 : memref<1x128x64xf32, #tpu.memory_space<vmem>> -> memref<128x64xf32, #tpu.memory_space<vmem>>
        %gather3A_853 = tpu.vector_load_idx %gather3A_852[%add3A_263, %and3A_843] : memref<128x64xf32, #tpu.memory_space<vmem>>[vector<16xi32>, vector<16xi32>], vector<16xf32>,
        %gather3A_854 = tpu.vector_load_idx %arg6[%get3A_272, %and3A_843] : memref<1000x64xf32, #tpu.memory_space<vmem>>[vector<16xi32>, vector<16xi32>], vector<16xf32>,
        %mul3A_855 = arith.mulf %gather3A_848, %gather3A_853 : vector<16xf32>
        %mul3A_856 = arith.mulf %mul3A_855, %gather3A_854 : vector<16xf32>
        %add3A_857 = arith.addf %add3A_777, %mul3A_856 : vector<16xf32>
        %add3A_858 = arith.constant 29 : i32
        %add3A_859 = vector.broadcast %add3A_858 : i32 to vector<16xi32>
        %add3A_860 = arith.addi %iota3A, %add3A_859 : vector<16xi32>
        %and3A_861 = arith.constant 63 : i32
        %and3A_862 = vector.broadcast %and3A_861 : i32 to vector<16xi32>
        %and3A_863 = arith.andi %add3A_860, %and3A_862 : vector<16xi32>
        %gather3A_864 = arith.constant 0 : i32
        %gather3A_865 = arith.constant 0 : i32
        %gather3A_866 = tpu.memref_slice %arg8[%scan3A_242, %gather3A_864, %gather3A_865] : memref<2x128x64xf32, #tpu.memory_space<vmem>> -> memref<1x128x64xf32, #tpu.memory_space<vmem>>
        %gather3A_867 = tpu.memref_squeeze %gather3A_866 : memref<1x128x64xf32, #tpu.memory_space<vmem>> -> memref<128x64xf32, #tpu.memory_space<vmem>>
        %gather3A_868 = tpu.vector_load_idx %gather3A_867[%add3A_263, %and3A_863] : memref<128x64xf32, #tpu.memory_space<vmem>>[vector<16xi32>, vector<16xi32>], vector<16xf32>,
        %gather3A_869 = arith.constant 0 : i32
        %gather3A_870 = arith.constant 0 : i32
        %gather3A_871 = tpu.memref_slice %arg9[%scan3A_243, %gather3A_869, %gather3A_870] : memref<2x128x64xf32, #tpu.memory_space<vmem>> -> memref<1x128x64xf32, #tpu.memory_space<vmem>>
        %gather3A_872 = tpu.memref_squeeze %gather3A_871 : memref<1x128x64xf32, #tpu.memory_space<vmem>> -> memref<128x64xf32, #tpu.memory_space<vmem>>
        %gather3A_873 = tpu.vector_load_idx %gather3A_872[%add3A_263, %and3A_863] : memref<128x64xf32, #tpu.memory_space<vmem>>[vector<16xi32>, vector<16xi32>], vector<16xf32>,
        %gather3A_874 = tpu.vector_load_idx %arg6[%get3A_272, %and3A_863] : memref<1000x64xf32, #tpu.memory_space<vmem>>[vector<16xi32>, vector<16xi32>], vector<16xf32>,
        %mul3A_875 = arith.mulf %gather3A_868, %gather3A_873 : vector<16xf32>
        %mul3A_876 = arith.mulf %mul3A_875, %gather3A_874 : vector<16xf32>
        %add3A_877 = arith.addf %add3A_797, %mul3A_876 : vector<16xf32>
        %add3A_878 = arith.constant 30 : i32
        %add3A_879 = vector.broadcast %add3A_878 : i32 to vector<16xi32>
        %add3A_880 = arith.addi %iota3A, %add3A_879 : vector<16xi32>
        %and3A_881 = arith.constant 63 : i32
        %and3A_882 = vector.broadcast %and3A_881 : i32 to vector<16xi32>
        %and3A_883 = arith.andi %add3A_880, %and3A_882 : vector<16xi32>
        %gather3A_884 = arith.constant 0 : i32
        %gather3A_885 = arith.constant 0 : i32
        %gather3A_886 = tpu.memref_slice %arg8[%scan3A_242, %gather3A_884, %gather3A_885] : memref<2x128x64xf32, #tpu.memory_space<vmem>> -> memref<1x128x64xf32, #tpu.memory_space<vmem>>
        %gather3A_887 = tpu.memref_squeeze %gather3A_886 : memref<1x128x64xf32, #tpu.memory_space<vmem>> -> memref<128x64xf32, #tpu.memory_space<vmem>>
        %gather3A_888 = tpu.vector_load_idx %gather3A_887[%add3A_263, %and3A_883] : memref<128x64xf32, #tpu.memory_space<vmem>>[vector<16xi32>, vector<16xi32>], vector<16xf32>,
        %gather3A_889 = arith.constant 0 : i32
        %gather3A_890 = arith.constant 0 : i32
        %gather3A_891 = tpu.memref_slice %arg9[%scan3A_243, %gather3A_889, %gather3A_890] : memref<2x128x64xf32, #tpu.memory_space<vmem>> -> memref<1x128x64xf32, #tpu.memory_space<vmem>>
        %gather3A_892 = tpu.memref_squeeze %gather3A_891 : memref<1x128x64xf32, #tpu.memory_space<vmem>> -> memref<128x64xf32, #tpu.memory_space<vmem>>
        %gather3A_893 = tpu.vector_load_idx %gather3A_892[%add3A_263, %and3A_883] : memref<128x64xf32, #tpu.memory_space<vmem>>[vector<16xi32>, vector<16xi32>], vector<16xf32>,
        %gather3A_894 = tpu.vector_load_idx %arg6[%get3A_272, %and3A_883] : memref<1000x64xf32, #tpu.memory_space<vmem>>[vector<16xi32>, vector<16xi32>], vector<16xf32>,
        %mul3A_895 = arith.mulf %gather3A_888, %gather3A_893 : vector<16xf32>
        %mul3A_896 = arith.mulf %mul3A_895, %gather3A_894 : vector<16xf32>
        %add3A_897 = arith.addf %add3A_817, %mul3A_896 : vector<16xf32>
        %add3A_898 = arith.constant 31 : i32
        %add3A_899 = vector.broadcast %add3A_898 : i32 to vector<16xi32>
        %add3A_900 = arith.addi %iota3A, %add3A_899 : vector<16xi32>
        %and3A_901 = arith.constant 63 : i32
        %and3A_902 = vector.broadcast %and3A_901 : i32 to vector<16xi32>
        %and3A_903 = arith.andi %add3A_900, %and3A_902 : vector<16xi32>
        %gather3A_904 = arith.constant 0 : i32
        %gather3A_905 = arith.constant 0 : i32
        %gather3A_906 = tpu.memref_slice %arg8[%scan3A_242, %gather3A_904, %gather3A_905] : memref<2x128x64xf32, #tpu.memory_space<vmem>> -> memref<1x128x64xf32, #tpu.memory_space<vmem>>
        %gather3A_907 = tpu.memref_squeeze %gather3A_906 : memref<1x128x64xf32, #tpu.memory_space<vmem>> -> memref<128x64xf32, #tpu.memory_space<vmem>>
        %gather3A_908 = tpu.vector_load_idx %gather3A_907[%add3A_263, %and3A_903] : memref<128x64xf32, #tpu.memory_space<vmem>>[vector<16xi32>, vector<16xi32>], vector<16xf32>,
        %gather3A_909 = arith.constant 0 : i32
        %gather3A_910 = arith.constant 0 : i32
        %gather3A_911 = tpu.memref_slice %arg9[%scan3A_243, %gather3A_909, %gather3A_910] : memref<2x128x64xf32, #tpu.memory_space<vmem>> -> memref<1x128x64xf32, #tpu.memory_space<vmem>>
        %gather3A_912 = tpu.memref_squeeze %gather3A_911 : memref<1x128x64xf32, #tpu.memory_space<vmem>> -> memref<128x64xf32, #tpu.memory_space<vmem>>
        %gather3A_913 = tpu.vector_load_idx %gather3A_912[%add3A_263, %and3A_903] : memref<128x64xf32, #tpu.memory_space<vmem>>[vector<16xi32>, vector<16xi32>], vector<16xf32>,
        %gather3A_914 = tpu.vector_load_idx %arg6[%get3A_272, %and3A_903] : memref<1000x64xf32, #tpu.memory_space<vmem>>[vector<16xi32>, vector<16xi32>], vector<16xf32>,
        %mul3A_915 = arith.mulf %gather3A_908, %gather3A_913 : vector<16xf32>
        %mul3A_916 = arith.mulf %mul3A_915, %gather3A_914 : vector<16xf32>
        %add3A_917 = arith.addf %add3A_837, %mul3A_916 : vector<16xf32>
        %add3A_918 = arith.constant 32 : i32
        %add3A_919 = vector.broadcast %add3A_918 : i32 to vector<16xi32>
        %add3A_920 = arith.addi %iota3A, %add3A_919 : vector<16xi32>
        %and3A_921 = arith.constant 63 : i32
        %and3A_922 = vector.broadcast %and3A_921 : i32 to vector<16xi32>
        %and3A_923 = arith.andi %add3A_920, %and3A_922 : vector<16xi32>
        %gather3A_924 = arith.constant 0 : i32
        %gather3A_925 = arith.constant 0 : i32
        %gather3A_926 = tpu.memref_slice %arg8[%scan3A_242, %gather3A_924, %gather3A_925] : memref<2x128x64xf32, #tpu.memory_space<vmem>> -> memref<1x128x64xf32, #tpu.memory_space<vmem>>
        %gather3A_927 = tpu.memref_squeeze %gather3A_926 : memref<1x128x64xf32, #tpu.memory_space<vmem>> -> memref<128x64xf32, #tpu.memory_space<vmem>>
        %gather3A_928 = tpu.vector_load_idx %gather3A_927[%add3A_263, %and3A_923] : memref<128x64xf32, #tpu.memory_space<vmem>>[vector<16xi32>, vector<16xi32>], vector<16xf32>,
        %gather3A_929 = arith.constant 0 : i32
        %gather3A_930 = arith.constant 0 : i32
        %gather3A_931 = tpu.memref_slice %arg9[%scan3A_243, %gather3A_929, %gather3A_930] : memref<2x128x64xf32, #tpu.memory_space<vmem>> -> memref<1x128x64xf32, #tpu.memory_space<vmem>>
        %gather3A_932 = tpu.memref_squeeze %gather3A_931 : memref<1x128x64xf32, #tpu.memory_space<vmem>> -> memref<128x64xf32, #tpu.memory_space<vmem>>
        %gather3A_933 = tpu.vector_load_idx %gather3A_932[%add3A_263, %and3A_923] : memref<128x64xf32, #tpu.memory_space<vmem>>[vector<16xi32>, vector<16xi32>], vector<16xf32>,
        %gather3A_934 = tpu.vector_load_idx %arg6[%get3A_272, %and3A_923] : memref<1000x64xf32, #tpu.memory_space<vmem>>[vector<16xi32>, vector<16xi32>], vector<16xf32>,
        %mul3A_935 = arith.mulf %gather3A_928, %gather3A_933 : vector<16xf32>
        %mul3A_936 = arith.mulf %mul3A_935, %gather3A_934 : vector<16xf32>
        %add3A_937 = arith.addf %add3A_857, %mul3A_936 : vector<16xf32>
        %add3A_938 = arith.constant 33 : i32
        %add3A_939 = vector.broadcast %add3A_938 : i32 to vector<16xi32>
        %add3A_940 = arith.addi %iota3A, %add3A_939 : vector<16xi32>
        %and3A_941 = arith.constant 63 : i32
        %and3A_942 = vector.broadcast %and3A_941 : i32 to vector<16xi32>
        %and3A_943 = arith.andi %add3A_940, %and3A_942 : vector<16xi32>
        %gather3A_944 = arith.constant 0 : i32
        %gather3A_945 = arith.constant 0 : i32
        %gather3A_946 = tpu.memref_slice %arg8[%scan3A_242, %gather3A_944, %gather3A_945] : memref<2x128x64xf32, #tpu.memory_space<vmem>> -> memref<1x128x64xf32, #tpu.memory_space<vmem>>
        %gather3A_947 = tpu.memref_squeeze %gather3A_946 : memref<1x128x64xf32, #tpu.memory_space<vmem>> -> memref<128x64xf32, #tpu.memory_space<vmem>>
        %gather3A_948 = tpu.vector_load_idx %gather3A_947[%add3A_263, %and3A_943] : memref<128x64xf32, #tpu.memory_space<vmem>>[vector<16xi32>, vector<16xi32>], vector<16xf32>,
        %gather3A_949 = arith.constant 0 : i32
        %gather3A_950 = arith.constant 0 : i32
        %gather3A_951 = tpu.memref_slice %arg9[%scan3A_243, %gather3A_949, %gather3A_950] : memref<2x128x64xf32, #tpu.memory_space<vmem>> -> memref<1x128x64xf32, #tpu.memory_space<vmem>>
        %gather3A_952 = tpu.memref_squeeze %gather3A_951 : memref<1x128x64xf32, #tpu.memory_space<vmem>> -> memref<128x64xf32, #tpu.memory_space<vmem>>
        %gather3A_953 = tpu.vector_load_idx %gather3A_952[%add3A_263, %and3A_943] : memref<128x64xf32, #tpu.memory_space<vmem>>[vector<16xi32>, vector<16xi32>], vector<16xf32>,
        %gather3A_954 = tpu.vector_load_idx %arg6[%get3A_272, %and3A_943] : memref<1000x64xf32, #tpu.memory_space<vmem>>[vector<16xi32>, vector<16xi32>], vector<16xf32>,
        %mul3A_955 = arith.mulf %gather3A_948, %gather3A_953 : vector<16xf32>
        %mul3A_956 = arith.mulf %mul3A_955, %gather3A_954 : vector<16xf32>
        %add3A_957 = arith.addf %add3A_877, %mul3A_956 : vector<16xf32>
        %add3A_958 = arith.constant 34 : i32
        %add3A_959 = vector.broadcast %add3A_958 : i32 to vector<16xi32>
        %add3A_960 = arith.addi %iota3A, %add3A_959 : vector<16xi32>
        %and3A_961 = arith.constant 63 : i32
        %and3A_962 = vector.broadcast %and3A_961 : i32 to vector<16xi32>
        %and3A_963 = arith.andi %add3A_960, %and3A_962 : vector<16xi32>
        %gather3A_964 = arith.constant 0 : i32
        %gather3A_965 = arith.constant 0 : i32
        %gather3A_966 = tpu.memref_slice %arg8[%scan3A_242, %gather3A_964, %gather3A_965] : memref<2x128x64xf32, #tpu.memory_space<vmem>> -> memref<1x128x64xf32, #tpu.memory_space<vmem>>
        %gather3A_967 = tpu.memref_squeeze %gather3A_966 : memref<1x128x64xf32, #tpu.memory_space<vmem>> -> memref<128x64xf32, #tpu.memory_space<vmem>>
        %gather3A_968 = tpu.vector_load_idx %gather3A_967[%add3A_263, %and3A_963] : memref<128x64xf32, #tpu.memory_space<vmem>>[vector<16xi32>, vector<16xi32>], vector<16xf32>,
        %gather3A_969 = arith.constant 0 : i32
        %gather3A_970 = arith.constant 0 : i32
        %gather3A_971 = tpu.memref_slice %arg9[%scan3A_243, %gather3A_969, %gather3A_970] : memref<2x128x64xf32, #tpu.memory_space<vmem>> -> memref<1x128x64xf32, #tpu.memory_space<vmem>>
        %gather3A_972 = tpu.memref_squeeze %gather3A_971 : memref<1x128x64xf32, #tpu.memory_space<vmem>> -> memref<128x64xf32, #tpu.memory_space<vmem>>
        %gather3A_973 = tpu.vector_load_idx %gather3A_972[%add3A_263, %and3A_963] : memref<128x64xf32, #tpu.memory_space<vmem>>[vector<16xi32>, vector<16xi32>], vector<16xf32>,
        %gather3A_974 = tpu.vector_load_idx %arg6[%get3A_272, %and3A_963] : memref<1000x64xf32, #tpu.memory_space<vmem>>[vector<16xi32>, vector<16xi32>], vector<16xf32>,
        %mul3A_975 = arith.mulf %gather3A_968, %gather3A_973 : vector<16xf32>
        %mul3A_976 = arith.mulf %mul3A_975, %gather3A_974 : vector<16xf32>
        %add3A_977 = arith.addf %add3A_897, %mul3A_976 : vector<16xf32>
        %add3A_978 = arith.constant 35 : i32
        %add3A_979 = vector.broadcast %add3A_978 : i32 to vector<16xi32>
        %add3A_980 = arith.addi %iota3A, %add3A_979 : vector<16xi32>
        %and3A_981 = arith.constant 63 : i32
        %and3A_982 = vector.broadcast %and3A_981 : i32 to vector<16xi32>
        %and3A_983 = arith.andi %add3A_980, %and3A_982 : vector<16xi32>
        %gather3A_984 = arith.constant 0 : i32
        %gather3A_985 = arith.constant 0 : i32
        %gather3A_986 = tpu.memref_slice %arg8[%scan3A_242, %gather3A_984, %gather3A_985] : memref<2x128x64xf32, #tpu.memory_space<vmem>> -> memref<1x128x64xf32, #tpu.memory_space<vmem>>
        %gather3A_987 = tpu.memref_squeeze %gather3A_986 : memref<1x128x64xf32, #tpu.memory_space<vmem>> -> memref<128x64xf32, #tpu.memory_space<vmem>>
        %gather3A_988 = tpu.vector_load_idx %gather3A_987[%add3A_263, %and3A_983] : memref<128x64xf32, #tpu.memory_space<vmem>>[vector<16xi32>, vector<16xi32>], vector<16xf32>,
        %gather3A_989 = arith.constant 0 : i32
        %gather3A_990 = arith.constant 0 : i32
        %gather3A_991 = tpu.memref_slice %arg9[%scan3A_243, %gather3A_989, %gather3A_990] : memref<2x128x64xf32, #tpu.memory_space<vmem>> -> memref<1x128x64xf32, #tpu.memory_space<vmem>>
        %gather3A_992 = tpu.memref_squeeze %gather3A_991 : memref<1x128x64xf32, #tpu.memory_space<vmem>> -> memref<128x64xf32, #tpu.memory_space<vmem>>
        %gather3A_993 = tpu.vector_load_idx %gather3A_992[%add3A_263, %and3A_983] : memref<128x64xf32, #tpu.memory_space<vmem>>[vector<16xi32>, vector<16xi32>], vector<16xf32>,
        %gather3A_994 = tpu.vector_load_idx %arg6[%get3A_272, %and3A_983] : memref<1000x64xf32, #tpu.memory_space<vmem>>[vector<16xi32>, vector<16xi32>], vector<16xf32>,
        %mul3A_995 = arith.mulf %gather3A_988, %gather3A_993 : vector<16xf32>
        %mul3A_996 = arith.mulf %mul3A_995, %gather3A_994 : vector<16xf32>
        %add3A_997 = arith.addf %add3A_917, %mul3A_996 : vector<16xf32>
        %add3A_998 = arith.constant 36 : i32
        %add3A_999 = vector.broadcast %add3A_998 : i32 to vector<16xi32>
        %add3A_1000 = arith.addi %iota3A, %add3A_999 : vector<16xi32>
        %and3A_1001 = arith.constant 63 : i32
        %and3A_1002 = vector.broadcast %and3A_1001 : i32 to vector<16xi32>
        %and3A_1003 = arith.andi %add3A_1000, %and3A_1002 : vector<16xi32>
        %gather3A_1004 = arith.constant 0 : i32
        %gather3A_1005 = arith.constant 0 : i32
        %gather3A_1006 = tpu.memref_slice %arg8[%scan3A_242, %gather3A_1004, %gather3A_1005] : memref<2x128x64xf32, #tpu.memory_space<vmem>> -> memref<1x128x64xf32, #tpu.memory_space<vmem>>
        %gather3A_1007 = tpu.memref_squeeze %gather3A_1006 : memref<1x128x64xf32, #tpu.memory_space<vmem>> -> memref<128x64xf32, #tpu.memory_space<vmem>>
        %gather3A_1008 = tpu.vector_load_idx %gather3A_1007[%add3A_263, %and3A_1003] : memref<128x64xf32, #tpu.memory_space<vmem>>[vector<16xi32>, vector<16xi32>], vector<16xf32>,
        %gather3A_1009 = arith.constant 0 : i32
        %gather3A_1010 = arith.constant 0 : i32
        %gather3A_1011 = tpu.memref_slice %arg9[%scan3A_243, %gather3A_1009, %gather3A_1010] : memref<2x128x64xf32, #tpu.memory_space<vmem>> -> memref<1x128x64xf32, #tpu.memory_space<vmem>>
        %gather3A_1012 = tpu.memref_squeeze %gather3A_1011 : memref<1x128x64xf32, #tpu.memory_space<vmem>> -> memref<128x64xf32, #tpu.memory_space<vmem>>
        %gather3A_1013 = tpu.vector_load_idx %gather3A_1012[%add3A_263, %and3A_1003] : memref<128x64xf32, #tpu.memory_space<vmem>>[vector<16xi32>, vector<16xi32>], vector<16xf32>,
        %gather3A_1014 = tpu.vector_load_idx %arg6[%get3A_272, %and3A_1003] : memref<1000x64xf32, #tpu.memory_space<vmem>>[vector<16xi32>, vector<16xi32>], vector<16xf32>,
        %mul3A_1015 = arith.mulf %gather3A_1008, %gather3A_1013 : vector<16xf32>
        %mul3A_1016 = arith.mulf %mul3A_1015, %gather3A_1014 : vector<16xf32>
        %add3A_1017 = arith.addf %add3A_937, %mul3A_1016 : vector<16xf32>
        %add3A_1018 = arith.constant 37 : i32
        %add3A_1019 = vector.broadcast %add3A_1018 : i32 to vector<16xi32>
        %add3A_1020 = arith.addi %iota3A, %add3A_1019 : vector<16xi32>
        %and3A_1021 = arith.constant 63 : i32
        %and3A_1022 = vector.broadcast %and3A_1021 : i32 to vector<16xi32>
        %and3A_1023 = arith.andi %add3A_1020, %and3A_1022 : vector<16xi32>
        %gather3A_1024 = arith.constant 0 : i32
        %gather3A_1025 = arith.constant 0 : i32
        %gather3A_1026 = tpu.memref_slice %arg8[%scan3A_242, %gather3A_1024, %gather3A_1025] : memref<2x128x64xf32, #tpu.memory_space<vmem>> -> memref<1x128x64xf32, #tpu.memory_space<vmem>>
        %gather3A_1027 = tpu.memref_squeeze %gather3A_1026 : memref<1x128x64xf32, #tpu.memory_space<vmem>> -> memref<128x64xf32, #tpu.memory_space<vmem>>
        %gather3A_1028 = tpu.vector_load_idx %gather3A_1027[%add3A_263, %and3A_1023] : memref<128x64xf32, #tpu.memory_space<vmem>>[vector<16xi32>, vector<16xi32>], vector<16xf32>,
        %gather3A_1029 = arith.constant 0 : i32
        %gather3A_1030 = arith.constant 0 : i32
        %gather3A_1031 = tpu.memref_slice %arg9[%scan3A_243, %gather3A_1029, %gather3A_1030] : memref<2x128x64xf32, #tpu.memory_space<vmem>> -> memref<1x128x64xf32, #tpu.memory_space<vmem>>
        %gather3A_1032 = tpu.memref_squeeze %gather3A_1031 : memref<1x128x64xf32, #tpu.memory_space<vmem>> -> memref<128x64xf32, #tpu.memory_space<vmem>>
        %gather3A_1033 = tpu.vector_load_idx %gather3A_1032[%add3A_263, %and3A_1023] : memref<128x64xf32, #tpu.memory_space<vmem>>[vector<16xi32>, vector<16xi32>], vector<16xf32>,
        %gather3A_1034 = tpu.vector_load_idx %arg6[%get3A_272, %and3A_1023] : memref<1000x64xf32, #tpu.memory_space<vmem>>[vector<16xi32>, vector<16xi32>], vector<16xf32>,
        %mul3A_1035 = arith.mulf %gather3A_1028, %gather3A_1033 : vector<16xf32>
        %mul3A_1036 = arith.mulf %mul3A_1035, %gather3A_1034 : vector<16xf32>
        %add3A_1037 = arith.addf %add3A_957, %mul3A_1036 : vector<16xf32>
        %add3A_1038 = arith.constant 38 : i32
        %add3A_1039 = vector.broadcast %add3A_1038 : i32 to vector<16xi32>
        %add3A_1040 = arith.addi %iota3A, %add3A_1039 : vector<16xi32>
        %and3A_1041 = arith.constant 63 : i32
        %and3A_1042 = vector.broadcast %and3A_1041 : i32 to vector<16xi32>
        %and3A_1043 = arith.andi %add3A_1040, %and3A_1042 : vector<16xi32>
        %gather3A_1044 = arith.constant 0 : i32
        %gather3A_1045 = arith.constant 0 : i32
        %gather3A_1046 = tpu.memref_slice %arg8[%scan3A_242, %gather3A_1044, %gather3A_1045] : memref<2x128x64xf32, #tpu.memory_space<vmem>> -> memref<1x128x64xf32, #tpu.memory_space<vmem>>
        %gather3A_1047 = tpu.memref_squeeze %gather3A_1046 : memref<1x128x64xf32, #tpu.memory_space<vmem>> -> memref<128x64xf32, #tpu.memory_space<vmem>>
        %gather3A_1048 = tpu.vector_load_idx %gather3A_1047[%add3A_263, %and3A_1043] : memref<128x64xf32, #tpu.memory_space<vmem>>[vector<16xi32>, vector<16xi32>], vector<16xf32>,
        %gather3A_1049 = arith.constant 0 : i32
        %gather3A_1050 = arith.constant 0 : i32
        %gather3A_1051 = tpu.memref_slice %arg9[%scan3A_243, %gather3A_1049, %gather3A_1050] : memref<2x128x64xf32, #tpu.memory_space<vmem>> -> memref<1x128x64xf32, #tpu.memory_space<vmem>>
        %gather3A_1052 = tpu.memref_squeeze %gather3A_1051 : memref<1x128x64xf32, #tpu.memory_space<vmem>> -> memref<128x64xf32, #tpu.memory_space<vmem>>
        %gather3A_1053 = tpu.vector_load_idx %gather3A_1052[%add3A_263, %and3A_1043] : memref<128x64xf32, #tpu.memory_space<vmem>>[vector<16xi32>, vector<16xi32>], vector<16xf32>,
        %gather3A_1054 = tpu.vector_load_idx %arg6[%get3A_272, %and3A_1043] : memref<1000x64xf32, #tpu.memory_space<vmem>>[vector<16xi32>, vector<16xi32>], vector<16xf32>,
        %mul3A_1055 = arith.mulf %gather3A_1048, %gather3A_1053 : vector<16xf32>
        %mul3A_1056 = arith.mulf %mul3A_1055, %gather3A_1054 : vector<16xf32>
        %add3A_1057 = arith.addf %add3A_977, %mul3A_1056 : vector<16xf32>
        %add3A_1058 = arith.constant 39 : i32
        %add3A_1059 = vector.broadcast %add3A_1058 : i32 to vector<16xi32>
        %add3A_1060 = arith.addi %iota3A, %add3A_1059 : vector<16xi32>
        %and3A_1061 = arith.constant 63 : i32
        %and3A_1062 = vector.broadcast %and3A_1061 : i32 to vector<16xi32>
        %and3A_1063 = arith.andi %add3A_1060, %and3A_1062 : vector<16xi32>
        %gather3A_1064 = arith.constant 0 : i32
        %gather3A_1065 = arith.constant 0 : i32
        %gather3A_1066 = tpu.memref_slice %arg8[%scan3A_242, %gather3A_1064, %gather3A_1065] : memref<2x128x64xf32, #tpu.memory_space<vmem>> -> memref<1x128x64xf32, #tpu.memory_space<vmem>>
        %gather3A_1067 = tpu.memref_squeeze %gather3A_1066 : memref<1x128x64xf32, #tpu.memory_space<vmem>> -> memref<128x64xf32, #tpu.memory_space<vmem>>
        %gather3A_1068 = tpu.vector_load_idx %gather3A_1067[%add3A_263, %and3A_1063] : memref<128x64xf32, #tpu.memory_space<vmem>>[vector<16xi32>, vector<16xi32>], vector<16xf32>,
        %gather3A_1069 = arith.constant 0 : i32
        %gather3A_1070 = arith.constant 0 : i32
        %gather3A_1071 = tpu.memref_slice %arg9[%scan3A_243, %gather3A_1069, %gather3A_1070] : memref<2x128x64xf32, #tpu.memory_space<vmem>> -> memref<1x128x64xf32, #tpu.memory_space<vmem>>
        %gather3A_1072 = tpu.memref_squeeze %gather3A_1071 : memref<1x128x64xf32, #tpu.memory_space<vmem>> -> memref<128x64xf32, #tpu.memory_space<vmem>>
        %gather3A_1073 = tpu.vector_load_idx %gather3A_1072[%add3A_263, %and3A_1063] : memref<128x64xf32, #tpu.memory_space<vmem>>[vector<16xi32>, vector<16xi32>], vector<16xf32>,
        %gather3A_1074 = tpu.vector_load_idx %arg6[%get3A_272, %and3A_1063] : memref<1000x64xf32, #tpu.memory_space<vmem>>[vector<16xi32>, vector<16xi32>], vector<16xf32>,
        %mul3A_1075 = arith.mulf %gather3A_1068, %gather3A_1073 : vector<16xf32>
        %mul3A_1076 = arith.mulf %mul3A_1075, %gather3A_1074 : vector<16xf32>
        %add3A_1077 = arith.addf %add3A_997, %mul3A_1076 : vector<16xf32>
        %add3A_1078 = arith.constant 40 : i32
        %add3A_1079 = vector.broadcast %add3A_1078 : i32 to vector<16xi32>
        %add3A_1080 = arith.addi %iota3A, %add3A_1079 : vector<16xi32>
        %and3A_1081 = arith.constant 63 : i32
        %and3A_1082 = vector.broadcast %and3A_1081 : i32 to vector<16xi32>
        %and3A_1083 = arith.andi %add3A_1080, %and3A_1082 : vector<16xi32>
        %gather3A_1084 = arith.constant 0 : i32
        %gather3A_1085 = arith.constant 0 : i32
        %gather3A_1086 = tpu.memref_slice %arg8[%scan3A_242, %gather3A_1084, %gather3A_1085] : memref<2x128x64xf32, #tpu.memory_space<vmem>> -> memref<1x128x64xf32, #tpu.memory_space<vmem>>
        %gather3A_1087 = tpu.memref_squeeze %gather3A_1086 : memref<1x128x64xf32, #tpu.memory_space<vmem>> -> memref<128x64xf32, #tpu.memory_space<vmem>>
        %gather3A_1088 = tpu.vector_load_idx %gather3A_1087[%add3A_263, %and3A_1083] : memref<128x64xf32, #tpu.memory_space<vmem>>[vector<16xi32>, vector<16xi32>], vector<16xf32>,
        %gather3A_1089 = arith.constant 0 : i32
        %gather3A_1090 = arith.constant 0 : i32
        %gather3A_1091 = tpu.memref_slice %arg9[%scan3A_243, %gather3A_1089, %gather3A_1090] : memref<2x128x64xf32, #tpu.memory_space<vmem>> -> memref<1x128x64xf32, #tpu.memory_space<vmem>>
        %gather3A_1092 = tpu.memref_squeeze %gather3A_1091 : memref<1x128x64xf32, #tpu.memory_space<vmem>> -> memref<128x64xf32, #tpu.memory_space<vmem>>
        %gather3A_1093 = tpu.vector_load_idx %gather3A_1092[%add3A_263, %and3A_1083] : memref<128x64xf32, #tpu.memory_space<vmem>>[vector<16xi32>, vector<16xi32>], vector<16xf32>,
        %gather3A_1094 = tpu.vector_load_idx %arg6[%get3A_272, %and3A_1083] : memref<1000x64xf32, #tpu.memory_space<vmem>>[vector<16xi32>, vector<16xi32>], vector<16xf32>,
        %mul3A_1095 = arith.mulf %gather3A_1088, %gather3A_1093 : vector<16xf32>
        %mul3A_1096 = arith.mulf %mul3A_1095, %gather3A_1094 : vector<16xf32>
        %add3A_1097 = arith.addf %add3A_1017, %mul3A_1096 : vector<16xf32>
        %add3A_1098 = arith.constant 41 : i32
        %add3A_1099 = vector.broadcast %add3A_1098 : i32 to vector<16xi32>
        %add3A_1100 = arith.addi %iota3A, %add3A_1099 : vector<16xi32>
        %and3A_1101 = arith.constant 63 : i32
        %and3A_1102 = vector.broadcast %and3A_1101 : i32 to vector<16xi32>
        %and3A_1103 = arith.andi %add3A_1100, %and3A_1102 : vector<16xi32>
        %gather3A_1104 = arith.constant 0 : i32
        %gather3A_1105 = arith.constant 0 : i32
        %gather3A_1106 = tpu.memref_slice %arg8[%scan3A_242, %gather3A_1104, %gather3A_1105] : memref<2x128x64xf32, #tpu.memory_space<vmem>> -> memref<1x128x64xf32, #tpu.memory_space<vmem>>
        %gather3A_1107 = tpu.memref_squeeze %gather3A_1106 : memref<1x128x64xf32, #tpu.memory_space<vmem>> -> memref<128x64xf32, #tpu.memory_space<vmem>>
        %gather3A_1108 = tpu.vector_load_idx %gather3A_1107[%add3A_263, %and3A_1103] : memref<128x64xf32, #tpu.memory_space<vmem>>[vector<16xi32>, vector<16xi32>], vector<16xf32>,
        %gather3A_1109 = arith.constant 0 : i32
        %gather3A_1110 = arith.constant 0 : i32
        %gather3A_1111 = tpu.memref_slice %arg9[%scan3A_243, %gather3A_1109, %gather3A_1110] : memref<2x128x64xf32, #tpu.memory_space<vmem>> -> memref<1x128x64xf32, #tpu.memory_space<vmem>>
        %gather3A_1112 = tpu.memref_squeeze %gather3A_1111 : memref<1x128x64xf32, #tpu.memory_space<vmem>> -> memref<128x64xf32, #tpu.memory_space<vmem>>
        %gather3A_1113 = tpu.vector_load_idx %gather3A_1112[%add3A_263, %and3A_1103] : memref<128x64xf32, #tpu.memory_space<vmem>>[vector<16xi32>, vector<16xi32>], vector<16xf32>,
        %gather3A_1114 = tpu.vector_load_idx %arg6[%get3A_272, %and3A_1103] : memref<1000x64xf32, #tpu.memory_space<vmem>>[vector<16xi32>, vector<16xi32>], vector<16xf32>,
        %mul3A_1115 = arith.mulf %gather3A_1108, %gather3A_1113 : vector<16xf32>
        %mul3A_1116 = arith.mulf %mul3A_1115, %gather3A_1114 : vector<16xf32>
        %add3A_1117 = arith.addf %add3A_1037, %mul3A_1116 : vector<16xf32>
        %add3A_1118 = arith.constant 42 : i32
        %add3A_1119 = vector.broadcast %add3A_1118 : i32 to vector<16xi32>
        %add3A_1120 = arith.addi %iota3A, %add3A_1119 : vector<16xi32>
        %and3A_1121 = arith.constant 63 : i32
        %and3A_1122 = vector.broadcast %and3A_1121 : i32 to vector<16xi32>
        %and3A_1123 = arith.andi %add3A_1120, %and3A_1122 : vector<16xi32>
        %gather3A_1124 = arith.constant 0 : i32
        %gather3A_1125 = arith.constant 0 : i32
        %gather3A_1126 = tpu.memref_slice %arg8[%scan3A_242, %gather3A_1124, %gather3A_1125] : memref<2x128x64xf32, #tpu.memory_space<vmem>> -> memref<1x128x64xf32, #tpu.memory_space<vmem>>
        %gather3A_1127 = tpu.memref_squeeze %gather3A_1126 : memref<1x128x64xf32, #tpu.memory_space<vmem>> -> memref<128x64xf32, #tpu.memory_space<vmem>>
        %gather3A_1128 = tpu.vector_load_idx %gather3A_1127[%add3A_263, %and3A_1123] : memref<128x64xf32, #tpu.memory_space<vmem>>[vector<16xi32>, vector<16xi32>], vector<16xf32>,
        %gather3A_1129 = arith.constant 0 : i32
        %gather3A_1130 = arith.constant 0 : i32
        %gather3A_1131 = tpu.memref_slice %arg9[%scan3A_243, %gather3A_1129, %gather3A_1130] : memref<2x128x64xf32, #tpu.memory_space<vmem>> -> memref<1x128x64xf32, #tpu.memory_space<vmem>>
        %gather3A_1132 = tpu.memref_squeeze %gather3A_1131 : memref<1x128x64xf32, #tpu.memory_space<vmem>> -> memref<128x64xf32, #tpu.memory_space<vmem>>
        %gather3A_1133 = tpu.vector_load_idx %gather3A_1132[%add3A_263, %and3A_1123] : memref<128x64xf32, #tpu.memory_space<vmem>>[vector<16xi32>, vector<16xi32>], vector<16xf32>,
        %gather3A_1134 = tpu.vector_load_idx %arg6[%get3A_272, %and3A_1123] : memref<1000x64xf32, #tpu.memory_space<vmem>>[vector<16xi32>, vector<16xi32>], vector<16xf32>,
        %mul3A_1135 = arith.mulf %gather3A_1128, %gather3A_1133 : vector<16xf32>
        %mul3A_1136 = arith.mulf %mul3A_1135, %gather3A_1134 : vector<16xf32>
        %add3A_1137 = arith.addf %add3A_1057, %mul3A_1136 : vector<16xf32>
        %add3A_1138 = arith.constant 43 : i32
        %add3A_1139 = vector.broadcast %add3A_1138 : i32 to vector<16xi32>
        %add3A_1140 = arith.addi %iota3A, %add3A_1139 : vector<16xi32>
        %and3A_1141 = arith.constant 63 : i32
        %and3A_1142 = vector.broadcast %and3A_1141 : i32 to vector<16xi32>
        %and3A_1143 = arith.andi %add3A_1140, %and3A_1142 : vector<16xi32>
        %gather3A_1144 = arith.constant 0 : i32
        %gather3A_1145 = arith.constant 0 : i32
        %gather3A_1146 = tpu.memref_slice %arg8[%scan3A_242, %gather3A_1144, %gather3A_1145] : memref<2x128x64xf32, #tpu.memory_space<vmem>> -> memref<1x128x64xf32, #tpu.memory_space<vmem>>
        %gather3A_1147 = tpu.memref_squeeze %gather3A_1146 : memref<1x128x64xf32, #tpu.memory_space<vmem>> -> memref<128x64xf32, #tpu.memory_space<vmem>>
        %gather3A_1148 = tpu.vector_load_idx %gather3A_1147[%add3A_263, %and3A_1143] : memref<128x64xf32, #tpu.memory_space<vmem>>[vector<16xi32>, vector<16xi32>], vector<16xf32>,
        %gather3A_1149 = arith.constant 0 : i32
        %gather3A_1150 = arith.constant 0 : i32
        %gather3A_1151 = tpu.memref_slice %arg9[%scan3A_243, %gather3A_1149, %gather3A_1150] : memref<2x128x64xf32, #tpu.memory_space<vmem>> -> memref<1x128x64xf32, #tpu.memory_space<vmem>>
        %gather3A_1152 = tpu.memref_squeeze %gather3A_1151 : memref<1x128x64xf32, #tpu.memory_space<vmem>> -> memref<128x64xf32, #tpu.memory_space<vmem>>
        %gather3A_1153 = tpu.vector_load_idx %gather3A_1152[%add3A_263, %and3A_1143] : memref<128x64xf32, #tpu.memory_space<vmem>>[vector<16xi32>, vector<16xi32>], vector<16xf32>,
        %gather3A_1154 = tpu.vector_load_idx %arg6[%get3A_272, %and3A_1143] : memref<1000x64xf32, #tpu.memory_space<vmem>>[vector<16xi32>, vector<16xi32>], vector<16xf32>,
        %mul3A_1155 = arith.mulf %gather3A_1148, %gather3A_1153 : vector<16xf32>
        %mul3A_1156 = arith.mulf %mul3A_1155, %gather3A_1154 : vector<16xf32>
        %add3A_1157 = arith.addf %add3A_1077, %mul3A_1156 : vector<16xf32>
        %add3A_1158 = arith.constant 44 : i32
        %add3A_1159 = vector.broadcast %add3A_1158 : i32 to vector<16xi32>
        %add3A_1160 = arith.addi %iota3A, %add3A_1159 : vector<16xi32>
        %and3A_1161 = arith.constant 63 : i32
        %and3A_1162 = vector.broadcast %and3A_1161 : i32 to vector<16xi32>
        %and3A_1163 = arith.andi %add3A_1160, %and3A_1162 : vector<16xi32>
        %gather3A_1164 = arith.constant 0 : i32
        %gather3A_1165 = arith.constant 0 : i32
        %gather3A_1166 = tpu.memref_slice %arg8[%scan3A_242, %gather3A_1164, %gather3A_1165] : memref<2x128x64xf32, #tpu.memory_space<vmem>> -> memref<1x128x64xf32, #tpu.memory_space<vmem>>
        %gather3A_1167 = tpu.memref_squeeze %gather3A_1166 : memref<1x128x64xf32, #tpu.memory_space<vmem>> -> memref<128x64xf32, #tpu.memory_space<vmem>>
        %gather3A_1168 = tpu.vector_load_idx %gather3A_1167[%add3A_263, %and3A_1163] : memref<128x64xf32, #tpu.memory_space<vmem>>[vector<16xi32>, vector<16xi32>], vector<16xf32>,
        %gather3A_1169 = arith.constant 0 : i32
        %gather3A_1170 = arith.constant 0 : i32
        %gather3A_1171 = tpu.memref_slice %arg9[%scan3A_243, %gather3A_1169, %gather3A_1170] : memref<2x128x64xf32, #tpu.memory_space<vmem>> -> memref<1x128x64xf32, #tpu.memory_space<vmem>>
        %gather3A_1172 = tpu.memref_squeeze %gather3A_1171 : memref<1x128x64xf32, #tpu.memory_space<vmem>> -> memref<128x64xf32, #tpu.memory_space<vmem>>
        %gather3A_1173 = tpu.vector_load_idx %gather3A_1172[%add3A_263, %and3A_1163] : memref<128x64xf32, #tpu.memory_space<vmem>>[vector<16xi32>, vector<16xi32>], vector<16xf32>,
        %gather3A_1174 = tpu.vector_load_idx %arg6[%get3A_272, %and3A_1163] : memref<1000x64xf32, #tpu.memory_space<vmem>>[vector<16xi32>, vector<16xi32>], vector<16xf32>,
        %mul3A_1175 = arith.mulf %gather3A_1168, %gather3A_1173 : vector<16xf32>
        %mul3A_1176 = arith.mulf %mul3A_1175, %gather3A_1174 : vector<16xf32>
        %add3A_1177 = arith.addf %add3A_1097, %mul3A_1176 : vector<16xf32>
        %add3A_1178 = arith.constant 45 : i32
        %add3A_1179 = vector.broadcast %add3A_1178 : i32 to vector<16xi32>
        %add3A_1180 = arith.addi %iota3A, %add3A_1179 : vector<16xi32>
        %and3A_1181 = arith.constant 63 : i32
        %and3A_1182 = vector.broadcast %and3A_1181 : i32 to vector<16xi32>
        %and3A_1183 = arith.andi %add3A_1180, %and3A_1182 : vector<16xi32>
        %gather3A_1184 = arith.constant 0 : i32
        %gather3A_1185 = arith.constant 0 : i32
        %gather3A_1186 = tpu.memref_slice %arg8[%scan3A_242, %gather3A_1184, %gather3A_1185] : memref<2x128x64xf32, #tpu.memory_space<vmem>> -> memref<1x128x64xf32, #tpu.memory_space<vmem>>
        %gather3A_1187 = tpu.memref_squeeze %gather3A_1186 : memref<1x128x64xf32, #tpu.memory_space<vmem>> -> memref<128x64xf32, #tpu.memory_space<vmem>>
        %gather3A_1188 = tpu.vector_load_idx %gather3A_1187[%add3A_263, %and3A_1183] : memref<128x64xf32, #tpu.memory_space<vmem>>[vector<16xi32>, vector<16xi32>], vector<16xf32>,
        %gather3A_1189 = arith.constant 0 : i32
        %gather3A_1190 = arith.constant 0 : i32
        %gather3A_1191 = tpu.memref_slice %arg9[%scan3A_243, %gather3A_1189, %gather3A_1190] : memref<2x128x64xf32, #tpu.memory_space<vmem>> -> memref<1x128x64xf32, #tpu.memory_space<vmem>>
        %gather3A_1192 = tpu.memref_squeeze %gather3A_1191 : memref<1x128x64xf32, #tpu.memory_space<vmem>> -> memref<128x64xf32, #tpu.memory_space<vmem>>
        %gather3A_1193 = tpu.vector_load_idx %gather3A_1192[%add3A_263, %and3A_1183] : memref<128x64xf32, #tpu.memory_space<vmem>>[vector<16xi32>, vector<16xi32>], vector<16xf32>,
        %gather3A_1194 = tpu.vector_load_idx %arg6[%get3A_272, %and3A_1183] : memref<1000x64xf32, #tpu.memory_space<vmem>>[vector<16xi32>, vector<16xi32>], vector<16xf32>,
        %mul3A_1195 = arith.mulf %gather3A_1188, %gather3A_1193 : vector<16xf32>
        %mul3A_1196 = arith.mulf %mul3A_1195, %gather3A_1194 : vector<16xf32>
        %add3A_1197 = arith.addf %add3A_1117, %mul3A_1196 : vector<16xf32>
        %add3A_1198 = arith.constant 46 : i32
        %add3A_1199 = vector.broadcast %add3A_1198 : i32 to vector<16xi32>
        %add3A_1200 = arith.addi %iota3A, %add3A_1199 : vector<16xi32>
        %and3A_1201 = arith.constant 63 : i32
        %and3A_1202 = vector.broadcast %and3A_1201 : i32 to vector<16xi32>
        %and3A_1203 = arith.andi %add3A_1200, %and3A_1202 : vector<16xi32>
        %gather3A_1204 = arith.constant 0 : i32
        %gather3A_1205 = arith.constant 0 : i32
        %gather3A_1206 = tpu.memref_slice %arg8[%scan3A_242, %gather3A_1204, %gather3A_1205] : memref<2x128x64xf32, #tpu.memory_space<vmem>> -> memref<1x128x64xf32, #tpu.memory_space<vmem>>
        %gather3A_1207 = tpu.memref_squeeze %gather3A_1206 : memref<1x128x64xf32, #tpu.memory_space<vmem>> -> memref<128x64xf32, #tpu.memory_space<vmem>>
        %gather3A_1208 = tpu.vector_load_idx %gather3A_1207[%add3A_263, %and3A_1203] : memref<128x64xf32, #tpu.memory_space<vmem>>[vector<16xi32>, vector<16xi32>], vector<16xf32>,
        %gather3A_1209 = arith.constant 0 : i32
        %gather3A_1210 = arith.constant 0 : i32
        %gather3A_1211 = tpu.memref_slice %arg9[%scan3A_243, %gather3A_1209, %gather3A_1210] : memref<2x128x64xf32, #tpu.memory_space<vmem>> -> memref<1x128x64xf32, #tpu.memory_space<vmem>>
        %gather3A_1212 = tpu.memref_squeeze %gather3A_1211 : memref<1x128x64xf32, #tpu.memory_space<vmem>> -> memref<128x64xf32, #tpu.memory_space<vmem>>
        %gather3A_1213 = tpu.vector_load_idx %gather3A_1212[%add3A_263, %and3A_1203] : memref<128x64xf32, #tpu.memory_space<vmem>>[vector<16xi32>, vector<16xi32>], vector<16xf32>,
        %gather3A_1214 = tpu.vector_load_idx %arg6[%get3A_272, %and3A_1203] : memref<1000x64xf32, #tpu.memory_space<vmem>>[vector<16xi32>, vector<16xi32>], vector<16xf32>,
        %mul3A_1215 = arith.mulf %gather3A_1208, %gather3A_1213 : vector<16xf32>
        %mul3A_1216 = arith.mulf %mul3A_1215, %gather3A_1214 : vector<16xf32>
        %add3A_1217 = arith.addf %add3A_1137, %mul3A_1216 : vector<16xf32>
        %add3A_1218 = arith.constant 47 : i32
        %add3A_1219 = vector.broadcast %add3A_1218 : i32 to vector<16xi32>
        %add3A_1220 = arith.addi %iota3A, %add3A_1219 : vector<16xi32>
        %and3A_1221 = arith.constant 63 : i32
        %and3A_1222 = vector.broadcast %and3A_1221 : i32 to vector<16xi32>
        %and3A_1223 = arith.andi %add3A_1220, %and3A_1222 : vector<16xi32>
        %gather3A_1224 = arith.constant 0 : i32
        %gather3A_1225 = arith.constant 0 : i32
        %gather3A_1226 = tpu.memref_slice %arg8[%scan3A_242, %gather3A_1224, %gather3A_1225] : memref<2x128x64xf32, #tpu.memory_space<vmem>> -> memref<1x128x64xf32, #tpu.memory_space<vmem>>
        %gather3A_1227 = tpu.memref_squeeze %gather3A_1226 : memref<1x128x64xf32, #tpu.memory_space<vmem>> -> memref<128x64xf32, #tpu.memory_space<vmem>>
        %gather3A_1228 = tpu.vector_load_idx %gather3A_1227[%add3A_263, %and3A_1223] : memref<128x64xf32, #tpu.memory_space<vmem>>[vector<16xi32>, vector<16xi32>], vector<16xf32>,
        %gather3A_1229 = arith.constant 0 : i32
        %gather3A_1230 = arith.constant 0 : i32
        %gather3A_1231 = tpu.memref_slice %arg9[%scan3A_243, %gather3A_1229, %gather3A_1230] : memref<2x128x64xf32, #tpu.memory_space<vmem>> -> memref<1x128x64xf32, #tpu.memory_space<vmem>>
        %gather3A_1232 = tpu.memref_squeeze %gather3A_1231 : memref<1x128x64xf32, #tpu.memory_space<vmem>> -> memref<128x64xf32, #tpu.memory_space<vmem>>
        %gather3A_1233 = tpu.vector_load_idx %gather3A_1232[%add3A_263, %and3A_1223] : memref<128x64xf32, #tpu.memory_space<vmem>>[vector<16xi32>, vector<16xi32>], vector<16xf32>,
        %gather3A_1234 = tpu.vector_load_idx %arg6[%get3A_272, %and3A_1223] : memref<1000x64xf32, #tpu.memory_space<vmem>>[vector<16xi32>, vector<16xi32>], vector<16xf32>,
        %mul3A_1235 = arith.mulf %gather3A_1228, %gather3A_1233 : vector<16xf32>
        %mul3A_1236 = arith.mulf %mul3A_1235, %gather3A_1234 : vector<16xf32>
        %add3A_1237 = arith.addf %add3A_1157, %mul3A_1236 : vector<16xf32>
        %add3A_1238 = arith.constant 48 : i32
        %add3A_1239 = vector.broadcast %add3A_1238 : i32 to vector<16xi32>
        %add3A_1240 = arith.addi %iota3A, %add3A_1239 : vector<16xi32>
        %and3A_1241 = arith.constant 63 : i32
        %and3A_1242 = vector.broadcast %and3A_1241 : i32 to vector<16xi32>
        %and3A_1243 = arith.andi %add3A_1240, %and3A_1242 : vector<16xi32>
        %gather3A_1244 = arith.constant 0 : i32
        %gather3A_1245 = arith.constant 0 : i32
        %gather3A_1246 = tpu.memref_slice %arg8[%scan3A_242, %gather3A_1244, %gather3A_1245] : memref<2x128x64xf32, #tpu.memory_space<vmem>> -> memref<1x128x64xf32, #tpu.memory_space<vmem>>
        %gather3A_1247 = tpu.memref_squeeze %gather3A_1246 : memref<1x128x64xf32, #tpu.memory_space<vmem>> -> memref<128x64xf32, #tpu.memory_space<vmem>>
        %gather3A_1248 = tpu.vector_load_idx %gather3A_1247[%add3A_263, %and3A_1243] : memref<128x64xf32, #tpu.memory_space<vmem>>[vector<16xi32>, vector<16xi32>], vector<16xf32>,
        %gather3A_1249 = arith.constant 0 : i32
        %gather3A_1250 = arith.constant 0 : i32
        %gather3A_1251 = tpu.memref_slice %arg9[%scan3A_243, %gather3A_1249, %gather3A_1250] : memref<2x128x64xf32, #tpu.memory_space<vmem>> -> memref<1x128x64xf32, #tpu.memory_space<vmem>>
        %gather3A_1252 = tpu.memref_squeeze %gather3A_1251 : memref<1x128x64xf32, #tpu.memory_space<vmem>> -> memref<128x64xf32, #tpu.memory_space<vmem>>
        %gather3A_1253 = tpu.vector_load_idx %gather3A_1252[%add3A_263, %and3A_1243] : memref<128x64xf32, #tpu.memory_space<vmem>>[vector<16xi32>, vector<16xi32>], vector<16xf32>,
        %gather3A_1254 = tpu.vector_load_idx %arg6[%get3A_272, %and3A_1243] : memref<1000x64xf32, #tpu.memory_space<vmem>>[vector<16xi32>, vector<16xi32>], vector<16xf32>,
        %mul3A_1255 = arith.mulf %gather3A_1248, %gather3A_1253 : vector<16xf32>
        %mul3A_1256 = arith.mulf %mul3A_1255, %gather3A_1254 : vector<16xf32>
        %add3A_1257 = arith.addf %add3A_1177, %mul3A_1256 : vector<16xf32>
        %add3A_1258 = arith.constant 49 : i32
        %add3A_1259 = vector.broadcast %add3A_1258 : i32 to vector<16xi32>
        %add3A_1260 = arith.addi %iota3A, %add3A_1259 : vector<16xi32>
        %and3A_1261 = arith.constant 63 : i32
        %and3A_1262 = vector.broadcast %and3A_1261 : i32 to vector<16xi32>
        %and3A_1263 = arith.andi %add3A_1260, %and3A_1262 : vector<16xi32>
        %gather3A_1264 = arith.constant 0 : i32
        %gather3A_1265 = arith.constant 0 : i32
        %gather3A_1266 = tpu.memref_slice %arg8[%scan3A_242, %gather3A_1264, %gather3A_1265] : memref<2x128x64xf32, #tpu.memory_space<vmem>> -> memref<1x128x64xf32, #tpu.memory_space<vmem>>
        %gather3A_1267 = tpu.memref_squeeze %gather3A_1266 : memref<1x128x64xf32, #tpu.memory_space<vmem>> -> memref<128x64xf32, #tpu.memory_space<vmem>>
        %gather3A_1268 = tpu.vector_load_idx %gather3A_1267[%add3A_263, %and3A_1263] : memref<128x64xf32, #tpu.memory_space<vmem>>[vector<16xi32>, vector<16xi32>], vector<16xf32>,
        %gather3A_1269 = arith.constant 0 : i32
        %gather3A_1270 = arith.constant 0 : i32
        %gather3A_1271 = tpu.memref_slice %arg9[%scan3A_243, %gather3A_1269, %gather3A_1270] : memref<2x128x64xf32, #tpu.memory_space<vmem>> -> memref<1x128x64xf32, #tpu.memory_space<vmem>>
        %gather3A_1272 = tpu.memref_squeeze %gather3A_1271 : memref<1x128x64xf32, #tpu.memory_space<vmem>> -> memref<128x64xf32, #tpu.memory_space<vmem>>
        %gather3A_1273 = tpu.vector_load_idx %gather3A_1272[%add3A_263, %and3A_1263] : memref<128x64xf32, #tpu.memory_space<vmem>>[vector<16xi32>, vector<16xi32>], vector<16xf32>,
        %gather3A_1274 = tpu.vector_load_idx %arg6[%get3A_272, %and3A_1263] : memref<1000x64xf32, #tpu.memory_space<vmem>>[vector<16xi32>, vector<16xi32>], vector<16xf32>,
        %mul3A_1275 = arith.mulf %gather3A_1268, %gather3A_1273 : vector<16xf32>
        %mul3A_1276 = arith.mulf %mul3A_1275, %gather3A_1274 : vector<16xf32>
        %add3A_1277 = arith.addf %add3A_1197, %mul3A_1276 : vector<16xf32>
        %add3A_1278 = arith.constant 50 : i32
        %add3A_1279 = vector.broadcast %add3A_1278 : i32 to vector<16xi32>
        %add3A_1280 = arith.addi %iota3A, %add3A_1279 : vector<16xi32>
        %and3A_1281 = arith.constant 63 : i32
        %and3A_1282 = vector.broadcast %and3A_1281 : i32 to vector<16xi32>
        %and3A_1283 = arith.andi %add3A_1280, %and3A_1282 : vector<16xi32>
        %gather3A_1284 = arith.constant 0 : i32
        %gather3A_1285 = arith.constant 0 : i32
        %gather3A_1286 = tpu.memref_slice %arg8[%scan3A_242, %gather3A_1284, %gather3A_1285] : memref<2x128x64xf32, #tpu.memory_space<vmem>> -> memref<1x128x64xf32, #tpu.memory_space<vmem>>
        %gather3A_1287 = tpu.memref_squeeze %gather3A_1286 : memref<1x128x64xf32, #tpu.memory_space<vmem>> -> memref<128x64xf32, #tpu.memory_space<vmem>>
        %gather3A_1288 = tpu.vector_load_idx %gather3A_1287[%add3A_263, %and3A_1283] : memref<128x64xf32, #tpu.memory_space<vmem>>[vector<16xi32>, vector<16xi32>], vector<16xf32>,
        %gather3A_1289 = arith.constant 0 : i32
        %gather3A_1290 = arith.constant 0 : i32
        %gather3A_1291 = tpu.memref_slice %arg9[%scan3A_243, %gather3A_1289, %gather3A_1290] : memref<2x128x64xf32, #tpu.memory_space<vmem>> -> memref<1x128x64xf32, #tpu.memory_space<vmem>>
        %gather3A_1292 = tpu.memref_squeeze %gather3A_1291 : memref<1x128x64xf32, #tpu.memory_space<vmem>> -> memref<128x64xf32, #tpu.memory_space<vmem>>
        %gather3A_1293 = tpu.vector_load_idx %gather3A_1292[%add3A_263, %and3A_1283] : memref<128x64xf32, #tpu.memory_space<vmem>>[vector<16xi32>, vector<16xi32>], vector<16xf32>,
        %gather3A_1294 = tpu.vector_load_idx %arg6[%get3A_272, %and3A_1283] : memref<1000x64xf32, #tpu.memory_space<vmem>>[vector<16xi32>, vector<16xi32>], vector<16xf32>,
        %mul3A_1295 = arith.mulf %gather3A_1288, %gather3A_1293 : vector<16xf32>
        %mul3A_1296 = arith.mulf %mul3A_1295, %gather3A_1294 : vector<16xf32>
        %add3A_1297 = arith.addf %add3A_1217, %mul3A_1296 : vector<16xf32>
        %add3A_1298 = arith.constant 51 : i32
        %add3A_1299 = vector.broadcast %add3A_1298 : i32 to vector<16xi32>
        %add3A_1300 = arith.addi %iota3A, %add3A_1299 : vector<16xi32>
        %and3A_1301 = arith.constant 63 : i32
        %and3A_1302 = vector.broadcast %and3A_1301 : i32 to vector<16xi32>
        %and3A_1303 = arith.andi %add3A_1300, %and3A_1302 : vector<16xi32>
        %gather3A_1304 = arith.constant 0 : i32
        %gather3A_1305 = arith.constant 0 : i32
        %gather3A_1306 = tpu.memref_slice %arg8[%scan3A_242, %gather3A_1304, %gather3A_1305] : memref<2x128x64xf32, #tpu.memory_space<vmem>> -> memref<1x128x64xf32, #tpu.memory_space<vmem>>
        %gather3A_1307 = tpu.memref_squeeze %gather3A_1306 : memref<1x128x64xf32, #tpu.memory_space<vmem>> -> memref<128x64xf32, #tpu.memory_space<vmem>>
        %gather3A_1308 = tpu.vector_load_idx %gather3A_1307[%add3A_263, %and3A_1303] : memref<128x64xf32, #tpu.memory_space<vmem>>[vector<16xi32>, vector<16xi32>], vector<16xf32>,
        %gather3A_1309 = arith.constant 0 : i32
        %gather3A_1310 = arith.constant 0 : i32
        %gather3A_1311 = tpu.memref_slice %arg9[%scan3A_243, %gather3A_1309, %gather3A_1310] : memref<2x128x64xf32, #tpu.memory_space<vmem>> -> memref<1x128x64xf32, #tpu.memory_space<vmem>>
        %gather3A_1312 = tpu.memref_squeeze %gather3A_1311 : memref<1x128x64xf32, #tpu.memory_space<vmem>> -> memref<128x64xf32, #tpu.memory_space<vmem>>
        %gather3A_1313 = tpu.vector_load_idx %gather3A_1312[%add3A_263, %and3A_1303] : memref<128x64xf32, #tpu.memory_space<vmem>>[vector<16xi32>, vector<16xi32>], vector<16xf32>,
        %gather3A_1314 = tpu.vector_load_idx %arg6[%get3A_272, %and3A_1303] : memref<1000x64xf32, #tpu.memory_space<vmem>>[vector<16xi32>, vector<16xi32>], vector<16xf32>,
        %mul3A_1315 = arith.mulf %gather3A_1308, %gather3A_1313 : vector<16xf32>
        %mul3A_1316 = arith.mulf %mul3A_1315, %gather3A_1314 : vector<16xf32>
        %add3A_1317 = arith.addf %add3A_1237, %mul3A_1316 : vector<16xf32>
        %add3A_1318 = arith.constant 52 : i32
        %add3A_1319 = vector.broadcast %add3A_1318 : i32 to vector<16xi32>
        %add3A_1320 = arith.addi %iota3A, %add3A_1319 : vector<16xi32>
        %and3A_1321 = arith.constant 63 : i32
        %and3A_1322 = vector.broadcast %and3A_1321 : i32 to vector<16xi32>
        %and3A_1323 = arith.andi %add3A_1320, %and3A_1322 : vector<16xi32>
        %gather3A_1324 = arith.constant 0 : i32
        %gather3A_1325 = arith.constant 0 : i32
        %gather3A_1326 = tpu.memref_slice %arg8[%scan3A_242, %gather3A_1324, %gather3A_1325] : memref<2x128x64xf32, #tpu.memory_space<vmem>> -> memref<1x128x64xf32, #tpu.memory_space<vmem>>
        %gather3A_1327 = tpu.memref_squeeze %gather3A_1326 : memref<1x128x64xf32, #tpu.memory_space<vmem>> -> memref<128x64xf32, #tpu.memory_space<vmem>>
        %gather3A_1328 = tpu.vector_load_idx %gather3A_1327[%add3A_263, %and3A_1323] : memref<128x64xf32, #tpu.memory_space<vmem>>[vector<16xi32>, vector<16xi32>], vector<16xf32>,
        %gather3A_1329 = arith.constant 0 : i32
        %gather3A_1330 = arith.constant 0 : i32
        %gather3A_1331 = tpu.memref_slice %arg9[%scan3A_243, %gather3A_1329, %gather3A_1330] : memref<2x128x64xf32, #tpu.memory_space<vmem>> -> memref<1x128x64xf32, #tpu.memory_space<vmem>>
        %gather3A_1332 = tpu.memref_squeeze %gather3A_1331 : memref<1x128x64xf32, #tpu.memory_space<vmem>> -> memref<128x64xf32, #tpu.memory_space<vmem>>
        %gather3A_1333 = tpu.vector_load_idx %gather3A_1332[%add3A_263, %and3A_1323] : memref<128x64xf32, #tpu.memory_space<vmem>>[vector<16xi32>, vector<16xi32>], vector<16xf32>,
        %gather3A_1334 = tpu.vector_load_idx %arg6[%get3A_272, %and3A_1323] : memref<1000x64xf32, #tpu.memory_space<vmem>>[vector<16xi32>, vector<16xi32>], vector<16xf32>,
        %mul3A_1335 = arith.mulf %gather3A_1328, %gather3A_1333 : vector<16xf32>
        %mul3A_1336 = arith.mulf %mul3A_1335, %gather3A_1334 : vector<16xf32>
        %add3A_1337 = arith.addf %add3A_1257, %mul3A_1336 : vector<16xf32>
        %add3A_1338 = arith.constant 53 : i32
        %add3A_1339 = vector.broadcast %add3A_1338 : i32 to vector<16xi32>
        %add3A_1340 = arith.addi %iota3A, %add3A_1339 : vector<16xi32>
        %and3A_1341 = arith.constant 63 : i32
        %and3A_1342 = vector.broadcast %and3A_1341 : i32 to vector<16xi32>
        %and3A_1343 = arith.andi %add3A_1340, %and3A_1342 : vector<16xi32>
        %gather3A_1344 = arith.constant 0 : i32
        %gather3A_1345 = arith.constant 0 : i32
        %gather3A_1346 = tpu.memref_slice %arg8[%scan3A_242, %gather3A_1344, %gather3A_1345] : memref<2x128x64xf32, #tpu.memory_space<vmem>> -> memref<1x128x64xf32, #tpu.memory_space<vmem>>
        %gather3A_1347 = tpu.memref_squeeze %gather3A_1346 : memref<1x128x64xf32, #tpu.memory_space<vmem>> -> memref<128x64xf32, #tpu.memory_space<vmem>>
        %gather3A_1348 = tpu.vector_load_idx %gather3A_1347[%add3A_263, %and3A_1343] : memref<128x64xf32, #tpu.memory_space<vmem>>[vector<16xi32>, vector<16xi32>], vector<16xf32>,
        %gather3A_1349 = arith.constant 0 : i32
        %gather3A_1350 = arith.constant 0 : i32
        %gather3A_1351 = tpu.memref_slice %arg9[%scan3A_243, %gather3A_1349, %gather3A_1350] : memref<2x128x64xf32, #tpu.memory_space<vmem>> -> memref<1x128x64xf32, #tpu.memory_space<vmem>>
        %gather3A_1352 = tpu.memref_squeeze %gather3A_1351 : memref<1x128x64xf32, #tpu.memory_space<vmem>> -> memref<128x64xf32, #tpu.memory_space<vmem>>
        %gather3A_1353 = tpu.vector_load_idx %gather3A_1352[%add3A_263, %and3A_1343] : memref<128x64xf32, #tpu.memory_space<vmem>>[vector<16xi32>, vector<16xi32>], vector<16xf32>,
        %gather3A_1354 = tpu.vector_load_idx %arg6[%get3A_272, %and3A_1343] : memref<1000x64xf32, #tpu.memory_space<vmem>>[vector<16xi32>, vector<16xi32>], vector<16xf32>,
        %mul3A_1355 = arith.mulf %gather3A_1348, %gather3A_1353 : vector<16xf32>
        %mul3A_1356 = arith.mulf %mul3A_1355, %gather3A_1354 : vector<16xf32>
        %add3A_1357 = arith.addf %add3A_1277, %mul3A_1356 : vector<16xf32>
        %add3A_1358 = arith.constant 54 : i32
        %add3A_1359 = vector.broadcast %add3A_1358 : i32 to vector<16xi32>
        %add3A_1360 = arith.addi %iota3A, %add3A_1359 : vector<16xi32>
        %and3A_1361 = arith.constant 63 : i32
        %and3A_1362 = vector.broadcast %and3A_1361 : i32 to vector<16xi32>
        %and3A_1363 = arith.andi %add3A_1360, %and3A_1362 : vector<16xi32>
        %gather3A_1364 = arith.constant 0 : i32
        %gather3A_1365 = arith.constant 0 : i32
        %gather3A_1366 = tpu.memref_slice %arg8[%scan3A_242, %gather3A_1364, %gather3A_1365] : memref<2x128x64xf32, #tpu.memory_space<vmem>> -> memref<1x128x64xf32, #tpu.memory_space<vmem>>
        %gather3A_1367 = tpu.memref_squeeze %gather3A_1366 : memref<1x128x64xf32, #tpu.memory_space<vmem>> -> memref<128x64xf32, #tpu.memory_space<vmem>>
        %gather3A_1368 = tpu.vector_load_idx %gather3A_1367[%add3A_263, %and3A_1363] : memref<128x64xf32, #tpu.memory_space<vmem>>[vector<16xi32>, vector<16xi32>], vector<16xf32>,
        %gather3A_1369 = arith.constant 0 : i32
        %gather3A_1370 = arith.constant 0 : i32
        %gather3A_1371 = tpu.memref_slice %arg9[%scan3A_243, %gather3A_1369, %gather3A_1370] : memref<2x128x64xf32, #tpu.memory_space<vmem>> -> memref<1x128x64xf32, #tpu.memory_space<vmem>>
        %gather3A_1372 = tpu.memref_squeeze %gather3A_1371 : memref<1x128x64xf32, #tpu.memory_space<vmem>> -> memref<128x64xf32, #tpu.memory_space<vmem>>
        %gather3A_1373 = tpu.vector_load_idx %gather3A_1372[%add3A_263, %and3A_1363] : memref<128x64xf32, #tpu.memory_space<vmem>>[vector<16xi32>, vector<16xi32>], vector<16xf32>,
        %gather3A_1374 = tpu.vector_load_idx %arg6[%get3A_272, %and3A_1363] : memref<1000x64xf32, #tpu.memory_space<vmem>>[vector<16xi32>, vector<16xi32>], vector<16xf32>,
        %mul3A_1375 = arith.mulf %gather3A_1368, %gather3A_1373 : vector<16xf32>
        %mul3A_1376 = arith.mulf %mul3A_1375, %gather3A_1374 : vector<16xf32>
        %add3A_1377 = arith.addf %add3A_1297, %mul3A_1376 : vector<16xf32>
        %add3A_1378 = arith.constant 55 : i32
        %add3A_1379 = vector.broadcast %add3A_1378 : i32 to vector<16xi32>
        %add3A_1380 = arith.addi %iota3A, %add3A_1379 : vector<16xi32>
        %and3A_1381 = arith.constant 63 : i32
        %and3A_1382 = vector.broadcast %and3A_1381 : i32 to vector<16xi32>
        %and3A_1383 = arith.andi %add3A_1380, %and3A_1382 : vector<16xi32>
        %gather3A_1384 = arith.constant 0 : i32
        %gather3A_1385 = arith.constant 0 : i32
        %gather3A_1386 = tpu.memref_slice %arg8[%scan3A_242, %gather3A_1384, %gather3A_1385] : memref<2x128x64xf32, #tpu.memory_space<vmem>> -> memref<1x128x64xf32, #tpu.memory_space<vmem>>
        %gather3A_1387 = tpu.memref_squeeze %gather3A_1386 : memref<1x128x64xf32, #tpu.memory_space<vmem>> -> memref<128x64xf32, #tpu.memory_space<vmem>>
        %gather3A_1388 = tpu.vector_load_idx %gather3A_1387[%add3A_263, %and3A_1383] : memref<128x64xf32, #tpu.memory_space<vmem>>[vector<16xi32>, vector<16xi32>], vector<16xf32>,
        %gather3A_1389 = arith.constant 0 : i32
        %gather3A_1390 = arith.constant 0 : i32
        %gather3A_1391 = tpu.memref_slice %arg9[%scan3A_243, %gather3A_1389, %gather3A_1390] : memref<2x128x64xf32, #tpu.memory_space<vmem>> -> memref<1x128x64xf32, #tpu.memory_space<vmem>>
        %gather3A_1392 = tpu.memref_squeeze %gather3A_1391 : memref<1x128x64xf32, #tpu.memory_space<vmem>> -> memref<128x64xf32, #tpu.memory_space<vmem>>
        %gather3A_1393 = tpu.vector_load_idx %gather3A_1392[%add3A_263, %and3A_1383] : memref<128x64xf32, #tpu.memory_space<vmem>>[vector<16xi32>, vector<16xi32>], vector<16xf32>,
        %gather3A_1394 = tpu.vector_load_idx %arg6[%get3A_272, %and3A_1383] : memref<1000x64xf32, #tpu.memory_space<vmem>>[vector<16xi32>, vector<16xi32>], vector<16xf32>,
        %mul3A_1395 = arith.mulf %gather3A_1388, %gather3A_1393 : vector<16xf32>
        %mul3A_1396 = arith.mulf %mul3A_1395, %gather3A_1394 : vector<16xf32>
        %add3A_1397 = arith.addf %add3A_1317, %mul3A_1396 : vector<16xf32>
        %add3A_1398 = arith.constant 56 : i32
        %add3A_1399 = vector.broadcast %add3A_1398 : i32 to vector<16xi32>
        %add3A_1400 = arith.addi %iota3A, %add3A_1399 : vector<16xi32>
        %and3A_1401 = arith.constant 63 : i32
        %and3A_1402 = vector.broadcast %and3A_1401 : i32 to vector<16xi32>
        %and3A_1403 = arith.andi %add3A_1400, %and3A_1402 : vector<16xi32>
        %gather3A_1404 = arith.constant 0 : i32
        %gather3A_1405 = arith.constant 0 : i32
        %gather3A_1406 = tpu.memref_slice %arg8[%scan3A_242, %gather3A_1404, %gather3A_1405] : memref<2x128x64xf32, #tpu.memory_space<vmem>> -> memref<1x128x64xf32, #tpu.memory_space<vmem>>
        %gather3A_1407 = tpu.memref_squeeze %gather3A_1406 : memref<1x128x64xf32, #tpu.memory_space<vmem>> -> memref<128x64xf32, #tpu.memory_space<vmem>>
        %gather3A_1408 = tpu.vector_load_idx %gather3A_1407[%add3A_263, %and3A_1403] : memref<128x64xf32, #tpu.memory_space<vmem>>[vector<16xi32>, vector<16xi32>], vector<16xf32>,
        %gather3A_1409 = arith.constant 0 : i32
        %gather3A_1410 = arith.constant 0 : i32
        %gather3A_1411 = tpu.memref_slice %arg9[%scan3A_243, %gather3A_1409, %gather3A_1410] : memref<2x128x64xf32, #tpu.memory_space<vmem>> -> memref<1x128x64xf32, #tpu.memory_space<vmem>>
        %gather3A_1412 = tpu.memref_squeeze %gather3A_1411 : memref<1x128x64xf32, #tpu.memory_space<vmem>> -> memref<128x64xf32, #tpu.memory_space<vmem>>
        %gather3A_1413 = tpu.vector_load_idx %gather3A_1412[%add3A_263, %and3A_1403] : memref<128x64xf32, #tpu.memory_space<vmem>>[vector<16xi32>, vector<16xi32>], vector<16xf32>,
        %gather3A_1414 = tpu.vector_load_idx %arg6[%get3A_272, %and3A_1403] : memref<1000x64xf32, #tpu.memory_space<vmem>>[vector<16xi32>, vector<16xi32>], vector<16xf32>,
        %mul3A_1415 = arith.mulf %gather3A_1408, %gather3A_1413 : vector<16xf32>
        %mul3A_1416 = arith.mulf %mul3A_1415, %gather3A_1414 : vector<16xf32>
        %add3A_1417 = arith.addf %add3A_1337, %mul3A_1416 : vector<16xf32>
        %add3A_1418 = arith.constant 57 : i32
        %add3A_1419 = vector.broadcast %add3A_1418 : i32 to vector<16xi32>
        %add3A_1420 = arith.addi %iota3A, %add3A_1419 : vector<16xi32>
        %and3A_1421 = arith.constant 63 : i32
        %and3A_1422 = vector.broadcast %and3A_1421 : i32 to vector<16xi32>
        %and3A_1423 = arith.andi %add3A_1420, %and3A_1422 : vector<16xi32>
        %gather3A_1424 = arith.constant 0 : i32
        %gather3A_1425 = arith.constant 0 : i32
        %gather3A_1426 = tpu.memref_slice %arg8[%scan3A_242, %gather3A_1424, %gather3A_1425] : memref<2x128x64xf32, #tpu.memory_space<vmem>> -> memref<1x128x64xf32, #tpu.memory_space<vmem>>
        %gather3A_1427 = tpu.memref_squeeze %gather3A_1426 : memref<1x128x64xf32, #tpu.memory_space<vmem>> -> memref<128x64xf32, #tpu.memory_space<vmem>>
        %gather3A_1428 = tpu.vector_load_idx %gather3A_1427[%add3A_263, %and3A_1423] : memref<128x64xf32, #tpu.memory_space<vmem>>[vector<16xi32>, vector<16xi32>], vector<16xf32>,
        %gather3A_1429 = arith.constant 0 : i32
        %gather3A_1430 = arith.constant 0 : i32
        %gather3A_1431 = tpu.memref_slice %arg9[%scan3A_243, %gather3A_1429, %gather3A_1430] : memref<2x128x64xf32, #tpu.memory_space<vmem>> -> memref<1x128x64xf32, #tpu.memory_space<vmem>>
        %gather3A_1432 = tpu.memref_squeeze %gather3A_1431 : memref<1x128x64xf32, #tpu.memory_space<vmem>> -> memref<128x64xf32, #tpu.memory_space<vmem>>
        %gather3A_1433 = tpu.vector_load_idx %gather3A_1432[%add3A_263, %and3A_1423] : memref<128x64xf32, #tpu.memory_space<vmem>>[vector<16xi32>, vector<16xi32>], vector<16xf32>,
        %gather3A_1434 = tpu.vector_load_idx %arg6[%get3A_272, %and3A_1423] : memref<1000x64xf32, #tpu.memory_space<vmem>>[vector<16xi32>, vector<16xi32>], vector<16xf32>,
        %mul3A_1435 = arith.mulf %gather3A_1428, %gather3A_1433 : vector<16xf32>
        %mul3A_1436 = arith.mulf %mul3A_1435, %gather3A_1434 : vector<16xf32>
        %add3A_1437 = arith.addf %add3A_1357, %mul3A_1436 : vector<16xf32>
        %add3A_1438 = arith.constant 58 : i32
        %add3A_1439 = vector.broadcast %add3A_1438 : i32 to vector<16xi32>
        %add3A_1440 = arith.addi %iota3A, %add3A_1439 : vector<16xi32>
        %and3A_1441 = arith.constant 63 : i32
        %and3A_1442 = vector.broadcast %and3A_1441 : i32 to vector<16xi32>
        %and3A_1443 = arith.andi %add3A_1440, %and3A_1442 : vector<16xi32>
        %gather3A_1444 = arith.constant 0 : i32
        %gather3A_1445 = arith.constant 0 : i32
        %gather3A_1446 = tpu.memref_slice %arg8[%scan3A_242, %gather3A_1444, %gather3A_1445] : memref<2x128x64xf32, #tpu.memory_space<vmem>> -> memref<1x128x64xf32, #tpu.memory_space<vmem>>
        %gather3A_1447 = tpu.memref_squeeze %gather3A_1446 : memref<1x128x64xf32, #tpu.memory_space<vmem>> -> memref<128x64xf32, #tpu.memory_space<vmem>>
        %gather3A_1448 = tpu.vector_load_idx %gather3A_1447[%add3A_263, %and3A_1443] : memref<128x64xf32, #tpu.memory_space<vmem>>[vector<16xi32>, vector<16xi32>], vector<16xf32>,
        %gather3A_1449 = arith.constant 0 : i32
        %gather3A_1450 = arith.constant 0 : i32
        %gather3A_1451 = tpu.memref_slice %arg9[%scan3A_243, %gather3A_1449, %gather3A_1450] : memref<2x128x64xf32, #tpu.memory_space<vmem>> -> memref<1x128x64xf32, #tpu.memory_space<vmem>>
        %gather3A_1452 = tpu.memref_squeeze %gather3A_1451 : memref<1x128x64xf32, #tpu.memory_space<vmem>> -> memref<128x64xf32, #tpu.memory_space<vmem>>
        %gather3A_1453 = tpu.vector_load_idx %gather3A_1452[%add3A_263, %and3A_1443] : memref<128x64xf32, #tpu.memory_space<vmem>>[vector<16xi32>, vector<16xi32>], vector<16xf32>,
        %gather3A_1454 = tpu.vector_load_idx %arg6[%get3A_272, %and3A_1443] : memref<1000x64xf32, #tpu.memory_space<vmem>>[vector<16xi32>, vector<16xi32>], vector<16xf32>,
        %mul3A_1455 = arith.mulf %gather3A_1448, %gather3A_1453 : vector<16xf32>
        %mul3A_1456 = arith.mulf %mul3A_1455, %gather3A_1454 : vector<16xf32>
        %add3A_1457 = arith.addf %add3A_1377, %mul3A_1456 : vector<16xf32>
        %add3A_1458 = arith.constant 59 : i32
        %add3A_1459 = vector.broadcast %add3A_1458 : i32 to vector<16xi32>
        %add3A_1460 = arith.addi %iota3A, %add3A_1459 : vector<16xi32>
        %and3A_1461 = arith.constant 63 : i32
        %and3A_1462 = vector.broadcast %and3A_1461 : i32 to vector<16xi32>
        %and3A_1463 = arith.andi %add3A_1460, %and3A_1462 : vector<16xi32>
        %gather3A_1464 = arith.constant 0 : i32
        %gather3A_1465 = arith.constant 0 : i32
        %gather3A_1466 = tpu.memref_slice %arg8[%scan3A_242, %gather3A_1464, %gather3A_1465] : memref<2x128x64xf32, #tpu.memory_space<vmem>> -> memref<1x128x64xf32, #tpu.memory_space<vmem>>
        %gather3A_1467 = tpu.memref_squeeze %gather3A_1466 : memref<1x128x64xf32, #tpu.memory_space<vmem>> -> memref<128x64xf32, #tpu.memory_space<vmem>>
        %gather3A_1468 = tpu.vector_load_idx %gather3A_1467[%add3A_263, %and3A_1463] : memref<128x64xf32, #tpu.memory_space<vmem>>[vector<16xi32>, vector<16xi32>], vector<16xf32>,
        %gather3A_1469 = arith.constant 0 : i32
        %gather3A_1470 = arith.constant 0 : i32
        %gather3A_1471 = tpu.memref_slice %arg9[%scan3A_243, %gather3A_1469, %gather3A_1470] : memref<2x128x64xf32, #tpu.memory_space<vmem>> -> memref<1x128x64xf32, #tpu.memory_space<vmem>>
        %gather3A_1472 = tpu.memref_squeeze %gather3A_1471 : memref<1x128x64xf32, #tpu.memory_space<vmem>> -> memref<128x64xf32, #tpu.memory_space<vmem>>
        %gather3A_1473 = tpu.vector_load_idx %gather3A_1472[%add3A_263, %and3A_1463] : memref<128x64xf32, #tpu.memory_space<vmem>>[vector<16xi32>, vector<16xi32>], vector<16xf32>,
        %gather3A_1474 = tpu.vector_load_idx %arg6[%get3A_272, %and3A_1463] : memref<1000x64xf32, #tpu.memory_space<vmem>>[vector<16xi32>, vector<16xi32>], vector<16xf32>,
        %mul3A_1475 = arith.mulf %gather3A_1468, %gather3A_1473 : vector<16xf32>
        %mul3A_1476 = arith.mulf %mul3A_1475, %gather3A_1474 : vector<16xf32>
        %add3A_1477 = arith.addf %add3A_1397, %mul3A_1476 : vector<16xf32>
        %add3A_1478 = arith.constant 60 : i32
        %add3A_1479 = vector.broadcast %add3A_1478 : i32 to vector<16xi32>
        %add3A_1480 = arith.addi %iota3A, %add3A_1479 : vector<16xi32>
        %and3A_1481 = arith.constant 63 : i32
        %and3A_1482 = vector.broadcast %and3A_1481 : i32 to vector<16xi32>
        %and3A_1483 = arith.andi %add3A_1480, %and3A_1482 : vector<16xi32>
        %gather3A_1484 = arith.constant 0 : i32
        %gather3A_1485 = arith.constant 0 : i32
        %gather3A_1486 = tpu.memref_slice %arg8[%scan3A_242, %gather3A_1484, %gather3A_1485] : memref<2x128x64xf32, #tpu.memory_space<vmem>> -> memref<1x128x64xf32, #tpu.memory_space<vmem>>
        %gather3A_1487 = tpu.memref_squeeze %gather3A_1486 : memref<1x128x64xf32, #tpu.memory_space<vmem>> -> memref<128x64xf32, #tpu.memory_space<vmem>>
        %gather3A_1488 = tpu.vector_load_idx %gather3A_1487[%add3A_263, %and3A_1483] : memref<128x64xf32, #tpu.memory_space<vmem>>[vector<16xi32>, vector<16xi32>], vector<16xf32>,
        %gather3A_1489 = arith.constant 0 : i32
        %gather3A_1490 = arith.constant 0 : i32
        %gather3A_1491 = tpu.memref_slice %arg9[%scan3A_243, %gather3A_1489, %gather3A_1490] : memref<2x128x64xf32, #tpu.memory_space<vmem>> -> memref<1x128x64xf32, #tpu.memory_space<vmem>>
        %gather3A_1492 = tpu.memref_squeeze %gather3A_1491 : memref<1x128x64xf32, #tpu.memory_space<vmem>> -> memref<128x64xf32, #tpu.memory_space<vmem>>
        %gather3A_1493 = tpu.vector_load_idx %gather3A_1492[%add3A_263, %and3A_1483] : memref<128x64xf32, #tpu.memory_space<vmem>>[vector<16xi32>, vector<16xi32>], vector<16xf32>,
        %gather3A_1494 = tpu.vector_load_idx %arg6[%get3A_272, %and3A_1483] : memref<1000x64xf32, #tpu.memory_space<vmem>>[vector<16xi32>, vector<16xi32>], vector<16xf32>,
        %mul3A_1495 = arith.mulf %gather3A_1488, %gather3A_1493 : vector<16xf32>
        %mul3A_1496 = arith.mulf %mul3A_1495, %gather3A_1494 : vector<16xf32>
        %add3A_1497 = arith.addf %add3A_1417, %mul3A_1496 : vector<16xf32>
        %add3A_1498 = arith.constant 61 : i32
        %add3A_1499 = vector.broadcast %add3A_1498 : i32 to vector<16xi32>
        %add3A_1500 = arith.addi %iota3A, %add3A_1499 : vector<16xi32>
        %and3A_1501 = arith.constant 63 : i32
        %and3A_1502 = vector.broadcast %and3A_1501 : i32 to vector<16xi32>
        %and3A_1503 = arith.andi %add3A_1500, %and3A_1502 : vector<16xi32>
        %gather3A_1504 = arith.constant 0 : i32
        %gather3A_1505 = arith.constant 0 : i32
        %gather3A_1506 = tpu.memref_slice %arg8[%scan3A_242, %gather3A_1504, %gather3A_1505] : memref<2x128x64xf32, #tpu.memory_space<vmem>> -> memref<1x128x64xf32, #tpu.memory_space<vmem>>
        %gather3A_1507 = tpu.memref_squeeze %gather3A_1506 : memref<1x128x64xf32, #tpu.memory_space<vmem>> -> memref<128x64xf32, #tpu.memory_space<vmem>>
        %gather3A_1508 = tpu.vector_load_idx %gather3A_1507[%add3A_263, %and3A_1503] : memref<128x64xf32, #tpu.memory_space<vmem>>[vector<16xi32>, vector<16xi32>], vector<16xf32>,
        %gather3A_1509 = arith.constant 0 : i32
        %gather3A_1510 = arith.constant 0 : i32
        %gather3A_1511 = tpu.memref_slice %arg9[%scan3A_243, %gather3A_1509, %gather3A_1510] : memref<2x128x64xf32, #tpu.memory_space<vmem>> -> memref<1x128x64xf32, #tpu.memory_space<vmem>>
        %gather3A_1512 = tpu.memref_squeeze %gather3A_1511 : memref<1x128x64xf32, #tpu.memory_space<vmem>> -> memref<128x64xf32, #tpu.memory_space<vmem>>
        %gather3A_1513 = tpu.vector_load_idx %gather3A_1512[%add3A_263, %and3A_1503] : memref<128x64xf32, #tpu.memory_space<vmem>>[vector<16xi32>, vector<16xi32>], vector<16xf32>,
        %gather3A_1514 = tpu.vector_load_idx %arg6[%get3A_272, %and3A_1503] : memref<1000x64xf32, #tpu.memory_space<vmem>>[vector<16xi32>, vector<16xi32>], vector<16xf32>,
        %mul3A_1515 = arith.mulf %gather3A_1508, %gather3A_1513 : vector<16xf32>
        %mul3A_1516 = arith.mulf %mul3A_1515, %gather3A_1514 : vector<16xf32>
        %add3A_1517 = arith.addf %add3A_1437, %mul3A_1516 : vector<16xf32>
        %add3A_1518 = arith.constant 62 : i32
        %add3A_1519 = vector.broadcast %add3A_1518 : i32 to vector<16xi32>
        %add3A_1520 = arith.addi %iota3A, %add3A_1519 : vector<16xi32>
        %and3A_1521 = arith.constant 63 : i32
        %and3A_1522 = vector.broadcast %and3A_1521 : i32 to vector<16xi32>
        %and3A_1523 = arith.andi %add3A_1520, %and3A_1522 : vector<16xi32>
        %gather3A_1524 = arith.constant 0 : i32
        %gather3A_1525 = arith.constant 0 : i32
        %gather3A_1526 = tpu.memref_slice %arg8[%scan3A_242, %gather3A_1524, %gather3A_1525] : memref<2x128x64xf32, #tpu.memory_space<vmem>> -> memref<1x128x64xf32, #tpu.memory_space<vmem>>
        %gather3A_1527 = tpu.memref_squeeze %gather3A_1526 : memref<1x128x64xf32, #tpu.memory_space<vmem>> -> memref<128x64xf32, #tpu.memory_space<vmem>>
        %gather3A_1528 = tpu.vector_load_idx %gather3A_1527[%add3A_263, %and3A_1523] : memref<128x64xf32, #tpu.memory_space<vmem>>[vector<16xi32>, vector<16xi32>], vector<16xf32>,
        %gather3A_1529 = arith.constant 0 : i32
        %gather3A_1530 = arith.constant 0 : i32
        %gather3A_1531 = tpu.memref_slice %arg9[%scan3A_243, %gather3A_1529, %gather3A_1530] : memref<2x128x64xf32, #tpu.memory_space<vmem>> -> memref<1x128x64xf32, #tpu.memory_space<vmem>>
        %gather3A_1532 = tpu.memref_squeeze %gather3A_1531 : memref<1x128x64xf32, #tpu.memory_space<vmem>> -> memref<128x64xf32, #tpu.memory_space<vmem>>
        %gather3A_1533 = tpu.vector_load_idx %gather3A_1532[%add3A_263, %and3A_1523] : memref<128x64xf32, #tpu.memory_space<vmem>>[vector<16xi32>, vector<16xi32>], vector<16xf32>,
        %gather3A_1534 = tpu.vector_load_idx %arg6[%get3A_272, %and3A_1523] : memref<1000x64xf32, #tpu.memory_space<vmem>>[vector<16xi32>, vector<16xi32>], vector<16xf32>,
        %mul3A_1535 = arith.mulf %gather3A_1528, %gather3A_1533 : vector<16xf32>
        %mul3A_1536 = arith.mulf %mul3A_1535, %gather3A_1534 : vector<16xf32>
        %add3A_1537 = arith.addf %add3A_1457, %mul3A_1536 : vector<16xf32>
        %add3A_1538 = arith.constant 63 : i32
        %add3A_1539 = vector.broadcast %add3A_1538 : i32 to vector<16xi32>
        %add3A_1540 = arith.addi %iota3A, %add3A_1539 : vector<16xi32>
        %and3A_1541 = arith.constant 63 : i32
        %and3A_1542 = vector.broadcast %and3A_1541 : i32 to vector<16xi32>
        %and3A_1543 = arith.andi %add3A_1540, %and3A_1542 : vector<16xi32>
        %gather3A_1544 = arith.constant 0 : i32
        %gather3A_1545 = arith.constant 0 : i32
        %gather3A_1546 = tpu.memref_slice %arg8[%scan3A_242, %gather3A_1544, %gather3A_1545] : memref<2x128x64xf32, #tpu.memory_space<vmem>> -> memref<1x128x64xf32, #tpu.memory_space<vmem>>
        %gather3A_1547 = tpu.memref_squeeze %gather3A_1546 : memref<1x128x64xf32, #tpu.memory_space<vmem>> -> memref<128x64xf32, #tpu.memory_space<vmem>>
        %gather3A_1548 = tpu.vector_load_idx %gather3A_1547[%add3A_263, %and3A_1543] : memref<128x64xf32, #tpu.memory_space<vmem>>[vector<16xi32>, vector<16xi32>], vector<16xf32>,
        %gather3A_1549 = arith.constant 0 : i32
        %gather3A_1550 = arith.constant 0 : i32
        %gather3A_1551 = tpu.memref_slice %arg9[%scan3A_243, %gather3A_1549, %gather3A_1550] : memref<2x128x64xf32, #tpu.memory_space<vmem>> -> memref<1x128x64xf32, #tpu.memory_space<vmem>>
        %gather3A_1552 = tpu.memref_squeeze %gather3A_1551 : memref<1x128x64xf32, #tpu.memory_space<vmem>> -> memref<128x64xf32, #tpu.memory_space<vmem>>
        %gather3A_1553 = tpu.vector_load_idx %gather3A_1552[%add3A_263, %and3A_1543] : memref<128x64xf32, #tpu.memory_space<vmem>>[vector<16xi32>, vector<16xi32>], vector<16xf32>,
        %gather3A_1554 = tpu.vector_load_idx %arg6[%get3A_272, %and3A_1543] : memref<1000x64xf32, #tpu.memory_space<vmem>>[vector<16xi32>, vector<16xi32>], vector<16xf32>,
        %mul3A_1555 = arith.mulf %gather3A_1548, %gather3A_1553 : vector<16xf32>
        %mul3A_1556 = arith.mulf %mul3A_1555, %gather3A_1554 : vector<16xf32>
        %add3A_1557 = arith.addf %add3A_1477, %mul3A_1556 : vector<16xf32>
        %add3A_1558 = arith.addf %add3A_1497, %add3A_1517 : vector<16xf32>
        %add3A_1559 = arith.addf %add3A_1537, %add3A_1557 : vector<16xf32>
        %add3A_1560 = arith.addf %add3A_1558, %add3A_1559 : vector<16xf32>
        %neg3A = arith.constant 0.000000e+00 : f32
        %neg3A_1561 = vector.broadcast %neg3A : f32 to vector<16xf32>
        %neg3A_1562 = arith.subf %neg3A_1561, %add3A_1560 : vector<16xf32>
        %exp3A = math.exp %neg3A_1562 : vector<16xf32>
        %add3A_1563 = arith.constant 1.000000e+00 : f32
        %add3A_1564 = vector.broadcast %add3A_1563 : f32 to vector<16xf32>
        %add3A_1565 = arith.addf %add3A_1564, %exp3A : vector<16xf32>
        %div3A = arith.constant 1.000000e+00 : f32
        %div3A_1566 = vector.broadcast %div3A : f32 to vector<16xf32>
        %div3A_1567 = arith.divf %div3A_1566, %add3A_1565 : vector<16xf32>
        %mul3A_1568 = arith.constant 16 : i32
        %mul3A_1569 = arith.muli %scan3A_259, %mul3A_1568 : i32
        %swap3A = arith.constant 0 : i32
        %swap3A_1570 = tpu.memref_slice %arg10[%scan3A_244, %swap3A] : memref<2x128xf32, #tpu.memory_space<vmem>> -> memref<1x128xf32, #tpu.memory_space<vmem>>
        %swap3A_1571 = tpu.memref_squeeze %swap3A_1570 : memref<1x128xf32, #tpu.memory_space<vmem>> -> memref<128xf32, #tpu.memory_space<vmem>>
        %swap3A_1572 = arith.index_cast %mul3A_1569 : i32 to index
        %swap3A_1573 = tpu.vector_load %swap3A_1571[%swap3A_1572] {strides = array<i32>} : memref<128xf32, #tpu.memory_space<vmem>>, vector<16xf32>,
        tpu.vector_store %swap3A_1571[%swap3A_1572], %div3A_1567 {strides = array<i32>} : memref<128xf32, #tpu.memory_space<vmem>>, vector<16xf32>,
      }
      %scan3A_249 = arith.constant 8 : i32
      %mul3A_250 = arith.constant 80 : i32
      %mul3A_251 = arith.muli %add3A, %mul3A_250 : i32
      %sub3A_252 = arith.subi %add3A_205, %mul3A_251 : i32
      %mul3A_253 = arith.constant 128 : i32
      %mul3A_254 = arith.muli %sub3A_252, %mul3A_253 : i32
      %mul3A_255 = arith.constant 10240 : i32
      %mul3A_256 = arith.muli %add3A, %mul3A_255 : i32
      %add3A_257 = arith.addi %mul3A_254, %mul3A_256 : i32
      %run_scoped3A_258 = arith.constant 1 : i32
      "tpu.region"() ({
        %run_scoped3A_259 = tpu.sem_alloc : memref<!tpu.dma_semaphore, #tpu.memory_space<semaphore_mem>>
        %dma_start3A_260 = arith.constant 0 : i32
        %dma_start3A_261 = tpu.memref_slice %arg10[%run_scoped3A_258, %dma_start3A_260] : memref<2x128xf32, #tpu.memory_space<vmem>> -> memref<1x128xf32, #tpu.memory_space<vmem>>
        %dma_start3A_262 = tpu.memref_squeeze %dma_start3A_261 : memref<1x128xf32, #tpu.memory_space<vmem>> -> memref<128xf32, #tpu.memory_space<vmem>>
        %dma_start3A_263 = tpu.memref_slice %arg5[%add3A_257] : memref<327680xf32, #tpu.memory_space<hbm>> -> memref<128xf32, #tpu.memory_space<hbm>>
        %dma_start3A_264 = tpu.memref_slice %arg5[%add3A_257] : memref<327680xf32, #tpu.memory_space<hbm>> -> memref<128xf32, #tpu.memory_space<hbm>>
        %dma_start3A_265 = arith.constant 0 : i32
        %dma_start3A_266 = tpu.memref_slice %arg10[%run_scoped3A_258, %dma_start3A_265] : memref<2x128xf32, #tpu.memory_space<vmem>> -> memref<1x128xf32, #tpu.memory_space<vmem>>
        %dma_start3A_267 = tpu.memref_squeeze %dma_start3A_266 : memref<1x128xf32, #tpu.memory_space<vmem>> -> memref<128xf32, #tpu.memory_space<vmem>>
        tpu.enqueue_dma source(%dma_start3A_267 : memref<128xf32, #tpu.memory_space<vmem>>) target(%dma_start3A_264 : memref<128xf32, #tpu.memory_space<hbm>>) target_semaphore(%run_scoped3A_259 : memref<!tpu.dma_semaphore, #tpu.memory_space<semaphore_mem>>)
        %dma_wait3A_268 = arith.constant 0 : i32
        %dma_wait3A_269 = tpu.memref_slice %arg10[%run_scoped3A_258, %dma_wait3A_268] : memref<2x128xf32, #tpu.memory_space<vmem>> -> memref<1x128xf32, #tpu.memory_space<vmem>>
        %dma_wait3A_270 = tpu.memref_squeeze %dma_wait3A_269 : memref<1x128xf32, #tpu.memory_space<vmem>> -> memref<128xf32, #tpu.memory_space<vmem>>
        %dma_wait3A_271 = tpu.memref_slice %arg5[%add3A_257] : memref<327680xf32, #tpu.memory_space<hbm>> -> memref<128xf32, #tpu.memory_space<hbm>>
        %dma_wait3A_272 = tpu.memref_slice %arg5[%add3A_257] : memref<327680xf32, #tpu.memory_space<hbm>> -> memref<128xf32, #tpu.memory_space<hbm>>
        %dma_wait3A_273 = arith.constant 0 : i32
        %dma_wait3A_274 = tpu.memref_slice %arg10[%run_scoped3A_258, %dma_wait3A_273] : memref<2x128xf32, #tpu.memory_space<vmem>> -> memref<1x128xf32, #tpu.memory_space<vmem>>
        %dma_wait3A_275 = tpu.memref_squeeze %dma_wait3A_274 : memref<1x128xf32, #tpu.memory_space<vmem>> -> memref<128xf32, #tpu.memory_space<vmem>>
        tpu.wait_dma2 semaphore(%run_scoped3A_259 : memref<!tpu.dma_semaphore, #tpu.memory_space<semaphore_mem>>) src(%dma_wait3A_275 : memref<128xf32, #tpu.memory_space<vmem>>) dst(%dma_wait3A_272 : memref<128xf32, #tpu.memory_space<hbm>>)
        tpu.yield
      }) : () -> ()
    }
    %scan3A_40 = arith.constant 40 : i32
    %dma_wait3A = arith.constant 0 : i32
    %dma_wait3A_41 = arith.constant 0 : i32
    %dma_wait3A_42 = arith.constant 0 : i32
    %dma_wait3A_43 = arith.constant 0 : i32
    %dma_wait3A_44 = arith.constant 0 : i32
    %dma_wait3A_45 = tpu.memref_slice %arg8[%dma_wait3A_42, %dma_wait3A_43, %dma_wait3A_44] : memref<2x128x64xf32, #tpu.memory_space<vmem>> -> memref<1x128x64xf32, #tpu.memory_space<vmem>>
    %dma_wait3A_46 = tpu.memref_squeeze %dma_wait3A_45 : memref<1x128x64xf32, #tpu.memory_space<vmem>> -> memref<128x64xf32, #tpu.memory_space<vmem>>
    %dma_wait3A_47 = arith.constant 0 : i32
    %dma_wait3A_48 = arith.constant 0 : i32
    %dma_wait3A_49 = tpu.memref_slice %arg7[%dma_wait3A, %dma_wait3A_47, %dma_wait3A_48] : memref<2x3x128xi32, #tpu.memory_space<vmem>> -> memref<1x3x128xi32, #tpu.memory_space<vmem>>
    %dma_wait3A_50 = tpu.memref_squeeze %dma_wait3A_49 : memref<1x3x128xi32, #tpu.memory_space<vmem>> -> memref<3x128xi32, #tpu.memory_space<vmem>>
    %dma_wait3A_51 = arith.constant 0 : i32
    %dma_wait3A_52 = tpu.memref_slice %dma_wait3A_50[%dma_wait3A_41, %dma_wait3A_51] : memref<3x128xi32, #tpu.memory_space<vmem>> -> memref<1x128xi32, #tpu.memory_space<vmem>>
    %dma_wait3A_53 = tpu.memref_squeeze %dma_wait3A_52 : memref<1x128xi32, #tpu.memory_space<vmem>> -> memref<128xi32, #tpu.memory_space<vmem>>
    %dma_wait3A_54 = arith.constant 0 : i32
    %dma_wait3A_55 = arith.constant 0 : i32
    %dma_wait3A_56 = tpu.memref_slice %arg3[%dma_wait3A_54, %dma_wait3A_55] : memref<1000000x64xf32, #tpu.memory_space<hbm>> -> memref<1000000x64xf32, #tpu.memory_space<hbm>>
    tpu.wait_indirect_dma semaphore(%arg11 : memref<!tpu.dma_semaphore, #tpu.memory_space<semaphore_mem>>) src(%dma_wait3A_56 : memref<1000000x64xf32, #tpu.memory_space<hbm>>) dst(%dma_wait3A_46 : memref<128x64xf32, #tpu.memory_space<vmem>>)
    %dma_wait3A_57 = arith.constant 0 : i32
    %dma_wait3A_58 = arith.constant 1 : i32
    %dma_wait3A_59 = arith.constant 0 : i32
    %dma_wait3A_60 = arith.constant 0 : i32
    %dma_wait3A_61 = arith.constant 0 : i32
    %dma_wait3A_62 = tpu.memref_slice %arg9[%dma_wait3A_59, %dma_wait3A_60, %dma_wait3A_61] : memref<2x128x64xf32, #tpu.memory_space<vmem>> -> memref<1x128x64xf32, #tpu.memory_space<vmem>>
    %dma_wait3A_63 = tpu.memref_squeeze %dma_wait3A_62 : memref<1x128x64xf32, #tpu.memory_space<vmem>> -> memref<128x64xf32, #tpu.memory_space<vmem>>
    %dma_wait3A_64 = arith.constant 0 : i32
    %dma_wait3A_65 = arith.constant 0 : i32
    %dma_wait3A_66 = tpu.memref_slice %arg7[%dma_wait3A_57, %dma_wait3A_64, %dma_wait3A_65] : memref<2x3x128xi32, #tpu.memory_space<vmem>> -> memref<1x3x128xi32, #tpu.memory_space<vmem>>
    %dma_wait3A_67 = tpu.memref_squeeze %dma_wait3A_66 : memref<1x3x128xi32, #tpu.memory_space<vmem>> -> memref<3x128xi32, #tpu.memory_space<vmem>>
    %dma_wait3A_68 = arith.constant 0 : i32
    %dma_wait3A_69 = tpu.memref_slice %dma_wait3A_67[%dma_wait3A_58, %dma_wait3A_68] : memref<3x128xi32, #tpu.memory_space<vmem>> -> memref<1x128xi32, #tpu.memory_space<vmem>>
    %dma_wait3A_70 = tpu.memref_squeeze %dma_wait3A_69 : memref<1x128xi32, #tpu.memory_space<vmem>> -> memref<128xi32, #tpu.memory_space<vmem>>
    %dma_wait3A_71 = arith.constant 0 : i32
    %dma_wait3A_72 = arith.constant 0 : i32
    %dma_wait3A_73 = tpu.memref_slice %arg3[%dma_wait3A_71, %dma_wait3A_72] : memref<1000000x64xf32, #tpu.memory_space<hbm>> -> memref<1000000x64xf32, #tpu.memory_space<hbm>>
    tpu.wait_indirect_dma semaphore(%arg11 : memref<!tpu.dma_semaphore, #tpu.memory_space<semaphore_mem>>) src(%dma_wait3A_73 : memref<1000000x64xf32, #tpu.memory_space<hbm>>) dst(%dma_wait3A_63 : memref<128x64xf32, #tpu.memory_space<vmem>>)
    return
  }
}

</mosaic_0001>

<sc_bundles>
// kernel: kernel.3.cloned.1.call-start
scs
__scs_entry_jumppad:
0x0: {  	(pc) =	sbr.rel $0x88, $3  }
0x1: {  	(tag) =	ssettag $0x0;
	lr =	simm.s32 $0x1  }
0x2: {  	[smem:$0x3F9C] =	sst lr;
	_ =	strace $0xD0000000  }
0x3: {  	_ = 	snop  }
0x4: {  	_ = 	snop  }
0x5: {  	_ = 	snop  }
0x6: {  	_ = 	snop  }
0x7: {  	_ = 	snop  }
__scs_overlays_trampoline_lowered:
0x8: {  	[smem:$0x3FAB] =	sst s0  }
0x9: {  	[smem:$0x3FAC] =	sst s1  }
0xa: {  	[smem:$0x3FAD] =	sst s2  }
0xb: {  	[smem:$0x3FAE] =	sst s3  }
0xc: {  	[smem:$0x3FAF] =	sst s4  }
0xd: {  	[smem:$0x3FB0] =	sst s5  }
0xe: {  	[smem:$0x3FB1] =	sst s6  }
0xf: {  	[smem:$0x3FB2] =	sst s7  }
0x10: {  	[smem:$0x3FB3] =	sst s8  }
0x11: {  	[smem:$0x3FB4] =	sst s9;
	s0 =	simm.s32 @!p0 $0x0  }
0x12: {  	s1 =	sld [smem:$0x3F9A];
	s0 =	simm.s32 @p0 $0x1  }
0x13: {  	[smem:$0x3FB5] =	sst s0;
	s0 =	simm.s32 @!p1 $0x0  }
0x14: {  	s2 =	sld [smem:$0x3F99];
	s0 =	simm.s32 @p1 $0x1  }
0x15: {  	[smem:$0x3FB6] =	sst s0;
	s0 =	simm.s32 @!p2 $0x0  }
0x16: {  	s3 =	sld [smem:$0x3FDB];
	s0 =	simm.s32 @p2 $0x1  }
0x17: {  	s4 =	simm.s32 $0x1BF5;
	[smem:$0x3FB8] =	sst s0  }
0x18: {  	s0 =	sld [smem:$0x3F9B];
	_ =	swait.ge [sflag:s4], $0x0  }
0x19: {  	s7 =	sld [smem:$0x3F9C]  }
0x1a: {  	s8 =	sadd.s32 $0xFFFFE003, lr  }
0x1b: {  	s9 =	sadd.s32 $0xFFFFFEF7, lr;
	s5 =	simm.s32 $0xFFFFFFFF;
	p2 =	slt.u32 s8, $0xFFFFF086  }
0x1c: {  	p1 =	slt.u32 s9, $0xF7A;
	s5 =	simm.s32 @!p2 $0x0  }
0x1d: {  	s5 =	simm.s32 @p1 $0x1;
	p0 =	seq.s32 s7, s2  }
0x1e: {  	s7 =	smul.u32 @!p0 $0xF7A, s2;
	p2 =	seq.s32 @!p0 s5, $0x0  }
0x1f: {  	s9 =	smul.u32 $0xF7A, s1;
	s8 =	simm.s32 @!p0 $0x1BF5;
	p2 =	por !p2, p0  }
0x20: {  	[sflag:s8] =	ssyncset.s32 @!p0 $0xFFFFF086;
	s6 =	sadd.s32 @!p0 s3, s7;
	s7 =	simm.s32 @!p0 $0x108  }
0x21: {  	s3 =	sadd.s32 s3, s9;
	s6 =	sadd.s32 @!p0 $0x88, s6;
	s7 =	simm.s32 @p2 $0x1082  }
0x22: {  	[simem:s7], [sflag:s8] =	dma.local @!p0 [hbm:s6], $0xF7A  }
0x23: {  	s9 =	sor.u32 $0xD0000000, s2;
	s6 =	simm.s32 $0x108;
	_ =	swait.ge @!p0 [sflag:s8], $0x0  }
0x24: {  	s3 =	sadd.s32 $0x88, s3;
	s6 =	simm.s32 @!p1 $0x1082;
	[sflag:s4] =	ssyncset.s32 $0xFFFFF086  }
0x25: {  	[simem:s6], [sflag:s4] =	dma.local [hbm:s3], $0xF7A  }
0x26: {  	[smem:$0x3F9C] =	sst s1;
	(tag) =	ssettag s2;
	_ =	strace s9  }
0x27: {  	s1 =	sld [smem:$0x3FAC]  }
0x28: {  	s2 =	sld [smem:$0x3FAD]  }
0x29: {  	s4 =	sld [smem:$0x3FAF]  }
0x2a: {  	p0 =	seq.s32 s5, $0x0;
	s5 =	sld [smem:$0x3FB0]  }
0x2b: {  	s6 =	sld [smem:$0x3FB1]  }
0x2c: {  	s7 =	sld [smem:$0x3FB2]  }
0x2d: {  	s3 =	simm.s32 $0x108;
	s8 =	sld [smem:$0x3FB3]  }
0x2e: {  	s3 =	simm.s32 @!p0 $0x1082;
	s9 =	sld [smem:$0x3FB4]  }
0x2f: {  	lr =	sadd.s32 s0, s3;
	s0 =	sld [smem:$0x3FAB]  }
0x30: {  	s3 =	sld [smem:$0x3FAE]  }
0x31: {  	[smem:$0x3FB7] =	sst s10  }
0x32: {  	s10 =	sld [smem:$0x3FB5];
	_ =	sdelay $0x3  }
0x33: {  	p0 =	seq.s32 s10, $0x1;
	s10 =	sld [smem:$0x3FB7];
	_ =	sdelay $0x3  }
0x34: {  	[smem:$0x3FB7] =	sst s10  }
0x35: {  	s10 =	sld [smem:$0x3FB6];
	_ =	sdelay $0x3  }
0x36: {  	p1 =	seq.s32 s10, $0x1;
	s10 =	sld [smem:$0x3FB7];
	_ =	sdelay $0x3  }
0x37: {  	[smem:$0x3FB7] =	sst s10  }
0x38: {  	s10 =	sld [smem:$0x3FB8]  }
0x39: {  	_ = 	snop;
	(pc) =	sbr.ind lr, $3  }
0x3a: {  	_ = 	snop  }
0x3b: {  	_ = 	snop  }
0x3c: {  	p2 =	seq.s32 s10, $0x1;
	s10 =	sld [smem:$0x3FB7]  }
0x3d: {  	_ =	shalt  }
0x3e: {  	_ =	shalt  }
0x3f: {  	_ =	shalt  }
0x40: {  	_ =	shalt  }
0x41: {  	_ =	shalt  }
0x42: {  	_ =	shalt  }
0x43: {  	_ =	shalt  }
0x44: {  	_ =	shalt  }
0x45: {  	_ =	shalt  }
0x46: {  	_ =	shalt  }
0x47: {  	_ =	shalt  }
0x48: {  	_ =	shalt  }
0x49: {  	_ =	shalt  }
0x4a: {  	_ =	shalt  }
0x4b: {  	_ =	shalt  }
0x4c: {  	_ =	shalt  }
0x4d: {  	_ =	shalt  }
0x4e: {  	_ =	shalt  }
0x4f: {  	_ =	shalt  }
0x50: {  	_ =	shalt  }
0x51: {  	_ =	shalt  }
0x52: {  	_ =	shalt  }
0x53: {  	_ =	shalt  }
0x54: {  	_ =	shalt  }
0x55: {  	_ =	shalt  }
0x56: {  	_ =	shalt  }
0x57: {  	_ =	shalt  }
0x58: {  	_ =	shalt  }
0x59: {  	_ =	shalt  }
0x5a: {  	_ =	shalt  }
0x5b: {  	_ =	shalt  }
0x5c: {  	_ =	shalt  }
0x5d: {  	_ =	shalt  }
0x5e: {  	_ =	shalt  }
0x5f: {  	_ =	shalt  }
0x60: {  	_ =	shalt  }
0x61: {  	_ =	shalt  }
0x62: {  	_ =	shalt  }
0x63: {  	_ =	shalt  }
0x64: {  	_ =	shalt  }
0x65: {  	_ =	shalt  }
0x66: {  	_ =	shalt  }
0x67: {  	_ =	shalt  }
0x68: {  	_ =	shalt  }
0x69: {  	_ =	shalt  }
0x6a: {  	_ =	shalt  }
0x6b: {  	_ =	shalt  }
0x6c: {  	_ =	shalt  }
0x6d: {  	_ =	shalt  }
0x6e: {  	_ =	shalt  }
0x6f: {  	_ =	shalt  }
0x70: {  	_ =	shalt  }
0x71: {  	_ =	shalt  }
0x72: {  	_ =	shalt  }
0x73: {  	_ =	shalt  }
0x74: {  	_ =	shalt  }
0x75: {  	_ =	shalt  }
0x76: {  	_ =	shalt  }
0x77: {  	_ =	shalt  }
0x78: {  	_ =	shalt  }
0x79: {  	_ =	shalt  }
0x7a: {  	_ =	shalt  }
0x7b: {  	_ =	shalt  }
0x7c: {  	_ =	shalt  }
0x7d: {  	_ =	shalt  }
0x7e: {  	_ =	shalt  }
0x7f: {  	_ =	shalt  }
0x80: {  	_ =	shalt  }
0x81: {  	_ =	shalt  }
0x82: {  	_ =	shalt  }
0x83: {  	_ =	shalt  }
0x84: {  	_ =	shalt  }
0x85: {  	_ =	shalt  }
0x86: {  	_ =	shalt  }
0x87: {  	_ =	shalt  }
.Lfunc_end0:
.L_simem_size_0:
called_computation_lowered:
.L_overlay_start_0:
0x88: {  	s2 =	sld [smem:$0x3FD9]  }
0x89: {  	s3 =	sld [smem:$0x3FFE];
	_ =	sdelay $0x1  }
0x8a: {  	s1 =	srdreg.scid  }
0x8b: {  	s0 =	sand.u32 $0x1, s1  }
0x8c: {  	s17 =	sshll.u32 s0, $0xA;
	s2 =	sadd.s32 s3, s2  }
0x8d: {  	s2 =	sadd.s32 s2, s17  }
0x8e: {  	[smem:$0x3FC3] =	sst s2  }
0x8f: {  	_ = 	snop  }
0x90: {  	s2 =	sld [smem:$0x3FD0];
	(tm) =	ssettm $0x1  }
0x91: {  	s18 =	sld [smem:$0x3FFB];
	_ =	sdelay $0x3  }
0x92: {  	_ =	strace s18  }
0x93: {  	s3 =	sld [smem:$0x3FFC];
	_ =	sdelay $0x3  }
0x94: {  	_ =	strace s3  }
0x95: {  	s3 =	sld [smem:$0x3FFD];
	_ =	sdelay $0x3  }
0x96: {  	_ =	strace s3  }
0x97: {  	_ =	strace $0x8FFFFFFF  }
0x98: {  	s19 =	sld [smem:$0x3FDB];
	_ =	sdelay $0x1  }
0x99: {  	s4 =	simm.s32 $_scs_section_size  }
0x9a: {  	s5 =	simm.s32 $_size__tile_overlayer_lowered;
	s6 =	simm.s32 $_tile_overlayer_lowered  }
0x9b: {  	s22 =	simm.s32 $0x1BFF;
	s21 =	sshll.u32 s6, $0x1;
	s3 =	sadd.s32 s4, s19  }
0x9c: {  	s7 =	simm.s32 $0x0;
	s20 =	sshll.u32 s5, $0x1;
	s5 =	sadd.s32 s21, s3  }
0x9d: {  	[timem:s7], [sflag:s22] =	dma.local [hbm:s5], s20  }
0x9e: {  	_ =	swait.ge [sflag:s22], s20  }
0x9f: {  	s4 =	ssub.s32 $0x0, s20;
	[sflag:s22] =	ssyncset.done $0x0  }
0xa0: {  	[sflag:s22] =	ssyncadd.s32 s4;
	_ =	sdelay $0x1  }
0xa1: {  	s23 =	simm.s32 $0x1B8B  }
0xa2: {  	_ =	swait.ge [sflag:s23], $0x1  }
0xa3: {  	[sflag:s23] =	ssyncset.done $0x0  }
0xa4: {  	s25 =	simm.s32 $0x1B8E;
	s24 =	sld [smem:$0x3FFE];
	[sflag:s23] =	ssyncadd.s32 $0xFFFFFFFF  }
0xa5: {  	s26 =	simm.s32 $execute0_lowered;
	[smem:$0x3FD2] =	sst s25  }
0xa6: {  	s5 =	sshll.u32 s26, $0x1;
	_ =	strace $0x80000046;
	[dreg:$0x1] =	wrdreg $0xFFFFFFFF  }
0xa7: {  	s28 =	simm.s32 $_size_execute0_lowered;
	s3 =	sadd.s32 s3, s5;
	[dreg:$0x0] =	wrdreg $0x0  }
0xa8: {  	s5 =	sshll.u32 s28, $0x1;
	[dreg:$0x2] =	wrdreg s3  }
0xa9: {  	[dreg:$0x3] =	wrdreg s5  }
0xaa: {  	[dreg:$0x4] =	wrdreg $0xC0  }
0xab: {  	_ =	task [dreg:s7], $0x5FFFF  }
0xac: {  	[dreg:$0x1] =	wrdreg $0xFFFFFFFF  }
0xad: {  	[dreg:$0x0] =	wrdreg $0x60  }
0xae: {  	[dreg:$0x2] =	wrdreg s24  }
0xaf: {  	[dreg:$0x3] =	wrdreg s2  }
0xb0: {  	[dreg:$0x4] =	wrdreg $0x9  }
0xb1: {  	_ =	task.clear_ibuf [dreg:s7], $0x5FFFF;
	_ =	strace $0x90000046  }
0xb2: {  	s29 =	simm.s32 $0x9;
	_ =	strace $0x80000048  }
0xb3: {  	_ =	swait.ge [sflag:s29], $0x1  }
0xb4: {  	[sflag:s29] =	ssyncadd.s32 $0xFFFFFFFF  }
0xb5: {  	_ =	strace $0x90000048  }
0xb6: {  	_ =	sfence  }
0xb7: {  	s30 =	sld [smem:$0x0];
	_ =	sdelay $0x2  }
0xb8: {  	s31 =	sshll.u32 s1, $0xD;
	s1 =	sshrl.u32 s1, $0x2  }
0xb9: {  	s3 =	sand.u32 $0x4000, s31;
	s1 =	sadd.s32 s1, s30  }
0xba: {  	s0 =	sor.u32 s3, s0;
	s1 =	sshll.u32 s1, $0x11  }
0xbb: {  	s0 =	sor.u32 s1, s0  }
0xbc: {  	s0 =	sadd.s32 $0x8F2B, s0  }
0xbd: {  	[sflag:s0] =	ssyncadd.remote.s32 $0x1  }
0xbe: {  	_ =	sfence.sel $0xFFFF  }
0xbf: {  	[dreg:$0x0] =	wrdreg $0xFFFFFFFF;
	(pc) =	sbr.abs _section_cstart, $3  }
0xc0: {  	[dreg:$0x1] =	wrdreg $0xFFFFFFFF  }
0xc1: {  	_ =	task.clear_ibuf [dreg:s7], $0x2FFFF;
	_ =	strace $0x9FFFFFFF  }
0xc2: {  	(tm) =	ssettm $0x7FFFFFFF  }
0xc3: {  	_ =	shalt  }
tec
execute0_lowered:
.L_overlay_start_1:
0x0: {  	(tag) =	ssettag $0x1  }
0x1: {  	v11 =	vlaneseq.u32  }
0x2: {  	v0 =	vadd.s32 $0xF, v11  }
0x3: {  	v51 =	vor.u32 $0x10, v11;
	[tilespmem:$0x1FB70] =	vst v0  }
0x4: {  	v52 =	vadd.s32 $0x11, v11;
	[tilespmem:$0x1FB80] =	vst v51  }
0x5: {  	v53 =	vadd.s32 $0x12, v11;
	[tilespmem:$0x1FB90] =	vst v52  }
0x6: {  	v54 =	vadd.s32 $0x13, v11;
	[tilespmem:$0x1FBA0] =	vst v53  }
0x7: {  	v55 =	vadd.s32 $0x14, v11;
	[tilespmem:$0x1FBB0] =	vst v54  }
0x8: {  	v56 =	vadd.s32 $0x15, v11;
	[tilespmem:$0x1FBC0] =	vst v55  }
0x9: {  	v57 =	vadd.s32 $0x16, v11;
	[tilespmem:$0x1FBD0] =	vst v56  }
0xa: {  	v58 =	vadd.s32 $0x17, v11;
	[tilespmem:$0x1FBE0] =	vst v57  }
0xb: {  	v59 =	vadd.s32 $0x18, v11;
	[tilespmem:$0x1FBF0] =	vst v58  }
0xc: {  	v60 =	vadd.s32 $0x19, v11;
	[tilespmem:$0x1FC00] =	vst v59  }
0xd: {  	v61 =	vadd.s32 $0x1A, v11;
	[tilespmem:$0x1FC10] =	vst v60  }
0xe: {  	v62 =	vadd.s32 $0x1B, v11;
	[tilespmem:$0x1FC20] =	vst v61  }
0xf: {  	v63 =	vadd.s32 $0x1C, v11;
	[tilespmem:$0x1FC30] =	vst v62  }
0x10: {  	v4 =	vadd.s32 $0x1D, v11;
	[tilespmem:$0x1FC40] =	vst v63  }
0x11: {  	v34 =	vimm.s32 $0x34333231;
	v5 =	vadd.s32 $0x1E, v11;
	[tilespmem:$0x1FC50] =	vst v4  }
0x12: {  	v36 =	vimm.s32 $0x38373635;
	v2 =	vimm.s32 $0x3C3B3A39;
	v6 =	vadd.s32 $0x1F, v11;
	[tilespmem:$0x1FC60] =	vst v5  }
0x13: {  	v3 =	vimm.s32 $0x3F3E3D;
	vm0 =	vcmask $0x1F10;
	v7 =	vor.u32 $0x20, v11;
	[tilespmem:$0x1FC70] =	vst v6  }
0x14: {  	v39 =	vimm.s32 $0x35343332;
	v40 =	vimm.s32 $0x39383736;
	v33 =	vadd.s32 $0x21, v11;
	[tilespmem:$0x1FC80] =	vst v7  }
0x15: {  	v41 =	vimm.s32 $0x3D3C3B3A;
	v8 =	vimm.s32 $0x3F3E3D3C;
	v1 =	vadd.s32 $0x22, v11;
	[tilespmem:$0x1FC90] =	vst v33  }
0x16: {  	v9 =	vimm.s32 $0x37363534;
	v10 =	vimm.s32 $0x3B3A3938;
	v35 =	vadd.s32 $0x23, v11;
	[tilespmem:$0x1FCA0] =	vst v1  }
0x17: {  	v37 =	vadd.s32 $0x24, v11;
	v46 =	vadd.s32 $0x25, v11;
	v47 =	vadd.s32 $0x26, v11;
	[tilespmem:$0x1FCB0] =	vst v35  }
0x18: {  	v21 =	vunpack.c.0.s8.s32 v8;
	v8 =	vunpack.c.0.s8.s32 v9;
	v9 =	vunpack.c.0.s8.s32 v10;
	[tilespmem:$0x1FCC0] =	vst v37  }
0x19: {  	v0 =	vunpack.c.0.s8.s32 v34;
	v4 =	vunpack.c.0.s8.s32 v36;
	v5 =	vunpack.c.0.s8.s32 v2;
	[tilespmem:$0x1FCF0] =	vst v46  }
0x1a: {  	v1 =	vunpack.c.0.s8.s32 v3;
	v2 =	vunpack.c.0.s8.s32 v39;
	v6 =	vimm.s32 $0x1003F3E;
	[tilespmem:$0x1FD00] =	vst v47  }
0x1b: {  	v7 =	vunpack.c.0.s8.s32 v40;
	v52 =	vimm.s32 $0x3020100;
	v55 =	vimm.s32 $0x87654321;
	[tilespmem:$0x1FD50] =	vst v9  }
0x1c: {  	v42 =	vunpack.c.0.s8.s32 v6;
	[tilespmem:$0x1FCE0] =	vst v5;
	v3 =	vsel vm0, v1, v5;
	v5 =	vunpack.c.0.s8.s32 v41  }
0x1d: {  	v56 =	vsel vm0, v9, v8;
	v6 =	vunpack.c.l.s4.s8 v55;
	v8 =	vimm.s32 $0x5040302;
	[tilespmem:$0x1FDA0] =	vst v21  }
0x1e: {  	v0 =	vsel vm0, v4, v0;
	[tilespmem:$0x1FD30] =	vst v5;
	v49 =	vsel vm0, v42, v5;
	v5 =	vunpack.c.0.s8.s32 v52  }
0x1f: {  	v57 =	vimm.s32 $0x4030201;
	[tilespmem:$0x1FCD0] =	vst v4;
	v8 =	vunpack.c.0.s8.s32 v8;
	v0 =	vcombine.low v0, v3  }
0x20: {  	v9 =	vimm.s32 $0x98765432;
	[tilespmem:$0x1FD20] =	vst v7;
	v6 =	vunpack.c.0.s8.s32 v6;
	v5 =	vsel vm0, v5, v21  }
0x21: {  	v48 =	vsel vm0, v7, v2;
	v59 =	vsel vm0, v8, v42;
	[tilespmem:$0x1FD10] =	vst v0;
	v5 =	vcombine.low v56, v5  }
0x22: {  	v9 =	vunpack.c.l.s4.s8 v9;
	v0 =	vcombine.low v48, v49;
	v6 =	vand.u32 $0xF, v6;
	[tilespmem:$0x1FD80] =	vst v59  }
0x23: {  	v50 =	vimm.s32 $0x36353433;
	v3 =	vcombine.low v3, v6;
	[tilespmem:$0x1FD60] =	vst v5;
	v5 =	vunpack.c.0.s8.s32 v57  }
0x24: {  	s2 =	simm.s32 $0x0;
	v51 =	vunpack.c.0.s8.s32 v50;
	v53 =	vimm.s32 $0x3A393837;
	v60 =	vunpack.c.0.s8.s32 v9;
	[tilespmem:$0x1FD40] =	vst v0  }
0x25: {  	[smem:$0x7FF] =	sst s2;
	v54 =	vimm.s32 $0x201003F;
	v10 =	vunpack.c.0.s8.s32 v53;
	[tilespmem:$0x1FD90] =	vst v3;
	v5 =	vsel vm0, v5, v1  }
0x26: {  	s0 =	rddreg [dreg:$0x0];
	v37 =	vimm.s32 $0x6050403;
	v48 =	vimm.s32 $0x3E3D3C3B;
	v3 =	vand.u32 $0xF, v60;
	[tilespmem:$0x1FD70] =	vst v5  }
0x27: {  	s1 =	rddreg [dreg:$0x1];
	v0 =	vsel vm0, v10, v51;
	v45 =	vcombine.low v49, v3;
	v49 =	vunpack.c.0.s8.s32 v48;
	_ =	strace $0x80000047;
	[tilespmem:$0x1FDB0] =	vst v10  }
0x28: {  	v23 =	vunpack.c.0.s8.s32 v54;
	v46 =	vunpack.c.0.s8.s32 v37;
	[tilespmem:$0x1FDC0] =	vst v0  }
0x29: {  	[tilespmem:$0x1FDD0] =	vst v49  }
0x2a: {  	v50 =	vsel vm0, v46, v23;
	[tilespmem:$0x1FDE0] =	vst v23  }
0x2b: {  	v53 =	vadd.s32 $0x27, v11;
	[tilespmem:$0x1FDF0] =	vst v50  }
0x2c: {  	v58 =	vimm.s32 $0x32107654;
	v54 =	vadd.s32 $0x28, v11;
	[tilespmem:$0x1FE20] =	vst v53  }
0x2d: {  	v55 =	vadd.s32 $0x29, v11;
	v7 =	vunpack.c.l.s4.s8 v58;
	[tilespmem:$0x1FE30] =	vst v54  }
0x2e: {  	v57 =	vadd.s32 $0x2A, v11;
	[tilespmem:$0x1FE40] =	vst v55  }
0x2f: {  	v58 =	vadd.s32 $0x2B, v11;
	v7 =	vunpack.c.0.s8.s32 v7;
	[tilespmem:$0x1FE50] =	vst v57  }
0x30: {  	v59 =	vadd.s32 $0x2C, v11;
	[tilespmem:$0x1FE60] =	vst v58  }
0x31: {  	vm1 =	vcmask $0x2F10;
	v61 =	vand.u32 $0xF, v7;
	v60 =	vadd.s32 $0x2D, v11;
	[tilespmem:$0x1FE70] =	vst v59  }
0x32: {  	v62 =	vimm.s32 $0x43218765;
	v5 =	vsel vm1, v61, v21;
	v61 =	vadd.s32 $0x2E, v11;
	[tilespmem:$0x1FE80] =	vst v60  }
0x33: {  	v63 =	vimm.s32 $0xB0A0908;
	v6 =	vunpack.c.l.s4.s8 v62;
	v62 =	vadd.s32 $0x2F, v11;
	[tilespmem:$0x1FE90] =	vst v61  }
0x34: {  	v12 =	vmul.u32 $0x40, v11;
	v7 =	vunpack.c.0.s8.s32 v63;
	v63 =	vor.u32 $0x30, v11;
	[tilespmem:$0x1FEA0] =	vst v62  }
0x35: {  	[tilespmem:$0x1FEB0] =	vst v63  }
0x36: {  	v13 =	vadd.s32 $0x1, v11;
	[tilespmem:$0x1FEC0] =	vst v12  }
0x37: {  	v14 =	vadd.s32 $0x2, v11;
	[tilespmem:$0x1FED0] =	vst v13  }
0x38: {  	v15 =	vadd.s32 $0x3, v11;
	[tilespmem:$0x1FEE0] =	vst v14  }
0x39: {  	v16 =	vadd.s32 $0x4, v11;
	[tilespmem:$0x1FEF0] =	vst v15  }
0x3a: {  	v17 =	vadd.s32 $0x5, v11;
	[tilespmem:$0x1FF00] =	vst v16  }
0x3b: {  	vm2 =	vcmask $0x3F30;
	v18 =	vadd.s32 $0x6, v11;
	[tilespmem:$0x1FF10] =	vst v17  }
0x3c: {  	v19 =	vadd.s32 $0x7, v11;
	v20 =	vadd.s32 $0x8, v11;
	v22 =	vadd.s32 $0x9, v11;
	[tilespmem:$0x1FF20] =	vst v18  }
0x3d: {  	v26 =	vadd.s32 $0xA, v11;
	v31 =	vadd.s32 $0xB, v11;
	v8 =	vimm.s32 $0x54329876;
	[tilespmem:$0x1FF30] =	vst v19  }
0x3e: {  	v32 =	vadd.s32 $0xC, v11;
	v43 =	vadd.s32 $0xD, v11;
	v33 =	vunpack.c.l.s4.s8 v8;
	[tilespmem:$0x1FF40] =	vst v20  }
0x3f: {  	v38 =	vadd.s32 $0xE, v11;
	v35 =	vimm.s32 $0xC0B0A09;
	v6 =	vunpack.c.0.s8.s32 v6;
	[tilespmem:$0x1FF50] =	vst v22  }
0x40: {  	v36 =	vimm.s32 $0x6543A987;
	v39 =	vimm.s32 $0xA9876543;
	v2 =	vunpack.c.0.s8.s32 v33;
	[tilespmem:$0x1FF60] =	vst v26  }
0x41: {  	s4 =	srdreg.scid;
	v3 =	vunpack.c.l.s4.s8 v39;
	v34 =	vand.u32 $0xF, v6;
	v6 =	vunpack.c.l.s4.s8 v36;
	[tilespmem:$0x1FF70] =	vst v31  }
0x42: {  	s3 =	stileid.u32;
	s11 =	simm.s32 $0x3;
	s12 =	simm.s32 $0xFA00;
	v40 =	vand.u32 $0xF, v2;
	v56 =	vsel vm2, v7, v5;
	v5 =	vunpack.c.0.s8.s32 v35;
	[tilespmem:$0x1FF80] =	vst v32  }
0x43: {  	s13 =	simm.s32 $0x80;
	s14 =	simm.s32 $0xFD00;
	s15 =	simm.s32 $0xFA80;
	v1 =	vsel vm1, v34, v1;
	v3 =	vunpack.c.0.s8.s32 v3;
	v41 =	vunpack.c.0.s8.s32 v6;
	[tilespmem:$0x1FF90] =	vst v43  }
0x44: {  	s16 =	simm.s32 $0x13D00;
	s17 =	simm.s32 $0xFB80;
	s18 =	simm.s32 $0x11D00;
	[tilespmem:$0x1FFA0] =	vst v38;
	v34 =	vsel vm2, v5, v1;
	v1 =	vsel vm1, v40, v42;
	v42 =	vimm.s32 $0xD0C0B0A  }
0x45: {  	v44 =	vimm.s32 $0xE0D0C0B;
	s19 =	simm.s32 $0xFC00;
	s20 =	simm.s32 $0x15D00;
	s21 =	simm.s32 $0x1;
	v52 =	vand.u32 $0xF, v3;
	[tilespmem:$0x1FFB0] =	vst v45;
	v4 =	vunpack.c.0.s8.s32 v42  }
0x46: {  	s22 =	simm.s32 $0x17D00;
	s23 =	simm.s32 $0x2;
	s24 =	simm.s32 $0x17D80;
	v47 =	vimm.s32 $0x76543210;
	v2 =	vand.u32 $0xF, v41;
	[tilespmem:$0x1FE10] =	vst v52;
	v5 =	vunpack.c.0.s8.s32 v44  }
0x47: {  	s25 =	simm.s32 $0x0;
	s5 =	sand.u32 $0x1, s4;
	s6 =	sshll.u32 s3, $0x1;
	[tilespmem:$0x1FFC0] =	vst v56;
	v2 =	vsel vm1, v2, v23;
	v36 =	vsel vm2, v4, v1;
	v1 =	vunpack.c.l.s4.s8 v47  }
0x48: {  	s4 =	sadd.s32 $0xC00, s0;
	s7 =	ssub.s32 $0x2, s5;
	s9 =	sor.u32 s5, s6;
	[tilespmem:$0x1FFD0] =	vst v34;
	v40 =	vsel vm2, v5, v2  }
0x49: {  	s5 =	sadd.s32 $0xF43000, s0;
	s8 =	sshrl.u32 s7, $0x1;
	s10 =	smul.u32 $0xF00, s9;
	[tilespmem:$0x1FFF0] =	vst v40;
	v51 =	vunpack.c.0.s8.s32 v1  }
0x4a: {  	s6 =	sadd.s32 $0x1EE00, s0;
	s31 =	ssub.s32 s7, s8;
	s7 =	smul.u32 $0x50, s9;
	[tilespmem:$0x1FFE0] =	vst v36  }
0x4b: {  	s9 =	smul.u32 $0x2800, s9;
	s8 =	sadd.s32 s4, s10;
	s10 =	smax.u32 s31, $0x1;
	[tilespmem:$0x1FE00] =	vst v51  }
.LBB2_1:
0x4c: {  	[tilespmem:s2], [sflag:$0x3] =	stream.linear.gather [hbm4b:s6+s2], $0xFA00, $0x38;
	[tilespmem:$0x17E00] =	vst v63  }
0x4d: {  	_ =	swait.ge [sflag:s11], $0xFA00  }
0x4e: {  	[sflag:s11] =	ssyncset.done $0x0  }
0x4f: {  	[sflag:s11] =	ssyncadd.s32 $0xFFFF0600  }
0x50: {  	[tilespmem:s12], [sflag:$0x3] =	stream.linear.gather [hbm4b:s8+s2], $0x180, $0x38;
	[tilespmem:$0x17E00] =	vst v63  }
0x51: {  	_ =	swait.ge [sflag:s11], $0x180  }
0x52: {  	[sflag:s11] =	ssyncset.done $0x0  }
0x53: {  	[sflag:s11] =	ssyncadd.s32 $0xFFFFFE80  }
0x54: {  	[tilespmem:s14], [sflag:$0x1] =	stream.indirect.gather [hbm4b:s5+s13], $0x40, s12, s13, $0xb8;
	[tilespmem:$0x17E00] =	vst v63  }
0x55: {  	s26 =	simm.s32 $0x0  }
0x56: {  	[tilespmem:s16], [sflag:$0x1] =	stream.indirect.gather [hbm4b:s5+s13], $0x40, s15, s13, $0xb8;
	[tilespmem:$0x17E00] =	vst v63  }
.LBB2_2:
0x57: {  	s0 =	sshll.u32 s26, $0x1  }
0x58: {  	s29 =	sadd.s32 s7, s0  }
0x59: {  	s28 =	sor.u32 $0x1, s29  }
0x5a: {  	s0 =	smul.u32 $0x30, s28;
	_ =	sdelay $0x1  }
0x5b: {  	s30 =	simm.s32 $0x0;
	s0 =	sadd.s32 s4, s0  }
0x5c: {  	[tilespmem:s17], [sflag:$0x3] =	stream.linear.gather [hbm4b:s0+s30], $0x180, $0x38;
	[tilespmem:$0x17E00] =	vst v63  }
0x5d: {  	_ =	swait.ge [sflag:s11], $0x180  }
0x5e: {  	[sflag:s11] =	ssyncset.done $0x0  }
0x5f: {  	[sflag:s11] =	ssyncadd.s32 $0xFFFFFE80  }
0x60: {  	[tilespmem:s18], [sflag:$0x2] =	stream.indirect.gather [hbm4b:s5+s13], $0x40, s17, s13, $0xb8;
	[tilespmem:$0x17E00] =	vst v63  }
0x61: {  	_ = 	snop  }
0x62: {  	[tilespmem:s20], [sflag:$0x2] =	stream.indirect.gather [hbm4b:s5+s13], $0x40, s19, s13, $0xb8;
	[tilespmem:$0x17E00] =	vst v63  }
0x63: {  	_ =	swait.ge [sflag:s21], $0x2000  }
0x64: {  	[sflag:s21] =	ssyncset.done $0x0  }
0x65: {  	[sflag:s21] =	ssyncadd.s32 $0xFFFFE000  }
0x66: {  	_ =	swait.ge [sflag:s21], $0x2000  }
0x67: {  	[sflag:s21] =	ssyncset.done $0x0  }
0x68: {  	s31 =	simm.s32 $0x17D00;
	s0 =	simm.s32 $0xFB00;
	[sflag:s21] =	ssyncadd.s32 $0xFFFFE000  }
.LBB2_3:
0x69: {  	_ = 	snop  }
0x6a: {  	v1 =	vmov s30  }
0x6b: {  	v1 =	vshll.u32 v1, $0x6  }
0x6c: {  	v2 =	vor.u32 v12, v1  }
0x6d: {  	v1 =	vor.u32 v11, v2  }
0x6e: {  	v3 =	vor.u32 v13, v2;
	_ =	sdelay $0x1  }
0x6f: {  	v0 =	vld [tilespmem:s0+$0x0];
	v47 =	vor.u32 v14, v2  }
0x70: {  	v48 =	vld [tilespmem:$0x1FBC0]  }
0x71: {  	v51 =	vor.u32 v15, v2;
	v4 =	vld.idx.msk [tilespmem:v1+s14+$0x0], $0xffff  }
0x72: {  	v50 =	vld.idx.msk [tilespmem:v3+s14+$0x0], $0xffff  }
0x73: {  	v5 =	vor.u32 v16, v2;
	v34 =	vld.idx.msk [tilespmem:v3+s16+$0x0], $0xffff  }
0x74: {  	v52 =	vld.idx.msk [tilespmem:v47+s14+$0x0], $0xffff  }
0x75: {  	v59 =	vor.u32 v17, v2;
	v44 =	vld.idx.msk [tilespmem:v47+s16+$0x0], $0xffff  }
0x76: {  	v56 =	vld.idx.msk [tilespmem:v51+s14+$0x0], $0xffff  }
0x77: {  	v8 =	vor.u32 v18, v2;
	v35 =	vld.idx.msk [tilespmem:v51+s16+$0x0], $0xffff  }
0x78: {  	v10 =	vld.idx.msk [tilespmem:v5+s14+$0x0], $0xffff  }
0x79: {  	v60 =	vshll.u32 v0, $0x6;
	v33 =	vor.u32 v19, v2;
	v7 =	vld.idx.msk [tilespmem:v5+s16+$0x0], $0xffff  }
0x7a: {  	v62 =	vor.u32 v17, v60;
	v17 =	vld.idx.msk [tilespmem:v59+s14+$0x0], $0xffff  }
0x7b: {  	v9 =	vor.u32 v20, v2;
	v6 =	vor.u32 v16, v60;
	v16 =	vld.idx.msk [tilespmem:v59+s16+$0x0], $0xffff  }
0x7c: {  	v40 =	vld.idx.msk [tilespmem:v8+s14+$0x0], $0xffff  }
0x7d: {  	v23 =	vld.idx.msk [tilespmem:v8+s16+$0x0], $0xffff  }
0x7e: {  	v0 =	vor.u32 v11, v60;
	v24 =	vld.idx.msk [tilespmem:v33+s14+$0x0], $0xffff  }
0x7f: {  	v53 =	vor.u32 v15, v60;
	v63 =	vor.u32 v18, v60;
	v18 =	vld.idx.msk [tilespmem:v33+s16+$0x0], $0xffff  }
0x80: {  	v49 =	vor.u32 v14, v60;
	v14 =	vld.idx.msk [tilespmem:v9+s14+$0x0], $0xffff  }
0x81: {  	v8 =	vld.idx.msk [tilespmem:v9+s16+$0x0], $0xffff  }
0x82: {  	v33 =	vld [tilespmem:$0x1FB90]  }
0x83: {  	v41 =	vor.u32 v20, v60;
	v0 =	vld.idx.msk [tilespmem:v0+s2+$0x0], $0xffff  }
0x84: {  	v12 =	vor.u32 v22, v60;
	v61 =	vld.idx.msk [tilespmem:v53+s2+$0x0], $0xffff  }
0x85: {  	v42 =	vor.u32 v13, v60;
	v13 =	vor.u32 v31, v2;
	v15 =	vld.idx.msk [tilespmem:v6+s2+$0x0], $0xffff  }
0x86: {  	v36 =	vld.idx.msk [tilespmem:v62+s2+$0x0], $0xffff  }
0x87: {  	v39 =	vld.idx.msk [tilespmem:v63+s2+$0x0], $0xffff  }
0x88: {  	v27 =	vld.idx.msk [tilespmem:v41+s2+$0x0], $0xffff  }
0x89: {  	v9 =	vor.u32 v26, v2;
	v46 =	vld.idx.msk [tilespmem:v12+s2+$0x0], $0xffff  }
0x8a: {  	v58 =	vld.idx.msk [tilespmem:v13+s14+$0x0], $0xffff  }
0x8b: {  	v47 =	vor.u32 v32, v60;
	v54 =	vld.idx.msk [tilespmem:v13+s16+$0x0], $0xffff  }
0x8c: {  	v59 =	vor.u32 v38, v60;
	v62 =	vld [tilespmem:$0x1FB70]  }
0x8d: {  	[tilespmem:$0x1F760] =	vst v4;
	v4 =	vld.idx.msk [tilespmem:v42+s2+$0x0], $0xffff  }
0x8e: {  	v37 =	vor.u32 v19, v60;
	v28 =	vld.idx.msk [tilespmem:v9+s14+$0x0], $0xffff  }
0x8f: {  	v12 =	vor.u32 v31, v60;
	v19 =	vld.idx.msk [tilespmem:v9+s16+$0x0], $0xffff  }
0x90: {  	v13 =	vor.u32 v43, v2;
	v57 =	vld.idx.msk [tilespmem:v47+s2+$0x0], $0xffff  }
0x91: {  	v5 =	vld.idx.msk [tilespmem:v59+s2+$0x0], $0xffff  }
0x92: {  	v42 =	vor.u32 v26, v60;
	[tilespmem:$0x1F770] =	vst v0;
	v0 =	vld.idx.msk [tilespmem:v49+s2+$0x0], $0xffff  }
0x93: {  	v9 =	vor.u32 v32, v2;
	v49 =	vld.idx.msk [tilespmem:v37+s2+$0x0], $0xffff  }
0x94: {  	v55 =	vld.idx.msk [tilespmem:v12+s2+$0x0], $0xffff  }
0x95: {  	[tilespmem:$0x1F790] =	vst v52;
	v52 =	vld.idx.msk [tilespmem:v13+s14+$0x0], $0xffff  }
0x96: {  	v30 =	vld.idx.msk [tilespmem:v13+s16+$0x0], $0xffff  }
0x97: {  	[tilespmem:$0x1F7B0] =	vst v61;
	v61 =	vld.idx.msk [tilespmem:v42+s2+$0x0], $0xffff  }
0x98: {  	v51 =	vld.idx.msk [tilespmem:v9+s14+$0x0], $0xffff  }
0x99: {  	v12 =	vor.u32 v43, v60;
	v29 =	vld.idx.msk [tilespmem:v9+s16+$0x0], $0xffff  }
0x9a: {  	v13 =	vor.u32 v62, v2;
	[tilespmem:$0x1F780] =	vst v4;
	v4 =	vld [tilespmem:$0x1FB80]  }
0x9b: {  	v9 =	vor.u32 v38, v2;
	v38 =	vld [tilespmem:$0x1FBA0]  }
0x9c: {  	v42 =	vld [tilespmem:$0x1FBB0]  }
0x9d: {  	[tilespmem:$0x1F810] =	vst v5;
	v5 =	vld [tilespmem:$0x1FBE0]  }
0x9e: {  	v63 =	vld.idx.msk [tilespmem:v12+s2+$0x0], $0xffff  }
0x9f: {  	v6 =	vld.idx.msk [tilespmem:v13+s14+$0x0], $0xffff  }
0xa0: {  	v12 =	vor.u32 v62, v60;
	v53 =	vld.idx.msk [tilespmem:v13+s16+$0x0], $0xffff  }
0xa1: {  	v13 =	vor.u32 v33, v2;
	v62 =	vld [tilespmem:$0x1FBD0]  }
0xa2: {  	[tilespmem:$0x1F7E0] =	vst v55;
	v55 =	vor.u32 v48, v2;
	v31 =	vld.idx.msk [tilespmem:v9+s14+$0x0], $0xffff  }
0xa3: {  	v25 =	vld.idx.msk [tilespmem:v9+s16+$0x0], $0xffff;
	v9 =	vor.u32 v4, v2  }
0xa4: {  	v20 =	vor.u32 v38, v2;
	v21 =	vor.u32 v38, v60;
	v38 =	vld [tilespmem:$0x1FBF0]  }
0xa5: {  	v32 =	vor.u32 v4, v60;
	v37 =	vld.idx.msk [tilespmem:v12+s2+$0x0], $0xffff  }
0xa6: {  	[tilespmem:$0x1F820] =	vst v6;
	v6 =	vld.idx.msk [tilespmem:v13+s16+$0x0], $0xffff  }
0xa7: {  	v4 =	vld.idx.msk [tilespmem:v55+s14+$0x0], $0xffff  }
0xa8: {  	v43 =	vld.idx.msk [tilespmem:v9+s14+$0x0], $0xffff  }
0xa9: {  	v26 =	vld.idx.msk [tilespmem:v9+s16+$0x0], $0xffff  }
0xaa: {  	v11 =	vor.u32 v22, v2;
	v22 =	vor.u32 v42, v60;
	v41 =	vld.idx.msk [tilespmem:v32+s2+$0x0], $0xffff  }
0xab: {  	v12 =	vor.u32 v33, v60;
	v9 =	vld.idx.msk [tilespmem:v13+s14+$0x0], $0xffff  }
0xac: {  	[tilespmem:$0x1F7F0] =	vst v57;
	v33 =	vor.u32 v5, v2;
	v57 =	vld.idx.msk [tilespmem:v20+s14+$0x0], $0xffff  }
0xad: {  	v13 =	vor.u32 v42, v2;
	v42 =	vld.idx.msk [tilespmem:v20+s16+$0x0], $0xffff  }
0xae: {  	v59 =	vld.idx.msk [tilespmem:v21+s2+$0x0], $0xffff  }
0xaf: {  	[tilespmem:$0x1F800] =	vst v63;
	v63 =	vld.idx.msk [tilespmem:v22+s2+$0x0], $0xffff  }
0xb0: {  	[tilespmem:$0x1F7D0] =	vst v46;
	v21 =	vor.u32 v48, v60;
	v46 =	vld.idx.msk [tilespmem:v12+s2+$0x0], $0xffff  }
0xb1: {  	v32 =	vld.idx.msk [tilespmem:v33+s14+$0x0], $0xffff  }
0xb2: {  	[tilespmem:$0x1F870] =	vst v4;
	v4 =	vld [tilespmem:$0x1FC10]  }
0xb3: {  	v22 =	vor.u32 v62, v60;
	v20 =	vld.idx.msk [tilespmem:v13+s14+$0x0], $0xffff  }
0xb4: {  	v47 =	vor.u32 v38, v2;
	v12 =	vld.idx.msk [tilespmem:v13+s16+$0x0], $0xffff  }
0xb5: {  	[tilespmem:$0x1F830] =	vst v37;
	v13 =	vor.u32 v62, v2;
	v37 =	vld.idx.msk [tilespmem:v21+s2+$0x0], $0xffff  }
0xb6: {  	[tilespmem:$0x1F850] =	vst v59;
	v59 =	vld.idx.msk [tilespmem:v55+s16+$0x0], $0xffff  }
0xb7: {  	v55 =	vld [tilespmem:$0x1FC00]  }
0xb8: {  	v48 =	vld.idx.msk [tilespmem:v22+s2+$0x0], $0xffff  }
0xb9: {  	[tilespmem:$0x1F840] =	vst v41;
	v22 =	vor.u32 v38, v60;
	v62 =	vld.idx.msk [tilespmem:v47+s14+$0x0], $0xffff  }
0xba: {  	[tilespmem:$0x1F880] =	vst v37;
	v41 =	vld.idx.msk [tilespmem:v13+s14+$0x0], $0xffff;
	v37 =	vor.u32 v5, v60  }
0xbb: {  	v21 =	vld.idx.msk [tilespmem:v13+s16+$0x0], $0xffff  }
0xbc: {  	v13 =	vld.idx.msk [tilespmem:v33+s16+$0x0], $0xffff;
	v33 =	vor.u32 v55, v2  }
0xbd: {  	v38 =	vld [tilespmem:$0x1FC20]  }
0xbe: {  	[tilespmem:$0x1F860] =	vst v63;
	v5 =	vld.idx.msk [tilespmem:v22+s2+$0x0], $0xffff  }
0xbf: {  	[tilespmem:$0x1F890] =	vst v48;
	v48 =	vor.u32 v55, v60;
	v63 =	vld.idx.msk [tilespmem:v37+s2+$0x0], $0xffff  }
0xc0: {  	v37 =	vld.idx.msk [tilespmem:v47+s16+$0x0], $0xffff  }
0xc1: {  	v47 =	vld.idx.msk [tilespmem:v33+s14+$0x0], $0xffff  }
0xc2: {  	v55 =	vor.u32 v4, v2;
	v22 =	vld.idx.msk [tilespmem:v33+s16+$0x0], $0xffff  }
0xc3: {  	[tilespmem:$0x1F8A0] =	vst v62;
	v62 =	vor.u32 v4, v60;
	v3 =	vor.u32 v38, v60;
	v33 =	vor.u32 v38, v2;
	v38 =	vld [tilespmem:$0x1FC30]  }
0xc4: {  	v4 =	vld.idx.msk [tilespmem:v48+s2+$0x0], $0xffff;
	_ =	sdelay $0x2  }
0xc5: {  	[tilespmem:$0x1F8B0] =	vst v5;
	v5 =	vld.idx.msk [tilespmem:v55+s14+$0x0], $0xffff  }
0xc6: {  	[tilespmem:$0x1F7A0] =	vst v0;
	v62 =	vld.idx.msk [tilespmem:v62+s2+$0x0], $0xffff;
	v0 =	vor.u32 v38, v2  }
0xc7: {  	[tilespmem:$0x1F8C0] =	vst v4;
	v4 =	vld [tilespmem:$0x1FC40];
	_ =	sdelay $0x1  }
0xc8: {  	v45 =	vld.idx.msk [tilespmem:v1+s16+$0x0], $0xffff  }
0xc9: {  	v3 =	vld.idx.msk [tilespmem:v3+s2+$0x0], $0xffff  }
0xca: {  	[tilespmem:$0x1F8E0] =	vst v62;
	v62 =	vor.u32 v38, v60;
	v38 =	vld.idx.msk [tilespmem:v0+s14+$0x0], $0xffff  }
0xcb: {  	[tilespmem:$0x1F8D0] =	vst v5;
	v1 =	vor.u32 v4, v2;
	v5 =	vor.u32 v4, v60;
	v4 =	vld [tilespmem:$0x1FC50];
	_ =	sdelay $0x2  }
0xcc: {  	v0 =	vld.idx.msk [tilespmem:v0+s16+$0x0], $0xffff  }
0xcd: {  	[tilespmem:$0x1F8F0] =	vst v3  }
0xce: {  	[tilespmem:$0x1F900] =	vst v38;
	v3 =	vor.u32 v4, v2;
	v38 =	vld.idx.msk [tilespmem:v62+s2+$0x0], $0xffff;
	_ =	sdelay $0x1  }
0xcf: {  	v62 =	vld.idx.msk [tilespmem:v1+s14+$0x0], $0xffff  }
0xd0: {  	[tilespmem:$0x1F910] =	vst v0;
	v0 =	vld [tilespmem:$0x1FC60]  }
0xd1: {  	v5 =	vld.idx.msk [tilespmem:v5+s2+$0x0], $0xffff  }
0xd2: {  	[tilespmem:$0x1F930] =	vst v38;
	v38 =	vld.idx.msk [tilespmem:v3+s14+$0x0], $0xffff  }
0xd3: {  	v4 =	vor.u32 v4, v60;
	_ =	sdelay $0x1  }
0xd4: {  	[tilespmem:$0x1F920] =	vst v62  }
0xd5: {  	v62 =	vld.idx.msk [tilespmem:v1+s16+$0x0], $0xffff;
	[tilespmem:$0x1F940] =	vst v5;
	v5 =	vor.u32 v0, v60  }
0xd6: {  	v1 =	vor.u32 v0, v2;
	[tilespmem:$0x1F950] =	vst v38;
	v38 =	vld.idx.msk [tilespmem:v3+s16+$0x0], $0xffff  }
0xd7: {  	v4 =	vld.idx.msk [tilespmem:v4+s2+$0x0], $0xffff  }
0xd8: {  	v3 =	vld [tilespmem:$0x1FC70];
	_ =	sdelay $0x1  }
0xd9: {  	v5 =	vld.idx.msk [tilespmem:v5+s2+$0x0], $0xffff  }
0xda: {  	[tilespmem:$0x1F960] =	vst v38;
	v38 =	vld.idx.msk [tilespmem:v1+s14+$0x0], $0xffff  }
0xdb: {  	v1 =	vld.idx.msk [tilespmem:v1+s16+$0x0], $0xffff  }
0xdc: {  	[tilespmem:$0x1F9A0] =	vst v4;
	v0 =	vor.u32 v3, v2;
	v4 =	vor.u32 v3, v60;
	v3 =	vld [tilespmem:$0x1FC80];
	_ =	sdelay $0x2  }
0xdd: {  	[tilespmem:$0x1F9B0] =	vst v5  }
0xde: {  	v5 =	vld [tilespmem:$0x1FC90];
	[tilespmem:$0x1F980] =	vst v38  }
0xdf: {  	[tilespmem:$0x1F990] =	vst v1;
	v1 =	vor.u32 v3, v2;
	v38 =	vld.idx.msk [tilespmem:v0+s14+$0x0], $0xffff  }
0xe0: {  	v0 =	vld.idx.msk [tilespmem:v0+s16+$0x0], $0xffff  }
0xe1: {  	v4 =	vld.idx.msk [tilespmem:v4+s2+$0x0], $0xffff  }
0xe2: {  	v3 =	vor.u32 v3, v60;
	_ =	sdelay $0x1  }
0xe3: {  	[tilespmem:$0x1F9C0] =	vst v38;
	v38 =	vld.idx.msk [tilespmem:v1+s14+$0x0], $0xffff  }
0xe4: {  	[tilespmem:$0x1F9D0] =	vst v0;
	v0 =	vor.u32 v5, v2;
	v1 =	vld.idx.msk [tilespmem:v1+s16+$0x0], $0xffff  }
0xe5: {  	[tilespmem:$0x1F9E0] =	vst v4;
	v4 =	vor.u32 v5, v60;
	v5 =	vld [tilespmem:$0x1FCA0]  }
0xe6: {  	v3 =	vld.idx.msk [tilespmem:v3+s2+$0x0], $0xffff;
	_ =	sdelay $0x2  }
0xe7: {  	[tilespmem:$0x1F9F0] =	vst v38;
	v38 =	vld.idx.msk [tilespmem:v0+s14+$0x0], $0xffff  }
0xe8: {  	[tilespmem:$0x1FA00] =	vst v1;
	v1 =	vor.u32 v5, v2;
	v0 =	vld.idx.msk [tilespmem:v0+s16+$0x0], $0xffff  }
0xe9: {  	[tilespmem:$0x1FA40] =	vst v3;
	v3 =	vor.u32 v5, v60;
	v5 =	vld [tilespmem:$0x1FCB0]  }
0xea: {  	v4 =	vld.idx.msk [tilespmem:v4+s2+$0x0], $0xffff;
	_ =	sdelay $0x1  }
0xeb: {  	[tilespmem:$0x1F7C0] =	vst v39;
	v39 =	vld.idx.msk [tilespmem:v11+s14+$0x0], $0xffff  }
0xec: {  	[tilespmem:$0x1FA20] =	vst v38;
	v38 =	vld.idx.msk [tilespmem:v1+s14+$0x0], $0xffff  }
0xed: {  	[tilespmem:$0x1FA30] =	vst v0;
	v0 =	vor.u32 v5, v2;
	v1 =	vld.idx.msk [tilespmem:v1+s16+$0x0], $0xffff  }
0xee: {  	[tilespmem:$0x1FA50] =	vst v4;
	v4 =	vor.u32 v5, v60;
	v5 =	vld [tilespmem:$0x1FCC0]  }
0xef: {  	v3 =	vld.idx.msk [tilespmem:v3+s2+$0x0], $0xffff  }
0xf0: {  	v11 =	vld.idx.msk [tilespmem:v11+s16+$0x0], $0xffff  }
0xf1: {  	v34 =	vmul.f32 v34, v50;
	v50 =	vld [tilespmem:$0x1F780]  }
0xf2: {  	[tilespmem:$0x1FA60] =	vst v38;
	v38 =	vld.idx.msk [tilespmem:v0+s14+$0x0], $0xffff  }
0xf3: {  	[tilespmem:$0x1FA70] =	vst v1;
	v0 =	vld.idx.msk [tilespmem:v0+s16+$0x0], $0xffff  }
0xf4: {  	v1 =	vor.u32 v5, v2;
	[tilespmem:$0x1FAB0] =	vst v3;
	v3 =	vor.u32 v5, v60;
	v5 =	vld [tilespmem:$0x1FCF0];
	_ =	sdelay $0x1  }
0xf5: {  	v4 =	vld.idx.msk [tilespmem:v4+s2+$0x0], $0xffff  }
0xf6: {  	v11 =	vmul.f32 v11, v39;
	v39 =	vmul.f32 v29, v51;
	v51 =	vld [tilespmem:$0x1F810]  }
0xf7: {  	v50 =	vmul.f32 v50, v34;
	v34 =	vld [tilespmem:$0x1F790];
	[tilespmem:$0x1FA90] =	vst v38  }
0xf8: {  	[tilespmem:$0x1FAA0] =	vst v0;
	v0 =	vor.u32 v5, v2;
	v38 =	vld.idx.msk [tilespmem:v1+s14+$0x0], $0xffff  }
0xf9: {  	v1 =	vld.idx.msk [tilespmem:v1+s16+$0x0], $0xffff  }
0xfa: {  	[tilespmem:$0x1FAC0] =	vst v4;
	v4 =	vor.u32 v5, v60;
	v5 =	vld [tilespmem:$0x1FD00]  }
0xfb: {  	v3 =	vld.idx.msk [tilespmem:v3+s2+$0x0], $0xffff  }
0xfc: {  	v44 =	vmul.f32 v44, v34;
	v34 =	vld [tilespmem:$0x1FE30]  }
0xfd: {  	[tilespmem:$0x1FAE0] =	vst v38;
	v38 =	vld.idx.msk [tilespmem:v0+s14+$0x0], $0xffff  }
0xfe: {  	v48 =	vld.idx.msk [tilespmem:v55+s16+$0x0], $0xffff  }
0xff: {  	[tilespmem:$0x1FAF0] =	vst v1;
	v0 =	vld.idx.msk [tilespmem:v0+s16+$0x0], $0xffff  }
0x100: {  	v1 =	vor.u32 v5, v2;
	[tilespmem:$0x1FB20] =	vst v3;
	v3 =	vor.u32 v5, v60;
	v5 =	vld [tilespmem:$0x1FE20]  }
0x101: {  	v55 =	vld.idx.msk [tilespmem:v33+s14+$0x0], $0xffff  }
0x102: {  	v25 =	vmul.f32 v25, v31;
	[tilespmem:$0x1FB00] =	vst v38;
	v38 =	vld [tilespmem:$0x1F760]  }
0x103: {  	v33 =	vld.idx.msk [tilespmem:v33+s16+$0x0], $0xffff  }
0x104: {  	v10 =	vmul.f32 v7, v10;
	v25 =	vmul.f32 v51, v25;
	v51 =	vld [tilespmem:$0x1FD10]  }
0x105: {  	v4 =	vld.idx.msk [tilespmem:v4+s2+$0x0], $0xffff;
	[tilespmem:$0x1FB10] =	vst v0;
	v0 =	vor.u32 v5, v2  }
0x106: {  	v7 =	vor.u32 v5, v60;
	v5 =	vmul.f32 v15, v10;
	v10 =	vmul.f32 v16, v17;
	v16 =	vld [tilespmem:$0x1F7B0]  }
0x107: {  	v45 =	vmul.f32 v45, v38;
	v38 =	vld [tilespmem:$0x1F770]  }
0x108: {  	v33 =	vmul.f32 v33, v55;
	v55 =	vld [tilespmem:$0x1FDE0];
	v15 =	vor.u32 v34, v60  }
0x109: {  	v56 =	vmul.f32 v35, v56;
	v3 =	vld.idx.msk [tilespmem:v3+s2+$0x0], $0xffff  }
0x10a: {  	v8 =	vmul.f32 v8, v14;
	v35 =	vld.idx.msk [tilespmem:v0+s14+$0x0], $0xffff  }
0x10b: {  	v17 =	vmul.f32 v16, v56;
	v56 =	vmul.f32 v23, v40;
	v23 =	vld.idx.msk [tilespmem:v7+s2+$0x0], $0xffff  }
0x10c: {  	[tilespmem:$0x1FB30] =	vst v4;
	v10 =	vmul.f32 v36, v10;
	v40 =	vadd.f32 $0.0e+00, v50;
	v4 =	vmul.f32 v38, v45;
	v38 =	vld [tilespmem:$0x1F7A0]  }
0x10d: {  	v50 =	vmul.f32 v18, v24;
	v18 =	vmul.f32 v27, v8;
	v8 =	vld.idx.msk [tilespmem:v15+s2+$0x0], $0xffff  }
0x10e: {  	v16 =	vadd.f32 v10, v40;
	v40 =	vld [tilespmem:$0x1FE50]  }
0x10f: {  	v45 =	vld.idx.msk [tilespmem:v1+s14+$0x0], $0xffff  }
0x110: {  	v7 =	vmul.f32 v49, v50;
	v50 =	vld [tilespmem:$0x1F7D0]  }
0x111: {  	[tilespmem:$0x1FB60] =	vst v3;
	v3 =	vmul.f32 v38, v44;
	v44 =	vld.idx.msk [tilespmem:v0+s16+$0x0], $0xffff  }
0x112: {  	v0 =	vld [tilespmem:$0x1FE40]  }
0x113: {  	v4 =	vadd.f32 $0.0e+00, v4;
	v38 =	vld [tilespmem:$0x1F7C0]  }
0x114: {  	v15 =	vadd.f32 $0.0e+00, v17;
	[tilespmem:$0x1FB50] =	vst v45;
	v45 =	vld.idx.msk [tilespmem:v1+s16+$0x0], $0xffff;
	v1 =	vor.u32 v34, v2  }
0x115: {  	v49 =	vld [tilespmem:$0x1FE60];
	v4 =	vadd.f32 v5, v4  }
0x116: {  	v7 =	vadd.f32 v7, v15;
	v24 =	vor.u32 v40, v2;
	v17 =	vor.u32 v40, v60;
	v40 =	vld [tilespmem:$0x1FE70]  }
0x117: {  	v15 =	vadd.f32 v18, v4;
	v4 =	vmul.f32 v50, v11;
	v18 =	vmul.f32 v54, v58;
	v50 =	vld [tilespmem:$0x1FE80]  }
0x118: {  	v54 =	vld [tilespmem:$0x1FE90];
	v3 =	vadd.f32 $0.0e+00, v3;
	v5 =	vor.u32 v0, v2;
	v10 =	vmul.f32 v38, v56  }
0x119: {  	v34 =	vld.idx.msk [tilespmem:v1+s14+$0x0], $0xffff  }
0x11a: {  	v14 =	vor.u32 v0, v60;
	v56 =	vld.idx.msk [tilespmem:v1+s16+$0x0], $0xffff;
	v27 =	vadd.f32 v10, v3;
	v10 =	vmul.f32 v19, v28  }
0x11b: {  	v19 =	vor.u32 v49, v2;
	v28 =	vor.u32 v49, v60;
	v49 =	vld [tilespmem:$0x1F800]  }
0x11c: {  	v11 =	vmul.f32 v61, v10;
	v10 =	vld.idx.msk [tilespmem:v24+s14+$0x0], $0xffff  }
0x11d: {  	v1 =	vld.idx.msk [tilespmem:v5+s14+$0x0], $0xffff  }
0x11e: {  	v3 =	vld.idx.msk [tilespmem:v5+s16+$0x0], $0xffff  }
0x11f: {  	v5 =	vld.idx.msk [tilespmem:v14+s2+$0x0], $0xffff  }
0x120: {  	v14 =	vld.idx.msk [tilespmem:v24+s16+$0x0], $0xffff  }
0x121: {  	v29 =	vor.u32 v40, v60;
	v24 =	vor.u32 v40, v2;
	v40 =	vld [tilespmem:$0x1FEA0]  }
0x122: {  	v27 =	vadd.f32 v11, v27;
	v11 =	vld [tilespmem:$0x1F7E0]  }
0x123: {  	v34 =	vmul.f32 v56, v34;
	v56 =	vld [tilespmem:$0x1FFB0]  }
0x124: {  	v61 =	vadd.f32 v4, v16;
	v4 =	vld.idx.msk [tilespmem:v19+s14+$0x0], $0xffff  }
0x125: {  	v25 =	vadd.f32 v25, v27;
	v27 =	vld [tilespmem:$0x1F840]  }
0x126: {  	v9 =	vmul.f32 v6, v9;
	v6 =	vld.idx.msk [tilespmem:v24+s14+$0x0], $0xffff  }
0x127: {  	v16 =	vmul.f32 v11, v18;
	v11 =	vld.idx.msk [tilespmem:v17+s2+$0x0], $0xffff  }
0x128: {  	v18 =	vmul.f32 v30, v52;
	v17 =	vld [tilespmem:$0x1F7F0]  }
0x129: {  	v52 =	vld [tilespmem:$0x1F820]  }
0x12a: {  	v26 =	vmul.f32 v26, v43;
	v30 =	vadd.f32 v16, v7;
	v18 =	vmul.f32 v49, v18;
	v16 =	vld.idx.msk [tilespmem:v19+s16+$0x0], $0xffff  }
0x12b: {  	v19 =	vor.u32 v50, v2;
	v7 =	vld.idx.msk [tilespmem:v28+s2+$0x0], $0xffff  }
0x12c: {  	v26 =	vmul.f32 v27, v26;
	v27 =	vmul.f32 v46, v9;
	v9 =	vld.idx.msk [tilespmem:v29+s2+$0x0], $0xffff;
	v18 =	vadd.f32 v18, v61  }
0x12d: {  	v29 =	vmul.f32 v42, v57;
	v57 =	vld [tilespmem:$0x1FDD0];
	v17 =	vmul.f32 v17, v39  }
0x12e: {  	v27 =	vadd.f32 v27, v18;
	v18 =	vld [tilespmem:$0x1F850]  }
0x12f: {  	v15 =	vadd.f32 v17, v15;
	v17 =	vmul.f32 v53, v52;
	v53 =	vld [tilespmem:$0x1F830]  }
0x130: {  	v58 =	vmul.f32 v12, v20;
	v12 =	vld.idx.msk [tilespmem:v19+s14+$0x0], $0xffff  }
0x131: {  	v20 =	vld.idx.msk [tilespmem:v19+s16+$0x0], $0xffff  }
0x132: {  	v19 =	vld [tilespmem:$0x1F870]  }
0x133: {  	v28 =	vor.u32 v50, v60;
	v29 =	vmul.f32 v18, v29;
	v18 =	vld [tilespmem:$0x1F860]  }
0x134: {  	v46 =	vld [tilespmem:$0x1FEB0]  }
0x135: {  	v29 =	vadd.f32 v29, v25;
	v25 =	vmul.f32 v13, v32;
	v13 =	vld [tilespmem:$0x1F880]  }
0x136: {  	v42 =	vmul.f32 v21, v41;
	v41 =	vsel vm0, v55, v57;
	v55 =	vld [tilespmem:$0x1F960];
	v31 =	vmul.f32 v53, v17  }
0x137: {  	v17 =	vld.idx.msk [tilespmem:v24+s16+$0x0], $0xffff  }
0x138: {  	v30 =	vadd.f32 v31, v30;
	v31 =	vmul.f32 v18, v58;
	v18 =	vld.idx.msk [tilespmem:v28+s2+$0x0], $0xffff;
	v28 =	vmul.f32 v59, v19  }
0x139: {  	v61 =	vor.u32 v54, v60;
	v24 =	vor.u32 v54, v2;
	v54 =	vld [tilespmem:$0x1FD40]  }
0x13a: {  	v28 =	vmul.f32 v13, v28;
	v13 =	vld [tilespmem:$0x1F890]  }
0x13b: {  	v32 =	vmul.f32 v63, v25;
	v25 =	vld [tilespmem:$0x1F8A0]  }
0x13c: {  	v59 =	vld [tilespmem:$0x1F8E0]  }
0x13d: {  	v58 =	vld [tilespmem:$0x1F980]  }
0x13e: {  	v19 =	vld.idx.msk [tilespmem:v24+s14+$0x0], $0xffff  }
0x13f: {  	v21 =	vld.idx.msk [tilespmem:v24+s16+$0x0], $0xffff;
	v30 =	vadd.f32 v31, v30;
	v31 =	vmul.f32 v13, v42  }
0x140: {  	v50 =	vor.u32 v46, v60;
	v15 =	vadd.f32 v26, v15;
	v24 =	vor.u32 v46, v2;
	v46 =	vld [tilespmem:$0x1F8F0]  }
0x141: {  	v31 =	vadd.f32 v31, v27;
	v27 =	vld [tilespmem:$0x1F8C0]  }
0x142: {  	v43 =	vor.u32 v40, v60;
	v15 =	vadd.f32 v28, v15;
	v28 =	vmul.f32 v22, v47;
	v22 =	vld [tilespmem:$0x1F8B0]  }
0x143: {  	v13 =	vld.idx.msk [tilespmem:v61+s2+$0x0], $0xffff  }
0x144: {  	v61 =	vld [tilespmem:$0x1FDC0]  }
0x145: {  	v32 =	vadd.f32 v32, v29;
	v49 =	vmul.f32 v37, v25;
	v29 =	vld.idx.msk [tilespmem:v24+s16+$0x0], $0xffff  }
0x146: {  	v52 =	vmul.f32 v27, v28;
	v27 =	vld [tilespmem:$0x1F8D0]  }
0x147: {  	v36 =	vmul.f32 v22, v49;
	v22 =	vld.idx.msk [tilespmem:v43+s2+$0x0], $0xffff  }
0x148: {  	v49 =	vld [tilespmem:$0x1F910]  }
0x149: {  	v63 =	vcombine.low v61, v41;
	v61 =	vld [tilespmem:$0x1FD60]  }
0x14a: {  	v15 =	vadd.f32 v52, v15;
	v52 =	vld [tilespmem:$0x1F930]  }
0x14b: {  	v28 =	vmul.f32 v48, v27;
	v27 =	vld.idx.msk [tilespmem:v24+s14+$0x0], $0xffff  }
0x14c: {  	v53 =	vor.u32 v51, v60;
	v48 =	vld [tilespmem:$0x1F900]  }
0x14d: {  	v43 =	vor.u32 v54, v60;
	v24 =	vor.u32 v54, v2;
	v54 =	vld [tilespmem:$0x1F950]  }
0x14e: {  	v30 =	vadd.f32 v36, v30;
	v36 =	vmul.f32 v59, v28;
	v28 =	vld.idx.msk [tilespmem:v50+s2+$0x0], $0xffff  }
0x14f: {  	v50 =	vld [tilespmem:$0x1F920]  }
0x150: {  	v59 =	vld [tilespmem:$0x1F990]  }
0x151: {  	v31 =	vadd.f32 v36, v31;
	v36 =	vld.idx.msk [tilespmem:v53+s2+$0x0], $0xffff  }
0x152: {  	v53 =	vld [tilespmem:$0x1F940]  }
0x153: {  	v33 =	vmul.f32 v46, v33;
	v46 =	vor.u32 v63, v2;
	[tilespmem:$0x1F970] =	vst v63;
	v47 =	vor.u32 v63, v60;
	v63 =	vld [tilespmem:$0x1FCE0]  }
0x154: {  	v37 =	vmul.f32 v49, v48;
	v39 =	vmul.f32 v55, v54;
	v55 =	vld [tilespmem:$0x1F9A0]  }
0x155: {  	v38 =	vor.u32 v51, v2;
	v51 =	vmul.f32 v62, v50;
	v48 =	vmul.f32 v59, v58;
	v58 =	vld [tilespmem:$0x1F9B0]  }
0x156: {  	v62 =	vld [tilespmem:$0x1FCD0]  }
0x157: {  	v32 =	vadd.f32 v33, v32;
	v54 =	vld [tilespmem:$0x1FD70];
	v33 =	vmul.f32 v52, v37;
	v37 =	vmul.f32 v53, v51  }
0x158: {  	v59 =	vld [tilespmem:$0x1F9C0]  }
0x159: {  	v15 =	vadd.f32 v37, v15;
	v37 =	vmul.f32 v55, v39;
	v55 =	vld [tilespmem:$0x1F9F0]  }
0x15a: {  	v49 =	vor.u32 v61, v2;
	v39 =	vmul.f32 v58, v48;
	v48 =	vor.u32 v61, v60;
	v61 =	vld [tilespmem:$0x1F9D0]  }
0x15b: {  	v50 =	vsel vm0, v63, v62;
	v62 =	vld [tilespmem:$0x1FD20]  }
0x15c: {  	v63 =	vld [tilespmem:$0x1FD30]  }
0x15d: {  	v58 =	vld [tilespmem:$0x1FA00]  }
0x15e: {  	v31 =	vadd.f32 v37, v31;
	v37 =	vld.idx.msk [tilespmem:v47+s2+$0x0], $0xffff  }
0x15f: {  	v47 =	vld [tilespmem:$0x1FD80]  }
0x160: {  	v53 =	vcombine.low v50, v54;
	v50 =	vmul.f32 v61, v59;
	v59 =	vld [tilespmem:$0x1FA20]  }
0x161: {  	v61 =	vld [tilespmem:$0x1FA30]  }
0x162: {  	v54 =	vld [tilespmem:$0x1F9E0]  }
0x163: {  	v52 =	vsel vm0, v63, v62;
	v62 =	vld [tilespmem:$0x1FDB0]  }
0x164: {  	v63 =	vld [tilespmem:$0x1FA40]  }
0x165: {  	v0 =	vcombine.low v52, v47;
	v47 =	vmul.f32 v58, v55;
	v58 =	vld [tilespmem:$0x1FA50]  }
0x166: {  	v51 =	vor.u32 v53, v2;
	[tilespmem:$0x1FA10] =	vst v53;
	v52 =	vor.u32 v53, v60;
	v53 =	vmul.f32 v61, v59;
	v59 =	vld [tilespmem:$0x1FA60]  }
0x167: {  	v30 =	vadd.f32 v33, v30;
	v32 =	vadd.f32 v39, v32;
	v39 =	vmul.f32 v54, v50;
	v61 =	vld [tilespmem:$0x1FA70]  }
0x168: {  	v56 =	vor.u32 v56, v2  }
0x169: {  	v30 =	vadd.f32 v39, v30;
	v39 =	vmul.f32 v63, v47;
	v47 =	vld.idx.msk [tilespmem:v48+s2+$0x0], $0xffff  }
0x16a: {  	v55 =	vsel vm0, v57, v62;
	v57 =	vld [tilespmem:$0x1FDF0]  }
0x16b: {  	v6 =	vmul.f32 v17, v6;
	v63 =	vld [tilespmem:$0x1FA90]  }
0x16c: {  	v48 =	vmul.f32 v58, v53;
	v53 =	vmul.f32 v61, v59;
	v61 =	vld [tilespmem:$0x1FAA0]  }
0x16d: {  	v6 =	vmul.f32 v9, v6;
	v9 =	vmul.f32 v20, v12;
	v12 =	vld.idx.msk [tilespmem:v56+s16+$0x0], $0xffff  }
0x16e: {  	v26 =	vor.u32 v40, v2;
	v15 =	vadd.f32 v39, v15;
	v39 =	vld.idx.msk [tilespmem:v52+s2+$0x0], $0xffff  }
0x16f: {  	v52 =	vld [tilespmem:$0x1FAB0]  }
0x170: {  	v54 =	vor.u32 v0, v2;
	[tilespmem:$0x1FA80] =	vst v0;
	v62 =	vcombine.low v55, v57;
	v57 =	vor.u32 v0, v60;
	v0 =	vld [tilespmem:$0x1FDA0]  }
0x171: {  	v58 =	vmul.f32 v61, v63;
	v63 =	vld [tilespmem:$0x1FD50]  }
0x172: {  	v31 =	vadd.f32 v48, v31;
	v48 =	vld [tilespmem:$0x1FE00]  }
0x173: {  	v25 =	vld.idx.msk [tilespmem:v26+s14+$0x0], $0xffff  }
0x174: {  	v26 =	vld.idx.msk [tilespmem:v26+s16+$0x0], $0xffff  }
0x175: {  	v55 =	vld.idx.msk [tilespmem:v51+s14+$0x0], $0xffff  }
0x176: {  	v59 =	vld.idx.msk [tilespmem:v51+s16+$0x0], $0xffff;
	v51 =	vsel vm0, v0, v63  }
0x177: {  	v51 =	vcombine.low v51, v48;
	v48 =	vmul.f32 v52, v53;
	v53 =	vld [tilespmem:$0x1FAC0]  }
0x178: {  	v42 =	vld.idx.msk [tilespmem:v38+s14+$0x0], $0xffff  }
0x179: {  	v38 =	vld.idx.msk [tilespmem:v38+s16+$0x0], $0xffff  }
0x17a: {  	v40 =	vld.idx.msk [tilespmem:v24+s14+$0x0], $0xffff  }
0x17b: {  	v0 =	vld [tilespmem:$0x1FAE0]  }
0x17c: {  	[tilespmem:$0x1FAD0] =	vst v62;
	v61 =	vor.u32 v62, v2;
	v52 =	vmul.f32 v53, v58;
	v58 =	vor.u32 v62, v60;
	v62 =	vld [tilespmem:$0x1FAF0]  }
0x17d: {  	v32 =	vadd.f32 v48, v32;
	v48 =	vld.idx.msk [tilespmem:v57+s2+$0x0], $0xffff  }
0x17e: {  	v57 =	vld [tilespmem:$0x1FB20]  }
0x17f: {  	v24 =	vld.idx.msk [tilespmem:v24+s16+$0x0], $0xffff  }
0x180: {  	v63 =	vld [tilespmem:$0x1FB10]  }
0x181: {  	v62 =	vmul.f32 v62, v0;
	v0 =	vld [tilespmem:$0x1FB00]  }
0x182: {  	v33 =	vld.idx.msk [tilespmem:v43+s2+$0x0], $0xffff  }
0x183: {  	v30 =	vadd.f32 v52, v30;
	v52 =	vmul.f32 v57, v62;
	v62 =	vld [tilespmem:$0x1FB30]  }
0x184: {  	v43 =	vld.idx.msk [tilespmem:v46+s14+$0x0], $0xffff  }
0x185: {  	v46 =	vld.idx.msk [tilespmem:v46+s16+$0x0], $0xffff  }
0x186: {  	v50 =	vld.idx.msk [tilespmem:v49+s14+$0x0], $0xffff;
	v63 =	vmul.f32 v63, v0  }
0x187: {  	v49 =	vld.idx.msk [tilespmem:v49+s16+$0x0], $0xffff  }
0x188: {  	[tilespmem:$0x1FB40] =	vst v51;
	v0 =	vor.u32 v51, v2;
	v57 =	vmul.f32 v62, v63;
	v63 =	vor.u32 v51, v60;
	v51 =	vld [tilespmem:$0x1FB50]  }
0x189: {  	v35 =	vmul.f32 v44, v35;
	v44 =	vld.idx.msk [tilespmem:v61+s16+$0x0], $0xffff  }
0x18a: {  	v53 =	vld.idx.msk [tilespmem:v54+s14+$0x0], $0xffff  }
0x18b: {  	v54 =	vld.idx.msk [tilespmem:v54+s16+$0x0], $0xffff  }
0x18c: {  	v15 =	vadd.f32 v52, v15;
	v52 =	vld.idx.msk [tilespmem:v58+s2+$0x0], $0xffff  }
0x18d: {  	v45 =	vmul.f32 v45, v51;
	v51 =	vld [tilespmem:$0x1FD90]  }
0x18e: {  	v31 =	vadd.f32 v57, v31;
	v57 =	vld [tilespmem:$0x1FB60]  }
0x18f: {  	v23 =	vmul.f32 v23, v35;
	v58 =	vld [tilespmem:$0x1FFB0]  }
0x190: {  	v62 =	vld.idx.msk [tilespmem:v61+s14+$0x0], $0xffff  }
0x191: {  	v23 =	vadd.f32 v23, v30;
	v30 =	vld.idx.msk [tilespmem:v63+s2+$0x0], $0xffff  }
0x192: {  	v63 =	vld [tilespmem:$0x1FE10];
	v61 =	vor.u32 v51, v2  }
0x193: {  	v35 =	vld.idx.msk [tilespmem:v0+s14+$0x0], $0xffff;
	v45 =	vmul.f32 v57, v45  }
0x194: {  	v0 =	vld.idx.msk [tilespmem:v0+s16+$0x0], $0xffff;
	v57 =	vor.u32 v51, v60;
	v51 =	vor.u32 v58, v60  }
0x195: {  	v3 =	vmul.f32 v3, v1;
	v32 =	vadd.f32 v45, v32;
	v45 =	vld [tilespmem:$0x1FFC0]  }
0x196: {  	v58 =	vld [tilespmem:$0x1FFF0]  }
0x197: {  	v3 =	vmul.f32 v5, v3;
	v63 =	vcombine.low v41, v63;
	v5 =	vld.idx.msk [tilespmem:v61+s14+$0x0], $0xffff  }
0x198: {  	v10 =	vmul.f32 v14, v10;
	v14 =	vld.idx.msk [tilespmem:v61+s16+$0x0], $0xffff  }
0x199: {  	v8 =	vmul.f32 v8, v34;
	v4 =	vmul.f32 v16, v4;
	v16 =	vor.u32 v63, v2;
	v20 =	vld.idx.msk [tilespmem:v51+s2+$0x0], $0xffff  }
0x19a: {  	v51 =	vld [tilespmem:$0x1FFD0]  }
0x19b: {  	v10 =	vmul.f32 v11, v10;
	v8 =	vadd.f32 v8, v15;
	v11 =	vor.u32 v63, v60;
	v15 =	vld.idx.msk [tilespmem:v57+s2+$0x0], $0xffff  }
0x19c: {  	v4 =	vmul.f32 v7, v4;
	v19 =	vmul.f32 v21, v19;
	v17 =	vor.u32 v45, v2;
	v61 =	vld.idx.msk [tilespmem:v56+s14+$0x0], $0xffff  }
0x19d: {  	v21 =	vmul.f32 v26, v25;
	v25 =	vmul.f32 v38, v42;
	v6 =	vadd.f32 v6, v8;
	v57 =	vld [tilespmem:$0x1FFE0]  }
0x19e: {  	v8 =	vmul.f32 v18, v9;
	v3 =	vadd.f32 v3, v31;
	v18 =	vor.u32 v45, v60;
	v9 =	vld.idx.msk [tilespmem:v16+s14+$0x0], $0xffff  }
0x19f: {  	v13 =	vmul.f32 v13, v19;
	v4 =	vadd.f32 v4, v23;
	v16 =	vld.idx.msk [tilespmem:v16+s16+$0x0], $0xffff;
	v23 =	vor.u32 v51, v2  }
0x1a0: {  	v19 =	vmul.f32 v22, v21;
	v3 =	vadd.f32 v8, v3;
	v8 =	vmul.f32 v29, v27;
	v11 =	vld.idx.msk [tilespmem:v11+s2+$0x0], $0xffff  }
0x1a1: {  	v25 =	vmul.f32 v36, v25;
	v10 =	vadd.f32 v10, v32;
	v21 =	vld.idx.msk [tilespmem:v17+s14+$0x0], $0xffff;
	v22 =	vor.u32 v51, v60  }
0x1a2: {  	v4 =	vadd.f32 v19, v4;
	v8 =	vmul.f32 v28, v8;
	v17 =	vld.idx.msk [tilespmem:v17+s16+$0x0], $0xffff;
	v26 =	vor.u32 v57, v2  }
0x1a3: {  	v29 =	vmul.f32 v44, v62;
	v10 =	vadd.f32 v13, v10;
	v13 =	vmul.f32 v24, v40;
	v18 =	vld.idx.msk [tilespmem:v18+s2+$0x0], $0xffff  }
0x1a4: {  	v6 =	vadd.f32 v8, v6;
	v24 =	vmul.f32 v46, v43;
	v2 =	vor.u32 v58, v2;
	v8 =	vld.idx.msk [tilespmem:v23+s14+$0x0], $0xffff  }
0x1a5: {  	v3 =	vadd.f32 v25, v3;
	v25 =	vmul.f32 v59, v55;
	v13 =	vmul.f32 v33, v13;
	v23 =	vld.idx.msk [tilespmem:v23+s16+$0x0], $0xffff  }
0x1a6: {  	v19 =	vmul.f32 v37, v24;
	v24 =	vmul.f32 v49, v50;
	v27 =	vor.u32 v57, v60;
	v22 =	vld.idx.msk [tilespmem:v22+s2+$0x0], $0xffff  }
0x1a7: {  	v28 =	vmul.f32 v54, v53;
	v0 =	vmul.f32 v0, v35;
	v60 =	vor.u32 v58, v60;
	v31 =	vld.idx.msk [tilespmem:v26+s14+$0x0], $0xffff  }
0x1a8: {  	v10 =	vadd.f32 v13, v10;
	v13 =	vmul.f32 v47, v24;
	v24 =	vmul.f32 v39, v25;
	v25 =	vld.idx.msk [tilespmem:v26+s16+$0x0], $0xffff  }
0x1a9: {  	v0 =	vmul.f32 v30, v0;
	v4 =	vadd.f32 v19, v4;
	v19 =	vmul.f32 v48, v28;
	v28 =	vld.idx.msk [tilespmem:v2+s14+$0x0], $0xffff  }
0x1aa: {  	v5 =	vmul.f32 v14, v5;
	v7 =	vmul.f32 v12, v61;
	v2 =	vld.idx.msk [tilespmem:v2+s16+$0x0], $0xffff  }
0x1ab: {  	v6 =	vadd.f32 v13, v6;
	v3 =	vadd.f32 v24, v3;
	v9 =	vmul.f32 v16, v9;
	v12 =	vld.idx.msk [tilespmem:v27+s2+$0x0], $0xffff  }
0x1ac: {  	v10 =	vadd.f32 v19, v10;
	v5 =	vmul.f32 v15, v5;
	v7 =	vmul.f32 v20, v7;
	v13 =	vld.idx.msk [tilespmem:v60+s2+$0x0], $0xffff  }
0x1ad: {  	v0 =	vadd.f32 v0, v6;
	v9 =	vmul.f32 v11, v9;
	v26 =	vmul.f32 v52, v29  }
0x1ae: {  	v61 =	vmul.f32 v17, v21;
	v3 =	vadd.f32 v5, v3;
	v8 =	vmul.f32 v23, v8  }
0x1af: {  	v4 =	vadd.f32 v26, v4;
	v62 =	vmul.f32 v25, v31;
	v2 =	vmul.f32 v2, v28  }
0x1b0: {  	v7 =	vadd.f32 v7, v10;
	v6 =	vmul.f32 v18, v61;
	v8 =	vmul.f32 v22, v8  }
0x1b1: {  	v4 =	vadd.f32 v9, v4;
	v5 =	vmul.f32 v12, v62;
	v2 =	vmul.f32 v13, v2  }
0x1b2: {  	v0 =	vadd.f32 v6, v0;
	v3 =	vadd.f32 v8, v3  }
0x1b3: {  	v5 =	vadd.f32 v5, v7;
	v2 =	vadd.f32 v2, v4;
	_ =	sdelay $0x1  }
0x1b4: {  	v0 =	vadd.f32 v3, v0;
	v2 =	vadd.f32 v2, v5;
	_ =	sdelay $0x1  }
0x1b5: {  	v0 =	vadd.f32 v2, v0;
	_ =	sdelay $0x1  }
0x1b6: {  	v0 =	vsub.f32 $0.0e+00, v0;
	_ =	sdelay $0x1  }
0x1b7: {  	v0 =	vmul.f32 $1.442695020e+00, v0;
	_ =	sdelay $0x1  }
0x1b8: {  	(erf) = vpow2.f32 v0;
	_ =	sdelay $0x7  }
0x1b9: {  	v38 =	vld [tilespmem:$0x1FFA0]  }
0x1ba: {  	v32 =	vld [tilespmem:$0x1FF80];
	v0 =	vpop (erf)  }
0x1bb: {  	v43 =	vld [tilespmem:$0x1FF90];
	v0 =	vadd.f32 $1.000000000e+00, v0  }
0x1bc: {  	v19 =	vld [tilespmem:$0x1FF30]  }
0x1bd: {  	v14 =	vld [tilespmem:$0x1FEE0];
	(erf) = vrcp.f32 v0  }
0x1be: {  	v16 =	vld [tilespmem:$0x1FF00]  }
0x1bf: {  	v15 =	vld [tilespmem:$0x1FEF0]  }
0x1c0: {  	v20 =	vld [tilespmem:$0x1FF40]  }
0x1c1: {  	v17 =	vld [tilespmem:$0x1FF10]  }
0x1c2: {  	p0 =	sne.s32 s30, $0x70;
	v18 =	vld [tilespmem:$0x1FF20]  }
.Ltmp0:
0x1c3: {  	v26 =	vld [tilespmem:$0x1FF60];
	(pc) =	sbr.rel @p0 .LBB2_3-.Ltmp0, $4  }
0x1c4: {  	v31 =	vld [tilespmem:$0x1FF70]  }
0x1c5: {  	v22 =	vld [tilespmem:$0x1FF50]  }
0x1c6: {  	v12 =	vld [tilespmem:$0x1FEC0];
	v0 =	vpop (erf)  }
0x1c7: {  	s0 =	sadd.s32 $0x10, s0;
	s30 =	sadd.s32 $0x10, s30;
	v11 =	vlaneseq.u32;
	v13 =	vld [tilespmem:$0x1FED0];
	[tilespmem:s31+$0x0] =	vst v0;
	s31 =	sadd.s32 $0x10, s31  }
0x1c8: {  	s0 =	sshll.u32 s26, $0x8  }
0x1c9: {  	s0 =	sadd.s32 s9, s0  }
0x1ca: {  	s0 =	sshrl.u32 s0, $0x3  }
0x1cb: {  	s30 =	simm.s32 $0x0;
	s29 =	smul.u32 $0x180, s29;
	s0 =	sadd.s32 s1, s0  }
0x1cc: {  	[hbm4b:s0+s30] =	stream.linear.scatter [tilespmem:s22], [sflag:$0x3], $0x80, $0x38;
	[tilespmem:$0x17E00] =	vst v63  }
0x1cd: {  	s31 =	sshrl.u32 s29, $0x3;
	_ =	swait.ge [sflag:s11], $0x80  }
0x1ce: {  	s0 =	sadd.s32 s4, s31;
	[sflag:s11] =	ssyncset.done $0x0  }
0x1cf: {  	s0 =	sadd.s32 $0x60, s0;
	[sflag:s11] =	ssyncadd.s32 $0xFFFFFF80  }
0x1d0: {  	[tilespmem:s12], [sflag:$0x3] =	stream.linear.gather [hbm4b:s0+s30], $0x180, $0x38;
	[tilespmem:$0x17E00] =	vst v63  }
0x1d1: {  	_ =	swait.ge [sflag:s11], $0x180  }
0x1d2: {  	[sflag:s11] =	ssyncset.done $0x0  }
0x1d3: {  	[sflag:s11] =	ssyncadd.s32 $0xFFFFFE80  }
0x1d4: {  	[tilespmem:s14], [sflag:$0x1] =	stream.indirect.gather [hbm4b:s5+s13], $0x40, s12, s13, $0xb8;
	[tilespmem:$0x17E00] =	vst v63  }
0x1d5: {  	_ = 	snop  }
0x1d6: {  	[tilespmem:s16], [sflag:$0x1] =	stream.indirect.gather [hbm4b:s5+s13], $0x40, s15, s13, $0xb8;
	[tilespmem:$0x17E00] =	vst v63  }
0x1d7: {  	_ =	swait.ge [sflag:s23], $0x2000  }
0x1d8: {  	[sflag:s23] =	ssyncset.done $0x0  }
0x1d9: {  	[sflag:s23] =	ssyncadd.s32 $0xFFFFE000  }
0x1da: {  	_ =	swait.ge [sflag:s23], $0x2000  }
0x1db: {  	[sflag:s23] =	ssyncset.done $0x0  }
0x1dc: {  	s29 =	simm.s32 $0xFC80;
	s0 =	simm.s32 $0x17D80;
	[tilespmem:$0x1F750] =	vst v63;
	[sflag:s23] =	ssyncadd.s32 $0xFFFFE000  }
.LBB2_5:
0x1dd: {  	v2 =	vmov s30  }
0x1de: {  	v2 =	vshll.u32 v2, $0x6  }
0x1df: {  	v60 =	vor.u32 v12, v2  }
0x1e0: {  	v3 =	vor.u32 v11, v60;
	_ =	sdelay $0x1  }
0x1e1: {  	v5 =	vor.u32 v13, v60;
	_ =	sdelay $0x1  }
0x1e2: {  	v0 =	vld [tilespmem:s29+$0x0];
	v48 =	vor.u32 v14, v60  }
0x1e3: {  	v33 =	vld.idx.msk [tilespmem:v3+s18+$0x0], $0xffff  }
0x1e4: {  	v49 =	vor.u32 v15, v60;
	v9 =	vld.idx.msk [tilespmem:v3+s20+$0x0], $0xffff  }
0x1e5: {  	v34 =	vld.idx.msk [tilespmem:v5+s18+$0x0], $0xffff  }
0x1e6: {  	v51 =	vor.u32 v16, v60;
	v4 =	vld.idx.msk [tilespmem:v5+s20+$0x0], $0xffff  }
0x1e7: {  	v39 =	vld.idx.msk [tilespmem:v48+s18+$0x0], $0xffff  }
0x1e8: {  	v55 =	vor.u32 v17, v60;
	v54 =	vld.idx.msk [tilespmem:v48+s20+$0x0], $0xffff  }
0x1e9: {  	v12 =	vld.idx.msk [tilespmem:v49+s18+$0x0], $0xffff  }
0x1ea: {  	v63 =	vor.u32 v18, v60;
	v47 =	vld.idx.msk [tilespmem:v49+s20+$0x0], $0xffff  }
0x1eb: {  	v41 =	vld.idx.msk [tilespmem:v51+s18+$0x0], $0xffff  }
0x1ec: {  	v35 =	vor.u32 v19, v60;
	v58 =	vld.idx.msk [tilespmem:v51+s20+$0x0], $0xffff  }
0x1ed: {  	v8 =	vor.u32 v20, v60;
	v37 =	vld.idx.msk [tilespmem:v55+s18+$0x0], $0xffff  }
0x1ee: {  	v2 =	vshll.u32 v0, $0x6;
	v49 =	vld.idx.msk [tilespmem:v55+s20+$0x0], $0xffff  }
0x1ef: {  	v6 =	vor.u32 v13, v2;
	v40 =	vld.idx.msk [tilespmem:v63+s18+$0x0], $0xffff  }
0x1f0: {  	v50 =	vor.u32 v15, v2;
	v46 =	vld.idx.msk [tilespmem:v63+s20+$0x0], $0xffff  }
0x1f1: {  	v53 =	vor.u32 v16, v2;
	v48 =	vld.idx.msk [tilespmem:v35+s20+$0x0], $0xffff  }
0x1f2: {  	v62 =	vor.u32 v17, v2;
	v21 =	vld.idx.msk [tilespmem:v8+s18+$0x0], $0xffff  }
0x1f3: {  	v1 =	vor.u32 v18, v2;
	v30 =	vld.idx.msk [tilespmem:v8+s20+$0x0], $0xffff  }
0x1f4: {  	v44 =	vld.idx.msk [tilespmem:v6+s2+$0x0], $0xffff  }
0x1f5: {  	v36 =	vor.u32 v19, v2;
	v61 =	vld.idx.msk [tilespmem:v50+s2+$0x0], $0xffff  }
0x1f6: {  	v45 =	vor.u32 v20, v2;
	v57 =	vld.idx.msk [tilespmem:v53+s2+$0x0], $0xffff  }
0x1f7: {  	v51 =	vor.u32 v22, v2;
	v42 =	vld.idx.msk [tilespmem:v62+s2+$0x0], $0xffff  }
0x1f8: {  	v8 =	vor.u32 v26, v60;
	v25 =	vld.idx.msk [tilespmem:v1+s2+$0x0], $0xffff  }
0x1f9: {  	v63 =	vor.u32 v31, v2;
	v53 =	vld.idx.msk [tilespmem:v35+s18+$0x0], $0xffff  }
0x1fa: {  	v3 =	vld.idx.msk [tilespmem:v36+s2+$0x0], $0xffff  }
0x1fb: {  	v50 =	vor.u32 v22, v60;
	v59 =	vld.idx.msk [tilespmem:v45+s2+$0x0], $0xffff  }
0x1fc: {  	v22 =	vld.idx.msk [tilespmem:v51+s2+$0x0], $0xffff  }
0x1fd: {  	v15 =	vld.idx.msk [tilespmem:v8+s18+$0x0], $0xffff  }
0x1fe: {  	v62 =	vor.u32 v31, v60;
	v18 =	vld.idx.msk [tilespmem:v63+s2+$0x0], $0xffff  }
0x1ff: {  	v63 =	vld [tilespmem:$0x1FB70]  }
0x200: {  	v45 =	vor.u32 v32, v2;
	v10 =	vld.idx.msk [tilespmem:v50+s18+$0x0], $0xffff  }
0x201: {  	[tilespmem:$0x1F3A0] =	vst v61;
	v61 =	vor.u32 v26, v2;
	v55 =	vld.idx.msk [tilespmem:v50+s20+$0x0], $0xffff  }
0x202: {  	v51 =	vor.u32 v43, v60;
	v26 =	vld.idx.msk [tilespmem:v8+s20+$0x0], $0xffff  }
0x203: {  	v8 =	vor.u32 v32, v60;
	v35 =	vld.idx.msk [tilespmem:v62+s18+$0x0], $0xffff  }
0x204: {  	v50 =	vld.idx.msk [tilespmem:v62+s20+$0x0], $0xffff  }
0x205: {  	[tilespmem:$0x1F3B0] =	vst v59;
	v59 =	vld.idx.msk [tilespmem:v45+s2+$0x0], $0xffff  }
0x206: {  	v36 =	vld.idx.msk [tilespmem:v61+s2+$0x0], $0xffff  }
0x207: {  	v31 =	vld.idx.msk [tilespmem:v51+s18+$0x0], $0xffff  }
0x208: {  	v0 =	vor.u32 v11, v2;
	v11 =	vor.u32 v63, v60;
	v62 =	vld.idx.msk [tilespmem:v8+s18+$0x0], $0xffff  }
0x209: {  	v16 =	vld.idx.msk [tilespmem:v8+s20+$0x0], $0xffff;
	v8 =	vor.u32 v38, v60  }
0x20a: {  	v56 =	vor.u32 v43, v2;
	v43 =	vld.idx.msk [tilespmem:v51+s20+$0x0], $0xffff  }
0x20b: {  	v61 =	vor.u32 v38, v2;
	[tilespmem:$0x1F3C0] =	vst v36;
	v36 =	vld [tilespmem:$0x1FB80]  }
0x20c: {  	v51 =	vld [tilespmem:$0x1FB90]  }
0x20d: {  	v32 =	vor.u32 v63, v2;
	v27 =	vld.idx.msk [tilespmem:v11+s18+$0x0], $0xffff  }
0x20e: {  	v1 =	vld.idx.msk [tilespmem:v8+s18+$0x0], $0xffff  }
0x20f: {  	v17 =	vld.idx.msk [tilespmem:v8+s20+$0x0], $0xffff  }
0x210: {  	v38 =	vld.idx.msk [tilespmem:v61+s2+$0x0], $0xffff;
	v8 =	vor.u32 v36, v60  }
0x211: {  	v7 =	vor.u32 v14, v2;
	v45 =	vor.u32 v36, v2;
	v36 =	vld.idx.msk [tilespmem:v11+s20+$0x0], $0xffff  }
0x212: {  	v11 =	vld.idx.msk [tilespmem:v32+s2+$0x0], $0xffff  }
0x213: {  	v32 =	vld [tilespmem:$0x1FBA0]  }
0x214: {  	v5 =	vld.idx.msk [tilespmem:v56+s2+$0x0], $0xffff  }
0x215: {  	v56 =	vld.idx.msk [tilespmem:v8+s18+$0x0], $0xffff  }
0x216: {  	v29 =	vld.idx.msk [tilespmem:v7+s2+$0x0], $0xffff  }
0x217: {  	[tilespmem:$0x1F3D0] =	vst v59;
	v59 =	vor.u32 v51, v2;
	v61 =	vld.idx.msk [tilespmem:v8+s20+$0x0], $0xffff  }
0x218: {  	[tilespmem:$0x1F3F0] =	vst v38;
	v8 =	vor.u32 v32, v60;
	v38 =	vld.idx.msk [tilespmem:v45+s2+$0x0], $0xffff  }
0x219: {  	v45 =	vld [tilespmem:$0x1FBB0]  }
0x21a: {  	v14 =	vor.u32 v32, v2;
	[tilespmem:$0x1F400] =	vst v56;
	v56 =	vld [tilespmem:$0x1FBC0]  }
0x21b: {  	v63 =	vld [tilespmem:$0x1FBD0]  }
0x21c: {  	v13 =	vor.u32 v51, v60;
	v6 =	vld.idx.msk [tilespmem:v59+s2+$0x0], $0xffff  }
0x21d: {  	v51 =	vld.idx.msk [tilespmem:v8+s18+$0x0], $0xffff  }
0x21e: {  	v20 =	vor.u32 v45, v2;
	v7 =	vld.idx.msk [tilespmem:v8+s20+$0x0], $0xffff  }
0x21f: {  	v59 =	vld.idx.msk [tilespmem:v14+s2+$0x0], $0xffff;
	v8 =	vor.u32 v56, v60  }
0x220: {  	v14 =	vor.u32 v56, v2;
	v56 =	vld [tilespmem:$0x1FBE0]  }
0x221: {  	v23 =	vld.idx.msk [tilespmem:v13+s18+$0x0], $0xffff  }
0x222: {  	v32 =	vld.idx.msk [tilespmem:v13+s20+$0x0], $0xffff  }
0x223: {  	[tilespmem:$0x1F410] =	vst v38;
	v38 =	vld.idx.msk [tilespmem:v20+s2+$0x0], $0xffff  }
0x224: {  	v13 =	vor.u32 v45, v60;
	v20 =	vor.u32 v63, v2;
	v45 =	vld.idx.msk [tilespmem:v8+s18+$0x0], $0xffff  }
0x225: {  	[tilespmem:$0x1F420] =	vst v51;
	v51 =	vld.idx.msk [tilespmem:v8+s20+$0x0], $0xffff;
	v8 =	vor.u32 v56, v60  }
0x226: {  	v24 =	vor.u32 v63, v60;
	v63 =	vld [tilespmem:$0x1FBF0]  }
0x227: {  	[tilespmem:$0x1F430] =	vst v59;
	v59 =	vld.idx.msk [tilespmem:v14+s2+$0x0], $0xffff;
	_ =	sdelay $0x1  }
0x228: {  	[tilespmem:$0x1F440] =	vst v38;
	v38 =	vld.idx.msk [tilespmem:v20+s2+$0x0], $0xffff  }
0x229: {  	v14 =	vor.u32 v56, v2;
	[tilespmem:$0x1F450] =	vst v45;
	v45 =	vld.idx.msk [tilespmem:v8+s18+$0x0], $0xffff  }
0x22a: {  	v56 =	vor.u32 v63, v60;
	[tilespmem:$0x1F460] =	vst v51;
	v51 =	vld.idx.msk [tilespmem:v8+s20+$0x0], $0xffff  }
0x22b: {  	[tilespmem:$0x1F470] =	vst v59;
	v59 =	vor.u32 v63, v2;
	v63 =	vld [tilespmem:$0x1FC00];
	_ =	sdelay $0x2  }
0x22c: {  	[tilespmem:$0x1F480] =	vst v38;
	v38 =	vld.idx.msk [tilespmem:v14+s2+$0x0], $0xffff  }
0x22d: {  	[tilespmem:$0x1F490] =	vst v45;
	v45 =	vld.idx.msk [tilespmem:v56+s18+$0x0], $0xffff  }
0x22e: {  	[tilespmem:$0x1F4A0] =	vst v51;
	v8 =	vor.u32 v63, v60;
	v51 =	vld [tilespmem:$0x1FC10]  }
0x22f: {  	v14 =	vor.u32 v63, v2;
	v59 =	vld.idx.msk [tilespmem:v59+s2+$0x0], $0xffff;
	_ =	sdelay $0x1  }
0x230: {  	v20 =	vld.idx.msk [tilespmem:v56+s20+$0x0], $0xffff  }
0x231: {  	[tilespmem:$0x1F4B0] =	vst v45;
	v45 =	vld [tilespmem:$0x1FC20]  }
0x232: {  	v63 =	vld.idx.msk [tilespmem:v8+s18+$0x0], $0xffff  }
0x233: {  	v56 =	vor.u32 v51, v60;
	[tilespmem:$0x1F4D0] =	vst v59;
	v59 =	vld.idx.msk [tilespmem:v14+s2+$0x0], $0xffff;
	_ =	sdelay $0x1  }
0x234: {  	v52 =	vld.idx.msk [tilespmem:v0+s2+$0x0], $0xffff;
	v51 =	vor.u32 v51, v2  }
0x235: {  	[tilespmem:$0x1F4C0] =	vst v38;
	v38 =	vld.idx.msk [tilespmem:v8+s20+$0x0], $0xffff;
	v8 =	vor.u32 v45, v60  }
0x236: {  	[tilespmem:$0x1F4E0] =	vst v63;
	v63 =	vld [tilespmem:$0x1FC30]  }
0x237: {  	[tilespmem:$0x1F500] =	vst v59;
	v59 =	vld.idx.msk [tilespmem:v56+s18+$0x0], $0xffff  }
0x238: {  	v14 =	vld.idx.msk [tilespmem:v56+s20+$0x0], $0xffff  }
0x239: {  	v0 =	vor.u32 v45, v2;
	v45 =	vld.idx.msk [tilespmem:v51+s2+$0x0], $0xffff  }
0x23a: {  	v51 =	vld.idx.msk [tilespmem:v8+s18+$0x0], $0xffff  }
0x23b: {  	[tilespmem:$0x1F4F0] =	vst v38;
	v56 =	vor.u32 v63, v60;
	v38 =	vld.idx.msk [tilespmem:v8+s20+$0x0], $0xffff  }
0x23c: {  	v8 =	vld [tilespmem:$0x1FC40];
	_ =	sdelay $0x2  }
0x23d: {  	v63 =	vor.u32 v63, v2  }
0x23e: {  	[tilespmem:$0x1F510] =	vst v45;
	v45 =	vld.idx.msk [tilespmem:v56+s18+$0x0], $0xffff  }
0x23f: {  	[tilespmem:$0x1F3E0] =	vst v1;
	v1 =	vor.u32 v8, v60;
	_ =	sdelay $0x1  }
0x240: {  	v0 =	vld.idx.msk [tilespmem:v0+s2+$0x0], $0xffff  }
0x241: {  	v63 =	vld.idx.msk [tilespmem:v63+s2+$0x0], $0xffff  }
0x242: {  	[tilespmem:$0x1F540] =	vst v45;
	v45 =	vld [tilespmem:$0x1FC50]  }
0x243: {  	[tilespmem:$0x1F520] =	vst v51;
	v51 =	vld.idx.msk [tilespmem:v1+s18+$0x0], $0xffff;
	_ =	sdelay $0x2  }
0x244: {  	[tilespmem:$0x1F550] =	vst v0;
	v0 =	vor.u32 v8, v2  }
0x245: {  	[tilespmem:$0x1F560] =	vst v63;
	v1 =	vld.idx.msk [tilespmem:v1+s20+$0x0], $0xffff  }
0x246: {  	v63 =	vld [tilespmem:$0x1FC60];
	[tilespmem:$0x1F570] =	vst v51;
	v51 =	vor.u32 v45, v2;
	_ =	sdelay $0x2  }
0x247: {  	v0 =	vld.idx.msk [tilespmem:v0+s2+$0x0], $0xffff;
	_ =	sdelay $0x1  }
0x248: {  	[tilespmem:$0x1F580] =	vst v1;
	v1 =	vor.u32 v63, v60;
	v51 =	vld.idx.msk [tilespmem:v51+s2+$0x0], $0xffff;
	_ =	sdelay $0x2  }
0x249: {  	v8 =	vld.idx.msk [tilespmem:v56+s20+$0x0], $0xffff;
	[tilespmem:$0x1F5A0] =	vst v0;
	v0 =	vor.u32 v63, v2  }
0x24a: {  	v56 =	vor.u32 v45, v60;
	v45 =	vld [tilespmem:$0x1FC70]  }
0x24b: {  	[tilespmem:$0x1F5B0] =	vst v51;
	v51 =	vld.idx.msk [tilespmem:v1+s18+$0x0], $0xffff;
	_ =	sdelay $0x2  }
0x24c: {  	v0 =	vld.idx.msk [tilespmem:v0+s2+$0x0], $0xffff  }
0x24d: {  	v1 =	vld.idx.msk [tilespmem:v1+s20+$0x0], $0xffff  }
0x24e: {  	v63 =	vor.u32 v45, v60;
	[tilespmem:$0x1F5C0] =	vst v51;
	v51 =	vor.u32 v45, v2;
	v45 =	vld [tilespmem:$0x1FC80];
	_ =	sdelay $0x3  }
0x24f: {  	[tilespmem:$0x1F600] =	vst v0  }
0x250: {  	[tilespmem:$0x1F5D0] =	vst v1;
	v1 =	vor.u32 v45, v60;
	v0 =	vor.u32 v45, v2;
	v45 =	vld.idx.msk [tilespmem:v63+s20+$0x0], $0xffff  }
0x251: {  	v51 =	vld.idx.msk [tilespmem:v51+s2+$0x0], $0xffff;
	_ =	sdelay $0x1  }
0x252: {  	[tilespmem:$0x1F530] =	vst v38;
	v38 =	vld.idx.msk [tilespmem:v56+s18+$0x0], $0xffff;
	_ =	sdelay $0x1  }
0x253: {  	[tilespmem:$0x1F5F0] =	vst v45;
	v45 =	vld [tilespmem:$0x1FC90]  }
0x254: {  	[tilespmem:$0x1F610] =	vst v51;
	v51 =	vld.idx.msk [tilespmem:v1+s18+$0x0], $0xffff;
	_ =	sdelay $0x1  }
0x255: {  	[tilespmem:$0x1F590] =	vst v38;
	v38 =	vld.idx.msk [tilespmem:v63+s18+$0x0], $0xffff  }
0x256: {  	v1 =	vld.idx.msk [tilespmem:v1+s20+$0x0], $0xffff  }
0x257: {  	v0 =	vld.idx.msk [tilespmem:v0+s2+$0x0], $0xffff  }
0x258: {  	v63 =	vor.u32 v45, v60;
	[tilespmem:$0x1F620] =	vst v51;
	v51 =	vor.u32 v45, v2;
	v45 =	vld [tilespmem:$0x1FCA0];
	_ =	sdelay $0x3  }
0x259: {  	[tilespmem:$0x1F630] =	vst v1  }
0x25a: {  	[tilespmem:$0x1F660] =	vst v0;
	v1 =	vor.u32 v45, v60;
	v0 =	vor.u32 v45, v2;
	v45 =	vld.idx.msk [tilespmem:v63+s20+$0x0], $0xffff  }
0x25b: {  	v51 =	vld.idx.msk [tilespmem:v51+s2+$0x0], $0xffff;
	_ =	sdelay $0x3  }
0x25c: {  	[tilespmem:$0x1F650] =	vst v45;
	v45 =	vld [tilespmem:$0x1FCB0]  }
0x25d: {  	[tilespmem:$0x1F670] =	vst v51;
	v51 =	vld.idx.msk [tilespmem:v1+s18+$0x0], $0xffff;
	_ =	sdelay $0x1  }
0x25e: {  	[tilespmem:$0x1F5E0] =	vst v38;
	v38 =	vld.idx.msk [tilespmem:v63+s18+$0x0], $0xffff  }
0x25f: {  	v1 =	vld.idx.msk [tilespmem:v1+s20+$0x0], $0xffff  }
0x260: {  	v0 =	vld.idx.msk [tilespmem:v0+s2+$0x0], $0xffff  }
0x261: {  	v63 =	vor.u32 v45, v60;
	[tilespmem:$0x1F680] =	vst v51;
	v51 =	vor.u32 v45, v2;
	v45 =	vld [tilespmem:$0x1FCC0];
	_ =	sdelay $0x3  }
0x262: {  	[tilespmem:$0x1F690] =	vst v1  }
0x263: {  	[tilespmem:$0x1F6C0] =	vst v0;
	v1 =	vor.u32 v45, v60;
	v0 =	vor.u32 v45, v2;
	v45 =	vld.idx.msk [tilespmem:v63+s20+$0x0], $0xffff  }
0x264: {  	v51 =	vld.idx.msk [tilespmem:v51+s2+$0x0], $0xffff  }
0x265: {  	v41 =	vmul.f32 v58, v41  }
0x266: {  	v12 =	vmul.f32 v47, v12;
	v47 =	vld [tilespmem:$0x1FE50]  }
0x267: {  	v41 =	vmul.f32 v57, v41;
	v57 =	vld [tilespmem:$0x1FE30]  }
0x268: {  	[tilespmem:$0x1F6B0] =	vst v45;
	v45 =	vld [tilespmem:$0x1FCF0]  }
0x269: {  	[tilespmem:$0x1F6D0] =	vst v51;
	v51 =	vld.idx.msk [tilespmem:v1+s18+$0x0], $0xffff  }
0x26a: {  	v35 =	vmul.f32 v50, v35;
	v50 =	vld [tilespmem:$0x1F400]  }
0x26b: {  	[tilespmem:$0x1F640] =	vst v38;
	v38 =	vld.idx.msk [tilespmem:v63+s18+$0x0], $0xffff  }
0x26c: {  	v1 =	vld.idx.msk [tilespmem:v1+s20+$0x0], $0xffff  }
0x26d: {  	v0 =	vld.idx.msk [tilespmem:v0+s2+$0x0], $0xffff;
	v63 =	vor.u32 v45, v60  }
0x26e: {  	[tilespmem:$0x1F6E0] =	vst v51;
	v51 =	vor.u32 v45, v2;
	v45 =	vld [tilespmem:$0x1FD00]  }
0x26f: {  	v19 =	vld.idx.msk [tilespmem:v13+s18+$0x0], $0xffff  }
0x270: {  	v28 =	vld.idx.msk [tilespmem:v13+s20+$0x0], $0xffff;
	[tilespmem:$0x1F6A0] =	vst v38  }
0x271: {  	v13 =	vld.idx.msk [tilespmem:v24+s18+$0x0], $0xffff;
	[tilespmem:$0x1F6F0] =	vst v1  }
0x272: {  	[tilespmem:$0x1F710] =	vst v0;
	v38 =	vld.idx.msk [tilespmem:v63+s18+$0x0], $0xffff  }
0x273: {  	v0 =	vmul.f32 v4, v34;
	v1 =	vor.u32 v45, v60;
	v34 =	vor.u32 v45, v2;
	v45 =	vld.idx.msk [tilespmem:v63+s20+$0x0], $0xffff  }
0x274: {  	v63 =	vld [tilespmem:$0x1FE20]  }
0x275: {  	v24 =	vld.idx.msk [tilespmem:v24+s20+$0x0], $0xffff  }
0x276: {  	v14 =	vmul.f32 v14, v59;
	v59 =	vld [tilespmem:$0x1F540]  }
0x277: {  	v9 =	vmul.f32 v9, v33;
	v0 =	vmul.f32 v44, v0;
	v44 =	vld.idx.msk [tilespmem:v51+s2+$0x0], $0xffff;
	v51 =	vor.u32 v57, v60  }
0x278: {  	v39 =	vmul.f32 v54, v39;
	v56 =	vld.idx.msk [tilespmem:v56+s20+$0x0], $0xffff  }
0x279: {  	v9 =	vmul.f32 v52, v9;
	v4 =	vmul.f32 v48, v53;
	v53 =	vld [tilespmem:$0x1F3A0];
	v52 =	vor.u32 v63, v60  }
0x27a: {  	v39 =	vmul.f32 v29, v39;
	v29 =	vmul.f32 v49, v37;
	v54 =	vld.idx.msk [tilespmem:v1+s18+$0x0], $0xffff  }
0x27b: {  	v40 =	vmul.f32 v46, v40;
	v49 =	vor.u32 v63, v2;
	v63 =	vld.idx.msk [tilespmem:v34+s2+$0x0], $0xffff  }
0x27c: {  	v58 =	vmul.f32 v42, v29;
	v29 =	vld.idx.msk [tilespmem:v51+s18+$0x0], $0xffff  }
0x27d: {  	v40 =	vmul.f32 v25, v40;
	v25 =	vld.idx.msk [tilespmem:v51+s20+$0x0], $0xffff  }
0x27e: {  	v48 =	vor.u32 v57, v2;
	v33 =	vld.idx.msk [tilespmem:v52+s18+$0x0], $0xffff  }
0x27f: {  	v34 =	vld.idx.msk [tilespmem:v52+s20+$0x0], $0xffff  }
0x280: {  	[tilespmem:$0x1F720] =	vst v54;
	v54 =	vld [tilespmem:$0x1FE40]  }
0x281: {  	v51 =	vor.u32 v47, v60;
	v52 =	vld [tilespmem:$0x1F3B0]  }
0x282: {  	v8 =	vmul.f32 v8, v59;
	v59 =	vld [tilespmem:$0x1F590]  }
0x283: {  	v30 =	vmul.f32 v30, v21;
	v0 =	vadd.f32 $0.0e+00, v0;
	v21 =	vld.idx.msk [tilespmem:v48+s2+$0x0], $0xffff;
	[tilespmem:$0x1F730] =	vst v63;
	v63 =	vmul.f32 v55, v10  }
0x284: {  	v9 =	vadd.f32 $0.0e+00, v9;
	v46 =	vmul.f32 v3, v4;
	v12 =	vmul.f32 v53, v12;
	[tilespmem:$0x1F700] =	vst v38;
	v37 =	vld.idx.msk [tilespmem:v1+s20+$0x0], $0xffff  }
0x285: {  	v38 =	vadd.f32 v58, v0;
	v4 =	vld.idx.msk [tilespmem:v49+s2+$0x0], $0xffff;
	v53 =	vmul.f32 v22, v63;
	v57 =	vor.u32 v54, v60  }
0x286: {  	v9 =	vadd.f32 v41, v9;
	v35 =	vmul.f32 v18, v35;
	v18 =	vld.idx.msk [tilespmem:v51+s18+$0x0], $0xffff;
	v30 =	vmul.f32 v52, v30  }
0x287: {  	v38 =	vadd.f32 v53, v38;
	v53 =	vld [tilespmem:$0x1F3D0]  }
0x288: {  	v58 =	vor.u32 v54, v2;
	v9 =	vadd.f32 v30, v9;
	v30 =	vld.idx.msk [tilespmem:v51+s20+$0x0], $0xffff  }
0x289: {  	v51 =	vld [tilespmem:$0x1FE70]  }
0x28a: {  	v22 =	vld.idx.msk [tilespmem:v57+s18+$0x0], $0xffff  }
0x28b: {  	v55 =	vmul.f32 v26, v15;
	v54 =	vor.u32 v47, v2;
	v26 =	vld.idx.msk [tilespmem:v57+s20+$0x0], $0xffff  }
0x28c: {  	v57 =	vld [tilespmem:$0x1FE60]  }
0x28d: {  	v15 =	vld.idx.msk [tilespmem:v58+s2+$0x0], $0xffff  }
0x28e: {  	v58 =	vld [tilespmem:$0x1F3C0]  }
0x28f: {  	v47 =	vmul.f32 v16, v62;
	v62 =	vld [tilespmem:$0x1FE80];
	v52 =	vor.u32 v51, v60  }
0x290: {  	v31 =	vmul.f32 v43, v31;
	v12 =	vadd.f32 $0.0e+00, v12;
	v10 =	vld.idx.msk [tilespmem:v54+s2+$0x0], $0xffff  }
0x291: {  	v27 =	vmul.f32 v36, v27;
	v54 =	vmul.f32 v53, v47;
	v47 =	vld [tilespmem:$0x1F3F0]  }
0x292: {  	v12 =	vadd.f32 v46, v12;
	v41 =	vor.u32 v57, v60;
	v46 =	vor.u32 v57, v2;
	v57 =	vld [tilespmem:$0x1F3E0]  }
0x293: {  	v63 =	vmul.f32 v58, v55;
	v55 =	vor.u32 v51, v2;
	v51 =	vmul.f32 v61, v50;
	v61 =	vld [tilespmem:$0x1F420]  }
0x294: {  	v27 =	vmul.f32 v11, v27;
	v11 =	vld.idx.msk [tilespmem:v52+s18+$0x0], $0xffff  }
0x295: {  	v39 =	vadd.f32 $0.0e+00, v39;
	v31 =	vmul.f32 v5, v31;
	v5 =	vld.idx.msk [tilespmem:v52+s20+$0x0], $0xffff  }
0x296: {  	v52 =	vld [tilespmem:$0x1FE90]  }
0x297: {  	v39 =	vadd.f32 v40, v39;
	v49 =	vor.u32 v62, v2;
	v16 =	vld.idx.msk [tilespmem:v41+s18+$0x0], $0xffff  }
0x298: {  	v12 =	vadd.f32 v35, v12;
	v58 =	vmul.f32 v17, v57;
	v17 =	vld.idx.msk [tilespmem:v41+s20+$0x0], $0xffff  }
0x299: {  	v39 =	vadd.f32 v63, v39;
	v63 =	vor.u32 v62, v60;
	v46 =	vld.idx.msk [tilespmem:v46+s2+$0x0], $0xffff  }
0x29a: {  	v9 =	vadd.f32 v54, v9;
	v54 =	vadd.f32 v27, v12;
	v12 =	vld.idx.msk [tilespmem:v55+s2+$0x0], $0xffff  }
0x29b: {  	v55 =	vld [tilespmem:$0x1F410]  }
0x29c: {  	v32 =	vmul.f32 v32, v23;
	v62 =	vmul.f32 v7, v61;
	v7 =	vld.idx.msk [tilespmem:v49+s2+$0x0], $0xffff  }
0x29d: {  	v49 =	vld [tilespmem:$0x1F460]  }
0x29e: {  	v32 =	vmul.f32 v6, v32;
	v6 =	vld.idx.msk [tilespmem:v63+s18+$0x0], $0xffff  }
0x29f: {  	v53 =	vor.u32 v52, v60;
	v27 =	vld.idx.msk [tilespmem:v63+s20+$0x0], $0xffff  }
0x2a0: {  	v48 =	vmul.f32 v47, v58;
	v63 =	vld [tilespmem:$0x1FEA0]  }
0x2a1: {  	v58 =	vor.u32 v52, v2;
	v47 =	vld [tilespmem:$0x1F440]  }
0x2a2: {  	v35 =	vadd.f32 v48, v39;
	v48 =	vld [tilespmem:$0x1F450]  }
0x2a3: {  	[tilespmem:$0x1F740] =	vst v46;
	v46 =	vld [tilespmem:$0x1F430]  }
0x2a4: {  	v19 =	vmul.f32 v28, v19;
	v31 =	vadd.f32 v31, v38;
	v23 =	vld.idx.msk [tilespmem:v53+s18+$0x0], $0xffff  }
0x2a5: {  	v57 =	vmul.f32 v55, v51;
	v51 =	vmul.f32 v24, v13;
	v24 =	vld.idx.msk [tilespmem:v53+s20+$0x0], $0xffff  }
0x2a6: {  	v32 =	vadd.f32 v32, v31;
	v31 =	vmul.f32 v47, v19;
	v47 =	vld.idx.msk [tilespmem:v58+s2+$0x0], $0xffff  }
0x2a7: {  	v53 =	vld [tilespmem:$0x1F470]  }
0x2a8: {  	v9 =	vadd.f32 v57, v9;
	v57 =	vld [tilespmem:$0x1F490]  }
0x2a9: {  	v36 =	vor.u32 v63, v60;
	v39 =	vadd.f32 v31, v54;
	v54 =	vld [tilespmem:$0x1F480]  }
0x2aa: {  	v58 =	vld [tilespmem:$0x1F4A0]  }
0x2ab: {  	v50 =	vmul.f32 v49, v48;
	v28 =	vmul.f32 v46, v62;
	v62 =	vld [tilespmem:$0x1F4B0]  }
0x2ac: {  	v52 =	vld [tilespmem:$0x1FEB0]  }
0x2ad: {  	v38 =	vor.u32 v63, v2;
	v40 =	vmul.f32 v53, v50;
	v53 =	vld [tilespmem:$0x1F4D0]  }
0x2ae: {  	v35 =	vadd.f32 v28, v35;
	v28 =	vld.idx.msk [tilespmem:v36+s18+$0x0], $0xffff;
	v55 =	vmul.f32 v54, v51  }
0x2af: {  	v61 =	vmul.f32 v58, v57;
	v57 =	vld [tilespmem:$0x1F4F0]  }
0x2b0: {  	v9 =	vadd.f32 v40, v9;
	v63 =	vmul.f32 v20, v62;
	v40 =	vadd.f32 v55, v32;
	v55 =	vld [tilespmem:$0x1F4E0]  }
0x2b1: {  	v51 =	vld [tilespmem:$0x1F4C0]  }
0x2b2: {  	v20 =	vld.idx.msk [tilespmem:v38+s2+$0x0], $0xffff;
	v54 =	vmul.f32 v53, v63  }
0x2b3: {  	v62 =	vld [tilespmem:$0x1F500]  }
0x2b4: {  	v38 =	vadd.f32 v54, v39;
	v54 =	vld [tilespmem:$0x1F510]  }
0x2b5: {  	v58 =	vmul.f32 v57, v55;
	v55 =	vld [tilespmem:$0x1F520]  }
0x2b6: {  	v57 =	vld [tilespmem:$0x1F530]  }
0x2b7: {  	v19 =	vld.idx.msk [tilespmem:v36+s20+$0x0], $0xffff  }
0x2b8: {  	v63 =	vmul.f32 v62, v58;
	v62 =	vld [tilespmem:$0x1F550]  }
0x2b9: {  	v42 =	vor.u32 v52, v60;
	v43 =	vor.u32 v52, v2;
	v52 =	vmul.f32 v51, v61;
	v61 =	vld [tilespmem:$0x1FD40]  }
0x2ba: {  	v50 =	vld [tilespmem:$0x1FD10]  }
0x2bb: {  	v14 =	vmul.f32 v54, v14;
	v54 =	vld [tilespmem:$0x1F560];
	v58 =	vmul.f32 v57, v55  }
0x2bc: {  	v55 =	vld [tilespmem:$0x1F570]  }
0x2bd: {  	v35 =	vadd.f32 v52, v35;
	v9 =	vadd.f32 v63, v9;
	v57 =	vld [tilespmem:$0x1F580];
	v63 =	vmul.f32 v62, v58  }
0x2be: {  	v49 =	vor.u32 v61, v60;
	v48 =	vor.u32 v61, v2;
	v61 =	vld [tilespmem:$0x1F970]  }
0x2bf: {  	v35 =	vadd.f32 v63, v35;
	v63 =	vld [tilespmem:$0x1F5A0]  }
0x2c0: {  	v13 =	vld.idx.msk [tilespmem:v42+s20+$0x0], $0xffff;
	v8 =	vmul.f32 v54, v8  }
0x2c1: {  	v36 =	vor.u32 v50, v60;
	v62 =	vld [tilespmem:$0x1FD60]  }
0x2c2: {  	v46 =	vor.u32 v50, v2;
	v58 =	vmul.f32 v57, v55;
	v8 =	vadd.f32 v8, v38;
	v38 =	vld [tilespmem:$0x1F5B0]  }
0x2c3: {  	v51 =	vor.u32 v61, v60;
	v50 =	vor.u32 v61, v2;
	v61 =	vmul.f32 v56, v59;
	v59 =	vld [tilespmem:$0x1F5D0]  }
0x2c4: {  	v41 =	vmul.f32 v63, v58;
	v58 =	vld [tilespmem:$0x1F5C0]  }
0x2c5: {  	v32 =	vld.idx.msk [tilespmem:v42+s18+$0x0], $0xffff  }
0x2c6: {  	v54 =	vor.u32 v62, v60;
	v53 =	vor.u32 v62, v2;
	v62 =	vld [tilespmem:$0x1F5F0]  }
0x2c7: {  	v42 =	vmul.f32 v38, v61;
	v61 =	vld [tilespmem:$0x1F5E0]  }
0x2c8: {  	v38 =	vld [tilespmem:$0x1FA10]  }
0x2c9: {  	v55 =	vmul.f32 v59, v58;
	v59 =	vld [tilespmem:$0x1F610]  }
0x2ca: {  	v39 =	vld.idx.msk [tilespmem:v43+s2+$0x0], $0xffff  }
0x2cb: {  	v43 =	vld.idx.msk [tilespmem:v36+s18+$0x0], $0xffff  }
0x2cc: {  	v9 =	vadd.f32 v41, v9;
	v41 =	vld.idx.msk [tilespmem:v50+s2+$0x0], $0xffff;
	v63 =	vmul.f32 v62, v61  }
0x2cd: {  	v57 =	vor.u32 v38, v60;
	v56 =	vor.u32 v38, v2;
	v38 =	vld [tilespmem:$0x1F650]  }
0x2ce: {  	v50 =	vmul.f32 v59, v63;
	v63 =	vld [tilespmem:$0x1F640]  }
0x2cf: {  	v58 =	vld [tilespmem:$0x1F600]  }
0x2d0: {  	v14 =	vadd.f32 v14, v40;
	v61 =	vld [tilespmem:$0x1F620]  }
0x2d1: {  	v62 =	vld [tilespmem:$0x1F630]  }
0x2d2: {  	v14 =	vadd.f32 v42, v14;
	v42 =	vld [tilespmem:$0x1FA80]  }
0x2d3: {  	v59 =	vmul.f32 v38, v63;
	v38 =	vld [tilespmem:$0x1F670]  }
0x2d4: {  	v63 =	vld [tilespmem:$0x1F660]  }
0x2d5: {  	v31 =	vld.idx.msk [tilespmem:v48+s2+$0x0], $0xffff;
	v48 =	vmul.f32 v58, v55  }
0x2d6: {  	v58 =	vmul.f32 v62, v61;
	v62 =	vld [tilespmem:$0x1F690]  }
0x2d7: {  	v35 =	vadd.f32 v48, v35;
	v48 =	vld.idx.msk [tilespmem:v53+s2+$0x0], $0xffff  }
0x2d8: {  	v61 =	vor.u32 v42, v60;
	v53 =	vmul.f32 v38, v59;
	v59 =	vor.u32 v42, v2;
	v42 =	vld [tilespmem:$0x1F680]  }
0x2d9: {  	v8 =	vadd.f32 v50, v8;
	v50 =	vmul.f32 v63, v58;
	v63 =	vld [tilespmem:$0x1F6A0]  }
0x2da: {  	v38 =	vld [tilespmem:$0x1F6B0]  }
0x2db: {  	v36 =	vld.idx.msk [tilespmem:v36+s20+$0x0], $0xffff  }
0x2dc: {  	v9 =	vadd.f32 v50, v9;
	v50 =	vld.idx.msk [tilespmem:v56+s2+$0x0], $0xffff  }
0x2dd: {  	v56 =	vld [tilespmem:$0x1F6C0]  }
0x2de: {  	v62 =	vmul.f32 v62, v42;
	v42 =	vld [tilespmem:$0x1FAD0]  }
0x2df: {  	v63 =	vmul.f32 v38, v63;
	v38 =	vld [tilespmem:$0x1F6D0]  }
0x2e0: {  	v40 =	vld.idx.msk [tilespmem:v46+s2+$0x0], $0xffff  }
0x2e1: {  	v46 =	vld.idx.msk [tilespmem:v49+s18+$0x0], $0xffff  }
0x2e2: {  	v49 =	vld.idx.msk [tilespmem:v49+s20+$0x0], $0xffff  }
0x2e3: {  	v52 =	vld.idx.msk [tilespmem:v51+s18+$0x0], $0xffff;
	v14 =	vadd.f32 v53, v14;
	v53 =	vmul.f32 v56, v62  }
0x2e4: {  	v0 =	vor.u32 v42, v60;
	v56 =	vmul.f32 v38, v63;
	v63 =	vor.u32 v42, v2;
	v42 =	vld [tilespmem:$0x1F6E0]  }
0x2e5: {  	v38 =	vld [tilespmem:$0x1F6F0]  }
0x2e6: {  	v51 =	vld.idx.msk [tilespmem:v51+s20+$0x0], $0xffff  }
0x2e7: {  	v8 =	vadd.f32 v56, v8;
	v56 =	vld [tilespmem:$0x1F710]  }
0x2e8: {  	v55 =	vld.idx.msk [tilespmem:v54+s18+$0x0], $0xffff  }
0x2e9: {  	v54 =	vld.idx.msk [tilespmem:v54+s20+$0x0], $0xffff  }
0x2ea: {  	v58 =	vld.idx.msk [tilespmem:v57+s18+$0x0], $0xffff;
	v1 =	vmul.f32 v38, v42  }
0x2eb: {  	v35 =	vadd.f32 v53, v35;
	v53 =	vld.idx.msk [tilespmem:v59+s2+$0x0], $0xffff  }
0x2ec: {  	v42 =	vld [tilespmem:$0x1F700];
	v1 =	vmul.f32 v56, v1  }
0x2ed: {  	v59 =	vld [tilespmem:$0x1F720]  }
0x2ee: {  	v1 =	vadd.f32 v1, v9;
	v9 =	vld.idx.msk [tilespmem:v63+s2+$0x0], $0xffff  }
0x2ef: {  	v63 =	vld [tilespmem:$0x1F750]  }
0x2f0: {  	v57 =	vld.idx.msk [tilespmem:v57+s20+$0x0], $0xffff  }
0x2f1: {  	v3 =	vmul.f32 v45, v42;
	v42 =	vld [tilespmem:$0x1FB40]  }
0x2f2: {  	v62 =	vld.idx.msk [tilespmem:v61+s18+$0x0], $0xffff  }
0x2f3: {  	v18 =	vmul.f32 v30, v18;
	v61 =	vld.idx.msk [tilespmem:v61+s20+$0x0], $0xffff  }
0x2f4: {  	v37 =	vmul.f32 v37, v59;
	v59 =	vld [tilespmem:$0x1F740];
	v3 =	vmul.f32 v44, v3;
	v30 =	vor.u32 v63, v60  }
0x2f5: {  	v10 =	vmul.f32 v10, v18;
	v44 =	vld.idx.msk [tilespmem:v0+s18+$0x0], $0xffff;
	v18 =	vor.u32 v63, v2  }
0x2f6: {  	v3 =	vadd.f32 v3, v14;
	v14 =	vld [tilespmem:$0x1F730];
	v45 =	vor.u32 v42, v60  }
0x2f7: {  	v56 =	vor.u32 v42, v2;
	v42 =	vld [tilespmem:$0x1FD90]  }
0x2f8: {  	v0 =	vld.idx.msk [tilespmem:v0+s20+$0x0], $0xffff  }
0x2f9: {  	v33 =	vmul.f32 v34, v33;
	v63 =	vld.idx.msk [tilespmem:v30+s18+$0x0], $0xffff  }
0x2fa: {  	v18 =	vld.idx.msk [tilespmem:v18+s2+$0x0], $0xffff  }
0x2fb: {  	v4 =	vmul.f32 v4, v33;
	v33 =	vld.idx.msk [tilespmem:v45+s18+$0x0], $0xffff  }
0x2fc: {  	v22 =	vmul.f32 v26, v22;
	v14 =	vmul.f32 v14, v37;
	v34 =	vor.u32 v42, v60;
	v26 =	vld.idx.msk [tilespmem:v45+s20+$0x0], $0xffff  }
0x2fd: {  	v45 =	vld [tilespmem:$0x1FFB0]  }
0x2fe: {  	v4 =	vadd.f32 v4, v8;
	v8 =	vld.idx.msk [tilespmem:v56+s2+$0x0], $0xffff;
	v14 =	vadd.f32 v14, v35  }
0x2ff: {  	v37 =	vor.u32 v42, v2;
	v42 =	vld [tilespmem:$0x1FFC0]  }
0x300: {  	v10 =	vadd.f32 v10, v14;
	v14 =	vmul.f32 v24, v23;
	v23 =	vld.idx.msk [tilespmem:v30+s20+$0x0], $0xffff  }
0x301: {  	v25 =	vmul.f32 v25, v29;
	v15 =	vmul.f32 v15, v22;
	v22 =	vld.idx.msk [tilespmem:v34+s18+$0x0], $0xffff  }
0x302: {  	v11 =	vmul.f32 v5, v11;
	v16 =	vmul.f32 v17, v16;
	v29 =	vor.u32 v45, v60;
	v17 =	vld.idx.msk [tilespmem:v34+s20+$0x0], $0xffff  }
0x303: {  	v21 =	vmul.f32 v21, v25;
	v6 =	vmul.f32 v27, v6;
	v34 =	vld [tilespmem:$0x1FFD0]  }
0x304: {  	v11 =	vmul.f32 v12, v11;
	v3 =	vadd.f32 v15, v3;
	v25 =	vor.u32 v45, v2;
	v15 =	vld.idx.msk [tilespmem:v37+s2+$0x0], $0xffff  }
0x305: {  	v6 =	vmul.f32 v7, v6;
	v1 =	vadd.f32 v21, v1;
	v21 =	vor.u32 v42, v60;
	v45 =	vld [tilespmem:$0x1FFE0]  }
0x306: {  	v35 =	vmul.f32 v13, v32;
	v13 =	vmul.f32 v47, v14;
	v47 =	vld [tilespmem:$0x1FFF0]  }
0x307: {  	v5 =	vmul.f32 v59, v16;
	v1 =	vadd.f32 v11, v1;
	v11 =	vor.u32 v42, v2;
	v16 =	vld.idx.msk [tilespmem:v29+s18+$0x0], $0xffff  }
0x308: {  	v19 =	vmul.f32 v19, v28;
	v0 =	vmul.f32 v0, v44;
	v12 =	vld.idx.msk [tilespmem:v29+s20+$0x0], $0xffff;
	v24 =	vor.u32 v34, v60  }
0x309: {  	v28 =	vmul.f32 v51, v52;
	v4 =	vadd.f32 v5, v4;
	v3 =	vadd.f32 v6, v3;
	v5 =	vld.idx.msk [tilespmem:v25+s2+$0x0], $0xffff  }
0x30a: {  	v0 =	vmul.f32 v9, v0;
	v14 =	vmul.f32 v20, v19;
	v19 =	vld.idx.msk [tilespmem:v21+s18+$0x0], $0xffff;
	v20 =	vor.u32 v34, v2  }
0x30b: {  	v10 =	vadd.f32 v13, v10;
	v13 =	vmul.f32 v49, v46;
	v21 =	vld.idx.msk [tilespmem:v21+s20+$0x0], $0xffff;
	v27 =	vor.u32 v45, v60  }
0x30c: {  	v6 =	vmul.f32 v39, v35;
	v4 =	vadd.f32 v14, v4;
	v25 =	vmul.f32 v36, v43;
	v11 =	vld.idx.msk [tilespmem:v11+s2+$0x0], $0xffff  }
0x30d: {  	v7 =	vmul.f32 v23, v63;
	v13 =	vmul.f32 v31, v13;
	v14 =	vor.u32 v47, v60;
	v56 =	vld.idx.msk [tilespmem:v24+s18+$0x0], $0xffff  }
0x30e: {  	v31 =	vmul.f32 v61, v62;
	v25 =	vmul.f32 v40, v25;
	v24 =	vld.idx.msk [tilespmem:v24+s20+$0x0], $0xffff  }
0x30f: {  	v29 =	vmul.f32 v57, v58;
	v30 =	vor.u32 v45, v2;
	v2 =	vor.u32 v47, v2;
	v20 =	vld.idx.msk [tilespmem:v20+s2+$0x0], $0xffff  }
0x310: {  	v3 =	vadd.f32 v25, v3;
	v25 =	vmul.f32 v41, v28;
	v28 =	vmul.f32 v54, v55;
	v59 =	vld.idx.msk [tilespmem:v27+s18+$0x0], $0xffff  }
0x311: {  	v1 =	vadd.f32 v6, v1;
	v17 =	vmul.f32 v17, v22;
	v61 =	vmul.f32 v18, v7;
	v27 =	vld.idx.msk [tilespmem:v27+s20+$0x0], $0xffff  }
0x312: {  	v10 =	vadd.f32 v13, v10;
	v9 =	vld.idx.msk [tilespmem:v14+s18+$0x0], $0xffff;
	v12 =	vmul.f32 v12, v16;
	v13 =	vmul.f32 v48, v28  }
0x313: {  	v14 =	vld.idx.msk [tilespmem:v14+s20+$0x0], $0xffff;
	v62 =	vmul.f32 v21, v19;
	v28 =	vmul.f32 v50, v29;
	v4 =	vadd.f32 v25, v4  }
0x314: {  	v16 =	vld.idx.msk [tilespmem:v30+s2+$0x0], $0xffff;
	v25 =	vmul.f32 v53, v31;
	v1 =	vadd.f32 v13, v1;
	v13 =	vmul.f32 v26, v33  }
0x315: {  	v2 =	vld.idx.msk [tilespmem:v2+s2+$0x0], $0xffff;
	v60 =	vmul.f32 v5, v12;
	v7 =	vmul.f32 v11, v62  }
0x316: {  	v3 =	vadd.f32 v28, v3;
	v10 =	vadd.f32 v25, v10;
	v8 =	vmul.f32 v8, v13  }
0x317: {  	v0 =	vadd.f32 v0, v4;
	v13 =	vmul.f32 v15, v17;
	v6 =	vmul.f32 v24, v56  }
0x318: {  	v9 =	vmul.f32 v14, v9;
	v1 =	vadd.f32 v8, v1;
	v8 =	vmul.f32 v27, v59  }
0x319: {  	v4 =	vadd.f32 v60, v10;
	v3 =	vadd.f32 v13, v3;
	v6 =	vmul.f32 v20, v6  }
0x31a: {  	v0 =	vadd.f32 v61, v0;
	v2 =	vmul.f32 v2, v9;
	v63 =	vmul.f32 v16, v8  }
0x31b: {  	v1 =	vadd.f32 v7, v1;
	v3 =	vadd.f32 v6, v3  }
0x31c: {  	v0 =	vadd.f32 v2, v0;
	v4 =	vadd.f32 v63, v4;
	_ =	sdelay $0x1  }
0x31d: {  	v1 =	vadd.f32 v3, v1;
	v0 =	vadd.f32 v0, v4;
	_ =	sdelay $0x1  }
0x31e: {  	v0 =	vadd.f32 v0, v1;
	_ =	sdelay $0x1  }
0x31f: {  	v0 =	vsub.f32 $0.0e+00, v0;
	_ =	sdelay $0x1  }
0x320: {  	v0 =	vmul.f32 $1.442695020e+00, v0;
	_ =	sdelay $0x1  }
0x321: {  	(erf) = vpow2.f32 v0;
	_ =	sdelay $0x7  }
0x322: {  	v38 =	vld [tilespmem:$0x1FFA0]  }
0x323: {  	v32 =	vld [tilespmem:$0x1FF80];
	v0 =	vpop (erf)  }
0x324: {  	v43 =	vld [tilespmem:$0x1FF90];
	v0 =	vadd.f32 $1.000000000e+00, v0  }
0x325: {  	v22 =	vld [tilespmem:$0x1FF50]  }
0x326: {  	v18 =	vld [tilespmem:$0x1FF20];
	(erf) = vrcp.f32 v0  }
0x327: {  	v19 =	vld [tilespmem:$0x1FF30]  }
0x328: {  	v31 =	vld [tilespmem:$0x1FF70]  }
0x329: {  	v12 =	vld [tilespmem:$0x1FEC0]  }
0x32a: {  	v26 =	vld [tilespmem:$0x1FF60]  }
0x32b: {  	p0 =	sne.s32 s30, $0x70;
	v17 =	vld [tilespmem:$0x1FF10]  }
.Ltmp1:
0x32c: {  	v15 =	vld [tilespmem:$0x1FEF0];
	(pc) =	sbr.rel @p0 .LBB2_5-.Ltmp1, $4  }
0x32d: {  	v14 =	vld [tilespmem:$0x1FEE0]  }
0x32e: {  	v13 =	vld [tilespmem:$0x1FED0]  }
0x32f: {  	v20 =	vld [tilespmem:$0x1FF40];
	v0 =	vpop (erf)  }
0x330: {  	s29 =	sadd.s32 $0x10, s29;
	s30 =	sadd.s32 $0x10, s30;
	v11 =	vlaneseq.u32;
	v16 =	vld [tilespmem:$0x1FF00];
	[tilespmem:s0+$0x0] =	vst v0;
	s0 =	sadd.s32 $0x10, s0  }
0x331: {  	s0 =	ssub.s32 s28, s7  }
0x332: {  	s0 =	sshll.u32 s0, $0x7  }
0x333: {  	s26 =	sadd.s32 $0x1, s26;
	s0 =	sadd.s32 s9, s0  }
0x334: {  	p0 =	sne.s32 s26, $0x28;
	s0 =	sshrl.u32 s0, $0x3  }
.Ltmp2:
0x335: {  	s0 =	sadd.s32 s1, s0;
	(pc) =	sbr.rel @p0 .LBB2_2-.Ltmp2, $4  }
0x336: {  	[hbm4b:s0+s2] =	stream.linear.scatter [tilespmem:s24], [sflag:$0x3], $0x80, $0x38;
	[tilespmem:$0x17E00] =	vst v63  }
0x337: {  	_ =	swait.ge [sflag:s11], $0x80  }
0x338: {  	[sflag:s11] =	ssyncset.done $0x0  }
0x339: {  	[sflag:s11] =	ssyncadd.s32 $0xFFFFFF80  }
0x33a: {  	s25 =	sadd.s32 $0x1, s25  }
0x33b: {  	_ =	swait.ge [sflag:s21], $0x2000;
	p0 =	sne.s32 s25, s10  }
.Ltmp3:
0x33c: {  	[sflag:s21] =	ssyncset.done $0x0;
	(pc) =	sbr.rel @p0 .LBB2_1-.Ltmp3, $4  }
0x33d: {  	[sflag:s21] =	ssyncadd.s32 $0xFFFFE000  }
0x33e: {  	_ =	swait.ge [sflag:s21], $0x2000  }
0x33f: {  	[sflag:s21] =	ssyncset.done $0x0  }
0x340: {  	[sflag:s21] =	ssyncadd.s32 $0xFFFFE000  }
0x341: {  	_ =	sfence.sel $0x180000  }
0x342: {  	[bflag:$0x0] =	sbarrier.arrive $0xFFFF  }
0x343: {  	_ =	strace $0x90000047  }
0x344: {  	[bflag:$0x2] =	sbarrier.arrive $0xFFFF  }
0x345: {  	p0 =	sne.s32 s3, $0x0;
	s0 =	rddreg [dreg:$0x2]  }
0x346: {  	s0 =	sadd.s32 @!p0 $0x100000, s0  }
0x347: {  	[sflag:s0] =	ssyncadd.tile.s32 @!p0 $0x1;
	_ =	shalt  }
.Lfunc_end2:
_tile_overlayer_lowered:
.L_overlay_start_2:
0x348: {  	(tag) =	ssettag $0x2  }
0x349: {  	s0 =	rddreg [dreg:$0x0];
	s2 =	stileid.u32  }
0x34a: {  	s1 =	rddreg [dreg:$0x1];
	p0 =	sne.s32 s2, $0x0  }
0x34b: {  	s3 =	rddreg [dreg:$0x2];
	[bflag:$0x3] =	sbarrier.arrive $0xFFFF;
	s2 =	simm.s32 @!p0 $0x1C03  }
0x34c: {  	[timem:s3], [sflag:s2] =	dma.local @!p0 [hbm:s0], s1  }
0x34d: {  	s0 =	simm.s32 @!p0 $0x3  }
0x34e: {  	_ =	swait.ge @!p0 [sflag:s0], s1  }
0x34f: {  	s1 =	ssub.s32 @!p0 $0x0, s1;
	[sflag:s0] =	ssyncset.done @!p0 $0x0  }
0x350: {  	[sflag:s0] =	ssyncadd.s32 @!p0 s1  }
0x351: {  	[bflag:$0x3] =	sbarrier.arrive $0xFFFF  }
0x352: {  	_ =	shalt  }

</sc_bundles>
